<compile_context>
chip_gen: v7x
topology: tpu7x:2x2x1
jax: 0.10.2.dev20260603
libtpu: 0.0.44.dev20260713+nightly
codegen_flags: <defaults>
</compile_context>

<pallas_src>
import jax
import jax.numpy as jnp
from jax import lax
from jax.experimental import pallas as pl
from jax.experimental.pallas import tpu as pltpu
from jax.experimental.pallas import tpu_sc as plsc

_N = 2048
_K = 16
_RB = 512
_PAD = 16
_NW = 32
_CH = 2048


def _topk_body(xt_ref, c_ref, idx_ref):
    b = pl.program_id(0)
    xt = xt_ref[0]
    c = c_ref[0]
    xr = xt[0:1, :]
    yr = xt[1:2, :]
    zr = xt[2:3, :]
    cx = c[:, 0:1]
    cy = c[:, 1:2]
    cz = c[:, 2:3]
    d = (cx - xr) ** 2 + (cy - yr) ** 2 + (cz - zr) ** 2
    q = _N // 2
    iotaf = lax.broadcasted_iota(jnp.int32, (_RB, q), 1).astype(jnp.float32)
    s0, s1 = d[:, :q], d[:, q:]
    i0, i1 = iotaf, iotaf + jnp.float32(q)
    swap = s1 < s0
    s0, s1 = jnp.where(swap, s1, s0), jnp.where(swap, s0, s1)
    i0, i1 = jnp.where(swap, i1, i0), jnp.where(swap, i0, i1)

    jlane = lax.broadcasted_iota(jnp.int32, (_RB, _K), 1)
    big_c = jnp.float32(2 * _N)
    inf = jnp.float32(jnp.inf)
    out = jnp.zeros((_RB, _K), jnp.float32)
    for j in range(_K):
        m = jnp.min(s0, axis=1, keepdims=True)
        cand = jnp.where(s0 == m, i0, big_c)
        amin = jnp.min(cand, axis=1, keepdims=True)
        win = i0 == amin
        out = jnp.where(jlane == j, amin, out)
        s0 = jnp.where(win, s1, s0)
        i0 = jnp.where(win, i1, i0)
        s1 = jnp.where(win, inf, s1)
    idx_ref[0] = out.astype(jnp.int32) + b * _N


def _sc_gather(table_hbm, idx_hbm, out_hbm, idx_v, rows_v, sem):
    wid = lax.axis_index("s") * 2 + lax.axis_index("c")
    rows_per_w = (8 * _N * _K) // _NW
    for ci in range(rows_per_w // _CH):
        base = pl.multiple_of(wid * rows_per_w + ci * _CH, _CH)
        pltpu.sync_copy(
            idx_hbm.at[pl.ds(pl.multiple_of(base // 128, _CH // 128),
                             _CH // 128)],
            idx_v)
        copies = []
        for j in range(_CH // 128):
            copies.append(pltpu.async_copy(
                table_hbm.at[idx_v.at[j]],
                rows_v.at[pl.ds(j * 128, 128)], sem))
        for cp in copies:
            cp.wait()
        pltpu.sync_copy(rows_v, out_hbm.at[pl.ds(base, _CH)])


def _sub_body(g_ref, cp_ref, o_ref):
    cp = cp_ref[...]
    o_ref[...] = g_ref[...] - jnp.tile(cp, (1, _K))


def kernel(pcd):
    b, n, _ = pcd.shape
    xt = jnp.transpose(pcd, (0, 2, 1))
    idx = pl.pallas_call(
        _topk_body,
        grid=(b, n // _RB),
        in_specs=[
            pl.BlockSpec((1, 3, _N), lambda i, r: (i, 0, 0)),
            pl.BlockSpec((1, _RB, 3), lambda i, r: (i, r, 0)),
        ],
        out_specs=pl.BlockSpec((1, _RB, _K), lambda i, r: (i, r, 0)),
        out_shape=jax.ShapeDtypeStruct((b, n, _K), jnp.int32),
    )(xt, pcd)

    table = jnp.pad(pcd.reshape(b * n, 3), ((0, 0), (0, _PAD - 3)))
    idx2d = idx.reshape(b * n * _K // 128, 128)

    mesh = plsc.VectorSubcoreMesh(core_axis_name="c", subcore_axis_name="s")
    gathered = pl.kernel(
        _sc_gather,
        mesh=mesh,
        out_type=jax.ShapeDtypeStruct((b * n * _K, _PAD), jnp.float32),
        scratch_types=[
            pltpu.VMEM((_CH // 128, 128), jnp.int32),
            pltpu.VMEM((_CH, _PAD), jnp.float32),
            pltpu.SemaphoreType.DMA,
        ],
        compiler_params=pltpu.CompilerParams(use_tc_tiling_on_sc=False),
    )(table, idx2d)

    nb = pl.pallas_call(
        _sub_body,
        grid=(b * n // 1024,),
        in_specs=[
            pl.BlockSpec((1024, _K * _PAD), lambda i: (i, 0)),
            pl.BlockSpec((1024, _PAD), lambda i: (i, 0)),
        ],
        out_specs=pl.BlockSpec((1024, _K * _PAD), lambda i: (i, 0)),
        out_shape=jax.ShapeDtypeStruct((b * n, _K * _PAD), jnp.float32),
    )(gathered.reshape(b * n, _K * _PAD), table)

    neighborhood = nb.reshape(b, n, _K, _PAD)[..., :3]
    return neighborhood, pcd

# --- scband reference (transcript-rebuilt; emitter-appended) ---
"""Pipeline reference for scband-pcssc-90623809946183 (READ-ONLY COPY).

The authoritative reference and input builder live on the scoring server;
editing this copy changes nothing except your own understanding.
"""

import jax, jax.numpy as jnp
import numpy as np

NUM_GROUP = 2048
GROUP_SIZE = 16

def setup_inputs(seed: int = 0) -> dict:
    key = jax.random.key(seed)
    pcd = jax.random.uniform(key, (8, 2048, 3), dtype=jnp.float32)
    return {"pcd": pcd}

def reference(pcd):
    # Group.forward with channel==3 and num_points == num_group (FPS skipped)
    xyz = pcd  # (B, N, 3)
    center = xyz  # (B, G, 3), G == N == NUM_GROUP
    # brute-force kNN: squared distance from each center (query) to every point (database)
    d = jnp.sum((center[:, :, None, :] - xyz[:, None, :, :]) ** 2, axis=-1)  # (B, G, N)
    _, idx = jax.lax.top_k(-d, GROUP_SIZE)  # k smallest distances -> (B, G, M)
    # gather neighborhoods: xyz[b, idx[b]]
    nb = jax.vmap(lambda x, i: x[i])(xyz, idx)  # (B, G, M, 3)
    neighborhood = nb - center[:, :, None, :]
    return neighborhood, center

if __name__ == "__main__":
    import jax
    _d = setup_inputs()
    print(jax.jit(kernel)(*tuple(_d.values())))

</pallas_src>

<mosaic_0001>
#map = affine_map<(d0, d1) -> (0, 0)>
module attributes {stable_mosaic.version = 14 : i64} {
  func.func @_sc_gather(%arg0: i32, %arg1: i32, %arg2: memref<16384x16xf32, #tpu.memory_space<hbm>>, %arg3: memref<2048x128xi32, #tpu.memory_space<hbm>>, %arg4: memref<262144x16xf32, #tpu.memory_space<hbm>>, %arg5: memref<16x128xi32, #tpu.memory_space<vmem>>, %arg6: memref<2048x16xf32, #tpu.memory_space<vmem>>, %arg7: memref<!tpu.dma_semaphore, #tpu.memory_space<semaphore_mem>>) attributes {dimension_semantics = [#tpu.dimension_semantics<core_parallel>, #tpu.dimension_semantics<subcore_parallel>], iteration_bounds = array<i64: 2, 16>, scalar_prefetch = 0 : i64, scratch_operands = 3 : i64, tpu.core_type = #tpu.core_type<sc_vector_subcore>, window_params = [{transform_indices = #map}, {transform_indices = #map}, {transform_indices = #map}]} {
    %mul3A = arith.constant 2 : i32
    %mul3A_0 = arith.muli %arg1, %mul3A : i32
    %add3A = arith.addi %mul3A_0, %arg0 : i32
    %mul3A_1 = arith.constant 8192 : i32
    %mul3A_2 = arith.muli %add3A, %mul3A_1 : i32
    %add3A_3 = arith.constant 0 : i32
    %add3A_4 = arith.addi %mul3A_2, %add3A_3 : i32
    %multiple_of3A = tpu.assume_multiple %add3A_4, 2048 : i32
    %jit3A = arith.constant 128 : i32
    %div3A = arith.divsi %multiple_of3A, %jit3A : i32
    %sign3A = arith.constant 0 : i32
    %sign3A_5 = arith.cmpi sgt, %multiple_of3A, %sign3A : i32
    %sign3A_6 = arith.extui %sign3A_5 : i1 to i32
    %sign3A_7 = arith.constant 0 : i32
    %sign3A_8 = arith.cmpi slt, %multiple_of3A, %sign3A_7 : i32
    %sign3A_9 = arith.extui %sign3A_8 : i1 to i32
    %sign3A_10 = arith.subi %sign3A_6, %sign3A_9 : i32
    %sign3A_11 = arith.constant 0 : i32
    %sign3A_12 = arith.cmpi sgt, %jit3A, %sign3A_11 : i32
    %sign3A_13 = arith.extui %sign3A_12 : i1 to i32
    %sign3A_14 = arith.constant 0 : i32
    %sign3A_15 = arith.cmpi slt, %jit3A, %sign3A_14 : i32
    %sign3A_16 = arith.extui %sign3A_15 : i1 to i32
    %sign3A_17 = arith.subi %sign3A_13, %sign3A_16 : i32
    %ne3A = arith.cmpi ne, %sign3A_10, %sign3A_17 : i32
    %rem3A = arith.remsi %multiple_of3A, %jit3A : i32
    %ne3A_18 = arith.constant 0 : i32
    %ne3A_19 = arith.cmpi ne, %rem3A, %ne3A_18 : i32
    %and3A = arith.andi %ne3A, %ne3A_19 : i1
    %sub3A = arith.constant 1 : i32
    %sub3A_20 = arith.subi %div3A, %sub3A : i32
    %select_n3A = arith.select %and3A, %sub3A_20, %div3A : i32
    %multiple_of3A_21 = tpu.assume_multiple %select_n3A, 16 : i32
    "tpu.region"() ({
      %run_scoped3A = tpu.sem_alloc : memref<!tpu.dma_semaphore, #tpu.memory_space<semaphore_mem>>
      %dma_start3A_1390 = arith.constant 0 : i32
      %dma_start3A_1391 = tpu.memref_slice %arg3[%multiple_of3A_21, %dma_start3A_1390] : memref<2048x128xi32, #tpu.memory_space<hbm>> -> memref<16x128xi32, #tpu.memory_space<hbm>>
      %dma_start3A_1392 = arith.constant 0 : i32
      %dma_start3A_1393 = tpu.memref_slice %arg3[%multiple_of3A_21, %dma_start3A_1392] : memref<2048x128xi32, #tpu.memory_space<hbm>> -> memref<16x128xi32, #tpu.memory_space<hbm>>
      tpu.enqueue_dma source(%dma_start3A_1393 : memref<16x128xi32, #tpu.memory_space<hbm>>) target(%arg5 : memref<16x128xi32, #tpu.memory_space<vmem>>) target_semaphore(%run_scoped3A : memref<!tpu.dma_semaphore, #tpu.memory_space<semaphore_mem>>)
      %dma_wait3A_1394 = arith.constant 0 : i32
      %dma_wait3A_1395 = tpu.memref_slice %arg3[%multiple_of3A_21, %dma_wait3A_1394] : memref<2048x128xi32, #tpu.memory_space<hbm>> -> memref<16x128xi32, #tpu.memory_space<hbm>>
      %dma_wait3A_1396 = arith.constant 0 : i32
      %dma_wait3A_1397 = tpu.memref_slice %arg3[%multiple_of3A_21, %dma_wait3A_1396] : memref<2048x128xi32, #tpu.memory_space<hbm>> -> memref<16x128xi32, #tpu.memory_space<hbm>>
      tpu.wait_dma2 semaphore(%run_scoped3A : memref<!tpu.dma_semaphore, #tpu.memory_space<semaphore_mem>>) src(%dma_wait3A_1397 : memref<16x128xi32, #tpu.memory_space<hbm>>) dst(%arg5 : memref<16x128xi32, #tpu.memory_space<vmem>>)
      tpu.yield
    }) : () -> ()
    %dma_start3A = arith.constant 0 : i32
    %dma_start3A_22 = arith.constant 0 : i32
    %dma_start3A_23 = arith.constant 0 : i32
    %dma_start3A_24 = tpu.memref_slice %arg6[%dma_start3A_22, %dma_start3A_23] : memref<2048x16xf32, #tpu.memory_space<vmem>> -> memref<128x16xf32, #tpu.memory_space<vmem>>
    %dma_start3A_25 = arith.constant 0 : i32
    %dma_start3A_26 = tpu.memref_slice %arg5[%dma_start3A, %dma_start3A_25] : memref<16x128xi32, #tpu.memory_space<vmem>> -> memref<1x128xi32, #tpu.memory_space<vmem>>
    %dma_start3A_27 = tpu.memref_squeeze %dma_start3A_26 : memref<1x128xi32, #tpu.memory_space<vmem>> -> memref<128xi32, #tpu.memory_space<vmem>>
    %dma_start3A_28 = arith.constant 0 : i32
    %dma_start3A_29 = arith.constant 0 : i32
    %dma_start3A_30 = tpu.memref_slice %arg2[%dma_start3A_28, %dma_start3A_29] : memref<16384x16xf32, #tpu.memory_space<hbm>> -> memref<16384x16xf32, #tpu.memory_space<hbm>>
    tpu.enqueue_indirect_dma source(%dma_start3A_30 : memref<16384x16xf32, #tpu.memory_space<hbm>>) target(%dma_start3A_24 : memref<128x16xf32, #tpu.memory_space<vmem>>) offsets(%dma_start3A_27 : memref<128xi32, #tpu.memory_space<vmem>>) semaphore(%arg7 : memref<!tpu.dma_semaphore, #tpu.memory_space<semaphore_mem>>)
    %dma_start3A_31 = arith.constant 1 : i32
    %dma_start3A_32 = arith.constant 128 : i32
    %dma_start3A_33 = arith.constant 0 : i32
    %dma_start3A_34 = tpu.memref_slice %arg6[%dma_start3A_32, %dma_start3A_33] : memref<2048x16xf32, #tpu.memory_space<vmem>> -> memref<128x16xf32, #tpu.memory_space<vmem>>
    %dma_start3A_35 = arith.constant 0 : i32
    %dma_start3A_36 = tpu.memref_slice %arg5[%dma_start3A_31, %dma_start3A_35] : memref<16x128xi32, #tpu.memory_space<vmem>> -> memref<1x128xi32, #tpu.memory_space<vmem>>
    %dma_start3A_37 = tpu.memref_squeeze %dma_start3A_36 : memref<1x128xi32, #tpu.memory_space<vmem>> -> memref<128xi32, #tpu.memory_space<vmem>>
    %dma_start3A_38 = arith.constant 0 : i32
    %dma_start3A_39 = arith.constant 0 : i32
    %dma_start3A_40 = tpu.memref_slice %arg2[%dma_start3A_38, %dma_start3A_39] : memref<16384x16xf32, #tpu.memory_space<hbm>> -> memref<16384x16xf32, #tpu.memory_space<hbm>>
    tpu.enqueue_indirect_dma source(%dma_start3A_40 : memref<16384x16xf32, #tpu.memory_space<hbm>>) target(%dma_start3A_34 : memref<128x16xf32, #tpu.memory_space<vmem>>) offsets(%dma_start3A_37 : memref<128xi32, #tpu.memory_space<vmem>>) semaphore(%arg7 : memref<!tpu.dma_semaphore, #tpu.memory_space<semaphore_mem>>)
    %dma_start3A_41 = arith.constant 2 : i32
    %dma_start3A_42 = arith.constant 256 : i32
    %dma_start3A_43 = arith.constant 0 : i32
    %dma_start3A_44 = tpu.memref_slice %arg6[%dma_start3A_42, %dma_start3A_43] : memref<2048x16xf32, #tpu.memory_space<vmem>> -> memref<128x16xf32, #tpu.memory_space<vmem>>
    %dma_start3A_45 = arith.constant 0 : i32
    %dma_start3A_46 = tpu.memref_slice %arg5[%dma_start3A_41, %dma_start3A_45] : memref<16x128xi32, #tpu.memory_space<vmem>> -> memref<1x128xi32, #tpu.memory_space<vmem>>
    %dma_start3A_47 = tpu.memref_squeeze %dma_start3A_46 : memref<1x128xi32, #tpu.memory_space<vmem>> -> memref<128xi32, #tpu.memory_space<vmem>>
    %dma_start3A_48 = arith.constant 0 : i32
    %dma_start3A_49 = arith.constant 0 : i32
    %dma_start3A_50 = tpu.memref_slice %arg2[%dma_start3A_48, %dma_start3A_49] : memref<16384x16xf32, #tpu.memory_space<hbm>> -> memref<16384x16xf32, #tpu.memory_space<hbm>>
    tpu.enqueue_indirect_dma source(%dma_start3A_50 : memref<16384x16xf32, #tpu.memory_space<hbm>>) target(%dma_start3A_44 : memref<128x16xf32, #tpu.memory_space<vmem>>) offsets(%dma_start3A_47 : memref<128xi32, #tpu.memory_space<vmem>>) semaphore(%arg7 : memref<!tpu.dma_semaphore, #tpu.memory_space<semaphore_mem>>)
    %dma_start3A_51 = arith.constant 3 : i32
    %dma_start3A_52 = arith.constant 384 : i32
    %dma_start3A_53 = arith.constant 0 : i32
    %dma_start3A_54 = tpu.memref_slice %arg6[%dma_start3A_52, %dma_start3A_53] : memref<2048x16xf32, #tpu.memory_space<vmem>> -> memref<128x16xf32, #tpu.memory_space<vmem>>
    %dma_start3A_55 = arith.constant 0 : i32
    %dma_start3A_56 = tpu.memref_slice %arg5[%dma_start3A_51, %dma_start3A_55] : memref<16x128xi32, #tpu.memory_space<vmem>> -> memref<1x128xi32, #tpu.memory_space<vmem>>
    %dma_start3A_57 = tpu.memref_squeeze %dma_start3A_56 : memref<1x128xi32, #tpu.memory_space<vmem>> -> memref<128xi32, #tpu.memory_space<vmem>>
    %dma_start3A_58 = arith.constant 0 : i32
    %dma_start3A_59 = arith.constant 0 : i32
    %dma_start3A_60 = tpu.memref_slice %arg2[%dma_start3A_58, %dma_start3A_59] : memref<16384x16xf32, #tpu.memory_space<hbm>> -> memref<16384x16xf32, #tpu.memory_space<hbm>>
    tpu.enqueue_indirect_dma source(%dma_start3A_60 : memref<16384x16xf32, #tpu.memory_space<hbm>>) target(%dma_start3A_54 : memref<128x16xf32, #tpu.memory_space<vmem>>) offsets(%dma_start3A_57 : memref<128xi32, #tpu.memory_space<vmem>>) semaphore(%arg7 : memref<!tpu.dma_semaphore, #tpu.memory_space<semaphore_mem>>)
    %dma_start3A_61 = arith.constant 4 : i32
    %dma_start3A_62 = arith.constant 512 : i32
    %dma_start3A_63 = arith.constant 0 : i32
    %dma_start3A_64 = tpu.memref_slice %arg6[%dma_start3A_62, %dma_start3A_63] : memref<2048x16xf32, #tpu.memory_space<vmem>> -> memref<128x16xf32, #tpu.memory_space<vmem>>
    %dma_start3A_65 = arith.constant 0 : i32
    %dma_start3A_66 = tpu.memref_slice %arg5[%dma_start3A_61, %dma_start3A_65] : memref<16x128xi32, #tpu.memory_space<vmem>> -> memref<1x128xi32, #tpu.memory_space<vmem>>
    %dma_start3A_67 = tpu.memref_squeeze %dma_start3A_66 : memref<1x128xi32, #tpu.memory_space<vmem>> -> memref<128xi32, #tpu.memory_space<vmem>>
    %dma_start3A_68 = arith.constant 0 : i32
    %dma_start3A_69 = arith.constant 0 : i32
    %dma_start3A_70 = tpu.memref_slice %arg2[%dma_start3A_68, %dma_start3A_69] : memref<16384x16xf32, #tpu.memory_space<hbm>> -> memref<16384x16xf32, #tpu.memory_space<hbm>>
    tpu.enqueue_indirect_dma source(%dma_start3A_70 : memref<16384x16xf32, #tpu.memory_space<hbm>>) target(%dma_start3A_64 : memref<128x16xf32, #tpu.memory_space<vmem>>) offsets(%dma_start3A_67 : memref<128xi32, #tpu.memory_space<vmem>>) semaphore(%arg7 : memref<!tpu.dma_semaphore, #tpu.memory_space<semaphore_mem>>)
    %dma_start3A_71 = arith.constant 5 : i32
    %dma_start3A_72 = arith.constant 640 : i32
    %dma_start3A_73 = arith.constant 0 : i32
    %dma_start3A_74 = tpu.memref_slice %arg6[%dma_start3A_72, %dma_start3A_73] : memref<2048x16xf32, #tpu.memory_space<vmem>> -> memref<128x16xf32, #tpu.memory_space<vmem>>
    %dma_start3A_75 = arith.constant 0 : i32
    %dma_start3A_76 = tpu.memref_slice %arg5[%dma_start3A_71, %dma_start3A_75] : memref<16x128xi32, #tpu.memory_space<vmem>> -> memref<1x128xi32, #tpu.memory_space<vmem>>
    %dma_start3A_77 = tpu.memref_squeeze %dma_start3A_76 : memref<1x128xi32, #tpu.memory_space<vmem>> -> memref<128xi32, #tpu.memory_space<vmem>>
    %dma_start3A_78 = arith.constant 0 : i32
    %dma_start3A_79 = arith.constant 0 : i32
    %dma_start3A_80 = tpu.memref_slice %arg2[%dma_start3A_78, %dma_start3A_79] : memref<16384x16xf32, #tpu.memory_space<hbm>> -> memref<16384x16xf32, #tpu.memory_space<hbm>>
    tpu.enqueue_indirect_dma source(%dma_start3A_80 : memref<16384x16xf32, #tpu.memory_space<hbm>>) target(%dma_start3A_74 : memref<128x16xf32, #tpu.memory_space<vmem>>) offsets(%dma_start3A_77 : memref<128xi32, #tpu.memory_space<vmem>>) semaphore(%arg7 : memref<!tpu.dma_semaphore, #tpu.memory_space<semaphore_mem>>)
    %dma_start3A_81 = arith.constant 6 : i32
    %dma_start3A_82 = arith.constant 768 : i32
    %dma_start3A_83 = arith.constant 0 : i32
    %dma_start3A_84 = tpu.memref_slice %arg6[%dma_start3A_82, %dma_start3A_83] : memref<2048x16xf32, #tpu.memory_space<vmem>> -> memref<128x16xf32, #tpu.memory_space<vmem>>
    %dma_start3A_85 = arith.constant 0 : i32
    %dma_start3A_86 = tpu.memref_slice %arg5[%dma_start3A_81, %dma_start3A_85] : memref<16x128xi32, #tpu.memory_space<vmem>> -> memref<1x128xi32, #tpu.memory_space<vmem>>
    %dma_start3A_87 = tpu.memref_squeeze %dma_start3A_86 : memref<1x128xi32, #tpu.memory_space<vmem>> -> memref<128xi32, #tpu.memory_space<vmem>>
    %dma_start3A_88 = arith.constant 0 : i32
    %dma_start3A_89 = arith.constant 0 : i32
    %dma_start3A_90 = tpu.memref_slice %arg2[%dma_start3A_88, %dma_start3A_89] : memref<16384x16xf32, #tpu.memory_space<hbm>> -> memref<16384x16xf32, #tpu.memory_space<hbm>>
    tpu.enqueue_indirect_dma source(%dma_start3A_90 : memref<16384x16xf32, #tpu.memory_space<hbm>>) target(%dma_start3A_84 : memref<128x16xf32, #tpu.memory_space<vmem>>) offsets(%dma_start3A_87 : memref<128xi32, #tpu.memory_space<vmem>>) semaphore(%arg7 : memref<!tpu.dma_semaphore, #tpu.memory_space<semaphore_mem>>)
    %dma_start3A_91 = arith.constant 7 : i32
    %dma_start3A_92 = arith.constant 896 : i32
    %dma_start3A_93 = arith.constant 0 : i32
    %dma_start3A_94 = tpu.memref_slice %arg6[%dma_start3A_92, %dma_start3A_93] : memref<2048x16xf32, #tpu.memory_space<vmem>> -> memref<128x16xf32, #tpu.memory_space<vmem>>
    %dma_start3A_95 = arith.constant 0 : i32
    %dma_start3A_96 = tpu.memref_slice %arg5[%dma_start3A_91, %dma_start3A_95] : memref<16x128xi32, #tpu.memory_space<vmem>> -> memref<1x128xi32, #tpu.memory_space<vmem>>
    %dma_start3A_97 = tpu.memref_squeeze %dma_start3A_96 : memref<1x128xi32, #tpu.memory_space<vmem>> -> memref<128xi32, #tpu.memory_space<vmem>>
    %dma_start3A_98 = arith.constant 0 : i32
    %dma_start3A_99 = arith.constant 0 : i32
    %dma_start3A_100 = tpu.memref_slice %arg2[%dma_start3A_98, %dma_start3A_99] : memref<16384x16xf32, #tpu.memory_space<hbm>> -> memref<16384x16xf32, #tpu.memory_space<hbm>>
    tpu.enqueue_indirect_dma source(%dma_start3A_100 : memref<16384x16xf32, #tpu.memory_space<hbm>>) target(%dma_start3A_94 : memref<128x16xf32, #tpu.memory_space<vmem>>) offsets(%dma_start3A_97 : memref<128xi32, #tpu.memory_space<vmem>>) semaphore(%arg7 : memref<!tpu.dma_semaphore, #tpu.memory_space<semaphore_mem>>)
    %dma_start3A_101 = arith.constant 8 : i32
    %dma_start3A_102 = arith.constant 1024 : i32
    %dma_start3A_103 = arith.constant 0 : i32
    %dma_start3A_104 = tpu.memref_slice %arg6[%dma_start3A_102, %dma_start3A_103] : memref<2048x16xf32, #tpu.memory_space<vmem>> -> memref<128x16xf32, #tpu.memory_space<vmem>>
    %dma_start3A_105 = arith.constant 0 : i32
    %dma_start3A_106 = tpu.memref_slice %arg5[%dma_start3A_101, %dma_start3A_105] : memref<16x128xi32, #tpu.memory_space<vmem>> -> memref<1x128xi32, #tpu.memory_space<vmem>>
    %dma_start3A_107 = tpu.memref_squeeze %dma_start3A_106 : memref<1x128xi32, #tpu.memory_space<vmem>> -> memref<128xi32, #tpu.memory_space<vmem>>
    %dma_start3A_108 = arith.constant 0 : i32
    %dma_start3A_109 = arith.constant 0 : i32
    %dma_start3A_110 = tpu.memref_slice %arg2[%dma_start3A_108, %dma_start3A_109] : memref<16384x16xf32, #tpu.memory_space<hbm>> -> memref<16384x16xf32, #tpu.memory_space<hbm>>
    tpu.enqueue_indirect_dma source(%dma_start3A_110 : memref<16384x16xf32, #tpu.memory_space<hbm>>) target(%dma_start3A_104 : memref<128x16xf32, #tpu.memory_space<vmem>>) offsets(%dma_start3A_107 : memref<128xi32, #tpu.memory_space<vmem>>) semaphore(%arg7 : memref<!tpu.dma_semaphore, #tpu.memory_space<semaphore_mem>>)
    %dma_start3A_111 = arith.constant 9 : i32
    %dma_start3A_112 = arith.constant 1152 : i32
    %dma_start3A_113 = arith.constant 0 : i32
    %dma_start3A_114 = tpu.memref_slice %arg6[%dma_start3A_112, %dma_start3A_113] : memref<2048x16xf32, #tpu.memory_space<vmem>> -> memref<128x16xf32, #tpu.memory_space<vmem>>
    %dma_start3A_115 = arith.constant 0 : i32
    %dma_start3A_116 = tpu.memref_slice %arg5[%dma_start3A_111, %dma_start3A_115] : memref<16x128xi32, #tpu.memory_space<vmem>> -> memref<1x128xi32, #tpu.memory_space<vmem>>
    %dma_start3A_117 = tpu.memref_squeeze %dma_start3A_116 : memref<1x128xi32, #tpu.memory_space<vmem>> -> memref<128xi32, #tpu.memory_space<vmem>>
    %dma_start3A_118 = arith.constant 0 : i32
    %dma_start3A_119 = arith.constant 0 : i32
    %dma_start3A_120 = tpu.memref_slice %arg2[%dma_start3A_118, %dma_start3A_119] : memref<16384x16xf32, #tpu.memory_space<hbm>> -> memref<16384x16xf32, #tpu.memory_space<hbm>>
    tpu.enqueue_indirect_dma source(%dma_start3A_120 : memref<16384x16xf32, #tpu.memory_space<hbm>>) target(%dma_start3A_114 : memref<128x16xf32, #tpu.memory_space<vmem>>) offsets(%dma_start3A_117 : memref<128xi32, #tpu.memory_space<vmem>>) semaphore(%arg7 : memref<!tpu.dma_semaphore, #tpu.memory_space<semaphore_mem>>)
    %dma_start3A_121 = arith.constant 10 : i32
    %dma_start3A_122 = arith.constant 1280 : i32
    %dma_start3A_123 = arith.constant 0 : i32
    %dma_start3A_124 = tpu.memref_slice %arg6[%dma_start3A_122, %dma_start3A_123] : memref<2048x16xf32, #tpu.memory_space<vmem>> -> memref<128x16xf32, #tpu.memory_space<vmem>>
    %dma_start3A_125 = arith.constant 0 : i32
    %dma_start3A_126 = tpu.memref_slice %arg5[%dma_start3A_121, %dma_start3A_125] : memref<16x128xi32, #tpu.memory_space<vmem>> -> memref<1x128xi32, #tpu.memory_space<vmem>>
    %dma_start3A_127 = tpu.memref_squeeze %dma_start3A_126 : memref<1x128xi32, #tpu.memory_space<vmem>> -> memref<128xi32, #tpu.memory_space<vmem>>
    %dma_start3A_128 = arith.constant 0 : i32
    %dma_start3A_129 = arith.constant 0 : i32
    %dma_start3A_130 = tpu.memref_slice %arg2[%dma_start3A_128, %dma_start3A_129] : memref<16384x16xf32, #tpu.memory_space<hbm>> -> memref<16384x16xf32, #tpu.memory_space<hbm>>
    tpu.enqueue_indirect_dma source(%dma_start3A_130 : memref<16384x16xf32, #tpu.memory_space<hbm>>) target(%dma_start3A_124 : memref<128x16xf32, #tpu.memory_space<vmem>>) offsets(%dma_start3A_127 : memref<128xi32, #tpu.memory_space<vmem>>) semaphore(%arg7 : memref<!tpu.dma_semaphore, #tpu.memory_space<semaphore_mem>>)
    %dma_start3A_131 = arith.constant 11 : i32
    %dma_start3A_132 = arith.constant 1408 : i32
    %dma_start3A_133 = arith.constant 0 : i32
    %dma_start3A_134 = tpu.memref_slice %arg6[%dma_start3A_132, %dma_start3A_133] : memref<2048x16xf32, #tpu.memory_space<vmem>> -> memref<128x16xf32, #tpu.memory_space<vmem>>
    %dma_start3A_135 = arith.constant 0 : i32
    %dma_start3A_136 = tpu.memref_slice %arg5[%dma_start3A_131, %dma_start3A_135] : memref<16x128xi32, #tpu.memory_space<vmem>> -> memref<1x128xi32, #tpu.memory_space<vmem>>
    %dma_start3A_137 = tpu.memref_squeeze %dma_start3A_136 : memref<1x128xi32, #tpu.memory_space<vmem>> -> memref<128xi32, #tpu.memory_space<vmem>>
    %dma_start3A_138 = arith.constant 0 : i32
    %dma_start3A_139 = arith.constant 0 : i32
    %dma_start3A_140 = tpu.memref_slice %arg2[%dma_start3A_138, %dma_start3A_139] : memref<16384x16xf32, #tpu.memory_space<hbm>> -> memref<16384x16xf32, #tpu.memory_space<hbm>>
    tpu.enqueue_indirect_dma source(%dma_start3A_140 : memref<16384x16xf32, #tpu.memory_space<hbm>>) target(%dma_start3A_134 : memref<128x16xf32, #tpu.memory_space<vmem>>) offsets(%dma_start3A_137 : memref<128xi32, #tpu.memory_space<vmem>>) semaphore(%arg7 : memref<!tpu.dma_semaphore, #tpu.memory_space<semaphore_mem>>)
    %dma_start3A_141 = arith.constant 12 : i32
    %dma_start3A_142 = arith.constant 1536 : i32
    %dma_start3A_143 = arith.constant 0 : i32
    %dma_start3A_144 = tpu.memref_slice %arg6[%dma_start3A_142, %dma_start3A_143] : memref<2048x16xf32, #tpu.memory_space<vmem>> -> memref<128x16xf32, #tpu.memory_space<vmem>>
    %dma_start3A_145 = arith.constant 0 : i32
    %dma_start3A_146 = tpu.memref_slice %arg5[%dma_start3A_141, %dma_start3A_145] : memref<16x128xi32, #tpu.memory_space<vmem>> -> memref<1x128xi32, #tpu.memory_space<vmem>>
    %dma_start3A_147 = tpu.memref_squeeze %dma_start3A_146 : memref<1x128xi32, #tpu.memory_space<vmem>> -> memref<128xi32, #tpu.memory_space<vmem>>
    %dma_start3A_148 = arith.constant 0 : i32
    %dma_start3A_149 = arith.constant 0 : i32
    %dma_start3A_150 = tpu.memref_slice %arg2[%dma_start3A_148, %dma_start3A_149] : memref<16384x16xf32, #tpu.memory_space<hbm>> -> memref<16384x16xf32, #tpu.memory_space<hbm>>
    tpu.enqueue_indirect_dma source(%dma_start3A_150 : memref<16384x16xf32, #tpu.memory_space<hbm>>) target(%dma_start3A_144 : memref<128x16xf32, #tpu.memory_space<vmem>>) offsets(%dma_start3A_147 : memref<128xi32, #tpu.memory_space<vmem>>) semaphore(%arg7 : memref<!tpu.dma_semaphore, #tpu.memory_space<semaphore_mem>>)
    %dma_start3A_151 = arith.constant 13 : i32
    %dma_start3A_152 = arith.constant 1664 : i32
    %dma_start3A_153 = arith.constant 0 : i32
    %dma_start3A_154 = tpu.memref_slice %arg6[%dma_start3A_152, %dma_start3A_153] : memref<2048x16xf32, #tpu.memory_space<vmem>> -> memref<128x16xf32, #tpu.memory_space<vmem>>
    %dma_start3A_155 = arith.constant 0 : i32
    %dma_start3A_156 = tpu.memref_slice %arg5[%dma_start3A_151, %dma_start3A_155] : memref<16x128xi32, #tpu.memory_space<vmem>> -> memref<1x128xi32, #tpu.memory_space<vmem>>
    %dma_start3A_157 = tpu.memref_squeeze %dma_start3A_156 : memref<1x128xi32, #tpu.memory_space<vmem>> -> memref<128xi32, #tpu.memory_space<vmem>>
    %dma_start3A_158 = arith.constant 0 : i32
    %dma_start3A_159 = arith.constant 0 : i32
    %dma_start3A_160 = tpu.memref_slice %arg2[%dma_start3A_158, %dma_start3A_159] : memref<16384x16xf32, #tpu.memory_space<hbm>> -> memref<16384x16xf32, #tpu.memory_space<hbm>>
    tpu.enqueue_indirect_dma source(%dma_start3A_160 : memref<16384x16xf32, #tpu.memory_space<hbm>>) target(%dma_start3A_154 : memref<128x16xf32, #tpu.memory_space<vmem>>) offsets(%dma_start3A_157 : memref<128xi32, #tpu.memory_space<vmem>>) semaphore(%arg7 : memref<!tpu.dma_semaphore, #tpu.memory_space<semaphore_mem>>)
    %dma_start3A_161 = arith.constant 14 : i32
    %dma_start3A_162 = arith.constant 1792 : i32
    %dma_start3A_163 = arith.constant 0 : i32
    %dma_start3A_164 = tpu.memref_slice %arg6[%dma_start3A_162, %dma_start3A_163] : memref<2048x16xf32, #tpu.memory_space<vmem>> -> memref<128x16xf32, #tpu.memory_space<vmem>>
    %dma_start3A_165 = arith.constant 0 : i32
    %dma_start3A_166 = tpu.memref_slice %arg5[%dma_start3A_161, %dma_start3A_165] : memref<16x128xi32, #tpu.memory_space<vmem>> -> memref<1x128xi32, #tpu.memory_space<vmem>>
    %dma_start3A_167 = tpu.memref_squeeze %dma_start3A_166 : memref<1x128xi32, #tpu.memory_space<vmem>> -> memref<128xi32, #tpu.memory_space<vmem>>
    %dma_start3A_168 = arith.constant 0 : i32
    %dma_start3A_169 = arith.constant 0 : i32
    %dma_start3A_170 = tpu.memref_slice %arg2[%dma_start3A_168, %dma_start3A_169] : memref<16384x16xf32, #tpu.memory_space<hbm>> -> memref<16384x16xf32, #tpu.memory_space<hbm>>
    tpu.enqueue_indirect_dma source(%dma_start3A_170 : memref<16384x16xf32, #tpu.memory_space<hbm>>) target(%dma_start3A_164 : memref<128x16xf32, #tpu.memory_space<vmem>>) offsets(%dma_start3A_167 : memref<128xi32, #tpu.memory_space<vmem>>) semaphore(%arg7 : memref<!tpu.dma_semaphore, #tpu.memory_space<semaphore_mem>>)
    %dma_start3A_171 = arith.constant 15 : i32
    %dma_start3A_172 = arith.constant 1920 : i32
    %dma_start3A_173 = arith.constant 0 : i32
    %dma_start3A_174 = tpu.memref_slice %arg6[%dma_start3A_172, %dma_start3A_173] : memref<2048x16xf32, #tpu.memory_space<vmem>> -> memref<128x16xf32, #tpu.memory_space<vmem>>
    %dma_start3A_175 = arith.constant 0 : i32
    %dma_start3A_176 = tpu.memref_slice %arg5[%dma_start3A_171, %dma_start3A_175] : memref<16x128xi32, #tpu.memory_space<vmem>> -> memref<1x128xi32, #tpu.memory_space<vmem>>
    %dma_start3A_177 = tpu.memref_squeeze %dma_start3A_176 : memref<1x128xi32, #tpu.memory_space<vmem>> -> memref<128xi32, #tpu.memory_space<vmem>>
    %dma_start3A_178 = arith.constant 0 : i32
    %dma_start3A_179 = arith.constant 0 : i32
    %dma_start3A_180 = tpu.memref_slice %arg2[%dma_start3A_178, %dma_start3A_179] : memref<16384x16xf32, #tpu.memory_space<hbm>> -> memref<16384x16xf32, #tpu.memory_space<hbm>>
    tpu.enqueue_indirect_dma source(%dma_start3A_180 : memref<16384x16xf32, #tpu.memory_space<hbm>>) target(%dma_start3A_174 : memref<128x16xf32, #tpu.memory_space<vmem>>) offsets(%dma_start3A_177 : memref<128xi32, #tpu.memory_space<vmem>>) semaphore(%arg7 : memref<!tpu.dma_semaphore, #tpu.memory_space<semaphore_mem>>)
    %dma_wait3A = arith.constant 0 : i32
    %dma_wait3A_181 = arith.constant 0 : i32
    %dma_wait3A_182 = arith.constant 0 : i32
    %dma_wait3A_183 = tpu.memref_slice %arg6[%dma_wait3A_181, %dma_wait3A_182] : memref<2048x16xf32, #tpu.memory_space<vmem>> -> memref<128x16xf32, #tpu.memory_space<vmem>>
    %dma_wait3A_184 = arith.constant 0 : i32
    %dma_wait3A_185 = tpu.memref_slice %arg5[%dma_wait3A, %dma_wait3A_184] : memref<16x128xi32, #tpu.memory_space<vmem>> -> memref<1x128xi32, #tpu.memory_space<vmem>>
    %dma_wait3A_186 = tpu.memref_squeeze %dma_wait3A_185 : memref<1x128xi32, #tpu.memory_space<vmem>> -> memref<128xi32, #tpu.memory_space<vmem>>
    %dma_wait3A_187 = arith.constant 0 : i32
    %dma_wait3A_188 = arith.constant 0 : i32
    %dma_wait3A_189 = tpu.memref_slice %arg2[%dma_wait3A_187, %dma_wait3A_188] : memref<16384x16xf32, #tpu.memory_space<hbm>> -> memref<16384x16xf32, #tpu.memory_space<hbm>>
    tpu.wait_indirect_dma semaphore(%arg7 : memref<!tpu.dma_semaphore, #tpu.memory_space<semaphore_mem>>) src(%dma_wait3A_189 : memref<16384x16xf32, #tpu.memory_space<hbm>>) dst(%dma_wait3A_183 : memref<128x16xf32, #tpu.memory_space<vmem>>)
    %dma_wait3A_190 = arith.constant 1 : i32
    %dma_wait3A_191 = arith.constant 128 : i32
    %dma_wait3A_192 = arith.constant 0 : i32
    %dma_wait3A_193 = tpu.memref_slice %arg6[%dma_wait3A_191, %dma_wait3A_192] : memref<2048x16xf32, #tpu.memory_space<vmem>> -> memref<128x16xf32, #tpu.memory_space<vmem>>
    %dma_wait3A_194 = arith.constant 0 : i32
    %dma_wait3A_195 = tpu.memref_slice %arg5[%dma_wait3A_190, %dma_wait3A_194] : memref<16x128xi32, #tpu.memory_space<vmem>> -> memref<1x128xi32, #tpu.memory_space<vmem>>
    %dma_wait3A_196 = tpu.memref_squeeze %dma_wait3A_195 : memref<1x128xi32, #tpu.memory_space<vmem>> -> memref<128xi32, #tpu.memory_space<vmem>>
    %dma_wait3A_197 = arith.constant 0 : i32
    %dma_wait3A_198 = arith.constant 0 : i32
    %dma_wait3A_199 = tpu.memref_slice %arg2[%dma_wait3A_197, %dma_wait3A_198] : memref<16384x16xf32, #tpu.memory_space<hbm>> -> memref<16384x16xf32, #tpu.memory_space<hbm>>
    tpu.wait_indirect_dma semaphore(%arg7 : memref<!tpu.dma_semaphore, #tpu.memory_space<semaphore_mem>>) src(%dma_wait3A_199 : memref<16384x16xf32, #tpu.memory_space<hbm>>) dst(%dma_wait3A_193 : memref<128x16xf32, #tpu.memory_space<vmem>>)
    %dma_wait3A_200 = arith.constant 2 : i32
    %dma_wait3A_201 = arith.constant 256 : i32
    %dma_wait3A_202 = arith.constant 0 : i32
    %dma_wait3A_203 = tpu.memref_slice %arg6[%dma_wait3A_201, %dma_wait3A_202] : memref<2048x16xf32, #tpu.memory_space<vmem>> -> memref<128x16xf32, #tpu.memory_space<vmem>>
    %dma_wait3A_204 = arith.constant 0 : i32
    %dma_wait3A_205 = tpu.memref_slice %arg5[%dma_wait3A_200, %dma_wait3A_204] : memref<16x128xi32, #tpu.memory_space<vmem>> -> memref<1x128xi32, #tpu.memory_space<vmem>>
    %dma_wait3A_206 = tpu.memref_squeeze %dma_wait3A_205 : memref<1x128xi32, #tpu.memory_space<vmem>> -> memref<128xi32, #tpu.memory_space<vmem>>
    %dma_wait3A_207 = arith.constant 0 : i32
    %dma_wait3A_208 = arith.constant 0 : i32
    %dma_wait3A_209 = tpu.memref_slice %arg2[%dma_wait3A_207, %dma_wait3A_208] : memref<16384x16xf32, #tpu.memory_space<hbm>> -> memref<16384x16xf32, #tpu.memory_space<hbm>>
    tpu.wait_indirect_dma semaphore(%arg7 : memref<!tpu.dma_semaphore, #tpu.memory_space<semaphore_mem>>) src(%dma_wait3A_209 : memref<16384x16xf32, #tpu.memory_space<hbm>>) dst(%dma_wait3A_203 : memref<128x16xf32, #tpu.memory_space<vmem>>)
    %dma_wait3A_210 = arith.constant 3 : i32
    %dma_wait3A_211 = arith.constant 384 : i32
    %dma_wait3A_212 = arith.constant 0 : i32
    %dma_wait3A_213 = tpu.memref_slice %arg6[%dma_wait3A_211, %dma_wait3A_212] : memref<2048x16xf32, #tpu.memory_space<vmem>> -> memref<128x16xf32, #tpu.memory_space<vmem>>
    %dma_wait3A_214 = arith.constant 0 : i32
    %dma_wait3A_215 = tpu.memref_slice %arg5[%dma_wait3A_210, %dma_wait3A_214] : memref<16x128xi32, #tpu.memory_space<vmem>> -> memref<1x128xi32, #tpu.memory_space<vmem>>
    %dma_wait3A_216 = tpu.memref_squeeze %dma_wait3A_215 : memref<1x128xi32, #tpu.memory_space<vmem>> -> memref<128xi32, #tpu.memory_space<vmem>>
    %dma_wait3A_217 = arith.constant 0 : i32
    %dma_wait3A_218 = arith.constant 0 : i32
    %dma_wait3A_219 = tpu.memref_slice %arg2[%dma_wait3A_217, %dma_wait3A_218] : memref<16384x16xf32, #tpu.memory_space<hbm>> -> memref<16384x16xf32, #tpu.memory_space<hbm>>
    tpu.wait_indirect_dma semaphore(%arg7 : memref<!tpu.dma_semaphore, #tpu.memory_space<semaphore_mem>>) src(%dma_wait3A_219 : memref<16384x16xf32, #tpu.memory_space<hbm>>) dst(%dma_wait3A_213 : memref<128x16xf32, #tpu.memory_space<vmem>>)
    %dma_wait3A_220 = arith.constant 4 : i32
    %dma_wait3A_221 = arith.constant 512 : i32
    %dma_wait3A_222 = arith.constant 0 : i32
    %dma_wait3A_223 = tpu.memref_slice %arg6[%dma_wait3A_221, %dma_wait3A_222] : memref<2048x16xf32, #tpu.memory_space<vmem>> -> memref<128x16xf32, #tpu.memory_space<vmem>>
    %dma_wait3A_224 = arith.constant 0 : i32
    %dma_wait3A_225 = tpu.memref_slice %arg5[%dma_wait3A_220, %dma_wait3A_224] : memref<16x128xi32, #tpu.memory_space<vmem>> -> memref<1x128xi32, #tpu.memory_space<vmem>>
    %dma_wait3A_226 = tpu.memref_squeeze %dma_wait3A_225 : memref<1x128xi32, #tpu.memory_space<vmem>> -> memref<128xi32, #tpu.memory_space<vmem>>
    %dma_wait3A_227 = arith.constant 0 : i32
    %dma_wait3A_228 = arith.constant 0 : i32
    %dma_wait3A_229 = tpu.memref_slice %arg2[%dma_wait3A_227, %dma_wait3A_228] : memref<16384x16xf32, #tpu.memory_space<hbm>> -> memref<16384x16xf32, #tpu.memory_space<hbm>>
    tpu.wait_indirect_dma semaphore(%arg7 : memref<!tpu.dma_semaphore, #tpu.memory_space<semaphore_mem>>) src(%dma_wait3A_229 : memref<16384x16xf32, #tpu.memory_space<hbm>>) dst(%dma_wait3A_223 : memref<128x16xf32, #tpu.memory_space<vmem>>)
    %dma_wait3A_230 = arith.constant 5 : i32
    %dma_wait3A_231 = arith.constant 640 : i32
    %dma_wait3A_232 = arith.constant 0 : i32
    %dma_wait3A_233 = tpu.memref_slice %arg6[%dma_wait3A_231, %dma_wait3A_232] : memref<2048x16xf32, #tpu.memory_space<vmem>> -> memref<128x16xf32, #tpu.memory_space<vmem>>
    %dma_wait3A_234 = arith.constant 0 : i32
    %dma_wait3A_235 = tpu.memref_slice %arg5[%dma_wait3A_230, %dma_wait3A_234] : memref<16x128xi32, #tpu.memory_space<vmem>> -> memref<1x128xi32, #tpu.memory_space<vmem>>
    %dma_wait3A_236 = tpu.memref_squeeze %dma_wait3A_235 : memref<1x128xi32, #tpu.memory_space<vmem>> -> memref<128xi32, #tpu.memory_space<vmem>>
    %dma_wait3A_237 = arith.constant 0 : i32
    %dma_wait3A_238 = arith.constant 0 : i32
    %dma_wait3A_239 = tpu.memref_slice %arg2[%dma_wait3A_237, %dma_wait3A_238] : memref<16384x16xf32, #tpu.memory_space<hbm>> -> memref<16384x16xf32, #tpu.memory_space<hbm>>
    tpu.wait_indirect_dma semaphore(%arg7 : memref<!tpu.dma_semaphore, #tpu.memory_space<semaphore_mem>>) src(%dma_wait3A_239 : memref<16384x16xf32, #tpu.memory_space<hbm>>) dst(%dma_wait3A_233 : memref<128x16xf32, #tpu.memory_space<vmem>>)
    %dma_wait3A_240 = arith.constant 6 : i32
    %dma_wait3A_241 = arith.constant 768 : i32
    %dma_wait3A_242 = arith.constant 0 : i32
    %dma_wait3A_243 = tpu.memref_slice %arg6[%dma_wait3A_241, %dma_wait3A_242] : memref<2048x16xf32, #tpu.memory_space<vmem>> -> memref<128x16xf32, #tpu.memory_space<vmem>>
    %dma_wait3A_244 = arith.constant 0 : i32
    %dma_wait3A_245 = tpu.memref_slice %arg5[%dma_wait3A_240, %dma_wait3A_244] : memref<16x128xi32, #tpu.memory_space<vmem>> -> memref<1x128xi32, #tpu.memory_space<vmem>>
    %dma_wait3A_246 = tpu.memref_squeeze %dma_wait3A_245 : memref<1x128xi32, #tpu.memory_space<vmem>> -> memref<128xi32, #tpu.memory_space<vmem>>
    %dma_wait3A_247 = arith.constant 0 : i32
    %dma_wait3A_248 = arith.constant 0 : i32
    %dma_wait3A_249 = tpu.memref_slice %arg2[%dma_wait3A_247, %dma_wait3A_248] : memref<16384x16xf32, #tpu.memory_space<hbm>> -> memref<16384x16xf32, #tpu.memory_space<hbm>>
    tpu.wait_indirect_dma semaphore(%arg7 : memref<!tpu.dma_semaphore, #tpu.memory_space<semaphore_mem>>) src(%dma_wait3A_249 : memref<16384x16xf32, #tpu.memory_space<hbm>>) dst(%dma_wait3A_243 : memref<128x16xf32, #tpu.memory_space<vmem>>)
    %dma_wait3A_250 = arith.constant 7 : i32
    %dma_wait3A_251 = arith.constant 896 : i32
    %dma_wait3A_252 = arith.constant 0 : i32
    %dma_wait3A_253 = tpu.memref_slice %arg6[%dma_wait3A_251, %dma_wait3A_252] : memref<2048x16xf32, #tpu.memory_space<vmem>> -> memref<128x16xf32, #tpu.memory_space<vmem>>
    %dma_wait3A_254 = arith.constant 0 : i32
    %dma_wait3A_255 = tpu.memref_slice %arg5[%dma_wait3A_250, %dma_wait3A_254] : memref<16x128xi32, #tpu.memory_space<vmem>> -> memref<1x128xi32, #tpu.memory_space<vmem>>
    %dma_wait3A_256 = tpu.memref_squeeze %dma_wait3A_255 : memref<1x128xi32, #tpu.memory_space<vmem>> -> memref<128xi32, #tpu.memory_space<vmem>>
    %dma_wait3A_257 = arith.constant 0 : i32
    %dma_wait3A_258 = arith.constant 0 : i32
    %dma_wait3A_259 = tpu.memref_slice %arg2[%dma_wait3A_257, %dma_wait3A_258] : memref<16384x16xf32, #tpu.memory_space<hbm>> -> memref<16384x16xf32, #tpu.memory_space<hbm>>
    tpu.wait_indirect_dma semaphore(%arg7 : memref<!tpu.dma_semaphore, #tpu.memory_space<semaphore_mem>>) src(%dma_wait3A_259 : memref<16384x16xf32, #tpu.memory_space<hbm>>) dst(%dma_wait3A_253 : memref<128x16xf32, #tpu.memory_space<vmem>>)
    %dma_wait3A_260 = arith.constant 8 : i32
    %dma_wait3A_261 = arith.constant 1024 : i32
    %dma_wait3A_262 = arith.constant 0 : i32
    %dma_wait3A_263 = tpu.memref_slice %arg6[%dma_wait3A_261, %dma_wait3A_262] : memref<2048x16xf32, #tpu.memory_space<vmem>> -> memref<128x16xf32, #tpu.memory_space<vmem>>
    %dma_wait3A_264 = arith.constant 0 : i32
    %dma_wait3A_265 = tpu.memref_slice %arg5[%dma_wait3A_260, %dma_wait3A_264] : memref<16x128xi32, #tpu.memory_space<vmem>> -> memref<1x128xi32, #tpu.memory_space<vmem>>
    %dma_wait3A_266 = tpu.memref_squeeze %dma_wait3A_265 : memref<1x128xi32, #tpu.memory_space<vmem>> -> memref<128xi32, #tpu.memory_space<vmem>>
    %dma_wait3A_267 = arith.constant 0 : i32
    %dma_wait3A_268 = arith.constant 0 : i32
    %dma_wait3A_269 = tpu.memref_slice %arg2[%dma_wait3A_267, %dma_wait3A_268] : memref<16384x16xf32, #tpu.memory_space<hbm>> -> memref<16384x16xf32, #tpu.memory_space<hbm>>
    tpu.wait_indirect_dma semaphore(%arg7 : memref<!tpu.dma_semaphore, #tpu.memory_space<semaphore_mem>>) src(%dma_wait3A_269 : memref<16384x16xf32, #tpu.memory_space<hbm>>) dst(%dma_wait3A_263 : memref<128x16xf32, #tpu.memory_space<vmem>>)
    %dma_wait3A_270 = arith.constant 9 : i32
    %dma_wait3A_271 = arith.constant 1152 : i32
    %dma_wait3A_272 = arith.constant 0 : i32
    %dma_wait3A_273 = tpu.memref_slice %arg6[%dma_wait3A_271, %dma_wait3A_272] : memref<2048x16xf32, #tpu.memory_space<vmem>> -> memref<128x16xf32, #tpu.memory_space<vmem>>
    %dma_wait3A_274 = arith.constant 0 : i32
    %dma_wait3A_275 = tpu.memref_slice %arg5[%dma_wait3A_270, %dma_wait3A_274] : memref<16x128xi32, #tpu.memory_space<vmem>> -> memref<1x128xi32, #tpu.memory_space<vmem>>
    %dma_wait3A_276 = tpu.memref_squeeze %dma_wait3A_275 : memref<1x128xi32, #tpu.memory_space<vmem>> -> memref<128xi32, #tpu.memory_space<vmem>>
    %dma_wait3A_277 = arith.constant 0 : i32
    %dma_wait3A_278 = arith.constant 0 : i32
    %dma_wait3A_279 = tpu.memref_slice %arg2[%dma_wait3A_277, %dma_wait3A_278] : memref<16384x16xf32, #tpu.memory_space<hbm>> -> memref<16384x16xf32, #tpu.memory_space<hbm>>
    tpu.wait_indirect_dma semaphore(%arg7 : memref<!tpu.dma_semaphore, #tpu.memory_space<semaphore_mem>>) src(%dma_wait3A_279 : memref<16384x16xf32, #tpu.memory_space<hbm>>) dst(%dma_wait3A_273 : memref<128x16xf32, #tpu.memory_space<vmem>>)
    %dma_wait3A_280 = arith.constant 10 : i32
    %dma_wait3A_281 = arith.constant 1280 : i32
    %dma_wait3A_282 = arith.constant 0 : i32
    %dma_wait3A_283 = tpu.memref_slice %arg6[%dma_wait3A_281, %dma_wait3A_282] : memref<2048x16xf32, #tpu.memory_space<vmem>> -> memref<128x16xf32, #tpu.memory_space<vmem>>
    %dma_wait3A_284 = arith.constant 0 : i32
    %dma_wait3A_285 = tpu.memref_slice %arg5[%dma_wait3A_280, %dma_wait3A_284] : memref<16x128xi32, #tpu.memory_space<vmem>> -> memref<1x128xi32, #tpu.memory_space<vmem>>
    %dma_wait3A_286 = tpu.memref_squeeze %dma_wait3A_285 : memref<1x128xi32, #tpu.memory_space<vmem>> -> memref<128xi32, #tpu.memory_space<vmem>>
    %dma_wait3A_287 = arith.constant 0 : i32
    %dma_wait3A_288 = arith.constant 0 : i32
    %dma_wait3A_289 = tpu.memref_slice %arg2[%dma_wait3A_287, %dma_wait3A_288] : memref<16384x16xf32, #tpu.memory_space<hbm>> -> memref<16384x16xf32, #tpu.memory_space<hbm>>
    tpu.wait_indirect_dma semaphore(%arg7 : memref<!tpu.dma_semaphore, #tpu.memory_space<semaphore_mem>>) src(%dma_wait3A_289 : memref<16384x16xf32, #tpu.memory_space<hbm>>) dst(%dma_wait3A_283 : memref<128x16xf32, #tpu.memory_space<vmem>>)
    %dma_wait3A_290 = arith.constant 11 : i32
    %dma_wait3A_291 = arith.constant 1408 : i32
    %dma_wait3A_292 = arith.constant 0 : i32
    %dma_wait3A_293 = tpu.memref_slice %arg6[%dma_wait3A_291, %dma_wait3A_292] : memref<2048x16xf32, #tpu.memory_space<vmem>> -> memref<128x16xf32, #tpu.memory_space<vmem>>
    %dma_wait3A_294 = arith.constant 0 : i32
    %dma_wait3A_295 = tpu.memref_slice %arg5[%dma_wait3A_290, %dma_wait3A_294] : memref<16x128xi32, #tpu.memory_space<vmem>> -> memref<1x128xi32, #tpu.memory_space<vmem>>
    %dma_wait3A_296 = tpu.memref_squeeze %dma_wait3A_295 : memref<1x128xi32, #tpu.memory_space<vmem>> -> memref<128xi32, #tpu.memory_space<vmem>>
    %dma_wait3A_297 = arith.constant 0 : i32
    %dma_wait3A_298 = arith.constant 0 : i32
    %dma_wait3A_299 = tpu.memref_slice %arg2[%dma_wait3A_297, %dma_wait3A_298] : memref<16384x16xf32, #tpu.memory_space<hbm>> -> memref<16384x16xf32, #tpu.memory_space<hbm>>
    tpu.wait_indirect_dma semaphore(%arg7 : memref<!tpu.dma_semaphore, #tpu.memory_space<semaphore_mem>>) src(%dma_wait3A_299 : memref<16384x16xf32, #tpu.memory_space<hbm>>) dst(%dma_wait3A_293 : memref<128x16xf32, #tpu.memory_space<vmem>>)
    %dma_wait3A_300 = arith.constant 12 : i32
    %dma_wait3A_301 = arith.constant 1536 : i32
    %dma_wait3A_302 = arith.constant 0 : i32
    %dma_wait3A_303 = tpu.memref_slice %arg6[%dma_wait3A_301, %dma_wait3A_302] : memref<2048x16xf32, #tpu.memory_space<vmem>> -> memref<128x16xf32, #tpu.memory_space<vmem>>
    %dma_wait3A_304 = arith.constant 0 : i32
    %dma_wait3A_305 = tpu.memref_slice %arg5[%dma_wait3A_300, %dma_wait3A_304] : memref<16x128xi32, #tpu.memory_space<vmem>> -> memref<1x128xi32, #tpu.memory_space<vmem>>
    %dma_wait3A_306 = tpu.memref_squeeze %dma_wait3A_305 : memref<1x128xi32, #tpu.memory_space<vmem>> -> memref<128xi32, #tpu.memory_space<vmem>>
    %dma_wait3A_307 = arith.constant 0 : i32
    %dma_wait3A_308 = arith.constant 0 : i32
    %dma_wait3A_309 = tpu.memref_slice %arg2[%dma_wait3A_307, %dma_wait3A_308] : memref<16384x16xf32, #tpu.memory_space<hbm>> -> memref<16384x16xf32, #tpu.memory_space<hbm>>
    tpu.wait_indirect_dma semaphore(%arg7 : memref<!tpu.dma_semaphore, #tpu.memory_space<semaphore_mem>>) src(%dma_wait3A_309 : memref<16384x16xf32, #tpu.memory_space<hbm>>) dst(%dma_wait3A_303 : memref<128x16xf32, #tpu.memory_space<vmem>>)
    %dma_wait3A_310 = arith.constant 13 : i32
    %dma_wait3A_311 = arith.constant 1664 : i32
    %dma_wait3A_312 = arith.constant 0 : i32
    %dma_wait3A_313 = tpu.memref_slice %arg6[%dma_wait3A_311, %dma_wait3A_312] : memref<2048x16xf32, #tpu.memory_space<vmem>> -> memref<128x16xf32, #tpu.memory_space<vmem>>
    %dma_wait3A_314 = arith.constant 0 : i32
    %dma_wait3A_315 = tpu.memref_slice %arg5[%dma_wait3A_310, %dma_wait3A_314] : memref<16x128xi32, #tpu.memory_space<vmem>> -> memref<1x128xi32, #tpu.memory_space<vmem>>
    %dma_wait3A_316 = tpu.memref_squeeze %dma_wait3A_315 : memref<1x128xi32, #tpu.memory_space<vmem>> -> memref<128xi32, #tpu.memory_space<vmem>>
    %dma_wait3A_317 = arith.constant 0 : i32
    %dma_wait3A_318 = arith.constant 0 : i32
    %dma_wait3A_319 = tpu.memref_slice %arg2[%dma_wait3A_317, %dma_wait3A_318] : memref<16384x16xf32, #tpu.memory_space<hbm>> -> memref<16384x16xf32, #tpu.memory_space<hbm>>
    tpu.wait_indirect_dma semaphore(%arg7 : memref<!tpu.dma_semaphore, #tpu.memory_space<semaphore_mem>>) src(%dma_wait3A_319 : memref<16384x16xf32, #tpu.memory_space<hbm>>) dst(%dma_wait3A_313 : memref<128x16xf32, #tpu.memory_space<vmem>>)
    %dma_wait3A_320 = arith.constant 14 : i32
    %dma_wait3A_321 = arith.constant 1792 : i32
    %dma_wait3A_322 = arith.constant 0 : i32
    %dma_wait3A_323 = tpu.memref_slice %arg6[%dma_wait3A_321, %dma_wait3A_322] : memref<2048x16xf32, #tpu.memory_space<vmem>> -> memref<128x16xf32, #tpu.memory_space<vmem>>
    %dma_wait3A_324 = arith.constant 0 : i32
    %dma_wait3A_325 = tpu.memref_slice %arg5[%dma_wait3A_320, %dma_wait3A_324] : memref<16x128xi32, #tpu.memory_space<vmem>> -> memref<1x128xi32, #tpu.memory_space<vmem>>
    %dma_wait3A_326 = tpu.memref_squeeze %dma_wait3A_325 : memref<1x128xi32, #tpu.memory_space<vmem>> -> memref<128xi32, #tpu.memory_space<vmem>>
    %dma_wait3A_327 = arith.constant 0 : i32
    %dma_wait3A_328 = arith.constant 0 : i32
    %dma_wait3A_329 = tpu.memref_slice %arg2[%dma_wait3A_327, %dma_wait3A_328] : memref<16384x16xf32, #tpu.memory_space<hbm>> -> memref<16384x16xf32, #tpu.memory_space<hbm>>
    tpu.wait_indirect_dma semaphore(%arg7 : memref<!tpu.dma_semaphore, #tpu.memory_space<semaphore_mem>>) src(%dma_wait3A_329 : memref<16384x16xf32, #tpu.memory_space<hbm>>) dst(%dma_wait3A_323 : memref<128x16xf32, #tpu.memory_space<vmem>>)
    %dma_wait3A_330 = arith.constant 15 : i32
    %dma_wait3A_331 = arith.constant 1920 : i32
    %dma_wait3A_332 = arith.constant 0 : i32
    %dma_wait3A_333 = tpu.memref_slice %arg6[%dma_wait3A_331, %dma_wait3A_332] : memref<2048x16xf32, #tpu.memory_space<vmem>> -> memref<128x16xf32, #tpu.memory_space<vmem>>
    %dma_wait3A_334 = arith.constant 0 : i32
    %dma_wait3A_335 = tpu.memref_slice %arg5[%dma_wait3A_330, %dma_wait3A_334] : memref<16x128xi32, #tpu.memory_space<vmem>> -> memref<1x128xi32, #tpu.memory_space<vmem>>
    %dma_wait3A_336 = tpu.memref_squeeze %dma_wait3A_335 : memref<1x128xi32, #tpu.memory_space<vmem>> -> memref<128xi32, #tpu.memory_space<vmem>>
    %dma_wait3A_337 = arith.constant 0 : i32
    %dma_wait3A_338 = arith.constant 0 : i32
    %dma_wait3A_339 = tpu.memref_slice %arg2[%dma_wait3A_337, %dma_wait3A_338] : memref<16384x16xf32, #tpu.memory_space<hbm>> -> memref<16384x16xf32, #tpu.memory_space<hbm>>
    tpu.wait_indirect_dma semaphore(%arg7 : memref<!tpu.dma_semaphore, #tpu.memory_space<semaphore_mem>>) src(%dma_wait3A_339 : memref<16384x16xf32, #tpu.memory_space<hbm>>) dst(%dma_wait3A_333 : memref<128x16xf32, #tpu.memory_space<vmem>>)
    "tpu.region"() ({
      %run_scoped3A = tpu.sem_alloc : memref<!tpu.dma_semaphore, #tpu.memory_space<semaphore_mem>>
      %dma_start3A_1390 = arith.constant 0 : i32
      %dma_start3A_1391 = tpu.memref_slice %arg4[%multiple_of3A, %dma_start3A_1390] : memref<262144x16xf32, #tpu.memory_space<hbm>> -> memref<2048x16xf32, #tpu.memory_space<hbm>>
      %dma_start3A_1392 = arith.constant 0 : i32
      %dma_start3A_1393 = tpu.memref_slice %arg4[%multiple_of3A, %dma_start3A_1392] : memref<262144x16xf32, #tpu.memory_space<hbm>> -> memref<2048x16xf32, #tpu.memory_space<hbm>>
      tpu.enqueue_dma source(%arg6 : memref<2048x16xf32, #tpu.memory_space<vmem>>) target(%dma_start3A_1393 : memref<2048x16xf32, #tpu.memory_space<hbm>>) target_semaphore(%run_scoped3A : memref<!tpu.dma_semaphore, #tpu.memory_space<semaphore_mem>>)
      %dma_wait3A_1394 = arith.constant 0 : i32
      %dma_wait3A_1395 = tpu.memref_slice %arg4[%multiple_of3A, %dma_wait3A_1394] : memref<262144x16xf32, #tpu.memory_space<hbm>> -> memref<2048x16xf32, #tpu.memory_space<hbm>>
      %dma_wait3A_1396 = arith.constant 0 : i32
      %dma_wait3A_1397 = tpu.memref_slice %arg4[%multiple_of3A, %dma_wait3A_1396] : memref<262144x16xf32, #tpu.memory_space<hbm>> -> memref<2048x16xf32, #tpu.memory_space<hbm>>
      tpu.wait_dma2 semaphore(%run_scoped3A : memref<!tpu.dma_semaphore, #tpu.memory_space<semaphore_mem>>) src(%arg6 : memref<2048x16xf32, #tpu.memory_space<vmem>>) dst(%dma_wait3A_1397 : memref<2048x16xf32, #tpu.memory_space<hbm>>)
      tpu.yield
    }) : () -> ()
    %mul3A_340 = arith.constant 8192 : i32
    %mul3A_341 = arith.muli %add3A, %mul3A_340 : i32
    %add3A_342 = arith.constant 2048 : i32
    %add3A_343 = arith.addi %mul3A_341, %add3A_342 : i32
    %multiple_of3A_344 = tpu.assume_multiple %add3A_343, 2048 : i32
    %jit3A_345 = arith.constant 128 : i32
    %div3A_346 = arith.divsi %multiple_of3A_344, %jit3A_345 : i32
    %sign3A_347 = arith.constant 0 : i32
    %sign3A_348 = arith.cmpi sgt, %multiple_of3A_344, %sign3A_347 : i32
    %sign3A_349 = arith.extui %sign3A_348 : i1 to i32
    %sign3A_350 = arith.constant 0 : i32
    %sign3A_351 = arith.cmpi slt, %multiple_of3A_344, %sign3A_350 : i32
    %sign3A_352 = arith.extui %sign3A_351 : i1 to i32
    %sign3A_353 = arith.subi %sign3A_349, %sign3A_352 : i32
    %sign3A_354 = arith.constant 0 : i32
    %sign3A_355 = arith.cmpi sgt, %jit3A_345, %sign3A_354 : i32
    %sign3A_356 = arith.extui %sign3A_355 : i1 to i32
    %sign3A_357 = arith.constant 0 : i32
    %sign3A_358 = arith.cmpi slt, %jit3A_345, %sign3A_357 : i32
    %sign3A_359 = arith.extui %sign3A_358 : i1 to i32
    %sign3A_360 = arith.subi %sign3A_356, %sign3A_359 : i32
    %ne3A_361 = arith.cmpi ne, %sign3A_353, %sign3A_360 : i32
    %rem3A_362 = arith.remsi %multiple_of3A_344, %jit3A_345 : i32
    %ne3A_363 = arith.constant 0 : i32
    %ne3A_364 = arith.cmpi ne, %rem3A_362, %ne3A_363 : i32
    %and3A_365 = arith.andi %ne3A_361, %ne3A_364 : i1
    %sub3A_366 = arith.constant 1 : i32
    %sub3A_367 = arith.subi %div3A_346, %sub3A_366 : i32
    %select_n3A_368 = arith.select %and3A_365, %sub3A_367, %div3A_346 : i32
    %multiple_of3A_369 = tpu.assume_multiple %select_n3A_368, 16 : i32
    "tpu.region"() ({
      %run_scoped3A = tpu.sem_alloc : memref<!tpu.dma_semaphore, #tpu.memory_space<semaphore_mem>>
      %dma_start3A_1390 = arith.constant 0 : i32
      %dma_start3A_1391 = tpu.memref_slice %arg3[%multiple_of3A_369, %dma_start3A_1390] : memref<2048x128xi32, #tpu.memory_space<hbm>> -> memref<16x128xi32, #tpu.memory_space<hbm>>
      %dma_start3A_1392 = arith.constant 0 : i32
      %dma_start3A_1393 = tpu.memref_slice %arg3[%multiple_of3A_369, %dma_start3A_1392] : memref<2048x128xi32, #tpu.memory_space<hbm>> -> memref<16x128xi32, #tpu.memory_space<hbm>>
      tpu.enqueue_dma source(%dma_start3A_1393 : memref<16x128xi32, #tpu.memory_space<hbm>>) target(%arg5 : memref<16x128xi32, #tpu.memory_space<vmem>>) target_semaphore(%run_scoped3A : memref<!tpu.dma_semaphore, #tpu.memory_space<semaphore_mem>>)
      %dma_wait3A_1394 = arith.constant 0 : i32
      %dma_wait3A_1395 = tpu.memref_slice %arg3[%multiple_of3A_369, %dma_wait3A_1394] : memref<2048x128xi32, #tpu.memory_space<hbm>> -> memref<16x128xi32, #tpu.memory_space<hbm>>
      %dma_wait3A_1396 = arith.constant 0 : i32
      %dma_wait3A_1397 = tpu.memref_slice %arg3[%multiple_of3A_369, %dma_wait3A_1396] : memref<2048x128xi32, #tpu.memory_space<hbm>> -> memref<16x128xi32, #tpu.memory_space<hbm>>
      tpu.wait_dma2 semaphore(%run_scoped3A : memref<!tpu.dma_semaphore, #tpu.memory_space<semaphore_mem>>) src(%dma_wait3A_1397 : memref<16x128xi32, #tpu.memory_space<hbm>>) dst(%arg5 : memref<16x128xi32, #tpu.memory_space<vmem>>)
      tpu.yield
    }) : () -> ()
    %dma_start3A_370 = arith.constant 0 : i32
    %dma_start3A_371 = arith.constant 0 : i32
    %dma_start3A_372 = arith.constant 0 : i32
    %dma_start3A_373 = tpu.memref_slice %arg6[%dma_start3A_371, %dma_start3A_372] : memref<2048x16xf32, #tpu.memory_space<vmem>> -> memref<128x16xf32, #tpu.memory_space<vmem>>
    %dma_start3A_374 = arith.constant 0 : i32
    %dma_start3A_375 = tpu.memref_slice %arg5[%dma_start3A_370, %dma_start3A_374] : memref<16x128xi32, #tpu.memory_space<vmem>> -> memref<1x128xi32, #tpu.memory_space<vmem>>
    %dma_start3A_376 = tpu.memref_squeeze %dma_start3A_375 : memref<1x128xi32, #tpu.memory_space<vmem>> -> memref<128xi32, #tpu.memory_space<vmem>>
    %dma_start3A_377 = arith.constant 0 : i32
    %dma_start3A_378 = arith.constant 0 : i32
    %dma_start3A_379 = tpu.memref_slice %arg2[%dma_start3A_377, %dma_start3A_378] : memref<16384x16xf32, #tpu.memory_space<hbm>> -> memref<16384x16xf32, #tpu.memory_space<hbm>>
    tpu.enqueue_indirect_dma source(%dma_start3A_379 : memref<16384x16xf32, #tpu.memory_space<hbm>>) target(%dma_start3A_373 : memref<128x16xf32, #tpu.memory_space<vmem>>) offsets(%dma_start3A_376 : memref<128xi32, #tpu.memory_space<vmem>>) semaphore(%arg7 : memref<!tpu.dma_semaphore, #tpu.memory_space<semaphore_mem>>)
    %dma_start3A_380 = arith.constant 1 : i32
    %dma_start3A_381 = arith.constant 128 : i32
    %dma_start3A_382 = arith.constant 0 : i32
    %dma_start3A_383 = tpu.memref_slice %arg6[%dma_start3A_381, %dma_start3A_382] : memref<2048x16xf32, #tpu.memory_space<vmem>> -> memref<128x16xf32, #tpu.memory_space<vmem>>
    %dma_start3A_384 = arith.constant 0 : i32
    %dma_start3A_385 = tpu.memref_slice %arg5[%dma_start3A_380, %dma_start3A_384] : memref<16x128xi32, #tpu.memory_space<vmem>> -> memref<1x128xi32, #tpu.memory_space<vmem>>
    %dma_start3A_386 = tpu.memref_squeeze %dma_start3A_385 : memref<1x128xi32, #tpu.memory_space<vmem>> -> memref<128xi32, #tpu.memory_space<vmem>>
    %dma_start3A_387 = arith.constant 0 : i32
    %dma_start3A_388 = arith.constant 0 : i32
    %dma_start3A_389 = tpu.memref_slice %arg2[%dma_start3A_387, %dma_start3A_388] : memref<16384x16xf32, #tpu.memory_space<hbm>> -> memref<16384x16xf32, #tpu.memory_space<hbm>>
    tpu.enqueue_indirect_dma source(%dma_start3A_389 : memref<16384x16xf32, #tpu.memory_space<hbm>>) target(%dma_start3A_383 : memref<128x16xf32, #tpu.memory_space<vmem>>) offsets(%dma_start3A_386 : memref<128xi32, #tpu.memory_space<vmem>>) semaphore(%arg7 : memref<!tpu.dma_semaphore, #tpu.memory_space<semaphore_mem>>)
    %dma_start3A_390 = arith.constant 2 : i32
    %dma_start3A_391 = arith.constant 256 : i32
    %dma_start3A_392 = arith.constant 0 : i32
    %dma_start3A_393 = tpu.memref_slice %arg6[%dma_start3A_391, %dma_start3A_392] : memref<2048x16xf32, #tpu.memory_space<vmem>> -> memref<128x16xf32, #tpu.memory_space<vmem>>
    %dma_start3A_394 = arith.constant 0 : i32
    %dma_start3A_395 = tpu.memref_slice %arg5[%dma_start3A_390, %dma_start3A_394] : memref<16x128xi32, #tpu.memory_space<vmem>> -> memref<1x128xi32, #tpu.memory_space<vmem>>
    %dma_start3A_396 = tpu.memref_squeeze %dma_start3A_395 : memref<1x128xi32, #tpu.memory_space<vmem>> -> memref<128xi32, #tpu.memory_space<vmem>>
    %dma_start3A_397 = arith.constant 0 : i32
    %dma_start3A_398 = arith.constant 0 : i32
    %dma_start3A_399 = tpu.memref_slice %arg2[%dma_start3A_397, %dma_start3A_398] : memref<16384x16xf32, #tpu.memory_space<hbm>> -> memref<16384x16xf32, #tpu.memory_space<hbm>>
    tpu.enqueue_indirect_dma source(%dma_start3A_399 : memref<16384x16xf32, #tpu.memory_space<hbm>>) target(%dma_start3A_393 : memref<128x16xf32, #tpu.memory_space<vmem>>) offsets(%dma_start3A_396 : memref<128xi32, #tpu.memory_space<vmem>>) semaphore(%arg7 : memref<!tpu.dma_semaphore, #tpu.memory_space<semaphore_mem>>)
    %dma_start3A_400 = arith.constant 3 : i32
    %dma_start3A_401 = arith.constant 384 : i32
    %dma_start3A_402 = arith.constant 0 : i32
    %dma_start3A_403 = tpu.memref_slice %arg6[%dma_start3A_401, %dma_start3A_402] : memref<2048x16xf32, #tpu.memory_space<vmem>> -> memref<128x16xf32, #tpu.memory_space<vmem>>
    %dma_start3A_404 = arith.constant 0 : i32
    %dma_start3A_405 = tpu.memref_slice %arg5[%dma_start3A_400, %dma_start3A_404] : memref<16x128xi32, #tpu.memory_space<vmem>> -> memref<1x128xi32, #tpu.memory_space<vmem>>
    %dma_start3A_406 = tpu.memref_squeeze %dma_start3A_405 : memref<1x128xi32, #tpu.memory_space<vmem>> -> memref<128xi32, #tpu.memory_space<vmem>>
    %dma_start3A_407 = arith.constant 0 : i32
    %dma_start3A_408 = arith.constant 0 : i32
    %dma_start3A_409 = tpu.memref_slice %arg2[%dma_start3A_407, %dma_start3A_408] : memref<16384x16xf32, #tpu.memory_space<hbm>> -> memref<16384x16xf32, #tpu.memory_space<hbm>>
    tpu.enqueue_indirect_dma source(%dma_start3A_409 : memref<16384x16xf32, #tpu.memory_space<hbm>>) target(%dma_start3A_403 : memref<128x16xf32, #tpu.memory_space<vmem>>) offsets(%dma_start3A_406 : memref<128xi32, #tpu.memory_space<vmem>>) semaphore(%arg7 : memref<!tpu.dma_semaphore, #tpu.memory_space<semaphore_mem>>)
    %dma_start3A_410 = arith.constant 4 : i32
    %dma_start3A_411 = arith.constant 512 : i32
    %dma_start3A_412 = arith.constant 0 : i32
    %dma_start3A_413 = tpu.memref_slice %arg6[%dma_start3A_411, %dma_start3A_412] : memref<2048x16xf32, #tpu.memory_space<vmem>> -> memref<128x16xf32, #tpu.memory_space<vmem>>
    %dma_start3A_414 = arith.constant 0 : i32
    %dma_start3A_415 = tpu.memref_slice %arg5[%dma_start3A_410, %dma_start3A_414] : memref<16x128xi32, #tpu.memory_space<vmem>> -> memref<1x128xi32, #tpu.memory_space<vmem>>
    %dma_start3A_416 = tpu.memref_squeeze %dma_start3A_415 : memref<1x128xi32, #tpu.memory_space<vmem>> -> memref<128xi32, #tpu.memory_space<vmem>>
    %dma_start3A_417 = arith.constant 0 : i32
    %dma_start3A_418 = arith.constant 0 : i32
    %dma_start3A_419 = tpu.memref_slice %arg2[%dma_start3A_417, %dma_start3A_418] : memref<16384x16xf32, #tpu.memory_space<hbm>> -> memref<16384x16xf32, #tpu.memory_space<hbm>>
    tpu.enqueue_indirect_dma source(%dma_start3A_419 : memref<16384x16xf32, #tpu.memory_space<hbm>>) target(%dma_start3A_413 : memref<128x16xf32, #tpu.memory_space<vmem>>) offsets(%dma_start3A_416 : memref<128xi32, #tpu.memory_space<vmem>>) semaphore(%arg7 : memref<!tpu.dma_semaphore, #tpu.memory_space<semaphore_mem>>)
    %dma_start3A_420 = arith.constant 5 : i32
    %dma_start3A_421 = arith.constant 640 : i32
    %dma_start3A_422 = arith.constant 0 : i32
    %dma_start3A_423 = tpu.memref_slice %arg6[%dma_start3A_421, %dma_start3A_422] : memref<2048x16xf32, #tpu.memory_space<vmem>> -> memref<128x16xf32, #tpu.memory_space<vmem>>
    %dma_start3A_424 = arith.constant 0 : i32
    %dma_start3A_425 = tpu.memref_slice %arg5[%dma_start3A_420, %dma_start3A_424] : memref<16x128xi32, #tpu.memory_space<vmem>> -> memref<1x128xi32, #tpu.memory_space<vmem>>
    %dma_start3A_426 = tpu.memref_squeeze %dma_start3A_425 : memref<1x128xi32, #tpu.memory_space<vmem>> -> memref<128xi32, #tpu.memory_space<vmem>>
    %dma_start3A_427 = arith.constant 0 : i32
    %dma_start3A_428 = arith.constant 0 : i32
    %dma_start3A_429 = tpu.memref_slice %arg2[%dma_start3A_427, %dma_start3A_428] : memref<16384x16xf32, #tpu.memory_space<hbm>> -> memref<16384x16xf32, #tpu.memory_space<hbm>>
    tpu.enqueue_indirect_dma source(%dma_start3A_429 : memref<16384x16xf32, #tpu.memory_space<hbm>>) target(%dma_start3A_423 : memref<128x16xf32, #tpu.memory_space<vmem>>) offsets(%dma_start3A_426 : memref<128xi32, #tpu.memory_space<vmem>>) semaphore(%arg7 : memref<!tpu.dma_semaphore, #tpu.memory_space<semaphore_mem>>)
    %dma_start3A_430 = arith.constant 6 : i32
    %dma_start3A_431 = arith.constant 768 : i32
    %dma_start3A_432 = arith.constant 0 : i32
    %dma_start3A_433 = tpu.memref_slice %arg6[%dma_start3A_431, %dma_start3A_432] : memref<2048x16xf32, #tpu.memory_space<vmem>> -> memref<128x16xf32, #tpu.memory_space<vmem>>
    %dma_start3A_434 = arith.constant 0 : i32
    %dma_start3A_435 = tpu.memref_slice %arg5[%dma_start3A_430, %dma_start3A_434] : memref<16x128xi32, #tpu.memory_space<vmem>> -> memref<1x128xi32, #tpu.memory_space<vmem>>
    %dma_start3A_436 = tpu.memref_squeeze %dma_start3A_435 : memref<1x128xi32, #tpu.memory_space<vmem>> -> memref<128xi32, #tpu.memory_space<vmem>>
    %dma_start3A_437 = arith.constant 0 : i32
    %dma_start3A_438 = arith.constant 0 : i32
    %dma_start3A_439 = tpu.memref_slice %arg2[%dma_start3A_437, %dma_start3A_438] : memref<16384x16xf32, #tpu.memory_space<hbm>> -> memref<16384x16xf32, #tpu.memory_space<hbm>>
    tpu.enqueue_indirect_dma source(%dma_start3A_439 : memref<16384x16xf32, #tpu.memory_space<hbm>>) target(%dma_start3A_433 : memref<128x16xf32, #tpu.memory_space<vmem>>) offsets(%dma_start3A_436 : memref<128xi32, #tpu.memory_space<vmem>>) semaphore(%arg7 : memref<!tpu.dma_semaphore, #tpu.memory_space<semaphore_mem>>)
    %dma_start3A_440 = arith.constant 7 : i32
    %dma_start3A_441 = arith.constant 896 : i32
    %dma_start3A_442 = arith.constant 0 : i32
    %dma_start3A_443 = tpu.memref_slice %arg6[%dma_start3A_441, %dma_start3A_442] : memref<2048x16xf32, #tpu.memory_space<vmem>> -> memref<128x16xf32, #tpu.memory_space<vmem>>
    %dma_start3A_444 = arith.constant 0 : i32
    %dma_start3A_445 = tpu.memref_slice %arg5[%dma_start3A_440, %dma_start3A_444] : memref<16x128xi32, #tpu.memory_space<vmem>> -> memref<1x128xi32, #tpu.memory_space<vmem>>
    %dma_start3A_446 = tpu.memref_squeeze %dma_start3A_445 : memref<1x128xi32, #tpu.memory_space<vmem>> -> memref<128xi32, #tpu.memory_space<vmem>>
    %dma_start3A_447 = arith.constant 0 : i32
    %dma_start3A_448 = arith.constant 0 : i32
    %dma_start3A_449 = tpu.memref_slice %arg2[%dma_start3A_447, %dma_start3A_448] : memref<16384x16xf32, #tpu.memory_space<hbm>> -> memref<16384x16xf32, #tpu.memory_space<hbm>>
    tpu.enqueue_indirect_dma source(%dma_start3A_449 : memref<16384x16xf32, #tpu.memory_space<hbm>>) target(%dma_start3A_443 : memref<128x16xf32, #tpu.memory_space<vmem>>) offsets(%dma_start3A_446 : memref<128xi32, #tpu.memory_space<vmem>>) semaphore(%arg7 : memref<!tpu.dma_semaphore, #tpu.memory_space<semaphore_mem>>)
    %dma_start3A_450 = arith.constant 8 : i32
    %dma_start3A_451 = arith.constant 1024 : i32
    %dma_start3A_452 = arith.constant 0 : i32
    %dma_start3A_453 = tpu.memref_slice %arg6[%dma_start3A_451, %dma_start3A_452] : memref<2048x16xf32, #tpu.memory_space<vmem>> -> memref<128x16xf32, #tpu.memory_space<vmem>>
    %dma_start3A_454 = arith.constant 0 : i32
    %dma_start3A_455 = tpu.memref_slice %arg5[%dma_start3A_450, %dma_start3A_454] : memref<16x128xi32, #tpu.memory_space<vmem>> -> memref<1x128xi32, #tpu.memory_space<vmem>>
    %dma_start3A_456 = tpu.memref_squeeze %dma_start3A_455 : memref<1x128xi32, #tpu.memory_space<vmem>> -> memref<128xi32, #tpu.memory_space<vmem>>
    %dma_start3A_457 = arith.constant 0 : i32
    %dma_start3A_458 = arith.constant 0 : i32
    %dma_start3A_459 = tpu.memref_slice %arg2[%dma_start3A_457, %dma_start3A_458] : memref<16384x16xf32, #tpu.memory_space<hbm>> -> memref<16384x16xf32, #tpu.memory_space<hbm>>
    tpu.enqueue_indirect_dma source(%dma_start3A_459 : memref<16384x16xf32, #tpu.memory_space<hbm>>) target(%dma_start3A_453 : memref<128x16xf32, #tpu.memory_space<vmem>>) offsets(%dma_start3A_456 : memref<128xi32, #tpu.memory_space<vmem>>) semaphore(%arg7 : memref<!tpu.dma_semaphore, #tpu.memory_space<semaphore_mem>>)
    %dma_start3A_460 = arith.constant 9 : i32
    %dma_start3A_461 = arith.constant 1152 : i32
    %dma_start3A_462 = arith.constant 0 : i32
    %dma_start3A_463 = tpu.memref_slice %arg6[%dma_start3A_461, %dma_start3A_462] : memref<2048x16xf32, #tpu.memory_space<vmem>> -> memref<128x16xf32, #tpu.memory_space<vmem>>
    %dma_start3A_464 = arith.constant 0 : i32
    %dma_start3A_465 = tpu.memref_slice %arg5[%dma_start3A_460, %dma_start3A_464] : memref<16x128xi32, #tpu.memory_space<vmem>> -> memref<1x128xi32, #tpu.memory_space<vmem>>
    %dma_start3A_466 = tpu.memref_squeeze %dma_start3A_465 : memref<1x128xi32, #tpu.memory_space<vmem>> -> memref<128xi32, #tpu.memory_space<vmem>>
    %dma_start3A_467 = arith.constant 0 : i32
    %dma_start3A_468 = arith.constant 0 : i32
    %dma_start3A_469 = tpu.memref_slice %arg2[%dma_start3A_467, %dma_start3A_468] : memref<16384x16xf32, #tpu.memory_space<hbm>> -> memref<16384x16xf32, #tpu.memory_space<hbm>>
    tpu.enqueue_indirect_dma source(%dma_start3A_469 : memref<16384x16xf32, #tpu.memory_space<hbm>>) target(%dma_start3A_463 : memref<128x16xf32, #tpu.memory_space<vmem>>) offsets(%dma_start3A_466 : memref<128xi32, #tpu.memory_space<vmem>>) semaphore(%arg7 : memref<!tpu.dma_semaphore, #tpu.memory_space<semaphore_mem>>)
    %dma_start3A_470 = arith.constant 10 : i32
    %dma_start3A_471 = arith.constant 1280 : i32
    %dma_start3A_472 = arith.constant 0 : i32
    %dma_start3A_473 = tpu.memref_slice %arg6[%dma_start3A_471, %dma_start3A_472] : memref<2048x16xf32, #tpu.memory_space<vmem>> -> memref<128x16xf32, #tpu.memory_space<vmem>>
    %dma_start3A_474 = arith.constant 0 : i32
    %dma_start3A_475 = tpu.memref_slice %arg5[%dma_start3A_470, %dma_start3A_474] : memref<16x128xi32, #tpu.memory_space<vmem>> -> memref<1x128xi32, #tpu.memory_space<vmem>>
    %dma_start3A_476 = tpu.memref_squeeze %dma_start3A_475 : memref<1x128xi32, #tpu.memory_space<vmem>> -> memref<128xi32, #tpu.memory_space<vmem>>
    %dma_start3A_477 = arith.constant 0 : i32
    %dma_start3A_478 = arith.constant 0 : i32
    %dma_start3A_479 = tpu.memref_slice %arg2[%dma_start3A_477, %dma_start3A_478] : memref<16384x16xf32, #tpu.memory_space<hbm>> -> memref<16384x16xf32, #tpu.memory_space<hbm>>
    tpu.enqueue_indirect_dma source(%dma_start3A_479 : memref<16384x16xf32, #tpu.memory_space<hbm>>) target(%dma_start3A_473 : memref<128x16xf32, #tpu.memory_space<vmem>>) offsets(%dma_start3A_476 : memref<128xi32, #tpu.memory_space<vmem>>) semaphore(%arg7 : memref<!tpu.dma_semaphore, #tpu.memory_space<semaphore_mem>>)
    %dma_start3A_480 = arith.constant 11 : i32
    %dma_start3A_481 = arith.constant 1408 : i32
    %dma_start3A_482 = arith.constant 0 : i32
    %dma_start3A_483 = tpu.memref_slice %arg6[%dma_start3A_481, %dma_start3A_482] : memref<2048x16xf32, #tpu.memory_space<vmem>> -> memref<128x16xf32, #tpu.memory_space<vmem>>
    %dma_start3A_484 = arith.constant 0 : i32
    %dma_start3A_485 = tpu.memref_slice %arg5[%dma_start3A_480, %dma_start3A_484] : memref<16x128xi32, #tpu.memory_space<vmem>> -> memref<1x128xi32, #tpu.memory_space<vmem>>
    %dma_start3A_486 = tpu.memref_squeeze %dma_start3A_485 : memref<1x128xi32, #tpu.memory_space<vmem>> -> memref<128xi32, #tpu.memory_space<vmem>>
    %dma_start3A_487 = arith.constant 0 : i32
    %dma_start3A_488 = arith.constant 0 : i32
    %dma_start3A_489 = tpu.memref_slice %arg2[%dma_start3A_487, %dma_start3A_488] : memref<16384x16xf32, #tpu.memory_space<hbm>> -> memref<16384x16xf32, #tpu.memory_space<hbm>>
    tpu.enqueue_indirect_dma source(%dma_start3A_489 : memref<16384x16xf32, #tpu.memory_space<hbm>>) target(%dma_start3A_483 : memref<128x16xf32, #tpu.memory_space<vmem>>) offsets(%dma_start3A_486 : memref<128xi32, #tpu.memory_space<vmem>>) semaphore(%arg7 : memref<!tpu.dma_semaphore, #tpu.memory_space<semaphore_mem>>)
    %dma_start3A_490 = arith.constant 12 : i32
    %dma_start3A_491 = arith.constant 1536 : i32
    %dma_start3A_492 = arith.constant 0 : i32
    %dma_start3A_493 = tpu.memref_slice %arg6[%dma_start3A_491, %dma_start3A_492] : memref<2048x16xf32, #tpu.memory_space<vmem>> -> memref<128x16xf32, #tpu.memory_space<vmem>>
    %dma_start3A_494 = arith.constant 0 : i32
    %dma_start3A_495 = tpu.memref_slice %arg5[%dma_start3A_490, %dma_start3A_494] : memref<16x128xi32, #tpu.memory_space<vmem>> -> memref<1x128xi32, #tpu.memory_space<vmem>>
    %dma_start3A_496 = tpu.memref_squeeze %dma_start3A_495 : memref<1x128xi32, #tpu.memory_space<vmem>> -> memref<128xi32, #tpu.memory_space<vmem>>
    %dma_start3A_497 = arith.constant 0 : i32
    %dma_start3A_498 = arith.constant 0 : i32
    %dma_start3A_499 = tpu.memref_slice %arg2[%dma_start3A_497, %dma_start3A_498] : memref<16384x16xf32, #tpu.memory_space<hbm>> -> memref<16384x16xf32, #tpu.memory_space<hbm>>
    tpu.enqueue_indirect_dma source(%dma_start3A_499 : memref<16384x16xf32, #tpu.memory_space<hbm>>) target(%dma_start3A_493 : memref<128x16xf32, #tpu.memory_space<vmem>>) offsets(%dma_start3A_496 : memref<128xi32, #tpu.memory_space<vmem>>) semaphore(%arg7 : memref<!tpu.dma_semaphore, #tpu.memory_space<semaphore_mem>>)
    %dma_start3A_500 = arith.constant 13 : i32
    %dma_start3A_501 = arith.constant 1664 : i32
    %dma_start3A_502 = arith.constant 0 : i32
    %dma_start3A_503 = tpu.memref_slice %arg6[%dma_start3A_501, %dma_start3A_502] : memref<2048x16xf32, #tpu.memory_space<vmem>> -> memref<128x16xf32, #tpu.memory_space<vmem>>
    %dma_start3A_504 = arith.constant 0 : i32
    %dma_start3A_505 = tpu.memref_slice %arg5[%dma_start3A_500, %dma_start3A_504] : memref<16x128xi32, #tpu.memory_space<vmem>> -> memref<1x128xi32, #tpu.memory_space<vmem>>
    %dma_start3A_506 = tpu.memref_squeeze %dma_start3A_505 : memref<1x128xi32, #tpu.memory_space<vmem>> -> memref<128xi32, #tpu.memory_space<vmem>>
    %dma_start3A_507 = arith.constant 0 : i32
    %dma_start3A_508 = arith.constant 0 : i32
    %dma_start3A_509 = tpu.memref_slice %arg2[%dma_start3A_507, %dma_start3A_508] : memref<16384x16xf32, #tpu.memory_space<hbm>> -> memref<16384x16xf32, #tpu.memory_space<hbm>>
    tpu.enqueue_indirect_dma source(%dma_start3A_509 : memref<16384x16xf32, #tpu.memory_space<hbm>>) target(%dma_start3A_503 : memref<128x16xf32, #tpu.memory_space<vmem>>) offsets(%dma_start3A_506 : memref<128xi32, #tpu.memory_space<vmem>>) semaphore(%arg7 : memref<!tpu.dma_semaphore, #tpu.memory_space<semaphore_mem>>)
    %dma_start3A_510 = arith.constant 14 : i32
    %dma_start3A_511 = arith.constant 1792 : i32
    %dma_start3A_512 = arith.constant 0 : i32
    %dma_start3A_513 = tpu.memref_slice %arg6[%dma_start3A_511, %dma_start3A_512] : memref<2048x16xf32, #tpu.memory_space<vmem>> -> memref<128x16xf32, #tpu.memory_space<vmem>>
    %dma_start3A_514 = arith.constant 0 : i32
    %dma_start3A_515 = tpu.memref_slice %arg5[%dma_start3A_510, %dma_start3A_514] : memref<16x128xi32, #tpu.memory_space<vmem>> -> memref<1x128xi32, #tpu.memory_space<vmem>>
    %dma_start3A_516 = tpu.memref_squeeze %dma_start3A_515 : memref<1x128xi32, #tpu.memory_space<vmem>> -> memref<128xi32, #tpu.memory_space<vmem>>
    %dma_start3A_517 = arith.constant 0 : i32
    %dma_start3A_518 = arith.constant 0 : i32
    %dma_start3A_519 = tpu.memref_slice %arg2[%dma_start3A_517, %dma_start3A_518] : memref<16384x16xf32, #tpu.memory_space<hbm>> -> memref<16384x16xf32, #tpu.memory_space<hbm>>
    tpu.enqueue_indirect_dma source(%dma_start3A_519 : memref<16384x16xf32, #tpu.memory_space<hbm>>) target(%dma_start3A_513 : memref<128x16xf32, #tpu.memory_space<vmem>>) offsets(%dma_start3A_516 : memref<128xi32, #tpu.memory_space<vmem>>) semaphore(%arg7 : memref<!tpu.dma_semaphore, #tpu.memory_space<semaphore_mem>>)
    %dma_start3A_520 = arith.constant 15 : i32
    %dma_start3A_521 = arith.constant 1920 : i32
    %dma_start3A_522 = arith.constant 0 : i32
    %dma_start3A_523 = tpu.memref_slice %arg6[%dma_start3A_521, %dma_start3A_522] : memref<2048x16xf32, #tpu.memory_space<vmem>> -> memref<128x16xf32, #tpu.memory_space<vmem>>
    %dma_start3A_524 = arith.constant 0 : i32
    %dma_start3A_525 = tpu.memref_slice %arg5[%dma_start3A_520, %dma_start3A_524] : memref<16x128xi32, #tpu.memory_space<vmem>> -> memref<1x128xi32, #tpu.memory_space<vmem>>
    %dma_start3A_526 = tpu.memref_squeeze %dma_start3A_525 : memref<1x128xi32, #tpu.memory_space<vmem>> -> memref<128xi32, #tpu.memory_space<vmem>>
    %dma_start3A_527 = arith.constant 0 : i32
    %dma_start3A_528 = arith.constant 0 : i32
    %dma_start3A_529 = tpu.memref_slice %arg2[%dma_start3A_527, %dma_start3A_528] : memref<16384x16xf32, #tpu.memory_space<hbm>> -> memref<16384x16xf32, #tpu.memory_space<hbm>>
    tpu.enqueue_indirect_dma source(%dma_start3A_529 : memref<16384x16xf32, #tpu.memory_space<hbm>>) target(%dma_start3A_523 : memref<128x16xf32, #tpu.memory_space<vmem>>) offsets(%dma_start3A_526 : memref<128xi32, #tpu.memory_space<vmem>>) semaphore(%arg7 : memref<!tpu.dma_semaphore, #tpu.memory_space<semaphore_mem>>)
    %dma_wait3A_530 = arith.constant 0 : i32
    %dma_wait3A_531 = arith.constant 0 : i32
    %dma_wait3A_532 = arith.constant 0 : i32
    %dma_wait3A_533 = tpu.memref_slice %arg6[%dma_wait3A_531, %dma_wait3A_532] : memref<2048x16xf32, #tpu.memory_space<vmem>> -> memref<128x16xf32, #tpu.memory_space<vmem>>
    %dma_wait3A_534 = arith.constant 0 : i32
    %dma_wait3A_535 = tpu.memref_slice %arg5[%dma_wait3A_530, %dma_wait3A_534] : memref<16x128xi32, #tpu.memory_space<vmem>> -> memref<1x128xi32, #tpu.memory_space<vmem>>
    %dma_wait3A_536 = tpu.memref_squeeze %dma_wait3A_535 : memref<1x128xi32, #tpu.memory_space<vmem>> -> memref<128xi32, #tpu.memory_space<vmem>>
    %dma_wait3A_537 = arith.constant 0 : i32
    %dma_wait3A_538 = arith.constant 0 : i32
    %dma_wait3A_539 = tpu.memref_slice %arg2[%dma_wait3A_537, %dma_wait3A_538] : memref<16384x16xf32, #tpu.memory_space<hbm>> -> memref<16384x16xf32, #tpu.memory_space<hbm>>
    tpu.wait_indirect_dma semaphore(%arg7 : memref<!tpu.dma_semaphore, #tpu.memory_space<semaphore_mem>>) src(%dma_wait3A_539 : memref<16384x16xf32, #tpu.memory_space<hbm>>) dst(%dma_wait3A_533 : memref<128x16xf32, #tpu.memory_space<vmem>>)
    %dma_wait3A_540 = arith.constant 1 : i32
    %dma_wait3A_541 = arith.constant 128 : i32
    %dma_wait3A_542 = arith.constant 0 : i32
    %dma_wait3A_543 = tpu.memref_slice %arg6[%dma_wait3A_541, %dma_wait3A_542] : memref<2048x16xf32, #tpu.memory_space<vmem>> -> memref<128x16xf32, #tpu.memory_space<vmem>>
    %dma_wait3A_544 = arith.constant 0 : i32
    %dma_wait3A_545 = tpu.memref_slice %arg5[%dma_wait3A_540, %dma_wait3A_544] : memref<16x128xi32, #tpu.memory_space<vmem>> -> memref<1x128xi32, #tpu.memory_space<vmem>>
    %dma_wait3A_546 = tpu.memref_squeeze %dma_wait3A_545 : memref<1x128xi32, #tpu.memory_space<vmem>> -> memref<128xi32, #tpu.memory_space<vmem>>
    %dma_wait3A_547 = arith.constant 0 : i32
    %dma_wait3A_548 = arith.constant 0 : i32
    %dma_wait3A_549 = tpu.memref_slice %arg2[%dma_wait3A_547, %dma_wait3A_548] : memref<16384x16xf32, #tpu.memory_space<hbm>> -> memref<16384x16xf32, #tpu.memory_space<hbm>>
    tpu.wait_indirect_dma semaphore(%arg7 : memref<!tpu.dma_semaphore, #tpu.memory_space<semaphore_mem>>) src(%dma_wait3A_549 : memref<16384x16xf32, #tpu.memory_space<hbm>>) dst(%dma_wait3A_543 : memref<128x16xf32, #tpu.memory_space<vmem>>)
    %dma_wait3A_550 = arith.constant 2 : i32
    %dma_wait3A_551 = arith.constant 256 : i32
    %dma_wait3A_552 = arith.constant 0 : i32
    %dma_wait3A_553 = tpu.memref_slice %arg6[%dma_wait3A_551, %dma_wait3A_552] : memref<2048x16xf32, #tpu.memory_space<vmem>> -> memref<128x16xf32, #tpu.memory_space<vmem>>
    %dma_wait3A_554 = arith.constant 0 : i32
    %dma_wait3A_555 = tpu.memref_slice %arg5[%dma_wait3A_550, %dma_wait3A_554] : memref<16x128xi32, #tpu.memory_space<vmem>> -> memref<1x128xi32, #tpu.memory_space<vmem>>
    %dma_wait3A_556 = tpu.memref_squeeze %dma_wait3A_555 : memref<1x128xi32, #tpu.memory_space<vmem>> -> memref<128xi32, #tpu.memory_space<vmem>>
    %dma_wait3A_557 = arith.constant 0 : i32
    %dma_wait3A_558 = arith.constant 0 : i32
    %dma_wait3A_559 = tpu.memref_slice %arg2[%dma_wait3A_557, %dma_wait3A_558] : memref<16384x16xf32, #tpu.memory_space<hbm>> -> memref<16384x16xf32, #tpu.memory_space<hbm>>
    tpu.wait_indirect_dma semaphore(%arg7 : memref<!tpu.dma_semaphore, #tpu.memory_space<semaphore_mem>>) src(%dma_wait3A_559 : memref<16384x16xf32, #tpu.memory_space<hbm>>) dst(%dma_wait3A_553 : memref<128x16xf32, #tpu.memory_space<vmem>>)
    %dma_wait3A_560 = arith.constant 3 : i32
    %dma_wait3A_561 = arith.constant 384 : i32
    %dma_wait3A_562 = arith.constant 0 : i32
    %dma_wait3A_563 = tpu.memref_slice %arg6[%dma_wait3A_561, %dma_wait3A_562] : memref<2048x16xf32, #tpu.memory_space<vmem>> -> memref<128x16xf32, #tpu.memory_space<vmem>>
    %dma_wait3A_564 = arith.constant 0 : i32
    %dma_wait3A_565 = tpu.memref_slice %arg5[%dma_wait3A_560, %dma_wait3A_564] : memref<16x128xi32, #tpu.memory_space<vmem>> -> memref<1x128xi32, #tpu.memory_space<vmem>>
    %dma_wait3A_566 = tpu.memref_squeeze %dma_wait3A_565 : memref<1x128xi32, #tpu.memory_space<vmem>> -> memref<128xi32, #tpu.memory_space<vmem>>
    %dma_wait3A_567 = arith.constant 0 : i32
    %dma_wait3A_568 = arith.constant 0 : i32
    %dma_wait3A_569 = tpu.memref_slice %arg2[%dma_wait3A_567, %dma_wait3A_568] : memref<16384x16xf32, #tpu.memory_space<hbm>> -> memref<16384x16xf32, #tpu.memory_space<hbm>>
    tpu.wait_indirect_dma semaphore(%arg7 : memref<!tpu.dma_semaphore, #tpu.memory_space<semaphore_mem>>) src(%dma_wait3A_569 : memref<16384x16xf32, #tpu.memory_space<hbm>>) dst(%dma_wait3A_563 : memref<128x16xf32, #tpu.memory_space<vmem>>)
    %dma_wait3A_570 = arith.constant 4 : i32
    %dma_wait3A_571 = arith.constant 512 : i32
    %dma_wait3A_572 = arith.constant 0 : i32
    %dma_wait3A_573 = tpu.memref_slice %arg6[%dma_wait3A_571, %dma_wait3A_572] : memref<2048x16xf32, #tpu.memory_space<vmem>> -> memref<128x16xf32, #tpu.memory_space<vmem>>
    %dma_wait3A_574 = arith.constant 0 : i32
    %dma_wait3A_575 = tpu.memref_slice %arg5[%dma_wait3A_570, %dma_wait3A_574] : memref<16x128xi32, #tpu.memory_space<vmem>> -> memref<1x128xi32, #tpu.memory_space<vmem>>
    %dma_wait3A_576 = tpu.memref_squeeze %dma_wait3A_575 : memref<1x128xi32, #tpu.memory_space<vmem>> -> memref<128xi32, #tpu.memory_space<vmem>>
    %dma_wait3A_577 = arith.constant 0 : i32
    %dma_wait3A_578 = arith.constant 0 : i32
    %dma_wait3A_579 = tpu.memref_slice %arg2[%dma_wait3A_577, %dma_wait3A_578] : memref<16384x16xf32, #tpu.memory_space<hbm>> -> memref<16384x16xf32, #tpu.memory_space<hbm>>
    tpu.wait_indirect_dma semaphore(%arg7 : memref<!tpu.dma_semaphore, #tpu.memory_space<semaphore_mem>>) src(%dma_wait3A_579 : memref<16384x16xf32, #tpu.memory_space<hbm>>) dst(%dma_wait3A_573 : memref<128x16xf32, #tpu.memory_space<vmem>>)
    %dma_wait3A_580 = arith.constant 5 : i32
    %dma_wait3A_581 = arith.constant 640 : i32
    %dma_wait3A_582 = arith.constant 0 : i32
    %dma_wait3A_583 = tpu.memref_slice %arg6[%dma_wait3A_581, %dma_wait3A_582] : memref<2048x16xf32, #tpu.memory_space<vmem>> -> memref<128x16xf32, #tpu.memory_space<vmem>>
    %dma_wait3A_584 = arith.constant 0 : i32
    %dma_wait3A_585 = tpu.memref_slice %arg5[%dma_wait3A_580, %dma_wait3A_584] : memref<16x128xi32, #tpu.memory_space<vmem>> -> memref<1x128xi32, #tpu.memory_space<vmem>>
    %dma_wait3A_586 = tpu.memref_squeeze %dma_wait3A_585 : memref<1x128xi32, #tpu.memory_space<vmem>> -> memref<128xi32, #tpu.memory_space<vmem>>
    %dma_wait3A_587 = arith.constant 0 : i32
    %dma_wait3A_588 = arith.constant 0 : i32
    %dma_wait3A_589 = tpu.memref_slice %arg2[%dma_wait3A_587, %dma_wait3A_588] : memref<16384x16xf32, #tpu.memory_space<hbm>> -> memref<16384x16xf32, #tpu.memory_space<hbm>>
    tpu.wait_indirect_dma semaphore(%arg7 : memref<!tpu.dma_semaphore, #tpu.memory_space<semaphore_mem>>) src(%dma_wait3A_589 : memref<16384x16xf32, #tpu.memory_space<hbm>>) dst(%dma_wait3A_583 : memref<128x16xf32, #tpu.memory_space<vmem>>)
    %dma_wait3A_590 = arith.constant 6 : i32
    %dma_wait3A_591 = arith.constant 768 : i32
    %dma_wait3A_592 = arith.constant 0 : i32
    %dma_wait3A_593 = tpu.memref_slice %arg6[%dma_wait3A_591, %dma_wait3A_592] : memref<2048x16xf32, #tpu.memory_space<vmem>> -> memref<128x16xf32, #tpu.memory_space<vmem>>
    %dma_wait3A_594 = arith.constant 0 : i32
    %dma_wait3A_595 = tpu.memref_slice %arg5[%dma_wait3A_590, %dma_wait3A_594] : memref<16x128xi32, #tpu.memory_space<vmem>> -> memref<1x128xi32, #tpu.memory_space<vmem>>
    %dma_wait3A_596 = tpu.memref_squeeze %dma_wait3A_595 : memref<1x128xi32, #tpu.memory_space<vmem>> -> memref<128xi32, #tpu.memory_space<vmem>>
    %dma_wait3A_597 = arith.constant 0 : i32
    %dma_wait3A_598 = arith.constant 0 : i32
    %dma_wait3A_599 = tpu.memref_slice %arg2[%dma_wait3A_597, %dma_wait3A_598] : memref<16384x16xf32, #tpu.memory_space<hbm>> -> memref<16384x16xf32, #tpu.memory_space<hbm>>
    tpu.wait_indirect_dma semaphore(%arg7 : memref<!tpu.dma_semaphore, #tpu.memory_space<semaphore_mem>>) src(%dma_wait3A_599 : memref<16384x16xf32, #tpu.memory_space<hbm>>) dst(%dma_wait3A_593 : memref<128x16xf32, #tpu.memory_space<vmem>>)
    %dma_wait3A_600 = arith.constant 7 : i32
    %dma_wait3A_601 = arith.constant 896 : i32
    %dma_wait3A_602 = arith.constant 0 : i32
    %dma_wait3A_603 = tpu.memref_slice %arg6[%dma_wait3A_601, %dma_wait3A_602] : memref<2048x16xf32, #tpu.memory_space<vmem>> -> memref<128x16xf32, #tpu.memory_space<vmem>>
    %dma_wait3A_604 = arith.constant 0 : i32
    %dma_wait3A_605 = tpu.memref_slice %arg5[%dma_wait3A_600, %dma_wait3A_604] : memref<16x128xi32, #tpu.memory_space<vmem>> -> memref<1x128xi32, #tpu.memory_space<vmem>>
    %dma_wait3A_606 = tpu.memref_squeeze %dma_wait3A_605 : memref<1x128xi32, #tpu.memory_space<vmem>> -> memref<128xi32, #tpu.memory_space<vmem>>
    %dma_wait3A_607 = arith.constant 0 : i32
    %dma_wait3A_608 = arith.constant 0 : i32
    %dma_wait3A_609 = tpu.memref_slice %arg2[%dma_wait3A_607, %dma_wait3A_608] : memref<16384x16xf32, #tpu.memory_space<hbm>> -> memref<16384x16xf32, #tpu.memory_space<hbm>>
    tpu.wait_indirect_dma semaphore(%arg7 : memref<!tpu.dma_semaphore, #tpu.memory_space<semaphore_mem>>) src(%dma_wait3A_609 : memref<16384x16xf32, #tpu.memory_space<hbm>>) dst(%dma_wait3A_603 : memref<128x16xf32, #tpu.memory_space<vmem>>)
    %dma_wait3A_610 = arith.constant 8 : i32
    %dma_wait3A_611 = arith.constant 1024 : i32
    %dma_wait3A_612 = arith.constant 0 : i32
    %dma_wait3A_613 = tpu.memref_slice %arg6[%dma_wait3A_611, %dma_wait3A_612] : memref<2048x16xf32, #tpu.memory_space<vmem>> -> memref<128x16xf32, #tpu.memory_space<vmem>>
    %dma_wait3A_614 = arith.constant 0 : i32
    %dma_wait3A_615 = tpu.memref_slice %arg5[%dma_wait3A_610, %dma_wait3A_614] : memref<16x128xi32, #tpu.memory_space<vmem>> -> memref<1x128xi32, #tpu.memory_space<vmem>>
    %dma_wait3A_616 = tpu.memref_squeeze %dma_wait3A_615 : memref<1x128xi32, #tpu.memory_space<vmem>> -> memref<128xi32, #tpu.memory_space<vmem>>
    %dma_wait3A_617 = arith.constant 0 : i32
    %dma_wait3A_618 = arith.constant 0 : i32
    %dma_wait3A_619 = tpu.memref_slice %arg2[%dma_wait3A_617, %dma_wait3A_618] : memref<16384x16xf32, #tpu.memory_space<hbm>> -> memref<16384x16xf32, #tpu.memory_space<hbm>>
    tpu.wait_indirect_dma semaphore(%arg7 : memref<!tpu.dma_semaphore, #tpu.memory_space<semaphore_mem>>) src(%dma_wait3A_619 : memref<16384x16xf32, #tpu.memory_space<hbm>>) dst(%dma_wait3A_613 : memref<128x16xf32, #tpu.memory_space<vmem>>)
    %dma_wait3A_620 = arith.constant 9 : i32
    %dma_wait3A_621 = arith.constant 1152 : i32
    %dma_wait3A_622 = arith.constant 0 : i32
    %dma_wait3A_623 = tpu.memref_slice %arg6[%dma_wait3A_621, %dma_wait3A_622] : memref<2048x16xf32, #tpu.memory_space<vmem>> -> memref<128x16xf32, #tpu.memory_space<vmem>>
    %dma_wait3A_624 = arith.constant 0 : i32
    %dma_wait3A_625 = tpu.memref_slice %arg5[%dma_wait3A_620, %dma_wait3A_624] : memref<16x128xi32, #tpu.memory_space<vmem>> -> memref<1x128xi32, #tpu.memory_space<vmem>>
    %dma_wait3A_626 = tpu.memref_squeeze %dma_wait3A_625 : memref<1x128xi32, #tpu.memory_space<vmem>> -> memref<128xi32, #tpu.memory_space<vmem>>
    %dma_wait3A_627 = arith.constant 0 : i32
    %dma_wait3A_628 = arith.constant 0 : i32
    %dma_wait3A_629 = tpu.memref_slice %arg2[%dma_wait3A_627, %dma_wait3A_628] : memref<16384x16xf32, #tpu.memory_space<hbm>> -> memref<16384x16xf32, #tpu.memory_space<hbm>>
    tpu.wait_indirect_dma semaphore(%arg7 : memref<!tpu.dma_semaphore, #tpu.memory_space<semaphore_mem>>) src(%dma_wait3A_629 : memref<16384x16xf32, #tpu.memory_space<hbm>>) dst(%dma_wait3A_623 : memref<128x16xf32, #tpu.memory_space<vmem>>)
    %dma_wait3A_630 = arith.constant 10 : i32
    %dma_wait3A_631 = arith.constant 1280 : i32
    %dma_wait3A_632 = arith.constant 0 : i32
    %dma_wait3A_633 = tpu.memref_slice %arg6[%dma_wait3A_631, %dma_wait3A_632] : memref<2048x16xf32, #tpu.memory_space<vmem>> -> memref<128x16xf32, #tpu.memory_space<vmem>>
    %dma_wait3A_634 = arith.constant 0 : i32
    %dma_wait3A_635 = tpu.memref_slice %arg5[%dma_wait3A_630, %dma_wait3A_634] : memref<16x128xi32, #tpu.memory_space<vmem>> -> memref<1x128xi32, #tpu.memory_space<vmem>>
    %dma_wait3A_636 = tpu.memref_squeeze %dma_wait3A_635 : memref<1x128xi32, #tpu.memory_space<vmem>> -> memref<128xi32, #tpu.memory_space<vmem>>
    %dma_wait3A_637 = arith.constant 0 : i32
    %dma_wait3A_638 = arith.constant 0 : i32
    %dma_wait3A_639 = tpu.memref_slice %arg2[%dma_wait3A_637, %dma_wait3A_638] : memref<16384x16xf32, #tpu.memory_space<hbm>> -> memref<16384x16xf32, #tpu.memory_space<hbm>>
    tpu.wait_indirect_dma semaphore(%arg7 : memref<!tpu.dma_semaphore, #tpu.memory_space<semaphore_mem>>) src(%dma_wait3A_639 : memref<16384x16xf32, #tpu.memory_space<hbm>>) dst(%dma_wait3A_633 : memref<128x16xf32, #tpu.memory_space<vmem>>)
    %dma_wait3A_640 = arith.constant 11 : i32
    %dma_wait3A_641 = arith.constant 1408 : i32
    %dma_wait3A_642 = arith.constant 0 : i32
    %dma_wait3A_643 = tpu.memref_slice %arg6[%dma_wait3A_641, %dma_wait3A_642] : memref<2048x16xf32, #tpu.memory_space<vmem>> -> memref<128x16xf32, #tpu.memory_space<vmem>>
    %dma_wait3A_644 = arith.constant 0 : i32
    %dma_wait3A_645 = tpu.memref_slice %arg5[%dma_wait3A_640, %dma_wait3A_644] : memref<16x128xi32, #tpu.memory_space<vmem>> -> memref<1x128xi32, #tpu.memory_space<vmem>>
    %dma_wait3A_646 = tpu.memref_squeeze %dma_wait3A_645 : memref<1x128xi32, #tpu.memory_space<vmem>> -> memref<128xi32, #tpu.memory_space<vmem>>
    %dma_wait3A_647 = arith.constant 0 : i32
    %dma_wait3A_648 = arith.constant 0 : i32
    %dma_wait3A_649 = tpu.memref_slice %arg2[%dma_wait3A_647, %dma_wait3A_648] : memref<16384x16xf32, #tpu.memory_space<hbm>> -> memref<16384x16xf32, #tpu.memory_space<hbm>>
    tpu.wait_indirect_dma semaphore(%arg7 : memref<!tpu.dma_semaphore, #tpu.memory_space<semaphore_mem>>) src(%dma_wait3A_649 : memref<16384x16xf32, #tpu.memory_space<hbm>>) dst(%dma_wait3A_643 : memref<128x16xf32, #tpu.memory_space<vmem>>)
    %dma_wait3A_650 = arith.constant 12 : i32
    %dma_wait3A_651 = arith.constant 1536 : i32
    %dma_wait3A_652 = arith.constant 0 : i32
    %dma_wait3A_653 = tpu.memref_slice %arg6[%dma_wait3A_651, %dma_wait3A_652] : memref<2048x16xf32, #tpu.memory_space<vmem>> -> memref<128x16xf32, #tpu.memory_space<vmem>>
    %dma_wait3A_654 = arith.constant 0 : i32
    %dma_wait3A_655 = tpu.memref_slice %arg5[%dma_wait3A_650, %dma_wait3A_654] : memref<16x128xi32, #tpu.memory_space<vmem>> -> memref<1x128xi32, #tpu.memory_space<vmem>>
    %dma_wait3A_656 = tpu.memref_squeeze %dma_wait3A_655 : memref<1x128xi32, #tpu.memory_space<vmem>> -> memref<128xi32, #tpu.memory_space<vmem>>
    %dma_wait3A_657 = arith.constant 0 : i32
    %dma_wait3A_658 = arith.constant 0 : i32
    %dma_wait3A_659 = tpu.memref_slice %arg2[%dma_wait3A_657, %dma_wait3A_658] : memref<16384x16xf32, #tpu.memory_space<hbm>> -> memref<16384x16xf32, #tpu.memory_space<hbm>>
    tpu.wait_indirect_dma semaphore(%arg7 : memref<!tpu.dma_semaphore, #tpu.memory_space<semaphore_mem>>) src(%dma_wait3A_659 : memref<16384x16xf32, #tpu.memory_space<hbm>>) dst(%dma_wait3A_653 : memref<128x16xf32, #tpu.memory_space<vmem>>)
    %dma_wait3A_660 = arith.constant 13 : i32
    %dma_wait3A_661 = arith.constant 1664 : i32
    %dma_wait3A_662 = arith.constant 0 : i32
    %dma_wait3A_663 = tpu.memref_slice %arg6[%dma_wait3A_661, %dma_wait3A_662] : memref<2048x16xf32, #tpu.memory_space<vmem>> -> memref<128x16xf32, #tpu.memory_space<vmem>>
    %dma_wait3A_664 = arith.constant 0 : i32
    %dma_wait3A_665 = tpu.memref_slice %arg5[%dma_wait3A_660, %dma_wait3A_664] : memref<16x128xi32, #tpu.memory_space<vmem>> -> memref<1x128xi32, #tpu.memory_space<vmem>>
    %dma_wait3A_666 = tpu.memref_squeeze %dma_wait3A_665 : memref<1x128xi32, #tpu.memory_space<vmem>> -> memref<128xi32, #tpu.memory_space<vmem>>
    %dma_wait3A_667 = arith.constant 0 : i32
    %dma_wait3A_668 = arith.constant 0 : i32
    %dma_wait3A_669 = tpu.memref_slice %arg2[%dma_wait3A_667, %dma_wait3A_668] : memref<16384x16xf32, #tpu.memory_space<hbm>> -> memref<16384x16xf32, #tpu.memory_space<hbm>>
    tpu.wait_indirect_dma semaphore(%arg7 : memref<!tpu.dma_semaphore, #tpu.memory_space<semaphore_mem>>) src(%dma_wait3A_669 : memref<16384x16xf32, #tpu.memory_space<hbm>>) dst(%dma_wait3A_663 : memref<128x16xf32, #tpu.memory_space<vmem>>)
    %dma_wait3A_670 = arith.constant 14 : i32
    %dma_wait3A_671 = arith.constant 1792 : i32
    %dma_wait3A_672 = arith.constant 0 : i32
    %dma_wait3A_673 = tpu.memref_slice %arg6[%dma_wait3A_671, %dma_wait3A_672] : memref<2048x16xf32, #tpu.memory_space<vmem>> -> memref<128x16xf32, #tpu.memory_space<vmem>>
    %dma_wait3A_674 = arith.constant 0 : i32
    %dma_wait3A_675 = tpu.memref_slice %arg5[%dma_wait3A_670, %dma_wait3A_674] : memref<16x128xi32, #tpu.memory_space<vmem>> -> memref<1x128xi32, #tpu.memory_space<vmem>>
    %dma_wait3A_676 = tpu.memref_squeeze %dma_wait3A_675 : memref<1x128xi32, #tpu.memory_space<vmem>> -> memref<128xi32, #tpu.memory_space<vmem>>
    %dma_wait3A_677 = arith.constant 0 : i32
    %dma_wait3A_678 = arith.constant 0 : i32
    %dma_wait3A_679 = tpu.memref_slice %arg2[%dma_wait3A_677, %dma_wait3A_678] : memref<16384x16xf32, #tpu.memory_space<hbm>> -> memref<16384x16xf32, #tpu.memory_space<hbm>>
    tpu.wait_indirect_dma semaphore(%arg7 : memref<!tpu.dma_semaphore, #tpu.memory_space<semaphore_mem>>) src(%dma_wait3A_679 : memref<16384x16xf32, #tpu.memory_space<hbm>>) dst(%dma_wait3A_673 : memref<128x16xf32, #tpu.memory_space<vmem>>)
    %dma_wait3A_680 = arith.constant 15 : i32
    %dma_wait3A_681 = arith.constant 1920 : i32
    %dma_wait3A_682 = arith.constant 0 : i32
    %dma_wait3A_683 = tpu.memref_slice %arg6[%dma_wait3A_681, %dma_wait3A_682] : memref<2048x16xf32, #tpu.memory_space<vmem>> -> memref<128x16xf32, #tpu.memory_space<vmem>>
    %dma_wait3A_684 = arith.constant 0 : i32
    %dma_wait3A_685 = tpu.memref_slice %arg5[%dma_wait3A_680, %dma_wait3A_684] : memref<16x128xi32, #tpu.memory_space<vmem>> -> memref<1x128xi32, #tpu.memory_space<vmem>>
    %dma_wait3A_686 = tpu.memref_squeeze %dma_wait3A_685 : memref<1x128xi32, #tpu.memory_space<vmem>> -> memref<128xi32, #tpu.memory_space<vmem>>
    %dma_wait3A_687 = arith.constant 0 : i32
    %dma_wait3A_688 = arith.constant 0 : i32
    %dma_wait3A_689 = tpu.memref_slice %arg2[%dma_wait3A_687, %dma_wait3A_688] : memref<16384x16xf32, #tpu.memory_space<hbm>> -> memref<16384x16xf32, #tpu.memory_space<hbm>>
    tpu.wait_indirect_dma semaphore(%arg7 : memref<!tpu.dma_semaphore, #tpu.memory_space<semaphore_mem>>) src(%dma_wait3A_689 : memref<16384x16xf32, #tpu.memory_space<hbm>>) dst(%dma_wait3A_683 : memref<128x16xf32, #tpu.memory_space<vmem>>)
    "tpu.region"() ({
      %run_scoped3A = tpu.sem_alloc : memref<!tpu.dma_semaphore, #tpu.memory_space<semaphore_mem>>
      %dma_start3A_1390 = arith.constant 0 : i32
      %dma_start3A_1391 = tpu.memref_slice %arg4[%multiple_of3A_344, %dma_start3A_1390] : memref<262144x16xf32, #tpu.memory_space<hbm>> -> memref<2048x16xf32, #tpu.memory_space<hbm>>
      %dma_start3A_1392 = arith.constant 0 : i32
      %dma_start3A_1393 = tpu.memref_slice %arg4[%multiple_of3A_344, %dma_start3A_1392] : memref<262144x16xf32, #tpu.memory_space<hbm>> -> memref<2048x16xf32, #tpu.memory_space<hbm>>
      tpu.enqueue_dma source(%arg6 : memref<2048x16xf32, #tpu.memory_space<vmem>>) target(%dma_start3A_1393 : memref<2048x16xf32, #tpu.memory_space<hbm>>) target_semaphore(%run_scoped3A : memref<!tpu.dma_semaphore, #tpu.memory_space<semaphore_mem>>)
      %dma_wait3A_1394 = arith.constant 0 : i32
      %dma_wait3A_1395 = tpu.memref_slice %arg4[%multiple_of3A_344, %dma_wait3A_1394] : memref<262144x16xf32, #tpu.memory_space<hbm>> -> memref<2048x16xf32, #tpu.memory_space<hbm>>
      %dma_wait3A_1396 = arith.constant 0 : i32
      %dma_wait3A_1397 = tpu.memref_slice %arg4[%multiple_of3A_344, %dma_wait3A_1396] : memref<262144x16xf32, #tpu.memory_space<hbm>> -> memref<2048x16xf32, #tpu.memory_space<hbm>>
      tpu.wait_dma2 semaphore(%run_scoped3A : memref<!tpu.dma_semaphore, #tpu.memory_space<semaphore_mem>>) src(%arg6 : memref<2048x16xf32, #tpu.memory_space<vmem>>) dst(%dma_wait3A_1397 : memref<2048x16xf32, #tpu.memory_space<hbm>>)
      tpu.yield
    }) : () -> ()
    %mul3A_690 = arith.constant 8192 : i32
    %mul3A_691 = arith.muli %add3A, %mul3A_690 : i32
    %add3A_692 = arith.constant 4096 : i32
    %add3A_693 = arith.addi %mul3A_691, %add3A_692 : i32
    %multiple_of3A_694 = tpu.assume_multiple %add3A_693, 2048 : i32
    %jit3A_695 = arith.constant 128 : i32
    %div3A_696 = arith.divsi %multiple_of3A_694, %jit3A_695 : i32
    %sign3A_697 = arith.constant 0 : i32
    %sign3A_698 = arith.cmpi sgt, %multiple_of3A_694, %sign3A_697 : i32
    %sign3A_699 = arith.extui %sign3A_698 : i1 to i32
    %sign3A_700 = arith.constant 0 : i32
    %sign3A_701 = arith.cmpi slt, %multiple_of3A_694, %sign3A_700 : i32
    %sign3A_702 = arith.extui %sign3A_701 : i1 to i32
    %sign3A_703 = arith.subi %sign3A_699, %sign3A_702 : i32
    %sign3A_704 = arith.constant 0 : i32
    %sign3A_705 = arith.cmpi sgt, %jit3A_695, %sign3A_704 : i32
    %sign3A_706 = arith.extui %sign3A_705 : i1 to i32
    %sign3A_707 = arith.constant 0 : i32
    %sign3A_708 = arith.cmpi slt, %jit3A_695, %sign3A_707 : i32
    %sign3A_709 = arith.extui %sign3A_708 : i1 to i32
    %sign3A_710 = arith.subi %sign3A_706, %sign3A_709 : i32
    %ne3A_711 = arith.cmpi ne, %sign3A_703, %sign3A_710 : i32
    %rem3A_712 = arith.remsi %multiple_of3A_694, %jit3A_695 : i32
    %ne3A_713 = arith.constant 0 : i32
    %ne3A_714 = arith.cmpi ne, %rem3A_712, %ne3A_713 : i32
    %and3A_715 = arith.andi %ne3A_711, %ne3A_714 : i1
    %sub3A_716 = arith.constant 1 : i32
    %sub3A_717 = arith.subi %div3A_696, %sub3A_716 : i32
    %select_n3A_718 = arith.select %and3A_715, %sub3A_717, %div3A_696 : i32
    %multiple_of3A_719 = tpu.assume_multiple %select_n3A_718, 16 : i32
    "tpu.region"() ({
      %run_scoped3A = tpu.sem_alloc : memref<!tpu.dma_semaphore, #tpu.memory_space<semaphore_mem>>
      %dma_start3A_1390 = arith.constant 0 : i32
      %dma_start3A_1391 = tpu.memref_slice %arg3[%multiple_of3A_719, %dma_start3A_1390] : memref<2048x128xi32, #tpu.memory_space<hbm>> -> memref<16x128xi32, #tpu.memory_space<hbm>>
      %dma_start3A_1392 = arith.constant 0 : i32
      %dma_start3A_1393 = tpu.memref_slice %arg3[%multiple_of3A_719, %dma_start3A_1392] : memref<2048x128xi32, #tpu.memory_space<hbm>> -> memref<16x128xi32, #tpu.memory_space<hbm>>
      tpu.enqueue_dma source(%dma_start3A_1393 : memref<16x128xi32, #tpu.memory_space<hbm>>) target(%arg5 : memref<16x128xi32, #tpu.memory_space<vmem>>) target_semaphore(%run_scoped3A : memref<!tpu.dma_semaphore, #tpu.memory_space<semaphore_mem>>)
      %dma_wait3A_1394 = arith.constant 0 : i32
      %dma_wait3A_1395 = tpu.memref_slice %arg3[%multiple_of3A_719, %dma_wait3A_1394] : memref<2048x128xi32, #tpu.memory_space<hbm>> -> memref<16x128xi32, #tpu.memory_space<hbm>>
      %dma_wait3A_1396 = arith.constant 0 : i32
      %dma_wait3A_1397 = tpu.memref_slice %arg3[%multiple_of3A_719, %dma_wait3A_1396] : memref<2048x128xi32, #tpu.memory_space<hbm>> -> memref<16x128xi32, #tpu.memory_space<hbm>>
      tpu.wait_dma2 semaphore(%run_scoped3A : memref<!tpu.dma_semaphore, #tpu.memory_space<semaphore_mem>>) src(%dma_wait3A_1397 : memref<16x128xi32, #tpu.memory_space<hbm>>) dst(%arg5 : memref<16x128xi32, #tpu.memory_space<vmem>>)
      tpu.yield
    }) : () -> ()
    %dma_start3A_720 = arith.constant 0 : i32
    %dma_start3A_721 = arith.constant 0 : i32
    %dma_start3A_722 = arith.constant 0 : i32
    %dma_start3A_723 = tpu.memref_slice %arg6[%dma_start3A_721, %dma_start3A_722] : memref<2048x16xf32, #tpu.memory_space<vmem>> -> memref<128x16xf32, #tpu.memory_space<vmem>>
    %dma_start3A_724 = arith.constant 0 : i32
    %dma_start3A_725 = tpu.memref_slice %arg5[%dma_start3A_720, %dma_start3A_724] : memref<16x128xi32, #tpu.memory_space<vmem>> -> memref<1x128xi32, #tpu.memory_space<vmem>>
    %dma_start3A_726 = tpu.memref_squeeze %dma_start3A_725 : memref<1x128xi32, #tpu.memory_space<vmem>> -> memref<128xi32, #tpu.memory_space<vmem>>
    %dma_start3A_727 = arith.constant 0 : i32
    %dma_start3A_728 = arith.constant 0 : i32
    %dma_start3A_729 = tpu.memref_slice %arg2[%dma_start3A_727, %dma_start3A_728] : memref<16384x16xf32, #tpu.memory_space<hbm>> -> memref<16384x16xf32, #tpu.memory_space<hbm>>
    tpu.enqueue_indirect_dma source(%dma_start3A_729 : memref<16384x16xf32, #tpu.memory_space<hbm>>) target(%dma_start3A_723 : memref<128x16xf32, #tpu.memory_space<vmem>>) offsets(%dma_start3A_726 : memref<128xi32, #tpu.memory_space<vmem>>) semaphore(%arg7 : memref<!tpu.dma_semaphore, #tpu.memory_space<semaphore_mem>>)
    %dma_start3A_730 = arith.constant 1 : i32
    %dma_start3A_731 = arith.constant 128 : i32
    %dma_start3A_732 = arith.constant 0 : i32
    %dma_start3A_733 = tpu.memref_slice %arg6[%dma_start3A_731, %dma_start3A_732] : memref<2048x16xf32, #tpu.memory_space<vmem>> -> memref<128x16xf32, #tpu.memory_space<vmem>>
    %dma_start3A_734 = arith.constant 0 : i32
    %dma_start3A_735 = tpu.memref_slice %arg5[%dma_start3A_730, %dma_start3A_734] : memref<16x128xi32, #tpu.memory_space<vmem>> -> memref<1x128xi32, #tpu.memory_space<vmem>>
    %dma_start3A_736 = tpu.memref_squeeze %dma_start3A_735 : memref<1x128xi32, #tpu.memory_space<vmem>> -> memref<128xi32, #tpu.memory_space<vmem>>
    %dma_start3A_737 = arith.constant 0 : i32
    %dma_start3A_738 = arith.constant 0 : i32
    %dma_start3A_739 = tpu.memref_slice %arg2[%dma_start3A_737, %dma_start3A_738] : memref<16384x16xf32, #tpu.memory_space<hbm>> -> memref<16384x16xf32, #tpu.memory_space<hbm>>
    tpu.enqueue_indirect_dma source(%dma_start3A_739 : memref<16384x16xf32, #tpu.memory_space<hbm>>) target(%dma_start3A_733 : memref<128x16xf32, #tpu.memory_space<vmem>>) offsets(%dma_start3A_736 : memref<128xi32, #tpu.memory_space<vmem>>) semaphore(%arg7 : memref<!tpu.dma_semaphore, #tpu.memory_space<semaphore_mem>>)
    %dma_start3A_740 = arith.constant 2 : i32
    %dma_start3A_741 = arith.constant 256 : i32
    %dma_start3A_742 = arith.constant 0 : i32
    %dma_start3A_743 = tpu.memref_slice %arg6[%dma_start3A_741, %dma_start3A_742] : memref<2048x16xf32, #tpu.memory_space<vmem>> -> memref<128x16xf32, #tpu.memory_space<vmem>>
    %dma_start3A_744 = arith.constant 0 : i32
    %dma_start3A_745 = tpu.memref_slice %arg5[%dma_start3A_740, %dma_start3A_744] : memref<16x128xi32, #tpu.memory_space<vmem>> -> memref<1x128xi32, #tpu.memory_space<vmem>>
    %dma_start3A_746 = tpu.memref_squeeze %dma_start3A_745 : memref<1x128xi32, #tpu.memory_space<vmem>> -> memref<128xi32, #tpu.memory_space<vmem>>
    %dma_start3A_747 = arith.constant 0 : i32
    %dma_start3A_748 = arith.constant 0 : i32
    %dma_start3A_749 = tpu.memref_slice %arg2[%dma_start3A_747, %dma_start3A_748] : memref<16384x16xf32, #tpu.memory_space<hbm>> -> memref<16384x16xf32, #tpu.memory_space<hbm>>
    tpu.enqueue_indirect_dma source(%dma_start3A_749 : memref<16384x16xf32, #tpu.memory_space<hbm>>) target(%dma_start3A_743 : memref<128x16xf32, #tpu.memory_space<vmem>>) offsets(%dma_start3A_746 : memref<128xi32, #tpu.memory_space<vmem>>) semaphore(%arg7 : memref<!tpu.dma_semaphore, #tpu.memory_space<semaphore_mem>>)
    %dma_start3A_750 = arith.constant 3 : i32
    %dma_start3A_751 = arith.constant 384 : i32
    %dma_start3A_752 = arith.constant 0 : i32
    %dma_start3A_753 = tpu.memref_slice %arg6[%dma_start3A_751, %dma_start3A_752] : memref<2048x16xf32, #tpu.memory_space<vmem>> -> memref<128x16xf32, #tpu.memory_space<vmem>>
    %dma_start3A_754 = arith.constant 0 : i32
    %dma_start3A_755 = tpu.memref_slice %arg5[%dma_start3A_750, %dma_start3A_754] : memref<16x128xi32, #tpu.memory_space<vmem>> -> memref<1x128xi32, #tpu.memory_space<vmem>>
    %dma_start3A_756 = tpu.memref_squeeze %dma_start3A_755 : memref<1x128xi32, #tpu.memory_space<vmem>> -> memref<128xi32, #tpu.memory_space<vmem>>
    %dma_start3A_757 = arith.constant 0 : i32
    %dma_start3A_758 = arith.constant 0 : i32
    %dma_start3A_759 = tpu.memref_slice %arg2[%dma_start3A_757, %dma_start3A_758] : memref<16384x16xf32, #tpu.memory_space<hbm>> -> memref<16384x16xf32, #tpu.memory_space<hbm>>
    tpu.enqueue_indirect_dma source(%dma_start3A_759 : memref<16384x16xf32, #tpu.memory_space<hbm>>) target(%dma_start3A_753 : memref<128x16xf32, #tpu.memory_space<vmem>>) offsets(%dma_start3A_756 : memref<128xi32, #tpu.memory_space<vmem>>) semaphore(%arg7 : memref<!tpu.dma_semaphore, #tpu.memory_space<semaphore_mem>>)
    %dma_start3A_760 = arith.constant 4 : i32
    %dma_start3A_761 = arith.constant 512 : i32
    %dma_start3A_762 = arith.constant 0 : i32
    %dma_start3A_763 = tpu.memref_slice %arg6[%dma_start3A_761, %dma_start3A_762] : memref<2048x16xf32, #tpu.memory_space<vmem>> -> memref<128x16xf32, #tpu.memory_space<vmem>>
    %dma_start3A_764 = arith.constant 0 : i32
    %dma_start3A_765 = tpu.memref_slice %arg5[%dma_start3A_760, %dma_start3A_764] : memref<16x128xi32, #tpu.memory_space<vmem>> -> memref<1x128xi32, #tpu.memory_space<vmem>>
    %dma_start3A_766 = tpu.memref_squeeze %dma_start3A_765 : memref<1x128xi32, #tpu.memory_space<vmem>> -> memref<128xi32, #tpu.memory_space<vmem>>
    %dma_start3A_767 = arith.constant 0 : i32
    %dma_start3A_768 = arith.constant 0 : i32
    %dma_start3A_769 = tpu.memref_slice %arg2[%dma_start3A_767, %dma_start3A_768] : memref<16384x16xf32, #tpu.memory_space<hbm>> -> memref<16384x16xf32, #tpu.memory_space<hbm>>
    tpu.enqueue_indirect_dma source(%dma_start3A_769 : memref<16384x16xf32, #tpu.memory_space<hbm>>) target(%dma_start3A_763 : memref<128x16xf32, #tpu.memory_space<vmem>>) offsets(%dma_start3A_766 : memref<128xi32, #tpu.memory_space<vmem>>) semaphore(%arg7 : memref<!tpu.dma_semaphore, #tpu.memory_space<semaphore_mem>>)
    %dma_start3A_770 = arith.constant 5 : i32
    %dma_start3A_771 = arith.constant 640 : i32
    %dma_start3A_772 = arith.constant 0 : i32
    %dma_start3A_773 = tpu.memref_slice %arg6[%dma_start3A_771, %dma_start3A_772] : memref<2048x16xf32, #tpu.memory_space<vmem>> -> memref<128x16xf32, #tpu.memory_space<vmem>>
    %dma_start3A_774 = arith.constant 0 : i32
    %dma_start3A_775 = tpu.memref_slice %arg5[%dma_start3A_770, %dma_start3A_774] : memref<16x128xi32, #tpu.memory_space<vmem>> -> memref<1x128xi32, #tpu.memory_space<vmem>>
    %dma_start3A_776 = tpu.memref_squeeze %dma_start3A_775 : memref<1x128xi32, #tpu.memory_space<vmem>> -> memref<128xi32, #tpu.memory_space<vmem>>
    %dma_start3A_777 = arith.constant 0 : i32
    %dma_start3A_778 = arith.constant 0 : i32
    %dma_start3A_779 = tpu.memref_slice %arg2[%dma_start3A_777, %dma_start3A_778] : memref<16384x16xf32, #tpu.memory_space<hbm>> -> memref<16384x16xf32, #tpu.memory_space<hbm>>
    tpu.enqueue_indirect_dma source(%dma_start3A_779 : memref<16384x16xf32, #tpu.memory_space<hbm>>) target(%dma_start3A_773 : memref<128x16xf32, #tpu.memory_space<vmem>>) offsets(%dma_start3A_776 : memref<128xi32, #tpu.memory_space<vmem>>) semaphore(%arg7 : memref<!tpu.dma_semaphore, #tpu.memory_space<semaphore_mem>>)
    %dma_start3A_780 = arith.constant 6 : i32
    %dma_start3A_781 = arith.constant 768 : i32
    %dma_start3A_782 = arith.constant 0 : i32
    %dma_start3A_783 = tpu.memref_slice %arg6[%dma_start3A_781, %dma_start3A_782] : memref<2048x16xf32, #tpu.memory_space<vmem>> -> memref<128x16xf32, #tpu.memory_space<vmem>>
    %dma_start3A_784 = arith.constant 0 : i32
    %dma_start3A_785 = tpu.memref_slice %arg5[%dma_start3A_780, %dma_start3A_784] : memref<16x128xi32, #tpu.memory_space<vmem>> -> memref<1x128xi32, #tpu.memory_space<vmem>>
    %dma_start3A_786 = tpu.memref_squeeze %dma_start3A_785 : memref<1x128xi32, #tpu.memory_space<vmem>> -> memref<128xi32, #tpu.memory_space<vmem>>
    %dma_start3A_787 = arith.constant 0 : i32
    %dma_start3A_788 = arith.constant 0 : i32
    %dma_start3A_789 = tpu.memref_slice %arg2[%dma_start3A_787, %dma_start3A_788] : memref<16384x16xf32, #tpu.memory_space<hbm>> -> memref<16384x16xf32, #tpu.memory_space<hbm>>
    tpu.enqueue_indirect_dma source(%dma_start3A_789 : memref<16384x16xf32, #tpu.memory_space<hbm>>) target(%dma_start3A_783 : memref<128x16xf32, #tpu.memory_space<vmem>>) offsets(%dma_start3A_786 : memref<128xi32, #tpu.memory_space<vmem>>) semaphore(%arg7 : memref<!tpu.dma_semaphore, #tpu.memory_space<semaphore_mem>>)
    %dma_start3A_790 = arith.constant 7 : i32
    %dma_start3A_791 = arith.constant 896 : i32
    %dma_start3A_792 = arith.constant 0 : i32
    %dma_start3A_793 = tpu.memref_slice %arg6[%dma_start3A_791, %dma_start3A_792] : memref<2048x16xf32, #tpu.memory_space<vmem>> -> memref<128x16xf32, #tpu.memory_space<vmem>>
    %dma_start3A_794 = arith.constant 0 : i32
    %dma_start3A_795 = tpu.memref_slice %arg5[%dma_start3A_790, %dma_start3A_794] : memref<16x128xi32, #tpu.memory_space<vmem>> -> memref<1x128xi32, #tpu.memory_space<vmem>>
    %dma_start3A_796 = tpu.memref_squeeze %dma_start3A_795 : memref<1x128xi32, #tpu.memory_space<vmem>> -> memref<128xi32, #tpu.memory_space<vmem>>
    %dma_start3A_797 = arith.constant 0 : i32
    %dma_start3A_798 = arith.constant 0 : i32
    %dma_start3A_799 = tpu.memref_slice %arg2[%dma_start3A_797, %dma_start3A_798] : memref<16384x16xf32, #tpu.memory_space<hbm>> -> memref<16384x16xf32, #tpu.memory_space<hbm>>
    tpu.enqueue_indirect_dma source(%dma_start3A_799 : memref<16384x16xf32, #tpu.memory_space<hbm>>) target(%dma_start3A_793 : memref<128x16xf32, #tpu.memory_space<vmem>>) offsets(%dma_start3A_796 : memref<128xi32, #tpu.memory_space<vmem>>) semaphore(%arg7 : memref<!tpu.dma_semaphore, #tpu.memory_space<semaphore_mem>>)
    %dma_start3A_800 = arith.constant 8 : i32
    %dma_start3A_801 = arith.constant 1024 : i32
    %dma_start3A_802 = arith.constant 0 : i32
    %dma_start3A_803 = tpu.memref_slice %arg6[%dma_start3A_801, %dma_start3A_802] : memref<2048x16xf32, #tpu.memory_space<vmem>> -> memref<128x16xf32, #tpu.memory_space<vmem>>
    %dma_start3A_804 = arith.constant 0 : i32
    %dma_start3A_805 = tpu.memref_slice %arg5[%dma_start3A_800, %dma_start3A_804] : memref<16x128xi32, #tpu.memory_space<vmem>> -> memref<1x128xi32, #tpu.memory_space<vmem>>
    %dma_start3A_806 = tpu.memref_squeeze %dma_start3A_805 : memref<1x128xi32, #tpu.memory_space<vmem>> -> memref<128xi32, #tpu.memory_space<vmem>>
    %dma_start3A_807 = arith.constant 0 : i32
    %dma_start3A_808 = arith.constant 0 : i32
    %dma_start3A_809 = tpu.memref_slice %arg2[%dma_start3A_807, %dma_start3A_808] : memref<16384x16xf32, #tpu.memory_space<hbm>> -> memref<16384x16xf32, #tpu.memory_space<hbm>>
    tpu.enqueue_indirect_dma source(%dma_start3A_809 : memref<16384x16xf32, #tpu.memory_space<hbm>>) target(%dma_start3A_803 : memref<128x16xf32, #tpu.memory_space<vmem>>) offsets(%dma_start3A_806 : memref<128xi32, #tpu.memory_space<vmem>>) semaphore(%arg7 : memref<!tpu.dma_semaphore, #tpu.memory_space<semaphore_mem>>)
    %dma_start3A_810 = arith.constant 9 : i32
    %dma_start3A_811 = arith.constant 1152 : i32
    %dma_start3A_812 = arith.constant 0 : i32
    %dma_start3A_813 = tpu.memref_slice %arg6[%dma_start3A_811, %dma_start3A_812] : memref<2048x16xf32, #tpu.memory_space<vmem>> -> memref<128x16xf32, #tpu.memory_space<vmem>>
    %dma_start3A_814 = arith.constant 0 : i32
    %dma_start3A_815 = tpu.memref_slice %arg5[%dma_start3A_810, %dma_start3A_814] : memref<16x128xi32, #tpu.memory_space<vmem>> -> memref<1x128xi32, #tpu.memory_space<vmem>>
    %dma_start3A_816 = tpu.memref_squeeze %dma_start3A_815 : memref<1x128xi32, #tpu.memory_space<vmem>> -> memref<128xi32, #tpu.memory_space<vmem>>
    %dma_start3A_817 = arith.constant 0 : i32
    %dma_start3A_818 = arith.constant 0 : i32
    %dma_start3A_819 = tpu.memref_slice %arg2[%dma_start3A_817, %dma_start3A_818] : memref<16384x16xf32, #tpu.memory_space<hbm>> -> memref<16384x16xf32, #tpu.memory_space<hbm>>
    tpu.enqueue_indirect_dma source(%dma_start3A_819 : memref<16384x16xf32, #tpu.memory_space<hbm>>) target(%dma_start3A_813 : memref<128x16xf32, #tpu.memory_space<vmem>>) offsets(%dma_start3A_816 : memref<128xi32, #tpu.memory_space<vmem>>) semaphore(%arg7 : memref<!tpu.dma_semaphore, #tpu.memory_space<semaphore_mem>>)
    %dma_start3A_820 = arith.constant 10 : i32
    %dma_start3A_821 = arith.constant 1280 : i32
    %dma_start3A_822 = arith.constant 0 : i32
    %dma_start3A_823 = tpu.memref_slice %arg6[%dma_start3A_821, %dma_start3A_822] : memref<2048x16xf32, #tpu.memory_space<vmem>> -> memref<128x16xf32, #tpu.memory_space<vmem>>
    %dma_start3A_824 = arith.constant 0 : i32
    %dma_start3A_825 = tpu.memref_slice %arg5[%dma_start3A_820, %dma_start3A_824] : memref<16x128xi32, #tpu.memory_space<vmem>> -> memref<1x128xi32, #tpu.memory_space<vmem>>
    %dma_start3A_826 = tpu.memref_squeeze %dma_start3A_825 : memref<1x128xi32, #tpu.memory_space<vmem>> -> memref<128xi32, #tpu.memory_space<vmem>>
    %dma_start3A_827 = arith.constant 0 : i32
    %dma_start3A_828 = arith.constant 0 : i32
    %dma_start3A_829 = tpu.memref_slice %arg2[%dma_start3A_827, %dma_start3A_828] : memref<16384x16xf32, #tpu.memory_space<hbm>> -> memref<16384x16xf32, #tpu.memory_space<hbm>>
    tpu.enqueue_indirect_dma source(%dma_start3A_829 : memref<16384x16xf32, #tpu.memory_space<hbm>>) target(%dma_start3A_823 : memref<128x16xf32, #tpu.memory_space<vmem>>) offsets(%dma_start3A_826 : memref<128xi32, #tpu.memory_space<vmem>>) semaphore(%arg7 : memref<!tpu.dma_semaphore, #tpu.memory_space<semaphore_mem>>)
    %dma_start3A_830 = arith.constant 11 : i32
    %dma_start3A_831 = arith.constant 1408 : i32
    %dma_start3A_832 = arith.constant 0 : i32
    %dma_start3A_833 = tpu.memref_slice %arg6[%dma_start3A_831, %dma_start3A_832] : memref<2048x16xf32, #tpu.memory_space<vmem>> -> memref<128x16xf32, #tpu.memory_space<vmem>>
    %dma_start3A_834 = arith.constant 0 : i32
    %dma_start3A_835 = tpu.memref_slice %arg5[%dma_start3A_830, %dma_start3A_834] : memref<16x128xi32, #tpu.memory_space<vmem>> -> memref<1x128xi32, #tpu.memory_space<vmem>>
    %dma_start3A_836 = tpu.memref_squeeze %dma_start3A_835 : memref<1x128xi32, #tpu.memory_space<vmem>> -> memref<128xi32, #tpu.memory_space<vmem>>
    %dma_start3A_837 = arith.constant 0 : i32
    %dma_start3A_838 = arith.constant 0 : i32
    %dma_start3A_839 = tpu.memref_slice %arg2[%dma_start3A_837, %dma_start3A_838] : memref<16384x16xf32, #tpu.memory_space<hbm>> -> memref<16384x16xf32, #tpu.memory_space<hbm>>
    tpu.enqueue_indirect_dma source(%dma_start3A_839 : memref<16384x16xf32, #tpu.memory_space<hbm>>) target(%dma_start3A_833 : memref<128x16xf32, #tpu.memory_space<vmem>>) offsets(%dma_start3A_836 : memref<128xi32, #tpu.memory_space<vmem>>) semaphore(%arg7 : memref<!tpu.dma_semaphore, #tpu.memory_space<semaphore_mem>>)
    %dma_start3A_840 = arith.constant 12 : i32
    %dma_start3A_841 = arith.constant 1536 : i32
    %dma_start3A_842 = arith.constant 0 : i32
    %dma_start3A_843 = tpu.memref_slice %arg6[%dma_start3A_841, %dma_start3A_842] : memref<2048x16xf32, #tpu.memory_space<vmem>> -> memref<128x16xf32, #tpu.memory_space<vmem>>
    %dma_start3A_844 = arith.constant 0 : i32
    %dma_start3A_845 = tpu.memref_slice %arg5[%dma_start3A_840, %dma_start3A_844] : memref<16x128xi32, #tpu.memory_space<vmem>> -> memref<1x128xi32, #tpu.memory_space<vmem>>
    %dma_start3A_846 = tpu.memref_squeeze %dma_start3A_845 : memref<1x128xi32, #tpu.memory_space<vmem>> -> memref<128xi32, #tpu.memory_space<vmem>>
    %dma_start3A_847 = arith.constant 0 : i32
    %dma_start3A_848 = arith.constant 0 : i32
    %dma_start3A_849 = tpu.memref_slice %arg2[%dma_start3A_847, %dma_start3A_848] : memref<16384x16xf32, #tpu.memory_space<hbm>> -> memref<16384x16xf32, #tpu.memory_space<hbm>>
    tpu.enqueue_indirect_dma source(%dma_start3A_849 : memref<16384x16xf32, #tpu.memory_space<hbm>>) target(%dma_start3A_843 : memref<128x16xf32, #tpu.memory_space<vmem>>) offsets(%dma_start3A_846 : memref<128xi32, #tpu.memory_space<vmem>>) semaphore(%arg7 : memref<!tpu.dma_semaphore, #tpu.memory_space<semaphore_mem>>)
    %dma_start3A_850 = arith.constant 13 : i32
    %dma_start3A_851 = arith.constant 1664 : i32
    %dma_start3A_852 = arith.constant 0 : i32
    %dma_start3A_853 = tpu.memref_slice %arg6[%dma_start3A_851, %dma_start3A_852] : memref<2048x16xf32, #tpu.memory_space<vmem>> -> memref<128x16xf32, #tpu.memory_space<vmem>>
    %dma_start3A_854 = arith.constant 0 : i32
    %dma_start3A_855 = tpu.memref_slice %arg5[%dma_start3A_850, %dma_start3A_854] : memref<16x128xi32, #tpu.memory_space<vmem>> -> memref<1x128xi32, #tpu.memory_space<vmem>>
    %dma_start3A_856 = tpu.memref_squeeze %dma_start3A_855 : memref<1x128xi32, #tpu.memory_space<vmem>> -> memref<128xi32, #tpu.memory_space<vmem>>
    %dma_start3A_857 = arith.constant 0 : i32
    %dma_start3A_858 = arith.constant 0 : i32
    %dma_start3A_859 = tpu.memref_slice %arg2[%dma_start3A_857, %dma_start3A_858] : memref<16384x16xf32, #tpu.memory_space<hbm>> -> memref<16384x16xf32, #tpu.memory_space<hbm>>
    tpu.enqueue_indirect_dma source(%dma_start3A_859 : memref<16384x16xf32, #tpu.memory_space<hbm>>) target(%dma_start3A_853 : memref<128x16xf32, #tpu.memory_space<vmem>>) offsets(%dma_start3A_856 : memref<128xi32, #tpu.memory_space<vmem>>) semaphore(%arg7 : memref<!tpu.dma_semaphore, #tpu.memory_space<semaphore_mem>>)
    %dma_start3A_860 = arith.constant 14 : i32
    %dma_start3A_861 = arith.constant 1792 : i32
    %dma_start3A_862 = arith.constant 0 : i32
    %dma_start3A_863 = tpu.memref_slice %arg6[%dma_start3A_861, %dma_start3A_862] : memref<2048x16xf32, #tpu.memory_space<vmem>> -> memref<128x16xf32, #tpu.memory_space<vmem>>
    %dma_start3A_864 = arith.constant 0 : i32
    %dma_start3A_865 = tpu.memref_slice %arg5[%dma_start3A_860, %dma_start3A_864] : memref<16x128xi32, #tpu.memory_space<vmem>> -> memref<1x128xi32, #tpu.memory_space<vmem>>
    %dma_start3A_866 = tpu.memref_squeeze %dma_start3A_865 : memref<1x128xi32, #tpu.memory_space<vmem>> -> memref<128xi32, #tpu.memory_space<vmem>>
    %dma_start3A_867 = arith.constant 0 : i32
    %dma_start3A_868 = arith.constant 0 : i32
    %dma_start3A_869 = tpu.memref_slice %arg2[%dma_start3A_867, %dma_start3A_868] : memref<16384x16xf32, #tpu.memory_space<hbm>> -> memref<16384x16xf32, #tpu.memory_space<hbm>>
    tpu.enqueue_indirect_dma source(%dma_start3A_869 : memref<16384x16xf32, #tpu.memory_space<hbm>>) target(%dma_start3A_863 : memref<128x16xf32, #tpu.memory_space<vmem>>) offsets(%dma_start3A_866 : memref<128xi32, #tpu.memory_space<vmem>>) semaphore(%arg7 : memref<!tpu.dma_semaphore, #tpu.memory_space<semaphore_mem>>)
    %dma_start3A_870 = arith.constant 15 : i32
    %dma_start3A_871 = arith.constant 1920 : i32
    %dma_start3A_872 = arith.constant 0 : i32
    %dma_start3A_873 = tpu.memref_slice %arg6[%dma_start3A_871, %dma_start3A_872] : memref<2048x16xf32, #tpu.memory_space<vmem>> -> memref<128x16xf32, #tpu.memory_space<vmem>>
    %dma_start3A_874 = arith.constant 0 : i32
    %dma_start3A_875 = tpu.memref_slice %arg5[%dma_start3A_870, %dma_start3A_874] : memref<16x128xi32, #tpu.memory_space<vmem>> -> memref<1x128xi32, #tpu.memory_space<vmem>>
    %dma_start3A_876 = tpu.memref_squeeze %dma_start3A_875 : memref<1x128xi32, #tpu.memory_space<vmem>> -> memref<128xi32, #tpu.memory_space<vmem>>
    %dma_start3A_877 = arith.constant 0 : i32
    %dma_start3A_878 = arith.constant 0 : i32
    %dma_start3A_879 = tpu.memref_slice %arg2[%dma_start3A_877, %dma_start3A_878] : memref<16384x16xf32, #tpu.memory_space<hbm>> -> memref<16384x16xf32, #tpu.memory_space<hbm>>
    tpu.enqueue_indirect_dma source(%dma_start3A_879 : memref<16384x16xf32, #tpu.memory_space<hbm>>) target(%dma_start3A_873 : memref<128x16xf32, #tpu.memory_space<vmem>>) offsets(%dma_start3A_876 : memref<128xi32, #tpu.memory_space<vmem>>) semaphore(%arg7 : memref<!tpu.dma_semaphore, #tpu.memory_space<semaphore_mem>>)
    %dma_wait3A_880 = arith.constant 0 : i32
    %dma_wait3A_881 = arith.constant 0 : i32
    %dma_wait3A_882 = arith.constant 0 : i32
    %dma_wait3A_883 = tpu.memref_slice %arg6[%dma_wait3A_881, %dma_wait3A_882] : memref<2048x16xf32, #tpu.memory_space<vmem>> -> memref<128x16xf32, #tpu.memory_space<vmem>>
    %dma_wait3A_884 = arith.constant 0 : i32
    %dma_wait3A_885 = tpu.memref_slice %arg5[%dma_wait3A_880, %dma_wait3A_884] : memref<16x128xi32, #tpu.memory_space<vmem>> -> memref<1x128xi32, #tpu.memory_space<vmem>>
    %dma_wait3A_886 = tpu.memref_squeeze %dma_wait3A_885 : memref<1x128xi32, #tpu.memory_space<vmem>> -> memref<128xi32, #tpu.memory_space<vmem>>
    %dma_wait3A_887 = arith.constant 0 : i32
    %dma_wait3A_888 = arith.constant 0 : i32
    %dma_wait3A_889 = tpu.memref_slice %arg2[%dma_wait3A_887, %dma_wait3A_888] : memref<16384x16xf32, #tpu.memory_space<hbm>> -> memref<16384x16xf32, #tpu.memory_space<hbm>>
    tpu.wait_indirect_dma semaphore(%arg7 : memref<!tpu.dma_semaphore, #tpu.memory_space<semaphore_mem>>) src(%dma_wait3A_889 : memref<16384x16xf32, #tpu.memory_space<hbm>>) dst(%dma_wait3A_883 : memref<128x16xf32, #tpu.memory_space<vmem>>)
    %dma_wait3A_890 = arith.constant 1 : i32
    %dma_wait3A_891 = arith.constant 128 : i32
    %dma_wait3A_892 = arith.constant 0 : i32
    %dma_wait3A_893 = tpu.memref_slice %arg6[%dma_wait3A_891, %dma_wait3A_892] : memref<2048x16xf32, #tpu.memory_space<vmem>> -> memref<128x16xf32, #tpu.memory_space<vmem>>
    %dma_wait3A_894 = arith.constant 0 : i32
    %dma_wait3A_895 = tpu.memref_slice %arg5[%dma_wait3A_890, %dma_wait3A_894] : memref<16x128xi32, #tpu.memory_space<vmem>> -> memref<1x128xi32, #tpu.memory_space<vmem>>
    %dma_wait3A_896 = tpu.memref_squeeze %dma_wait3A_895 : memref<1x128xi32, #tpu.memory_space<vmem>> -> memref<128xi32, #tpu.memory_space<vmem>>
    %dma_wait3A_897 = arith.constant 0 : i32
    %dma_wait3A_898 = arith.constant 0 : i32
    %dma_wait3A_899 = tpu.memref_slice %arg2[%dma_wait3A_897, %dma_wait3A_898] : memref<16384x16xf32, #tpu.memory_space<hbm>> -> memref<16384x16xf32, #tpu.memory_space<hbm>>
    tpu.wait_indirect_dma semaphore(%arg7 : memref<!tpu.dma_semaphore, #tpu.memory_space<semaphore_mem>>) src(%dma_wait3A_899 : memref<16384x16xf32, #tpu.memory_space<hbm>>) dst(%dma_wait3A_893 : memref<128x16xf32, #tpu.memory_space<vmem>>)
    %dma_wait3A_900 = arith.constant 2 : i32
    %dma_wait3A_901 = arith.constant 256 : i32
    %dma_wait3A_902 = arith.constant 0 : i32
    %dma_wait3A_903 = tpu.memref_slice %arg6[%dma_wait3A_901, %dma_wait3A_902] : memref<2048x16xf32, #tpu.memory_space<vmem>> -> memref<128x16xf32, #tpu.memory_space<vmem>>
    %dma_wait3A_904 = arith.constant 0 : i32
    %dma_wait3A_905 = tpu.memref_slice %arg5[%dma_wait3A_900, %dma_wait3A_904] : memref<16x128xi32, #tpu.memory_space<vmem>> -> memref<1x128xi32, #tpu.memory_space<vmem>>
    %dma_wait3A_906 = tpu.memref_squeeze %dma_wait3A_905 : memref<1x128xi32, #tpu.memory_space<vmem>> -> memref<128xi32, #tpu.memory_space<vmem>>
    %dma_wait3A_907 = arith.constant 0 : i32
    %dma_wait3A_908 = arith.constant 0 : i32
    %dma_wait3A_909 = tpu.memref_slice %arg2[%dma_wait3A_907, %dma_wait3A_908] : memref<16384x16xf32, #tpu.memory_space<hbm>> -> memref<16384x16xf32, #tpu.memory_space<hbm>>
    tpu.wait_indirect_dma semaphore(%arg7 : memref<!tpu.dma_semaphore, #tpu.memory_space<semaphore_mem>>) src(%dma_wait3A_909 : memref<16384x16xf32, #tpu.memory_space<hbm>>) dst(%dma_wait3A_903 : memref<128x16xf32, #tpu.memory_space<vmem>>)
    %dma_wait3A_910 = arith.constant 3 : i32
    %dma_wait3A_911 = arith.constant 384 : i32
    %dma_wait3A_912 = arith.constant 0 : i32
    %dma_wait3A_913 = tpu.memref_slice %arg6[%dma_wait3A_911, %dma_wait3A_912] : memref<2048x16xf32, #tpu.memory_space<vmem>> -> memref<128x16xf32, #tpu.memory_space<vmem>>
    %dma_wait3A_914 = arith.constant 0 : i32
    %dma_wait3A_915 = tpu.memref_slice %arg5[%dma_wait3A_910, %dma_wait3A_914] : memref<16x128xi32, #tpu.memory_space<vmem>> -> memref<1x128xi32, #tpu.memory_space<vmem>>
    %dma_wait3A_916 = tpu.memref_squeeze %dma_wait3A_915 : memref<1x128xi32, #tpu.memory_space<vmem>> -> memref<128xi32, #tpu.memory_space<vmem>>
    %dma_wait3A_917 = arith.constant 0 : i32
    %dma_wait3A_918 = arith.constant 0 : i32
    %dma_wait3A_919 = tpu.memref_slice %arg2[%dma_wait3A_917, %dma_wait3A_918] : memref<16384x16xf32, #tpu.memory_space<hbm>> -> memref<16384x16xf32, #tpu.memory_space<hbm>>
    tpu.wait_indirect_dma semaphore(%arg7 : memref<!tpu.dma_semaphore, #tpu.memory_space<semaphore_mem>>) src(%dma_wait3A_919 : memref<16384x16xf32, #tpu.memory_space<hbm>>) dst(%dma_wait3A_913 : memref<128x16xf32, #tpu.memory_space<vmem>>)
    %dma_wait3A_920 = arith.constant 4 : i32
    %dma_wait3A_921 = arith.constant 512 : i32
    %dma_wait3A_922 = arith.constant 0 : i32
    %dma_wait3A_923 = tpu.memref_slice %arg6[%dma_wait3A_921, %dma_wait3A_922] : memref<2048x16xf32, #tpu.memory_space<vmem>> -> memref<128x16xf32, #tpu.memory_space<vmem>>
    %dma_wait3A_924 = arith.constant 0 : i32
    %dma_wait3A_925 = tpu.memref_slice %arg5[%dma_wait3A_920, %dma_wait3A_924] : memref<16x128xi32, #tpu.memory_space<vmem>> -> memref<1x128xi32, #tpu.memory_space<vmem>>
    %dma_wait3A_926 = tpu.memref_squeeze %dma_wait3A_925 : memref<1x128xi32, #tpu.memory_space<vmem>> -> memref<128xi32, #tpu.memory_space<vmem>>
    %dma_wait3A_927 = arith.constant 0 : i32
    %dma_wait3A_928 = arith.constant 0 : i32
    %dma_wait3A_929 = tpu.memref_slice %arg2[%dma_wait3A_927, %dma_wait3A_928] : memref<16384x16xf32, #tpu.memory_space<hbm>> -> memref<16384x16xf32, #tpu.memory_space<hbm>>
    tpu.wait_indirect_dma semaphore(%arg7 : memref<!tpu.dma_semaphore, #tpu.memory_space<semaphore_mem>>) src(%dma_wait3A_929 : memref<16384x16xf32, #tpu.memory_space<hbm>>) dst(%dma_wait3A_923 : memref<128x16xf32, #tpu.memory_space<vmem>>)
    %dma_wait3A_930 = arith.constant 5 : i32
    %dma_wait3A_931 = arith.constant 640 : i32
    %dma_wait3A_932 = arith.constant 0 : i32
    %dma_wait3A_933 = tpu.memref_slice %arg6[%dma_wait3A_931, %dma_wait3A_932] : memref<2048x16xf32, #tpu.memory_space<vmem>> -> memref<128x16xf32, #tpu.memory_space<vmem>>
    %dma_wait3A_934 = arith.constant 0 : i32
    %dma_wait3A_935 = tpu.memref_slice %arg5[%dma_wait3A_930, %dma_wait3A_934] : memref<16x128xi32, #tpu.memory_space<vmem>> -> memref<1x128xi32, #tpu.memory_space<vmem>>
    %dma_wait3A_936 = tpu.memref_squeeze %dma_wait3A_935 : memref<1x128xi32, #tpu.memory_space<vmem>> -> memref<128xi32, #tpu.memory_space<vmem>>
    %dma_wait3A_937 = arith.constant 0 : i32
    %dma_wait3A_938 = arith.constant 0 : i32
    %dma_wait3A_939 = tpu.memref_slice %arg2[%dma_wait3A_937, %dma_wait3A_938] : memref<16384x16xf32, #tpu.memory_space<hbm>> -> memref<16384x16xf32, #tpu.memory_space<hbm>>
    tpu.wait_indirect_dma semaphore(%arg7 : memref<!tpu.dma_semaphore, #tpu.memory_space<semaphore_mem>>) src(%dma_wait3A_939 : memref<16384x16xf32, #tpu.memory_space<hbm>>) dst(%dma_wait3A_933 : memref<128x16xf32, #tpu.memory_space<vmem>>)
    %dma_wait3A_940 = arith.constant 6 : i32
    %dma_wait3A_941 = arith.constant 768 : i32
    %dma_wait3A_942 = arith.constant 0 : i32
    %dma_wait3A_943 = tpu.memref_slice %arg6[%dma_wait3A_941, %dma_wait3A_942] : memref<2048x16xf32, #tpu.memory_space<vmem>> -> memref<128x16xf32, #tpu.memory_space<vmem>>
    %dma_wait3A_944 = arith.constant 0 : i32
    %dma_wait3A_945 = tpu.memref_slice %arg5[%dma_wait3A_940, %dma_wait3A_944] : memref<16x128xi32, #tpu.memory_space<vmem>> -> memref<1x128xi32, #tpu.memory_space<vmem>>
    %dma_wait3A_946 = tpu.memref_squeeze %dma_wait3A_945 : memref<1x128xi32, #tpu.memory_space<vmem>> -> memref<128xi32, #tpu.memory_space<vmem>>
    %dma_wait3A_947 = arith.constant 0 : i32
    %dma_wait3A_948 = arith.constant 0 : i32
    %dma_wait3A_949 = tpu.memref_slice %arg2[%dma_wait3A_947, %dma_wait3A_948] : memref<16384x16xf32, #tpu.memory_space<hbm>> -> memref<16384x16xf32, #tpu.memory_space<hbm>>
    tpu.wait_indirect_dma semaphore(%arg7 : memref<!tpu.dma_semaphore, #tpu.memory_space<semaphore_mem>>) src(%dma_wait3A_949 : memref<16384x16xf32, #tpu.memory_space<hbm>>) dst(%dma_wait3A_943 : memref<128x16xf32, #tpu.memory_space<vmem>>)
    %dma_wait3A_950 = arith.constant 7 : i32
    %dma_wait3A_951 = arith.constant 896 : i32
    %dma_wait3A_952 = arith.constant 0 : i32
    %dma_wait3A_953 = tpu.memref_slice %arg6[%dma_wait3A_951, %dma_wait3A_952] : memref<2048x16xf32, #tpu.memory_space<vmem>> -> memref<128x16xf32, #tpu.memory_space<vmem>>
    %dma_wait3A_954 = arith.constant 0 : i32
    %dma_wait3A_955 = tpu.memref_slice %arg5[%dma_wait3A_950, %dma_wait3A_954] : memref<16x128xi32, #tpu.memory_space<vmem>> -> memref<1x128xi32, #tpu.memory_space<vmem>>
    %dma_wait3A_956 = tpu.memref_squeeze %dma_wait3A_955 : memref<1x128xi32, #tpu.memory_space<vmem>> -> memref<128xi32, #tpu.memory_space<vmem>>
    %dma_wait3A_957 = arith.constant 0 : i32
    %dma_wait3A_958 = arith.constant 0 : i32
    %dma_wait3A_959 = tpu.memref_slice %arg2[%dma_wait3A_957, %dma_wait3A_958] : memref<16384x16xf32, #tpu.memory_space<hbm>> -> memref<16384x16xf32, #tpu.memory_space<hbm>>
    tpu.wait_indirect_dma semaphore(%arg7 : memref<!tpu.dma_semaphore, #tpu.memory_space<semaphore_mem>>) src(%dma_wait3A_959 : memref<16384x16xf32, #tpu.memory_space<hbm>>) dst(%dma_wait3A_953 : memref<128x16xf32, #tpu.memory_space<vmem>>)
    %dma_wait3A_960 = arith.constant 8 : i32
    %dma_wait3A_961 = arith.constant 1024 : i32
    %dma_wait3A_962 = arith.constant 0 : i32
    %dma_wait3A_963 = tpu.memref_slice %arg6[%dma_wait3A_961, %dma_wait3A_962] : memref<2048x16xf32, #tpu.memory_space<vmem>> -> memref<128x16xf32, #tpu.memory_space<vmem>>
    %dma_wait3A_964 = arith.constant 0 : i32
    %dma_wait3A_965 = tpu.memref_slice %arg5[%dma_wait3A_960, %dma_wait3A_964] : memref<16x128xi32, #tpu.memory_space<vmem>> -> memref<1x128xi32, #tpu.memory_space<vmem>>
    %dma_wait3A_966 = tpu.memref_squeeze %dma_wait3A_965 : memref<1x128xi32, #tpu.memory_space<vmem>> -> memref<128xi32, #tpu.memory_space<vmem>>
    %dma_wait3A_967 = arith.constant 0 : i32
    %dma_wait3A_968 = arith.constant 0 : i32
    %dma_wait3A_969 = tpu.memref_slice %arg2[%dma_wait3A_967, %dma_wait3A_968] : memref<16384x16xf32, #tpu.memory_space<hbm>> -> memref<16384x16xf32, #tpu.memory_space<hbm>>
    tpu.wait_indirect_dma semaphore(%arg7 : memref<!tpu.dma_semaphore, #tpu.memory_space<semaphore_mem>>) src(%dma_wait3A_969 : memref<16384x16xf32, #tpu.memory_space<hbm>>) dst(%dma_wait3A_963 : memref<128x16xf32, #tpu.memory_space<vmem>>)
    %dma_wait3A_970 = arith.constant 9 : i32
    %dma_wait3A_971 = arith.constant 1152 : i32
    %dma_wait3A_972 = arith.constant 0 : i32
    %dma_wait3A_973 = tpu.memref_slice %arg6[%dma_wait3A_971, %dma_wait3A_972] : memref<2048x16xf32, #tpu.memory_space<vmem>> -> memref<128x16xf32, #tpu.memory_space<vmem>>
    %dma_wait3A_974 = arith.constant 0 : i32
    %dma_wait3A_975 = tpu.memref_slice %arg5[%dma_wait3A_970, %dma_wait3A_974] : memref<16x128xi32, #tpu.memory_space<vmem>> -> memref<1x128xi32, #tpu.memory_space<vmem>>
    %dma_wait3A_976 = tpu.memref_squeeze %dma_wait3A_975 : memref<1x128xi32, #tpu.memory_space<vmem>> -> memref<128xi32, #tpu.memory_space<vmem>>
    %dma_wait3A_977 = arith.constant 0 : i32
    %dma_wait3A_978 = arith.constant 0 : i32
    %dma_wait3A_979 = tpu.memref_slice %arg2[%dma_wait3A_977, %dma_wait3A_978] : memref<16384x16xf32, #tpu.memory_space<hbm>> -> memref<16384x16xf32, #tpu.memory_space<hbm>>
    tpu.wait_indirect_dma semaphore(%arg7 : memref<!tpu.dma_semaphore, #tpu.memory_space<semaphore_mem>>) src(%dma_wait3A_979 : memref<16384x16xf32, #tpu.memory_space<hbm>>) dst(%dma_wait3A_973 : memref<128x16xf32, #tpu.memory_space<vmem>>)
    %dma_wait3A_980 = arith.constant 10 : i32
    %dma_wait3A_981 = arith.constant 1280 : i32
    %dma_wait3A_982 = arith.constant 0 : i32
    %dma_wait3A_983 = tpu.memref_slice %arg6[%dma_wait3A_981, %dma_wait3A_982] : memref<2048x16xf32, #tpu.memory_space<vmem>> -> memref<128x16xf32, #tpu.memory_space<vmem>>
    %dma_wait3A_984 = arith.constant 0 : i32
    %dma_wait3A_985 = tpu.memref_slice %arg5[%dma_wait3A_980, %dma_wait3A_984] : memref<16x128xi32, #tpu.memory_space<vmem>> -> memref<1x128xi32, #tpu.memory_space<vmem>>
    %dma_wait3A_986 = tpu.memref_squeeze %dma_wait3A_985 : memref<1x128xi32, #tpu.memory_space<vmem>> -> memref<128xi32, #tpu.memory_space<vmem>>
    %dma_wait3A_987 = arith.constant 0 : i32
    %dma_wait3A_988 = arith.constant 0 : i32
    %dma_wait3A_989 = tpu.memref_slice %arg2[%dma_wait3A_987, %dma_wait3A_988] : memref<16384x16xf32, #tpu.memory_space<hbm>> -> memref<16384x16xf32, #tpu.memory_space<hbm>>
    tpu.wait_indirect_dma semaphore(%arg7 : memref<!tpu.dma_semaphore, #tpu.memory_space<semaphore_mem>>) src(%dma_wait3A_989 : memref<16384x16xf32, #tpu.memory_space<hbm>>) dst(%dma_wait3A_983 : memref<128x16xf32, #tpu.memory_space<vmem>>)
    %dma_wait3A_990 = arith.constant 11 : i32
    %dma_wait3A_991 = arith.constant 1408 : i32
    %dma_wait3A_992 = arith.constant 0 : i32
    %dma_wait3A_993 = tpu.memref_slice %arg6[%dma_wait3A_991, %dma_wait3A_992] : memref<2048x16xf32, #tpu.memory_space<vmem>> -> memref<128x16xf32, #tpu.memory_space<vmem>>
    %dma_wait3A_994 = arith.constant 0 : i32
    %dma_wait3A_995 = tpu.memref_slice %arg5[%dma_wait3A_990, %dma_wait3A_994] : memref<16x128xi32, #tpu.memory_space<vmem>> -> memref<1x128xi32, #tpu.memory_space<vmem>>
    %dma_wait3A_996 = tpu.memref_squeeze %dma_wait3A_995 : memref<1x128xi32, #tpu.memory_space<vmem>> -> memref<128xi32, #tpu.memory_space<vmem>>
    %dma_wait3A_997 = arith.constant 0 : i32
    %dma_wait3A_998 = arith.constant 0 : i32
    %dma_wait3A_999 = tpu.memref_slice %arg2[%dma_wait3A_997, %dma_wait3A_998] : memref<16384x16xf32, #tpu.memory_space<hbm>> -> memref<16384x16xf32, #tpu.memory_space<hbm>>
    tpu.wait_indirect_dma semaphore(%arg7 : memref<!tpu.dma_semaphore, #tpu.memory_space<semaphore_mem>>) src(%dma_wait3A_999 : memref<16384x16xf32, #tpu.memory_space<hbm>>) dst(%dma_wait3A_993 : memref<128x16xf32, #tpu.memory_space<vmem>>)
    %dma_wait3A_1000 = arith.constant 12 : i32
    %dma_wait3A_1001 = arith.constant 1536 : i32
    %dma_wait3A_1002 = arith.constant 0 : i32
    %dma_wait3A_1003 = tpu.memref_slice %arg6[%dma_wait3A_1001, %dma_wait3A_1002] : memref<2048x16xf32, #tpu.memory_space<vmem>> -> memref<128x16xf32, #tpu.memory_space<vmem>>
    %dma_wait3A_1004 = arith.constant 0 : i32
    %dma_wait3A_1005 = tpu.memref_slice %arg5[%dma_wait3A_1000, %dma_wait3A_1004] : memref<16x128xi32, #tpu.memory_space<vmem>> -> memref<1x128xi32, #tpu.memory_space<vmem>>
    %dma_wait3A_1006 = tpu.memref_squeeze %dma_wait3A_1005 : memref<1x128xi32, #tpu.memory_space<vmem>> -> memref<128xi32, #tpu.memory_space<vmem>>
    %dma_wait3A_1007 = arith.constant 0 : i32
    %dma_wait3A_1008 = arith.constant 0 : i32
    %dma_wait3A_1009 = tpu.memref_slice %arg2[%dma_wait3A_1007, %dma_wait3A_1008] : memref<16384x16xf32, #tpu.memory_space<hbm>> -> memref<16384x16xf32, #tpu.memory_space<hbm>>
    tpu.wait_indirect_dma semaphore(%arg7 : memref<!tpu.dma_semaphore, #tpu.memory_space<semaphore_mem>>) src(%dma_wait3A_1009 : memref<16384x16xf32, #tpu.memory_space<hbm>>) dst(%dma_wait3A_1003 : memref<128x16xf32, #tpu.memory_space<vmem>>)
    %dma_wait3A_1010 = arith.constant 13 : i32
    %dma_wait3A_1011 = arith.constant 1664 : i32
    %dma_wait3A_1012 = arith.constant 0 : i32
    %dma_wait3A_1013 = tpu.memref_slice %arg6[%dma_wait3A_1011, %dma_wait3A_1012] : memref<2048x16xf32, #tpu.memory_space<vmem>> -> memref<128x16xf32, #tpu.memory_space<vmem>>
    %dma_wait3A_1014 = arith.constant 0 : i32
    %dma_wait3A_1015 = tpu.memref_slice %arg5[%dma_wait3A_1010, %dma_wait3A_1014] : memref<16x128xi32, #tpu.memory_space<vmem>> -> memref<1x128xi32, #tpu.memory_space<vmem>>
    %dma_wait3A_1016 = tpu.memref_squeeze %dma_wait3A_1015 : memref<1x128xi32, #tpu.memory_space<vmem>> -> memref<128xi32, #tpu.memory_space<vmem>>
    %dma_wait3A_1017 = arith.constant 0 : i32
    %dma_wait3A_1018 = arith.constant 0 : i32
    %dma_wait3A_1019 = tpu.memref_slice %arg2[%dma_wait3A_1017, %dma_wait3A_1018] : memref<16384x16xf32, #tpu.memory_space<hbm>> -> memref<16384x16xf32, #tpu.memory_space<hbm>>
    tpu.wait_indirect_dma semaphore(%arg7 : memref<!tpu.dma_semaphore, #tpu.memory_space<semaphore_mem>>) src(%dma_wait3A_1019 : memref<16384x16xf32, #tpu.memory_space<hbm>>) dst(%dma_wait3A_1013 : memref<128x16xf32, #tpu.memory_space<vmem>>)
    %dma_wait3A_1020 = arith.constant 14 : i32
    %dma_wait3A_1021 = arith.constant 1792 : i32
    %dma_wait3A_1022 = arith.constant 0 : i32
    %dma_wait3A_1023 = tpu.memref_slice %arg6[%dma_wait3A_1021, %dma_wait3A_1022] : memref<2048x16xf32, #tpu.memory_space<vmem>> -> memref<128x16xf32, #tpu.memory_space<vmem>>
    %dma_wait3A_1024 = arith.constant 0 : i32
    %dma_wait3A_1025 = tpu.memref_slice %arg5[%dma_wait3A_1020, %dma_wait3A_1024] : memref<16x128xi32, #tpu.memory_space<vmem>> -> memref<1x128xi32, #tpu.memory_space<vmem>>
    %dma_wait3A_1026 = tpu.memref_squeeze %dma_wait3A_1025 : memref<1x128xi32, #tpu.memory_space<vmem>> -> memref<128xi32, #tpu.memory_space<vmem>>
    %dma_wait3A_1027 = arith.constant 0 : i32
    %dma_wait3A_1028 = arith.constant 0 : i32
    %dma_wait3A_1029 = tpu.memref_slice %arg2[%dma_wait3A_1027, %dma_wait3A_1028] : memref<16384x16xf32, #tpu.memory_space<hbm>> -> memref<16384x16xf32, #tpu.memory_space<hbm>>
    tpu.wait_indirect_dma semaphore(%arg7 : memref<!tpu.dma_semaphore, #tpu.memory_space<semaphore_mem>>) src(%dma_wait3A_1029 : memref<16384x16xf32, #tpu.memory_space<hbm>>) dst(%dma_wait3A_1023 : memref<128x16xf32, #tpu.memory_space<vmem>>)
    %dma_wait3A_1030 = arith.constant 15 : i32
    %dma_wait3A_1031 = arith.constant 1920 : i32
    %dma_wait3A_1032 = arith.constant 0 : i32
    %dma_wait3A_1033 = tpu.memref_slice %arg6[%dma_wait3A_1031, %dma_wait3A_1032] : memref<2048x16xf32, #tpu.memory_space<vmem>> -> memref<128x16xf32, #tpu.memory_space<vmem>>
    %dma_wait3A_1034 = arith.constant 0 : i32
    %dma_wait3A_1035 = tpu.memref_slice %arg5[%dma_wait3A_1030, %dma_wait3A_1034] : memref<16x128xi32, #tpu.memory_space<vmem>> -> memref<1x128xi32, #tpu.memory_space<vmem>>
    %dma_wait3A_1036 = tpu.memref_squeeze %dma_wait3A_1035 : memref<1x128xi32, #tpu.memory_space<vmem>> -> memref<128xi32, #tpu.memory_space<vmem>>
    %dma_wait3A_1037 = arith.constant 0 : i32
    %dma_wait3A_1038 = arith.constant 0 : i32
    %dma_wait3A_1039 = tpu.memref_slice %arg2[%dma_wait3A_1037, %dma_wait3A_1038] : memref<16384x16xf32, #tpu.memory_space<hbm>> -> memref<16384x16xf32, #tpu.memory_space<hbm>>
    tpu.wait_indirect_dma semaphore(%arg7 : memref<!tpu.dma_semaphore, #tpu.memory_space<semaphore_mem>>) src(%dma_wait3A_1039 : memref<16384x16xf32, #tpu.memory_space<hbm>>) dst(%dma_wait3A_1033 : memref<128x16xf32, #tpu.memory_space<vmem>>)
    "tpu.region"() ({
      %run_scoped3A = tpu.sem_alloc : memref<!tpu.dma_semaphore, #tpu.memory_space<semaphore_mem>>
      %dma_start3A_1390 = arith.constant 0 : i32
      %dma_start3A_1391 = tpu.memref_slice %arg4[%multiple_of3A_694, %dma_start3A_1390] : memref<262144x16xf32, #tpu.memory_space<hbm>> -> memref<2048x16xf32, #tpu.memory_space<hbm>>
      %dma_start3A_1392 = arith.constant 0 : i32
      %dma_start3A_1393 = tpu.memref_slice %arg4[%multiple_of3A_694, %dma_start3A_1392] : memref<262144x16xf32, #tpu.memory_space<hbm>> -> memref<2048x16xf32, #tpu.memory_space<hbm>>
      tpu.enqueue_dma source(%arg6 : memref<2048x16xf32, #tpu.memory_space<vmem>>) target(%dma_start3A_1393 : memref<2048x16xf32, #tpu.memory_space<hbm>>) target_semaphore(%run_scoped3A : memref<!tpu.dma_semaphore, #tpu.memory_space<semaphore_mem>>)
      %dma_wait3A_1394 = arith.constant 0 : i32
      %dma_wait3A_1395 = tpu.memref_slice %arg4[%multiple_of3A_694, %dma_wait3A_1394] : memref<262144x16xf32, #tpu.memory_space<hbm>> -> memref<2048x16xf32, #tpu.memory_space<hbm>>
      %dma_wait3A_1396 = arith.constant 0 : i32
      %dma_wait3A_1397 = tpu.memref_slice %arg4[%multiple_of3A_694, %dma_wait3A_1396] : memref<262144x16xf32, #tpu.memory_space<hbm>> -> memref<2048x16xf32, #tpu.memory_space<hbm>>
      tpu.wait_dma2 semaphore(%run_scoped3A : memref<!tpu.dma_semaphore, #tpu.memory_space<semaphore_mem>>) src(%arg6 : memref<2048x16xf32, #tpu.memory_space<vmem>>) dst(%dma_wait3A_1397 : memref<2048x16xf32, #tpu.memory_space<hbm>>)
      tpu.yield
    }) : () -> ()
    %mul3A_1040 = arith.constant 8192 : i32
    %mul3A_1041 = arith.muli %add3A, %mul3A_1040 : i32
    %add3A_1042 = arith.constant 6144 : i32
    %add3A_1043 = arith.addi %mul3A_1041, %add3A_1042 : i32
    %multiple_of3A_1044 = tpu.assume_multiple %add3A_1043, 2048 : i32
    %jit3A_1045 = arith.constant 128 : i32
    %div3A_1046 = arith.divsi %multiple_of3A_1044, %jit3A_1045 : i32
    %sign3A_1047 = arith.constant 0 : i32
    %sign3A_1048 = arith.cmpi sgt, %multiple_of3A_1044, %sign3A_1047 : i32
    %sign3A_1049 = arith.extui %sign3A_1048 : i1 to i32
    %sign3A_1050 = arith.constant 0 : i32
    %sign3A_1051 = arith.cmpi slt, %multiple_of3A_1044, %sign3A_1050 : i32
    %sign3A_1052 = arith.extui %sign3A_1051 : i1 to i32
    %sign3A_1053 = arith.subi %sign3A_1049, %sign3A_1052 : i32
    %sign3A_1054 = arith.constant 0 : i32
    %sign3A_1055 = arith.cmpi sgt, %jit3A_1045, %sign3A_1054 : i32
    %sign3A_1056 = arith.extui %sign3A_1055 : i1 to i32
    %sign3A_1057 = arith.constant 0 : i32
    %sign3A_1058 = arith.cmpi slt, %jit3A_1045, %sign3A_1057 : i32
    %sign3A_1059 = arith.extui %sign3A_1058 : i1 to i32
    %sign3A_1060 = arith.subi %sign3A_1056, %sign3A_1059 : i32
    %ne3A_1061 = arith.cmpi ne, %sign3A_1053, %sign3A_1060 : i32
    %rem3A_1062 = arith.remsi %multiple_of3A_1044, %jit3A_1045 : i32
    %ne3A_1063 = arith.constant 0 : i32
    %ne3A_1064 = arith.cmpi ne, %rem3A_1062, %ne3A_1063 : i32
    %and3A_1065 = arith.andi %ne3A_1061, %ne3A_1064 : i1
    %sub3A_1066 = arith.constant 1 : i32
    %sub3A_1067 = arith.subi %div3A_1046, %sub3A_1066 : i32
    %select_n3A_1068 = arith.select %and3A_1065, %sub3A_1067, %div3A_1046 : i32
    %multiple_of3A_1069 = tpu.assume_multiple %select_n3A_1068, 16 : i32
    "tpu.region"() ({
      %run_scoped3A = tpu.sem_alloc : memref<!tpu.dma_semaphore, #tpu.memory_space<semaphore_mem>>
      %dma_start3A_1390 = arith.constant 0 : i32
      %dma_start3A_1391 = tpu.memref_slice %arg3[%multiple_of3A_1069, %dma_start3A_1390] : memref<2048x128xi32, #tpu.memory_space<hbm>> -> memref<16x128xi32, #tpu.memory_space<hbm>>
      %dma_start3A_1392 = arith.constant 0 : i32
      %dma_start3A_1393 = tpu.memref_slice %arg3[%multiple_of3A_1069, %dma_start3A_1392] : memref<2048x128xi32, #tpu.memory_space<hbm>> -> memref<16x128xi32, #tpu.memory_space<hbm>>
      tpu.enqueue_dma source(%dma_start3A_1393 : memref<16x128xi32, #tpu.memory_space<hbm>>) target(%arg5 : memref<16x128xi32, #tpu.memory_space<vmem>>) target_semaphore(%run_scoped3A : memref<!tpu.dma_semaphore, #tpu.memory_space<semaphore_mem>>)
      %dma_wait3A_1394 = arith.constant 0 : i32
      %dma_wait3A_1395 = tpu.memref_slice %arg3[%multiple_of3A_1069, %dma_wait3A_1394] : memref<2048x128xi32, #tpu.memory_space<hbm>> -> memref<16x128xi32, #tpu.memory_space<hbm>>
      %dma_wait3A_1396 = arith.constant 0 : i32
      %dma_wait3A_1397 = tpu.memref_slice %arg3[%multiple_of3A_1069, %dma_wait3A_1396] : memref<2048x128xi32, #tpu.memory_space<hbm>> -> memref<16x128xi32, #tpu.memory_space<hbm>>
      tpu.wait_dma2 semaphore(%run_scoped3A : memref<!tpu.dma_semaphore, #tpu.memory_space<semaphore_mem>>) src(%dma_wait3A_1397 : memref<16x128xi32, #tpu.memory_space<hbm>>) dst(%arg5 : memref<16x128xi32, #tpu.memory_space<vmem>>)
      tpu.yield
    }) : () -> ()
    %dma_start3A_1070 = arith.constant 0 : i32
    %dma_start3A_1071 = arith.constant 0 : i32
    %dma_start3A_1072 = arith.constant 0 : i32
    %dma_start3A_1073 = tpu.memref_slice %arg6[%dma_start3A_1071, %dma_start3A_1072] : memref<2048x16xf32, #tpu.memory_space<vmem>> -> memref<128x16xf32, #tpu.memory_space<vmem>>
    %dma_start3A_1074 = arith.constant 0 : i32
    %dma_start3A_1075 = tpu.memref_slice %arg5[%dma_start3A_1070, %dma_start3A_1074] : memref<16x128xi32, #tpu.memory_space<vmem>> -> memref<1x128xi32, #tpu.memory_space<vmem>>
    %dma_start3A_1076 = tpu.memref_squeeze %dma_start3A_1075 : memref<1x128xi32, #tpu.memory_space<vmem>> -> memref<128xi32, #tpu.memory_space<vmem>>
    %dma_start3A_1077 = arith.constant 0 : i32
    %dma_start3A_1078 = arith.constant 0 : i32
    %dma_start3A_1079 = tpu.memref_slice %arg2[%dma_start3A_1077, %dma_start3A_1078] : memref<16384x16xf32, #tpu.memory_space<hbm>> -> memref<16384x16xf32, #tpu.memory_space<hbm>>
    tpu.enqueue_indirect_dma source(%dma_start3A_1079 : memref<16384x16xf32, #tpu.memory_space<hbm>>) target(%dma_start3A_1073 : memref<128x16xf32, #tpu.memory_space<vmem>>) offsets(%dma_start3A_1076 : memref<128xi32, #tpu.memory_space<vmem>>) semaphore(%arg7 : memref<!tpu.dma_semaphore, #tpu.memory_space<semaphore_mem>>)
    %dma_start3A_1080 = arith.constant 1 : i32
    %dma_start3A_1081 = arith.constant 128 : i32
    %dma_start3A_1082 = arith.constant 0 : i32
    %dma_start3A_1083 = tpu.memref_slice %arg6[%dma_start3A_1081, %dma_start3A_1082] : memref<2048x16xf32, #tpu.memory_space<vmem>> -> memref<128x16xf32, #tpu.memory_space<vmem>>
    %dma_start3A_1084 = arith.constant 0 : i32
    %dma_start3A_1085 = tpu.memref_slice %arg5[%dma_start3A_1080, %dma_start3A_1084] : memref<16x128xi32, #tpu.memory_space<vmem>> -> memref<1x128xi32, #tpu.memory_space<vmem>>
    %dma_start3A_1086 = tpu.memref_squeeze %dma_start3A_1085 : memref<1x128xi32, #tpu.memory_space<vmem>> -> memref<128xi32, #tpu.memory_space<vmem>>
    %dma_start3A_1087 = arith.constant 0 : i32
    %dma_start3A_1088 = arith.constant 0 : i32
    %dma_start3A_1089 = tpu.memref_slice %arg2[%dma_start3A_1087, %dma_start3A_1088] : memref<16384x16xf32, #tpu.memory_space<hbm>> -> memref<16384x16xf32, #tpu.memory_space<hbm>>
    tpu.enqueue_indirect_dma source(%dma_start3A_1089 : memref<16384x16xf32, #tpu.memory_space<hbm>>) target(%dma_start3A_1083 : memref<128x16xf32, #tpu.memory_space<vmem>>) offsets(%dma_start3A_1086 : memref<128xi32, #tpu.memory_space<vmem>>) semaphore(%arg7 : memref<!tpu.dma_semaphore, #tpu.memory_space<semaphore_mem>>)
    %dma_start3A_1090 = arith.constant 2 : i32
    %dma_start3A_1091 = arith.constant 256 : i32
    %dma_start3A_1092 = arith.constant 0 : i32
    %dma_start3A_1093 = tpu.memref_slice %arg6[%dma_start3A_1091, %dma_start3A_1092] : memref<2048x16xf32, #tpu.memory_space<vmem>> -> memref<128x16xf32, #tpu.memory_space<vmem>>
    %dma_start3A_1094 = arith.constant 0 : i32
    %dma_start3A_1095 = tpu.memref_slice %arg5[%dma_start3A_1090, %dma_start3A_1094] : memref<16x128xi32, #tpu.memory_space<vmem>> -> memref<1x128xi32, #tpu.memory_space<vmem>>
    %dma_start3A_1096 = tpu.memref_squeeze %dma_start3A_1095 : memref<1x128xi32, #tpu.memory_space<vmem>> -> memref<128xi32, #tpu.memory_space<vmem>>
    %dma_start3A_1097 = arith.constant 0 : i32
    %dma_start3A_1098 = arith.constant 0 : i32
    %dma_start3A_1099 = tpu.memref_slice %arg2[%dma_start3A_1097, %dma_start3A_1098] : memref<16384x16xf32, #tpu.memory_space<hbm>> -> memref<16384x16xf32, #tpu.memory_space<hbm>>
    tpu.enqueue_indirect_dma source(%dma_start3A_1099 : memref<16384x16xf32, #tpu.memory_space<hbm>>) target(%dma_start3A_1093 : memref<128x16xf32, #tpu.memory_space<vmem>>) offsets(%dma_start3A_1096 : memref<128xi32, #tpu.memory_space<vmem>>) semaphore(%arg7 : memref<!tpu.dma_semaphore, #tpu.memory_space<semaphore_mem>>)
    %dma_start3A_1100 = arith.constant 3 : i32
    %dma_start3A_1101 = arith.constant 384 : i32
    %dma_start3A_1102 = arith.constant 0 : i32
    %dma_start3A_1103 = tpu.memref_slice %arg6[%dma_start3A_1101, %dma_start3A_1102] : memref<2048x16xf32, #tpu.memory_space<vmem>> -> memref<128x16xf32, #tpu.memory_space<vmem>>
    %dma_start3A_1104 = arith.constant 0 : i32
    %dma_start3A_1105 = tpu.memref_slice %arg5[%dma_start3A_1100, %dma_start3A_1104] : memref<16x128xi32, #tpu.memory_space<vmem>> -> memref<1x128xi32, #tpu.memory_space<vmem>>
    %dma_start3A_1106 = tpu.memref_squeeze %dma_start3A_1105 : memref<1x128xi32, #tpu.memory_space<vmem>> -> memref<128xi32, #tpu.memory_space<vmem>>
    %dma_start3A_1107 = arith.constant 0 : i32
    %dma_start3A_1108 = arith.constant 0 : i32
    %dma_start3A_1109 = tpu.memref_slice %arg2[%dma_start3A_1107, %dma_start3A_1108] : memref<16384x16xf32, #tpu.memory_space<hbm>> -> memref<16384x16xf32, #tpu.memory_space<hbm>>
    tpu.enqueue_indirect_dma source(%dma_start3A_1109 : memref<16384x16xf32, #tpu.memory_space<hbm>>) target(%dma_start3A_1103 : memref<128x16xf32, #tpu.memory_space<vmem>>) offsets(%dma_start3A_1106 : memref<128xi32, #tpu.memory_space<vmem>>) semaphore(%arg7 : memref<!tpu.dma_semaphore, #tpu.memory_space<semaphore_mem>>)
    %dma_start3A_1110 = arith.constant 4 : i32
    %dma_start3A_1111 = arith.constant 512 : i32
    %dma_start3A_1112 = arith.constant 0 : i32
    %dma_start3A_1113 = tpu.memref_slice %arg6[%dma_start3A_1111, %dma_start3A_1112] : memref<2048x16xf32, #tpu.memory_space<vmem>> -> memref<128x16xf32, #tpu.memory_space<vmem>>
    %dma_start3A_1114 = arith.constant 0 : i32
    %dma_start3A_1115 = tpu.memref_slice %arg5[%dma_start3A_1110, %dma_start3A_1114] : memref<16x128xi32, #tpu.memory_space<vmem>> -> memref<1x128xi32, #tpu.memory_space<vmem>>
    %dma_start3A_1116 = tpu.memref_squeeze %dma_start3A_1115 : memref<1x128xi32, #tpu.memory_space<vmem>> -> memref<128xi32, #tpu.memory_space<vmem>>
    %dma_start3A_1117 = arith.constant 0 : i32
    %dma_start3A_1118 = arith.constant 0 : i32
    %dma_start3A_1119 = tpu.memref_slice %arg2[%dma_start3A_1117, %dma_start3A_1118] : memref<16384x16xf32, #tpu.memory_space<hbm>> -> memref<16384x16xf32, #tpu.memory_space<hbm>>
    tpu.enqueue_indirect_dma source(%dma_start3A_1119 : memref<16384x16xf32, #tpu.memory_space<hbm>>) target(%dma_start3A_1113 : memref<128x16xf32, #tpu.memory_space<vmem>>) offsets(%dma_start3A_1116 : memref<128xi32, #tpu.memory_space<vmem>>) semaphore(%arg7 : memref<!tpu.dma_semaphore, #tpu.memory_space<semaphore_mem>>)
    %dma_start3A_1120 = arith.constant 5 : i32
    %dma_start3A_1121 = arith.constant 640 : i32
    %dma_start3A_1122 = arith.constant 0 : i32
    %dma_start3A_1123 = tpu.memref_slice %arg6[%dma_start3A_1121, %dma_start3A_1122] : memref<2048x16xf32, #tpu.memory_space<vmem>> -> memref<128x16xf32, #tpu.memory_space<vmem>>
    %dma_start3A_1124 = arith.constant 0 : i32
    %dma_start3A_1125 = tpu.memref_slice %arg5[%dma_start3A_1120, %dma_start3A_1124] : memref<16x128xi32, #tpu.memory_space<vmem>> -> memref<1x128xi32, #tpu.memory_space<vmem>>
    %dma_start3A_1126 = tpu.memref_squeeze %dma_start3A_1125 : memref<1x128xi32, #tpu.memory_space<vmem>> -> memref<128xi32, #tpu.memory_space<vmem>>
    %dma_start3A_1127 = arith.constant 0 : i32
    %dma_start3A_1128 = arith.constant 0 : i32
    %dma_start3A_1129 = tpu.memref_slice %arg2[%dma_start3A_1127, %dma_start3A_1128] : memref<16384x16xf32, #tpu.memory_space<hbm>> -> memref<16384x16xf32, #tpu.memory_space<hbm>>
    tpu.enqueue_indirect_dma source(%dma_start3A_1129 : memref<16384x16xf32, #tpu.memory_space<hbm>>) target(%dma_start3A_1123 : memref<128x16xf32, #tpu.memory_space<vmem>>) offsets(%dma_start3A_1126 : memref<128xi32, #tpu.memory_space<vmem>>) semaphore(%arg7 : memref<!tpu.dma_semaphore, #tpu.memory_space<semaphore_mem>>)
    %dma_start3A_1130 = arith.constant 6 : i32
    %dma_start3A_1131 = arith.constant 768 : i32
    %dma_start3A_1132 = arith.constant 0 : i32
    %dma_start3A_1133 = tpu.memref_slice %arg6[%dma_start3A_1131, %dma_start3A_1132] : memref<2048x16xf32, #tpu.memory_space<vmem>> -> memref<128x16xf32, #tpu.memory_space<vmem>>
    %dma_start3A_1134 = arith.constant 0 : i32
    %dma_start3A_1135 = tpu.memref_slice %arg5[%dma_start3A_1130, %dma_start3A_1134] : memref<16x128xi32, #tpu.memory_space<vmem>> -> memref<1x128xi32, #tpu.memory_space<vmem>>
    %dma_start3A_1136 = tpu.memref_squeeze %dma_start3A_1135 : memref<1x128xi32, #tpu.memory_space<vmem>> -> memref<128xi32, #tpu.memory_space<vmem>>
    %dma_start3A_1137 = arith.constant 0 : i32
    %dma_start3A_1138 = arith.constant 0 : i32
    %dma_start3A_1139 = tpu.memref_slice %arg2[%dma_start3A_1137, %dma_start3A_1138] : memref<16384x16xf32, #tpu.memory_space<hbm>> -> memref<16384x16xf32, #tpu.memory_space<hbm>>
    tpu.enqueue_indirect_dma source(%dma_start3A_1139 : memref<16384x16xf32, #tpu.memory_space<hbm>>) target(%dma_start3A_1133 : memref<128x16xf32, #tpu.memory_space<vmem>>) offsets(%dma_start3A_1136 : memref<128xi32, #tpu.memory_space<vmem>>) semaphore(%arg7 : memref<!tpu.dma_semaphore, #tpu.memory_space<semaphore_mem>>)
    %dma_start3A_1140 = arith.constant 7 : i32
    %dma_start3A_1141 = arith.constant 896 : i32
    %dma_start3A_1142 = arith.constant 0 : i32
    %dma_start3A_1143 = tpu.memref_slice %arg6[%dma_start3A_1141, %dma_start3A_1142] : memref<2048x16xf32, #tpu.memory_space<vmem>> -> memref<128x16xf32, #tpu.memory_space<vmem>>
    %dma_start3A_1144 = arith.constant 0 : i32
    %dma_start3A_1145 = tpu.memref_slice %arg5[%dma_start3A_1140, %dma_start3A_1144] : memref<16x128xi32, #tpu.memory_space<vmem>> -> memref<1x128xi32, #tpu.memory_space<vmem>>
    %dma_start3A_1146 = tpu.memref_squeeze %dma_start3A_1145 : memref<1x128xi32, #tpu.memory_space<vmem>> -> memref<128xi32, #tpu.memory_space<vmem>>
    %dma_start3A_1147 = arith.constant 0 : i32
    %dma_start3A_1148 = arith.constant 0 : i32
    %dma_start3A_1149 = tpu.memref_slice %arg2[%dma_start3A_1147, %dma_start3A_1148] : memref<16384x16xf32, #tpu.memory_space<hbm>> -> memref<16384x16xf32, #tpu.memory_space<hbm>>
    tpu.enqueue_indirect_dma source(%dma_start3A_1149 : memref<16384x16xf32, #tpu.memory_space<hbm>>) target(%dma_start3A_1143 : memref<128x16xf32, #tpu.memory_space<vmem>>) offsets(%dma_start3A_1146 : memref<128xi32, #tpu.memory_space<vmem>>) semaphore(%arg7 : memref<!tpu.dma_semaphore, #tpu.memory_space<semaphore_mem>>)
    %dma_start3A_1150 = arith.constant 8 : i32
    %dma_start3A_1151 = arith.constant 1024 : i32
    %dma_start3A_1152 = arith.constant 0 : i32
    %dma_start3A_1153 = tpu.memref_slice %arg6[%dma_start3A_1151, %dma_start3A_1152] : memref<2048x16xf32, #tpu.memory_space<vmem>> -> memref<128x16xf32, #tpu.memory_space<vmem>>
    %dma_start3A_1154 = arith.constant 0 : i32
    %dma_start3A_1155 = tpu.memref_slice %arg5[%dma_start3A_1150, %dma_start3A_1154] : memref<16x128xi32, #tpu.memory_space<vmem>> -> memref<1x128xi32, #tpu.memory_space<vmem>>
    %dma_start3A_1156 = tpu.memref_squeeze %dma_start3A_1155 : memref<1x128xi32, #tpu.memory_space<vmem>> -> memref<128xi32, #tpu.memory_space<vmem>>
    %dma_start3A_1157 = arith.constant 0 : i32
    %dma_start3A_1158 = arith.constant 0 : i32
    %dma_start3A_1159 = tpu.memref_slice %arg2[%dma_start3A_1157, %dma_start3A_1158] : memref<16384x16xf32, #tpu.memory_space<hbm>> -> memref<16384x16xf32, #tpu.memory_space<hbm>>
    tpu.enqueue_indirect_dma source(%dma_start3A_1159 : memref<16384x16xf32, #tpu.memory_space<hbm>>) target(%dma_start3A_1153 : memref<128x16xf32, #tpu.memory_space<vmem>>) offsets(%dma_start3A_1156 : memref<128xi32, #tpu.memory_space<vmem>>) semaphore(%arg7 : memref<!tpu.dma_semaphore, #tpu.memory_space<semaphore_mem>>)
    %dma_start3A_1160 = arith.constant 9 : i32
    %dma_start3A_1161 = arith.constant 1152 : i32
    %dma_start3A_1162 = arith.constant 0 : i32
    %dma_start3A_1163 = tpu.memref_slice %arg6[%dma_start3A_1161, %dma_start3A_1162] : memref<2048x16xf32, #tpu.memory_space<vmem>> -> memref<128x16xf32, #tpu.memory_space<vmem>>
    %dma_start3A_1164 = arith.constant 0 : i32
    %dma_start3A_1165 = tpu.memref_slice %arg5[%dma_start3A_1160, %dma_start3A_1164] : memref<16x128xi32, #tpu.memory_space<vmem>> -> memref<1x128xi32, #tpu.memory_space<vmem>>
    %dma_start3A_1166 = tpu.memref_squeeze %dma_start3A_1165 : memref<1x128xi32, #tpu.memory_space<vmem>> -> memref<128xi32, #tpu.memory_space<vmem>>
    %dma_start3A_1167 = arith.constant 0 : i32
    %dma_start3A_1168 = arith.constant 0 : i32
    %dma_start3A_1169 = tpu.memref_slice %arg2[%dma_start3A_1167, %dma_start3A_1168] : memref<16384x16xf32, #tpu.memory_space<hbm>> -> memref<16384x16xf32, #tpu.memory_space<hbm>>
    tpu.enqueue_indirect_dma source(%dma_start3A_1169 : memref<16384x16xf32, #tpu.memory_space<hbm>>) target(%dma_start3A_1163 : memref<128x16xf32, #tpu.memory_space<vmem>>) offsets(%dma_start3A_1166 : memref<128xi32, #tpu.memory_space<vmem>>) semaphore(%arg7 : memref<!tpu.dma_semaphore, #tpu.memory_space<semaphore_mem>>)
    %dma_start3A_1170 = arith.constant 10 : i32
    %dma_start3A_1171 = arith.constant 1280 : i32
    %dma_start3A_1172 = arith.constant 0 : i32
    %dma_start3A_1173 = tpu.memref_slice %arg6[%dma_start3A_1171, %dma_start3A_1172] : memref<2048x16xf32, #tpu.memory_space<vmem>> -> memref<128x16xf32, #tpu.memory_space<vmem>>
    %dma_start3A_1174 = arith.constant 0 : i32
    %dma_start3A_1175 = tpu.memref_slice %arg5[%dma_start3A_1170, %dma_start3A_1174] : memref<16x128xi32, #tpu.memory_space<vmem>> -> memref<1x128xi32, #tpu.memory_space<vmem>>
    %dma_start3A_1176 = tpu.memref_squeeze %dma_start3A_1175 : memref<1x128xi32, #tpu.memory_space<vmem>> -> memref<128xi32, #tpu.memory_space<vmem>>
    %dma_start3A_1177 = arith.constant 0 : i32
    %dma_start3A_1178 = arith.constant 0 : i32
    %dma_start3A_1179 = tpu.memref_slice %arg2[%dma_start3A_1177, %dma_start3A_1178] : memref<16384x16xf32, #tpu.memory_space<hbm>> -> memref<16384x16xf32, #tpu.memory_space<hbm>>
    tpu.enqueue_indirect_dma source(%dma_start3A_1179 : memref<16384x16xf32, #tpu.memory_space<hbm>>) target(%dma_start3A_1173 : memref<128x16xf32, #tpu.memory_space<vmem>>) offsets(%dma_start3A_1176 : memref<128xi32, #tpu.memory_space<vmem>>) semaphore(%arg7 : memref<!tpu.dma_semaphore, #tpu.memory_space<semaphore_mem>>)
    %dma_start3A_1180 = arith.constant 11 : i32
    %dma_start3A_1181 = arith.constant 1408 : i32
    %dma_start3A_1182 = arith.constant 0 : i32
    %dma_start3A_1183 = tpu.memref_slice %arg6[%dma_start3A_1181, %dma_start3A_1182] : memref<2048x16xf32, #tpu.memory_space<vmem>> -> memref<128x16xf32, #tpu.memory_space<vmem>>
    %dma_start3A_1184 = arith.constant 0 : i32
    %dma_start3A_1185 = tpu.memref_slice %arg5[%dma_start3A_1180, %dma_start3A_1184] : memref<16x128xi32, #tpu.memory_space<vmem>> -> memref<1x128xi32, #tpu.memory_space<vmem>>
    %dma_start3A_1186 = tpu.memref_squeeze %dma_start3A_1185 : memref<1x128xi32, #tpu.memory_space<vmem>> -> memref<128xi32, #tpu.memory_space<vmem>>
    %dma_start3A_1187 = arith.constant 0 : i32
    %dma_start3A_1188 = arith.constant 0 : i32
    %dma_start3A_1189 = tpu.memref_slice %arg2[%dma_start3A_1187, %dma_start3A_1188] : memref<16384x16xf32, #tpu.memory_space<hbm>> -> memref<16384x16xf32, #tpu.memory_space<hbm>>
    tpu.enqueue_indirect_dma source(%dma_start3A_1189 : memref<16384x16xf32, #tpu.memory_space<hbm>>) target(%dma_start3A_1183 : memref<128x16xf32, #tpu.memory_space<vmem>>) offsets(%dma_start3A_1186 : memref<128xi32, #tpu.memory_space<vmem>>) semaphore(%arg7 : memref<!tpu.dma_semaphore, #tpu.memory_space<semaphore_mem>>)
    %dma_start3A_1190 = arith.constant 12 : i32
    %dma_start3A_1191 = arith.constant 1536 : i32
    %dma_start3A_1192 = arith.constant 0 : i32
    %dma_start3A_1193 = tpu.memref_slice %arg6[%dma_start3A_1191, %dma_start3A_1192] : memref<2048x16xf32, #tpu.memory_space<vmem>> -> memref<128x16xf32, #tpu.memory_space<vmem>>
    %dma_start3A_1194 = arith.constant 0 : i32
    %dma_start3A_1195 = tpu.memref_slice %arg5[%dma_start3A_1190, %dma_start3A_1194] : memref<16x128xi32, #tpu.memory_space<vmem>> -> memref<1x128xi32, #tpu.memory_space<vmem>>
    %dma_start3A_1196 = tpu.memref_squeeze %dma_start3A_1195 : memref<1x128xi32, #tpu.memory_space<vmem>> -> memref<128xi32, #tpu.memory_space<vmem>>
    %dma_start3A_1197 = arith.constant 0 : i32
    %dma_start3A_1198 = arith.constant 0 : i32
    %dma_start3A_1199 = tpu.memref_slice %arg2[%dma_start3A_1197, %dma_start3A_1198] : memref<16384x16xf32, #tpu.memory_space<hbm>> -> memref<16384x16xf32, #tpu.memory_space<hbm>>
    tpu.enqueue_indirect_dma source(%dma_start3A_1199 : memref<16384x16xf32, #tpu.memory_space<hbm>>) target(%dma_start3A_1193 : memref<128x16xf32, #tpu.memory_space<vmem>>) offsets(%dma_start3A_1196 : memref<128xi32, #tpu.memory_space<vmem>>) semaphore(%arg7 : memref<!tpu.dma_semaphore, #tpu.memory_space<semaphore_mem>>)
    %dma_start3A_1200 = arith.constant 13 : i32
    %dma_start3A_1201 = arith.constant 1664 : i32
    %dma_start3A_1202 = arith.constant 0 : i32
    %dma_start3A_1203 = tpu.memref_slice %arg6[%dma_start3A_1201, %dma_start3A_1202] : memref<2048x16xf32, #tpu.memory_space<vmem>> -> memref<128x16xf32, #tpu.memory_space<vmem>>
    %dma_start3A_1204 = arith.constant 0 : i32
    %dma_start3A_1205 = tpu.memref_slice %arg5[%dma_start3A_1200, %dma_start3A_1204] : memref<16x128xi32, #tpu.memory_space<vmem>> -> memref<1x128xi32, #tpu.memory_space<vmem>>
    %dma_start3A_1206 = tpu.memref_squeeze %dma_start3A_1205 : memref<1x128xi32, #tpu.memory_space<vmem>> -> memref<128xi32, #tpu.memory_space<vmem>>
    %dma_start3A_1207 = arith.constant 0 : i32
    %dma_start3A_1208 = arith.constant 0 : i32
    %dma_start3A_1209 = tpu.memref_slice %arg2[%dma_start3A_1207, %dma_start3A_1208] : memref<16384x16xf32, #tpu.memory_space<hbm>> -> memref<16384x16xf32, #tpu.memory_space<hbm>>
    tpu.enqueue_indirect_dma source(%dma_start3A_1209 : memref<16384x16xf32, #tpu.memory_space<hbm>>) target(%dma_start3A_1203 : memref<128x16xf32, #tpu.memory_space<vmem>>) offsets(%dma_start3A_1206 : memref<128xi32, #tpu.memory_space<vmem>>) semaphore(%arg7 : memref<!tpu.dma_semaphore, #tpu.memory_space<semaphore_mem>>)
    %dma_start3A_1210 = arith.constant 14 : i32
    %dma_start3A_1211 = arith.constant 1792 : i32
    %dma_start3A_1212 = arith.constant 0 : i32
    %dma_start3A_1213 = tpu.memref_slice %arg6[%dma_start3A_1211, %dma_start3A_1212] : memref<2048x16xf32, #tpu.memory_space<vmem>> -> memref<128x16xf32, #tpu.memory_space<vmem>>
    %dma_start3A_1214 = arith.constant 0 : i32
    %dma_start3A_1215 = tpu.memref_slice %arg5[%dma_start3A_1210, %dma_start3A_1214] : memref<16x128xi32, #tpu.memory_space<vmem>> -> memref<1x128xi32, #tpu.memory_space<vmem>>
    %dma_start3A_1216 = tpu.memref_squeeze %dma_start3A_1215 : memref<1x128xi32, #tpu.memory_space<vmem>> -> memref<128xi32, #tpu.memory_space<vmem>>
    %dma_start3A_1217 = arith.constant 0 : i32
    %dma_start3A_1218 = arith.constant 0 : i32
    %dma_start3A_1219 = tpu.memref_slice %arg2[%dma_start3A_1217, %dma_start3A_1218] : memref<16384x16xf32, #tpu.memory_space<hbm>> -> memref<16384x16xf32, #tpu.memory_space<hbm>>
    tpu.enqueue_indirect_dma source(%dma_start3A_1219 : memref<16384x16xf32, #tpu.memory_space<hbm>>) target(%dma_start3A_1213 : memref<128x16xf32, #tpu.memory_space<vmem>>) offsets(%dma_start3A_1216 : memref<128xi32, #tpu.memory_space<vmem>>) semaphore(%arg7 : memref<!tpu.dma_semaphore, #tpu.memory_space<semaphore_mem>>)
    %dma_start3A_1220 = arith.constant 15 : i32
    %dma_start3A_1221 = arith.constant 1920 : i32
    %dma_start3A_1222 = arith.constant 0 : i32
    %dma_start3A_1223 = tpu.memref_slice %arg6[%dma_start3A_1221, %dma_start3A_1222] : memref<2048x16xf32, #tpu.memory_space<vmem>> -> memref<128x16xf32, #tpu.memory_space<vmem>>
    %dma_start3A_1224 = arith.constant 0 : i32
    %dma_start3A_1225 = tpu.memref_slice %arg5[%dma_start3A_1220, %dma_start3A_1224] : memref<16x128xi32, #tpu.memory_space<vmem>> -> memref<1x128xi32, #tpu.memory_space<vmem>>
    %dma_start3A_1226 = tpu.memref_squeeze %dma_start3A_1225 : memref<1x128xi32, #tpu.memory_space<vmem>> -> memref<128xi32, #tpu.memory_space<vmem>>
    %dma_start3A_1227 = arith.constant 0 : i32
    %dma_start3A_1228 = arith.constant 0 : i32
    %dma_start3A_1229 = tpu.memref_slice %arg2[%dma_start3A_1227, %dma_start3A_1228] : memref<16384x16xf32, #tpu.memory_space<hbm>> -> memref<16384x16xf32, #tpu.memory_space<hbm>>
    tpu.enqueue_indirect_dma source(%dma_start3A_1229 : memref<16384x16xf32, #tpu.memory_space<hbm>>) target(%dma_start3A_1223 : memref<128x16xf32, #tpu.memory_space<vmem>>) offsets(%dma_start3A_1226 : memref<128xi32, #tpu.memory_space<vmem>>) semaphore(%arg7 : memref<!tpu.dma_semaphore, #tpu.memory_space<semaphore_mem>>)
    %dma_wait3A_1230 = arith.constant 0 : i32
    %dma_wait3A_1231 = arith.constant 0 : i32
    %dma_wait3A_1232 = arith.constant 0 : i32
    %dma_wait3A_1233 = tpu.memref_slice %arg6[%dma_wait3A_1231, %dma_wait3A_1232] : memref<2048x16xf32, #tpu.memory_space<vmem>> -> memref<128x16xf32, #tpu.memory_space<vmem>>
    %dma_wait3A_1234 = arith.constant 0 : i32
    %dma_wait3A_1235 = tpu.memref_slice %arg5[%dma_wait3A_1230, %dma_wait3A_1234] : memref<16x128xi32, #tpu.memory_space<vmem>> -> memref<1x128xi32, #tpu.memory_space<vmem>>
    %dma_wait3A_1236 = tpu.memref_squeeze %dma_wait3A_1235 : memref<1x128xi32, #tpu.memory_space<vmem>> -> memref<128xi32, #tpu.memory_space<vmem>>
    %dma_wait3A_1237 = arith.constant 0 : i32
    %dma_wait3A_1238 = arith.constant 0 : i32
    %dma_wait3A_1239 = tpu.memref_slice %arg2[%dma_wait3A_1237, %dma_wait3A_1238] : memref<16384x16xf32, #tpu.memory_space<hbm>> -> memref<16384x16xf32, #tpu.memory_space<hbm>>
    tpu.wait_indirect_dma semaphore(%arg7 : memref<!tpu.dma_semaphore, #tpu.memory_space<semaphore_mem>>) src(%dma_wait3A_1239 : memref<16384x16xf32, #tpu.memory_space<hbm>>) dst(%dma_wait3A_1233 : memref<128x16xf32, #tpu.memory_space<vmem>>)
    %dma_wait3A_1240 = arith.constant 1 : i32
    %dma_wait3A_1241 = arith.constant 128 : i32
    %dma_wait3A_1242 = arith.constant 0 : i32
    %dma_wait3A_1243 = tpu.memref_slice %arg6[%dma_wait3A_1241, %dma_wait3A_1242] : memref<2048x16xf32, #tpu.memory_space<vmem>> -> memref<128x16xf32, #tpu.memory_space<vmem>>
    %dma_wait3A_1244 = arith.constant 0 : i32
    %dma_wait3A_1245 = tpu.memref_slice %arg5[%dma_wait3A_1240, %dma_wait3A_1244] : memref<16x128xi32, #tpu.memory_space<vmem>> -> memref<1x128xi32, #tpu.memory_space<vmem>>
    %dma_wait3A_1246 = tpu.memref_squeeze %dma_wait3A_1245 : memref<1x128xi32, #tpu.memory_space<vmem>> -> memref<128xi32, #tpu.memory_space<vmem>>
    %dma_wait3A_1247 = arith.constant 0 : i32
    %dma_wait3A_1248 = arith.constant 0 : i32
    %dma_wait3A_1249 = tpu.memref_slice %arg2[%dma_wait3A_1247, %dma_wait3A_1248] : memref<16384x16xf32, #tpu.memory_space<hbm>> -> memref<16384x16xf32, #tpu.memory_space<hbm>>
    tpu.wait_indirect_dma semaphore(%arg7 : memref<!tpu.dma_semaphore, #tpu.memory_space<semaphore_mem>>) src(%dma_wait3A_1249 : memref<16384x16xf32, #tpu.memory_space<hbm>>) dst(%dma_wait3A_1243 : memref<128x16xf32, #tpu.memory_space<vmem>>)
    %dma_wait3A_1250 = arith.constant 2 : i32
    %dma_wait3A_1251 = arith.constant 256 : i32
    %dma_wait3A_1252 = arith.constant 0 : i32
    %dma_wait3A_1253 = tpu.memref_slice %arg6[%dma_wait3A_1251, %dma_wait3A_1252] : memref<2048x16xf32, #tpu.memory_space<vmem>> -> memref<128x16xf32, #tpu.memory_space<vmem>>
    %dma_wait3A_1254 = arith.constant 0 : i32
    %dma_wait3A_1255 = tpu.memref_slice %arg5[%dma_wait3A_1250, %dma_wait3A_1254] : memref<16x128xi32, #tpu.memory_space<vmem>> -> memref<1x128xi32, #tpu.memory_space<vmem>>
    %dma_wait3A_1256 = tpu.memref_squeeze %dma_wait3A_1255 : memref<1x128xi32, #tpu.memory_space<vmem>> -> memref<128xi32, #tpu.memory_space<vmem>>
    %dma_wait3A_1257 = arith.constant 0 : i32
    %dma_wait3A_1258 = arith.constant 0 : i32
    %dma_wait3A_1259 = tpu.memref_slice %arg2[%dma_wait3A_1257, %dma_wait3A_1258] : memref<16384x16xf32, #tpu.memory_space<hbm>> -> memref<16384x16xf32, #tpu.memory_space<hbm>>
    tpu.wait_indirect_dma semaphore(%arg7 : memref<!tpu.dma_semaphore, #tpu.memory_space<semaphore_mem>>) src(%dma_wait3A_1259 : memref<16384x16xf32, #tpu.memory_space<hbm>>) dst(%dma_wait3A_1253 : memref<128x16xf32, #tpu.memory_space<vmem>>)
    %dma_wait3A_1260 = arith.constant 3 : i32
    %dma_wait3A_1261 = arith.constant 384 : i32
    %dma_wait3A_1262 = arith.constant 0 : i32
    %dma_wait3A_1263 = tpu.memref_slice %arg6[%dma_wait3A_1261, %dma_wait3A_1262] : memref<2048x16xf32, #tpu.memory_space<vmem>> -> memref<128x16xf32, #tpu.memory_space<vmem>>
    %dma_wait3A_1264 = arith.constant 0 : i32
    %dma_wait3A_1265 = tpu.memref_slice %arg5[%dma_wait3A_1260, %dma_wait3A_1264] : memref<16x128xi32, #tpu.memory_space<vmem>> -> memref<1x128xi32, #tpu.memory_space<vmem>>
    %dma_wait3A_1266 = tpu.memref_squeeze %dma_wait3A_1265 : memref<1x128xi32, #tpu.memory_space<vmem>> -> memref<128xi32, #tpu.memory_space<vmem>>
    %dma_wait3A_1267 = arith.constant 0 : i32
    %dma_wait3A_1268 = arith.constant 0 : i32
    %dma_wait3A_1269 = tpu.memref_slice %arg2[%dma_wait3A_1267, %dma_wait3A_1268] : memref<16384x16xf32, #tpu.memory_space<hbm>> -> memref<16384x16xf32, #tpu.memory_space<hbm>>
    tpu.wait_indirect_dma semaphore(%arg7 : memref<!tpu.dma_semaphore, #tpu.memory_space<semaphore_mem>>) src(%dma_wait3A_1269 : memref<16384x16xf32, #tpu.memory_space<hbm>>) dst(%dma_wait3A_1263 : memref<128x16xf32, #tpu.memory_space<vmem>>)
    %dma_wait3A_1270 = arith.constant 4 : i32
    %dma_wait3A_1271 = arith.constant 512 : i32
    %dma_wait3A_1272 = arith.constant 0 : i32
    %dma_wait3A_1273 = tpu.memref_slice %arg6[%dma_wait3A_1271, %dma_wait3A_1272] : memref<2048x16xf32, #tpu.memory_space<vmem>> -> memref<128x16xf32, #tpu.memory_space<vmem>>
    %dma_wait3A_1274 = arith.constant 0 : i32
    %dma_wait3A_1275 = tpu.memref_slice %arg5[%dma_wait3A_1270, %dma_wait3A_1274] : memref<16x128xi32, #tpu.memory_space<vmem>> -> memref<1x128xi32, #tpu.memory_space<vmem>>
    %dma_wait3A_1276 = tpu.memref_squeeze %dma_wait3A_1275 : memref<1x128xi32, #tpu.memory_space<vmem>> -> memref<128xi32, #tpu.memory_space<vmem>>
    %dma_wait3A_1277 = arith.constant 0 : i32
    %dma_wait3A_1278 = arith.constant 0 : i32
    %dma_wait3A_1279 = tpu.memref_slice %arg2[%dma_wait3A_1277, %dma_wait3A_1278] : memref<16384x16xf32, #tpu.memory_space<hbm>> -> memref<16384x16xf32, #tpu.memory_space<hbm>>
    tpu.wait_indirect_dma semaphore(%arg7 : memref<!tpu.dma_semaphore, #tpu.memory_space<semaphore_mem>>) src(%dma_wait3A_1279 : memref<16384x16xf32, #tpu.memory_space<hbm>>) dst(%dma_wait3A_1273 : memref<128x16xf32, #tpu.memory_space<vmem>>)
    %dma_wait3A_1280 = arith.constant 5 : i32
    %dma_wait3A_1281 = arith.constant 640 : i32
    %dma_wait3A_1282 = arith.constant 0 : i32
    %dma_wait3A_1283 = tpu.memref_slice %arg6[%dma_wait3A_1281, %dma_wait3A_1282] : memref<2048x16xf32, #tpu.memory_space<vmem>> -> memref<128x16xf32, #tpu.memory_space<vmem>>
    %dma_wait3A_1284 = arith.constant 0 : i32
    %dma_wait3A_1285 = tpu.memref_slice %arg5[%dma_wait3A_1280, %dma_wait3A_1284] : memref<16x128xi32, #tpu.memory_space<vmem>> -> memref<1x128xi32, #tpu.memory_space<vmem>>
    %dma_wait3A_1286 = tpu.memref_squeeze %dma_wait3A_1285 : memref<1x128xi32, #tpu.memory_space<vmem>> -> memref<128xi32, #tpu.memory_space<vmem>>
    %dma_wait3A_1287 = arith.constant 0 : i32
    %dma_wait3A_1288 = arith.constant 0 : i32
    %dma_wait3A_1289 = tpu.memref_slice %arg2[%dma_wait3A_1287, %dma_wait3A_1288] : memref<16384x16xf32, #tpu.memory_space<hbm>> -> memref<16384x16xf32, #tpu.memory_space<hbm>>
    tpu.wait_indirect_dma semaphore(%arg7 : memref<!tpu.dma_semaphore, #tpu.memory_space<semaphore_mem>>) src(%dma_wait3A_1289 : memref<16384x16xf32, #tpu.memory_space<hbm>>) dst(%dma_wait3A_1283 : memref<128x16xf32, #tpu.memory_space<vmem>>)
    %dma_wait3A_1290 = arith.constant 6 : i32
    %dma_wait3A_1291 = arith.constant 768 : i32
    %dma_wait3A_1292 = arith.constant 0 : i32
    %dma_wait3A_1293 = tpu.memref_slice %arg6[%dma_wait3A_1291, %dma_wait3A_1292] : memref<2048x16xf32, #tpu.memory_space<vmem>> -> memref<128x16xf32, #tpu.memory_space<vmem>>
    %dma_wait3A_1294 = arith.constant 0 : i32
    %dma_wait3A_1295 = tpu.memref_slice %arg5[%dma_wait3A_1290, %dma_wait3A_1294] : memref<16x128xi32, #tpu.memory_space<vmem>> -> memref<1x128xi32, #tpu.memory_space<vmem>>
    %dma_wait3A_1296 = tpu.memref_squeeze %dma_wait3A_1295 : memref<1x128xi32, #tpu.memory_space<vmem>> -> memref<128xi32, #tpu.memory_space<vmem>>
    %dma_wait3A_1297 = arith.constant 0 : i32
    %dma_wait3A_1298 = arith.constant 0 : i32
    %dma_wait3A_1299 = tpu.memref_slice %arg2[%dma_wait3A_1297, %dma_wait3A_1298] : memref<16384x16xf32, #tpu.memory_space<hbm>> -> memref<16384x16xf32, #tpu.memory_space<hbm>>
    tpu.wait_indirect_dma semaphore(%arg7 : memref<!tpu.dma_semaphore, #tpu.memory_space<semaphore_mem>>) src(%dma_wait3A_1299 : memref<16384x16xf32, #tpu.memory_space<hbm>>) dst(%dma_wait3A_1293 : memref<128x16xf32, #tpu.memory_space<vmem>>)
    %dma_wait3A_1300 = arith.constant 7 : i32
    %dma_wait3A_1301 = arith.constant 896 : i32
    %dma_wait3A_1302 = arith.constant 0 : i32
    %dma_wait3A_1303 = tpu.memref_slice %arg6[%dma_wait3A_1301, %dma_wait3A_1302] : memref<2048x16xf32, #tpu.memory_space<vmem>> -> memref<128x16xf32, #tpu.memory_space<vmem>>
    %dma_wait3A_1304 = arith.constant 0 : i32
    %dma_wait3A_1305 = tpu.memref_slice %arg5[%dma_wait3A_1300, %dma_wait3A_1304] : memref<16x128xi32, #tpu.memory_space<vmem>> -> memref<1x128xi32, #tpu.memory_space<vmem>>
    %dma_wait3A_1306 = tpu.memref_squeeze %dma_wait3A_1305 : memref<1x128xi32, #tpu.memory_space<vmem>> -> memref<128xi32, #tpu.memory_space<vmem>>
    %dma_wait3A_1307 = arith.constant 0 : i32
    %dma_wait3A_1308 = arith.constant 0 : i32
    %dma_wait3A_1309 = tpu.memref_slice %arg2[%dma_wait3A_1307, %dma_wait3A_1308] : memref<16384x16xf32, #tpu.memory_space<hbm>> -> memref<16384x16xf32, #tpu.memory_space<hbm>>
    tpu.wait_indirect_dma semaphore(%arg7 : memref<!tpu.dma_semaphore, #tpu.memory_space<semaphore_mem>>) src(%dma_wait3A_1309 : memref<16384x16xf32, #tpu.memory_space<hbm>>) dst(%dma_wait3A_1303 : memref<128x16xf32, #tpu.memory_space<vmem>>)
    %dma_wait3A_1310 = arith.constant 8 : i32
    %dma_wait3A_1311 = arith.constant 1024 : i32
    %dma_wait3A_1312 = arith.constant 0 : i32
    %dma_wait3A_1313 = tpu.memref_slice %arg6[%dma_wait3A_1311, %dma_wait3A_1312] : memref<2048x16xf32, #tpu.memory_space<vmem>> -> memref<128x16xf32, #tpu.memory_space<vmem>>
    %dma_wait3A_1314 = arith.constant 0 : i32
    %dma_wait3A_1315 = tpu.memref_slice %arg5[%dma_wait3A_1310, %dma_wait3A_1314] : memref<16x128xi32, #tpu.memory_space<vmem>> -> memref<1x128xi32, #tpu.memory_space<vmem>>
    %dma_wait3A_1316 = tpu.memref_squeeze %dma_wait3A_1315 : memref<1x128xi32, #tpu.memory_space<vmem>> -> memref<128xi32, #tpu.memory_space<vmem>>
    %dma_wait3A_1317 = arith.constant 0 : i32
    %dma_wait3A_1318 = arith.constant 0 : i32
    %dma_wait3A_1319 = tpu.memref_slice %arg2[%dma_wait3A_1317, %dma_wait3A_1318] : memref<16384x16xf32, #tpu.memory_space<hbm>> -> memref<16384x16xf32, #tpu.memory_space<hbm>>
    tpu.wait_indirect_dma semaphore(%arg7 : memref<!tpu.dma_semaphore, #tpu.memory_space<semaphore_mem>>) src(%dma_wait3A_1319 : memref<16384x16xf32, #tpu.memory_space<hbm>>) dst(%dma_wait3A_1313 : memref<128x16xf32, #tpu.memory_space<vmem>>)
    %dma_wait3A_1320 = arith.constant 9 : i32
    %dma_wait3A_1321 = arith.constant 1152 : i32
    %dma_wait3A_1322 = arith.constant 0 : i32
    %dma_wait3A_1323 = tpu.memref_slice %arg6[%dma_wait3A_1321, %dma_wait3A_1322] : memref<2048x16xf32, #tpu.memory_space<vmem>> -> memref<128x16xf32, #tpu.memory_space<vmem>>
    %dma_wait3A_1324 = arith.constant 0 : i32
    %dma_wait3A_1325 = tpu.memref_slice %arg5[%dma_wait3A_1320, %dma_wait3A_1324] : memref<16x128xi32, #tpu.memory_space<vmem>> -> memref<1x128xi32, #tpu.memory_space<vmem>>
    %dma_wait3A_1326 = tpu.memref_squeeze %dma_wait3A_1325 : memref<1x128xi32, #tpu.memory_space<vmem>> -> memref<128xi32, #tpu.memory_space<vmem>>
    %dma_wait3A_1327 = arith.constant 0 : i32
    %dma_wait3A_1328 = arith.constant 0 : i32
    %dma_wait3A_1329 = tpu.memref_slice %arg2[%dma_wait3A_1327, %dma_wait3A_1328] : memref<16384x16xf32, #tpu.memory_space<hbm>> -> memref<16384x16xf32, #tpu.memory_space<hbm>>
    tpu.wait_indirect_dma semaphore(%arg7 : memref<!tpu.dma_semaphore, #tpu.memory_space<semaphore_mem>>) src(%dma_wait3A_1329 : memref<16384x16xf32, #tpu.memory_space<hbm>>) dst(%dma_wait3A_1323 : memref<128x16xf32, #tpu.memory_space<vmem>>)
    %dma_wait3A_1330 = arith.constant 10 : i32
    %dma_wait3A_1331 = arith.constant 1280 : i32
    %dma_wait3A_1332 = arith.constant 0 : i32
    %dma_wait3A_1333 = tpu.memref_slice %arg6[%dma_wait3A_1331, %dma_wait3A_1332] : memref<2048x16xf32, #tpu.memory_space<vmem>> -> memref<128x16xf32, #tpu.memory_space<vmem>>
    %dma_wait3A_1334 = arith.constant 0 : i32
    %dma_wait3A_1335 = tpu.memref_slice %arg5[%dma_wait3A_1330, %dma_wait3A_1334] : memref<16x128xi32, #tpu.memory_space<vmem>> -> memref<1x128xi32, #tpu.memory_space<vmem>>
    %dma_wait3A_1336 = tpu.memref_squeeze %dma_wait3A_1335 : memref<1x128xi32, #tpu.memory_space<vmem>> -> memref<128xi32, #tpu.memory_space<vmem>>
    %dma_wait3A_1337 = arith.constant 0 : i32
    %dma_wait3A_1338 = arith.constant 0 : i32
    %dma_wait3A_1339 = tpu.memref_slice %arg2[%dma_wait3A_1337, %dma_wait3A_1338] : memref<16384x16xf32, #tpu.memory_space<hbm>> -> memref<16384x16xf32, #tpu.memory_space<hbm>>
    tpu.wait_indirect_dma semaphore(%arg7 : memref<!tpu.dma_semaphore, #tpu.memory_space<semaphore_mem>>) src(%dma_wait3A_1339 : memref<16384x16xf32, #tpu.memory_space<hbm>>) dst(%dma_wait3A_1333 : memref<128x16xf32, #tpu.memory_space<vmem>>)
    %dma_wait3A_1340 = arith.constant 11 : i32
    %dma_wait3A_1341 = arith.constant 1408 : i32
    %dma_wait3A_1342 = arith.constant 0 : i32
    %dma_wait3A_1343 = tpu.memref_slice %arg6[%dma_wait3A_1341, %dma_wait3A_1342] : memref<2048x16xf32, #tpu.memory_space<vmem>> -> memref<128x16xf32, #tpu.memory_space<vmem>>
    %dma_wait3A_1344 = arith.constant 0 : i32
    %dma_wait3A_1345 = tpu.memref_slice %arg5[%dma_wait3A_1340, %dma_wait3A_1344] : memref<16x128xi32, #tpu.memory_space<vmem>> -> memref<1x128xi32, #tpu.memory_space<vmem>>
    %dma_wait3A_1346 = tpu.memref_squeeze %dma_wait3A_1345 : memref<1x128xi32, #tpu.memory_space<vmem>> -> memref<128xi32, #tpu.memory_space<vmem>>
    %dma_wait3A_1347 = arith.constant 0 : i32
    %dma_wait3A_1348 = arith.constant 0 : i32
    %dma_wait3A_1349 = tpu.memref_slice %arg2[%dma_wait3A_1347, %dma_wait3A_1348] : memref<16384x16xf32, #tpu.memory_space<hbm>> -> memref<16384x16xf32, #tpu.memory_space<hbm>>
    tpu.wait_indirect_dma semaphore(%arg7 : memref<!tpu.dma_semaphore, #tpu.memory_space<semaphore_mem>>) src(%dma_wait3A_1349 : memref<16384x16xf32, #tpu.memory_space<hbm>>) dst(%dma_wait3A_1343 : memref<128x16xf32, #tpu.memory_space<vmem>>)
    %dma_wait3A_1350 = arith.constant 12 : i32
    %dma_wait3A_1351 = arith.constant 1536 : i32
    %dma_wait3A_1352 = arith.constant 0 : i32
    %dma_wait3A_1353 = tpu.memref_slice %arg6[%dma_wait3A_1351, %dma_wait3A_1352] : memref<2048x16xf32, #tpu.memory_space<vmem>> -> memref<128x16xf32, #tpu.memory_space<vmem>>
    %dma_wait3A_1354 = arith.constant 0 : i32
    %dma_wait3A_1355 = tpu.memref_slice %arg5[%dma_wait3A_1350, %dma_wait3A_1354] : memref<16x128xi32, #tpu.memory_space<vmem>> -> memref<1x128xi32, #tpu.memory_space<vmem>>
    %dma_wait3A_1356 = tpu.memref_squeeze %dma_wait3A_1355 : memref<1x128xi32, #tpu.memory_space<vmem>> -> memref<128xi32, #tpu.memory_space<vmem>>
    %dma_wait3A_1357 = arith.constant 0 : i32
    %dma_wait3A_1358 = arith.constant 0 : i32
    %dma_wait3A_1359 = tpu.memref_slice %arg2[%dma_wait3A_1357, %dma_wait3A_1358] : memref<16384x16xf32, #tpu.memory_space<hbm>> -> memref<16384x16xf32, #tpu.memory_space<hbm>>
    tpu.wait_indirect_dma semaphore(%arg7 : memref<!tpu.dma_semaphore, #tpu.memory_space<semaphore_mem>>) src(%dma_wait3A_1359 : memref<16384x16xf32, #tpu.memory_space<hbm>>) dst(%dma_wait3A_1353 : memref<128x16xf32, #tpu.memory_space<vmem>>)
    %dma_wait3A_1360 = arith.constant 13 : i32
    %dma_wait3A_1361 = arith.constant 1664 : i32
    %dma_wait3A_1362 = arith.constant 0 : i32
    %dma_wait3A_1363 = tpu.memref_slice %arg6[%dma_wait3A_1361, %dma_wait3A_1362] : memref<2048x16xf32, #tpu.memory_space<vmem>> -> memref<128x16xf32, #tpu.memory_space<vmem>>
    %dma_wait3A_1364 = arith.constant 0 : i32
    %dma_wait3A_1365 = tpu.memref_slice %arg5[%dma_wait3A_1360, %dma_wait3A_1364] : memref<16x128xi32, #tpu.memory_space<vmem>> -> memref<1x128xi32, #tpu.memory_space<vmem>>
    %dma_wait3A_1366 = tpu.memref_squeeze %dma_wait3A_1365 : memref<1x128xi32, #tpu.memory_space<vmem>> -> memref<128xi32, #tpu.memory_space<vmem>>
    %dma_wait3A_1367 = arith.constant 0 : i32
    %dma_wait3A_1368 = arith.constant 0 : i32
    %dma_wait3A_1369 = tpu.memref_slice %arg2[%dma_wait3A_1367, %dma_wait3A_1368] : memref<16384x16xf32, #tpu.memory_space<hbm>> -> memref<16384x16xf32, #tpu.memory_space<hbm>>
    tpu.wait_indirect_dma semaphore(%arg7 : memref<!tpu.dma_semaphore, #tpu.memory_space<semaphore_mem>>) src(%dma_wait3A_1369 : memref<16384x16xf32, #tpu.memory_space<hbm>>) dst(%dma_wait3A_1363 : memref<128x16xf32, #tpu.memory_space<vmem>>)
    %dma_wait3A_1370 = arith.constant 14 : i32
    %dma_wait3A_1371 = arith.constant 1792 : i32
    %dma_wait3A_1372 = arith.constant 0 : i32
    %dma_wait3A_1373 = tpu.memref_slice %arg6[%dma_wait3A_1371, %dma_wait3A_1372] : memref<2048x16xf32, #tpu.memory_space<vmem>> -> memref<128x16xf32, #tpu.memory_space<vmem>>
    %dma_wait3A_1374 = arith.constant 0 : i32
    %dma_wait3A_1375 = tpu.memref_slice %arg5[%dma_wait3A_1370, %dma_wait3A_1374] : memref<16x128xi32, #tpu.memory_space<vmem>> -> memref<1x128xi32, #tpu.memory_space<vmem>>
    %dma_wait3A_1376 = tpu.memref_squeeze %dma_wait3A_1375 : memref<1x128xi32, #tpu.memory_space<vmem>> -> memref<128xi32, #tpu.memory_space<vmem>>
    %dma_wait3A_1377 = arith.constant 0 : i32
    %dma_wait3A_1378 = arith.constant 0 : i32
    %dma_wait3A_1379 = tpu.memref_slice %arg2[%dma_wait3A_1377, %dma_wait3A_1378] : memref<16384x16xf32, #tpu.memory_space<hbm>> -> memref<16384x16xf32, #tpu.memory_space<hbm>>
    tpu.wait_indirect_dma semaphore(%arg7 : memref<!tpu.dma_semaphore, #tpu.memory_space<semaphore_mem>>) src(%dma_wait3A_1379 : memref<16384x16xf32, #tpu.memory_space<hbm>>) dst(%dma_wait3A_1373 : memref<128x16xf32, #tpu.memory_space<vmem>>)
    %dma_wait3A_1380 = arith.constant 15 : i32
    %dma_wait3A_1381 = arith.constant 1920 : i32
    %dma_wait3A_1382 = arith.constant 0 : i32
    %dma_wait3A_1383 = tpu.memref_slice %arg6[%dma_wait3A_1381, %dma_wait3A_1382] : memref<2048x16xf32, #tpu.memory_space<vmem>> -> memref<128x16xf32, #tpu.memory_space<vmem>>
    %dma_wait3A_1384 = arith.constant 0 : i32
    %dma_wait3A_1385 = tpu.memref_slice %arg5[%dma_wait3A_1380, %dma_wait3A_1384] : memref<16x128xi32, #tpu.memory_space<vmem>> -> memref<1x128xi32, #tpu.memory_space<vmem>>
    %dma_wait3A_1386 = tpu.memref_squeeze %dma_wait3A_1385 : memref<1x128xi32, #tpu.memory_space<vmem>> -> memref<128xi32, #tpu.memory_space<vmem>>
    %dma_wait3A_1387 = arith.constant 0 : i32
    %dma_wait3A_1388 = arith.constant 0 : i32
    %dma_wait3A_1389 = tpu.memref_slice %arg2[%dma_wait3A_1387, %dma_wait3A_1388] : memref<16384x16xf32, #tpu.memory_space<hbm>> -> memref<16384x16xf32, #tpu.memory_space<hbm>>
    tpu.wait_indirect_dma semaphore(%arg7 : memref<!tpu.dma_semaphore, #tpu.memory_space<semaphore_mem>>) src(%dma_wait3A_1389 : memref<16384x16xf32, #tpu.memory_space<hbm>>) dst(%dma_wait3A_1383 : memref<128x16xf32, #tpu.memory_space<vmem>>)
    "tpu.region"() ({
      %run_scoped3A = tpu.sem_alloc : memref<!tpu.dma_semaphore, #tpu.memory_space<semaphore_mem>>
      %dma_start3A_1390 = arith.constant 0 : i32
      %dma_start3A_1391 = tpu.memref_slice %arg4[%multiple_of3A_1044, %dma_start3A_1390] : memref<262144x16xf32, #tpu.memory_space<hbm>> -> memref<2048x16xf32, #tpu.memory_space<hbm>>
      %dma_start3A_1392 = arith.constant 0 : i32
      %dma_start3A_1393 = tpu.memref_slice %arg4[%multiple_of3A_1044, %dma_start3A_1392] : memref<262144x16xf32, #tpu.memory_space<hbm>> -> memref<2048x16xf32, #tpu.memory_space<hbm>>
      tpu.enqueue_dma source(%arg6 : memref<2048x16xf32, #tpu.memory_space<vmem>>) target(%dma_start3A_1393 : memref<2048x16xf32, #tpu.memory_space<hbm>>) target_semaphore(%run_scoped3A : memref<!tpu.dma_semaphore, #tpu.memory_space<semaphore_mem>>)
      %dma_wait3A_1394 = arith.constant 0 : i32
      %dma_wait3A_1395 = tpu.memref_slice %arg4[%multiple_of3A_1044, %dma_wait3A_1394] : memref<262144x16xf32, #tpu.memory_space<hbm>> -> memref<2048x16xf32, #tpu.memory_space<hbm>>
      %dma_wait3A_1396 = arith.constant 0 : i32
      %dma_wait3A_1397 = tpu.memref_slice %arg4[%multiple_of3A_1044, %dma_wait3A_1396] : memref<262144x16xf32, #tpu.memory_space<hbm>> -> memref<2048x16xf32, #tpu.memory_space<hbm>>
      tpu.wait_dma2 semaphore(%run_scoped3A : memref<!tpu.dma_semaphore, #tpu.memory_space<semaphore_mem>>) src(%arg6 : memref<2048x16xf32, #tpu.memory_space<vmem>>) dst(%dma_wait3A_1397 : memref<2048x16xf32, #tpu.memory_space<hbm>>)
      tpu.yield
    }) : () -> ()
    return
  }
}

module attributes {stable_mosaic.version = 14 : i64} {
  func.func @_topk_body(%arg0: i32, %arg1: i32, %arg2: memref<1x3x2048xf32, #tpu.memory_space<vmem>>, %arg3: memref<1x512x3xf32, #tpu.memory_space<vmem>>, %arg4: memref<1x512x16xi32, #tpu.memory_space<vmem>>) attributes {dimension_semantics = [#tpu.dimension_semantics<arbitrary>, #tpu.dimension_semantics<arbitrary>], iteration_bounds = array<i64: 8, 4>, scalar_prefetch = 0 : i64, scratch_operands = 0 : i64, tpu.core_type = #tpu.core_type<tc>, window_params = [{transform_indices = @transform_0, window_bounds = array<i64: 1, 3, 2048>}, {transform_indices = @transform_1, window_bounds = array<i64: 1, 512, 3>}, {transform_indices = @transform_2, window_bounds = array<i64: 1, 512, 16>}]} {
    %get3A = arith.constant 0 : index
    %get3A_0 = arith.constant 0 : index
    %get3A_1 = arith.constant 0 : index
    %get3A_2 = vector.load %arg2[%get3A, %get3A_0, %get3A_1] : memref<1x3x2048xf32, #tpu.memory_space<vmem>>, vector<1x3x2048xf32>
    %get3A_3 = vector.shape_cast %get3A_2 : vector<1x3x2048xf32> to vector<3x2048xf32>
    %get3A_4 = arith.constant 0 : index
    %get3A_5 = arith.constant 0 : index
    %get3A_6 = arith.constant 0 : index
    %get3A_7 = vector.load %arg3[%get3A_4, %get3A_5, %get3A_6] : memref<1x512x3xf32, #tpu.memory_space<vmem>>, vector<1x512x3xf32>
    %get3A_8 = vector.shape_cast %get3A_7 : vector<1x512x3xf32> to vector<512x3xf32>
    %slice3A = vector.extract_strided_slice %get3A_3 {offsets = [0, 0], sizes = [1, 2048], strides = [1, 1]} : vector<3x2048xf32> to vector<1x2048xf32>
    %slice3A_9 = vector.extract_strided_slice %get3A_3 {offsets = [1, 0], sizes = [1, 2048], strides = [1, 1]} : vector<3x2048xf32> to vector<1x2048xf32>
    %slice3A_10 = vector.extract_strided_slice %get3A_3 {offsets = [2, 0], sizes = [1, 2048], strides = [1, 1]} : vector<3x2048xf32> to vector<1x2048xf32>
    %slice3A_11 = vector.extract_strided_slice %get3A_8 {offsets = [0, 0], sizes = [512, 1], strides = [1, 1]} : vector<512x3xf32> to vector<512x1xf32>
    %slice3A_12 = vector.extract_strided_slice %get3A_8 {offsets = [0, 1], sizes = [512, 1], strides = [1, 1]} : vector<512x3xf32> to vector<512x1xf32>
    %slice3A_13 = vector.extract_strided_slice %get3A_8 {offsets = [0, 2], sizes = [512, 1], strides = [1, 1]} : vector<512x3xf32> to vector<512x1xf32>
    %sub3A = vector.broadcast %slice3A_11 : vector<512x1xf32> to vector<512x2048xf32>
    %sub3A_14 = vector.broadcast %slice3A : vector<1x2048xf32> to vector<512x2048xf32>
    %sub3A_15 = arith.subf %sub3A, %sub3A_14 : vector<512x2048xf32>
    %integer_pow3A = arith.mulf %sub3A_15, %sub3A_15 : vector<512x2048xf32>
    %sub3A_16 = vector.broadcast %slice3A_12 : vector<512x1xf32> to vector<512x2048xf32>
    %sub3A_17 = vector.broadcast %slice3A_9 : vector<1x2048xf32> to vector<512x2048xf32>
    %sub3A_18 = arith.subf %sub3A_16, %sub3A_17 : vector<512x2048xf32>
    %integer_pow3A_19 = arith.mulf %sub3A_18, %sub3A_18 : vector<512x2048xf32>
    %add3A = arith.addf %integer_pow3A, %integer_pow3A_19 : vector<512x2048xf32>
    %sub3A_20 = vector.broadcast %slice3A_13 : vector<512x1xf32> to vector<512x2048xf32>
    %sub3A_21 = vector.broadcast %slice3A_10 : vector<1x2048xf32> to vector<512x2048xf32>
    %sub3A_22 = arith.subf %sub3A_20, %sub3A_21 : vector<512x2048xf32>
    %integer_pow3A_23 = arith.mulf %sub3A_22, %sub3A_22 : vector<512x2048xf32>
    %add3A_24 = arith.addf %add3A, %integer_pow3A_23 : vector<512x2048xf32>
    %iota3A = tpu.iota {dimensions = array<i32: 1>} : vector<512x1024xi32>
    %convert_element_type3A = arith.sitofp %iota3A : vector<512x1024xi32> to vector<512x1024xf32>
    %slice3A_25 = vector.extract_strided_slice %add3A_24 {offsets = [0, 0], sizes = [512, 1024], strides = [1, 1]} : vector<512x2048xf32> to vector<512x1024xf32>
    %slice3A_26 = vector.extract_strided_slice %add3A_24 {offsets = [0, 1024], sizes = [512, 1024], strides = [1, 1]} : vector<512x2048xf32> to vector<512x1024xf32>
    %add3A_27 = arith.constant 1.024000e+03 : f32
    %add3A_28 = vector.broadcast %add3A_27 : f32 to vector<512x1024xf32>
    %add3A_29 = arith.addf %convert_element_type3A, %add3A_28 : vector<512x1024xf32>
    %lt3A = arith.cmpf olt, %slice3A_26, %slice3A_25 : vector<512x1024xf32>
    %select_n3A = arith.select %lt3A, %slice3A_26, %slice3A_25 : vector<512x1024xi1>, vector<512x1024xf32>
    %select_n3A_30 = arith.select %lt3A, %slice3A_25, %slice3A_26 : vector<512x1024xi1>, vector<512x1024xf32>
    %select_n3A_31 = arith.select %lt3A, %add3A_29, %convert_element_type3A : vector<512x1024xi1>, vector<512x1024xf32>
    %select_n3A_32 = arith.select %lt3A, %convert_element_type3A, %add3A_29 : vector<512x1024xi1>, vector<512x1024xf32>
    %iota3A_33 = tpu.iota {dimensions = array<i32: 1>} : vector<512x16xi32>
    %broadcast_in_dim3A = arith.constant 0.000000e+00 : f32
    %broadcast_in_dim3A_34 = vector.broadcast %broadcast_in_dim3A : f32 to vector<512x16xf32>
    %reduce_min3A = arith.constant dense<0x7F800000> : vector<512xf32>
    %reduce_min3A_35 = vector.multi_reduction <minimumf>, %select_n3A, %reduce_min3A [1] : vector<512x1024xf32> to vector<512xf32>
    %broadcast_in_dim3A_36 = vector.shape_cast %reduce_min3A_35 : vector<512xf32> to vector<512x1xf32>
    %eq3A = vector.broadcast %broadcast_in_dim3A_36 : vector<512x1xf32> to vector<512x1024xf32>
    %eq3A_37 = arith.cmpf oeq, %select_n3A, %eq3A : vector<512x1024xf32>
    %jit3A = arith.constant 4.096000e+03 : f32
    %broadcast_in_dim3A_38 = vector.broadcast %jit3A : f32 to vector<512x1024xf32>
    %select_n3A_39 = arith.select %eq3A_37, %select_n3A_31, %broadcast_in_dim3A_38 : vector<512x1024xi1>, vector<512x1024xf32>
    %reduce_min3A_40 = arith.constant dense<0x7F800000> : vector<512xf32>
    %reduce_min3A_41 = vector.multi_reduction <minimumf>, %select_n3A_39, %reduce_min3A_40 [1] : vector<512x1024xf32> to vector<512xf32>
    %broadcast_in_dim3A_42 = vector.shape_cast %reduce_min3A_41 : vector<512xf32> to vector<512x1xf32>
    %eq3A_43 = vector.broadcast %broadcast_in_dim3A_42 : vector<512x1xf32> to vector<512x1024xf32>
    %eq3A_44 = arith.cmpf oeq, %select_n3A_31, %eq3A_43 : vector<512x1024xf32>
    %eq3A_45 = arith.constant 0 : i32
    %eq3A_46 = vector.broadcast %eq3A_45 : i32 to vector<512x16xi32>
    %eq3A_47 = arith.cmpi eq, %iota3A_33, %eq3A_46 : vector<512x16xi32>
    %broadcast_in_dim3A_48 = vector.shape_cast %broadcast_in_dim3A_42 : vector<512x1xf32> to vector<512x1xf32>
    %broadcast_in_dim3A_49 = vector.broadcast %broadcast_in_dim3A_48 : vector<512x1xf32> to vector<512x16xf32>
    %select_n3A_50 = arith.select %eq3A_47, %broadcast_in_dim3A_49, %broadcast_in_dim3A_34 : vector<512x16xi1>, vector<512x16xf32>
    %select_n3A_51 = arith.select %eq3A_44, %select_n3A_30, %select_n3A : vector<512x1024xi1>, vector<512x1024xf32>
    %select_n3A_52 = arith.select %eq3A_44, %select_n3A_32, %select_n3A_31 : vector<512x1024xi1>, vector<512x1024xf32>
    %jit3A_53 = arith.constant 0x7F800000 : f32
    %broadcast_in_dim3A_54 = vector.broadcast %jit3A_53 : f32 to vector<512x1024xf32>
    %select_n3A_55 = arith.select %eq3A_44, %broadcast_in_dim3A_54, %select_n3A_30 : vector<512x1024xi1>, vector<512x1024xf32>
    %reduce_min3A_56 = arith.constant dense<0x7F800000> : vector<512xf32>
    %reduce_min3A_57 = vector.multi_reduction <minimumf>, %select_n3A_51, %reduce_min3A_56 [1] : vector<512x1024xf32> to vector<512xf32>
    %broadcast_in_dim3A_58 = vector.shape_cast %reduce_min3A_57 : vector<512xf32> to vector<512x1xf32>
    %eq3A_59 = vector.broadcast %broadcast_in_dim3A_58 : vector<512x1xf32> to vector<512x1024xf32>
    %eq3A_60 = arith.cmpf oeq, %select_n3A_51, %eq3A_59 : vector<512x1024xf32>
    %jit3A_61 = arith.constant 4.096000e+03 : f32
    %broadcast_in_dim3A_62 = vector.broadcast %jit3A_61 : f32 to vector<512x1024xf32>
    %select_n3A_63 = arith.select %eq3A_60, %select_n3A_52, %broadcast_in_dim3A_62 : vector<512x1024xi1>, vector<512x1024xf32>
    %reduce_min3A_64 = arith.constant dense<0x7F800000> : vector<512xf32>
    %reduce_min3A_65 = vector.multi_reduction <minimumf>, %select_n3A_63, %reduce_min3A_64 [1] : vector<512x1024xf32> to vector<512xf32>
    %broadcast_in_dim3A_66 = vector.shape_cast %reduce_min3A_65 : vector<512xf32> to vector<512x1xf32>
    %eq3A_67 = vector.broadcast %broadcast_in_dim3A_66 : vector<512x1xf32> to vector<512x1024xf32>
    %eq3A_68 = arith.cmpf oeq, %select_n3A_52, %eq3A_67 : vector<512x1024xf32>
    %eq3A_69 = arith.constant 1 : i32
    %eq3A_70 = vector.broadcast %eq3A_69 : i32 to vector<512x16xi32>
    %eq3A_71 = arith.cmpi eq, %iota3A_33, %eq3A_70 : vector<512x16xi32>
    %broadcast_in_dim3A_72 = vector.shape_cast %broadcast_in_dim3A_66 : vector<512x1xf32> to vector<512x1xf32>
    %broadcast_in_dim3A_73 = vector.broadcast %broadcast_in_dim3A_72 : vector<512x1xf32> to vector<512x16xf32>
    %select_n3A_74 = arith.select %eq3A_71, %broadcast_in_dim3A_73, %select_n3A_50 : vector<512x16xi1>, vector<512x16xf32>
    %select_n3A_75 = arith.select %eq3A_68, %select_n3A_55, %select_n3A_51 : vector<512x1024xi1>, vector<512x1024xf32>
    %select_n3A_76 = arith.select %eq3A_68, %select_n3A_32, %select_n3A_52 : vector<512x1024xi1>, vector<512x1024xf32>
    %jit3A_77 = arith.constant 0x7F800000 : f32
    %broadcast_in_dim3A_78 = vector.broadcast %jit3A_77 : f32 to vector<512x1024xf32>
    %select_n3A_79 = arith.select %eq3A_68, %broadcast_in_dim3A_78, %select_n3A_55 : vector<512x1024xi1>, vector<512x1024xf32>
    %reduce_min3A_80 = arith.constant dense<0x7F800000> : vector<512xf32>
    %reduce_min3A_81 = vector.multi_reduction <minimumf>, %select_n3A_75, %reduce_min3A_80 [1] : vector<512x1024xf32> to vector<512xf32>
    %broadcast_in_dim3A_82 = vector.shape_cast %reduce_min3A_81 : vector<512xf32> to vector<512x1xf32>
    %eq3A_83 = vector.broadcast %broadcast_in_dim3A_82 : vector<512x1xf32> to vector<512x1024xf32>
    %eq3A_84 = arith.cmpf oeq, %select_n3A_75, %eq3A_83 : vector<512x1024xf32>
    %jit3A_85 = arith.constant 4.096000e+03 : f32
    %broadcast_in_dim3A_86 = vector.broadcast %jit3A_85 : f32 to vector<512x1024xf32>
    %select_n3A_87 = arith.select %eq3A_84, %select_n3A_76, %broadcast_in_dim3A_86 : vector<512x1024xi1>, vector<512x1024xf32>
    %reduce_min3A_88 = arith.constant dense<0x7F800000> : vector<512xf32>
    %reduce_min3A_89 = vector.multi_reduction <minimumf>, %select_n3A_87, %reduce_min3A_88 [1] : vector<512x1024xf32> to vector<512xf32>
    %broadcast_in_dim3A_90 = vector.shape_cast %reduce_min3A_89 : vector<512xf32> to vector<512x1xf32>
    %eq3A_91 = vector.broadcast %broadcast_in_dim3A_90 : vector<512x1xf32> to vector<512x1024xf32>
    %eq3A_92 = arith.cmpf oeq, %select_n3A_76, %eq3A_91 : vector<512x1024xf32>
    %eq3A_93 = arith.constant 2 : i32
    %eq3A_94 = vector.broadcast %eq3A_93 : i32 to vector<512x16xi32>
    %eq3A_95 = arith.cmpi eq, %iota3A_33, %eq3A_94 : vector<512x16xi32>
    %broadcast_in_dim3A_96 = vector.shape_cast %broadcast_in_dim3A_90 : vector<512x1xf32> to vector<512x1xf32>
    %broadcast_in_dim3A_97 = vector.broadcast %broadcast_in_dim3A_96 : vector<512x1xf32> to vector<512x16xf32>
    %select_n3A_98 = arith.select %eq3A_95, %broadcast_in_dim3A_97, %select_n3A_74 : vector<512x16xi1>, vector<512x16xf32>
    %select_n3A_99 = arith.select %eq3A_92, %select_n3A_79, %select_n3A_75 : vector<512x1024xi1>, vector<512x1024xf32>
    %select_n3A_100 = arith.select %eq3A_92, %select_n3A_32, %select_n3A_76 : vector<512x1024xi1>, vector<512x1024xf32>
    %jit3A_101 = arith.constant 0x7F800000 : f32
    %broadcast_in_dim3A_102 = vector.broadcast %jit3A_101 : f32 to vector<512x1024xf32>
    %select_n3A_103 = arith.select %eq3A_92, %broadcast_in_dim3A_102, %select_n3A_79 : vector<512x1024xi1>, vector<512x1024xf32>
    %reduce_min3A_104 = arith.constant dense<0x7F800000> : vector<512xf32>
    %reduce_min3A_105 = vector.multi_reduction <minimumf>, %select_n3A_99, %reduce_min3A_104 [1] : vector<512x1024xf32> to vector<512xf32>
    %broadcast_in_dim3A_106 = vector.shape_cast %reduce_min3A_105 : vector<512xf32> to vector<512x1xf32>
    %eq3A_107 = vector.broadcast %broadcast_in_dim3A_106 : vector<512x1xf32> to vector<512x1024xf32>
    %eq3A_108 = arith.cmpf oeq, %select_n3A_99, %eq3A_107 : vector<512x1024xf32>
    %jit3A_109 = arith.constant 4.096000e+03 : f32
    %broadcast_in_dim3A_110 = vector.broadcast %jit3A_109 : f32 to vector<512x1024xf32>
    %select_n3A_111 = arith.select %eq3A_108, %select_n3A_100, %broadcast_in_dim3A_110 : vector<512x1024xi1>, vector<512x1024xf32>
    %reduce_min3A_112 = arith.constant dense<0x7F800000> : vector<512xf32>
    %reduce_min3A_113 = vector.multi_reduction <minimumf>, %select_n3A_111, %reduce_min3A_112 [1] : vector<512x1024xf32> to vector<512xf32>
    %broadcast_in_dim3A_114 = vector.shape_cast %reduce_min3A_113 : vector<512xf32> to vector<512x1xf32>
    %eq3A_115 = vector.broadcast %broadcast_in_dim3A_114 : vector<512x1xf32> to vector<512x1024xf32>
    %eq3A_116 = arith.cmpf oeq, %select_n3A_100, %eq3A_115 : vector<512x1024xf32>
    %eq3A_117 = arith.constant 3 : i32
    %eq3A_118 = vector.broadcast %eq3A_117 : i32 to vector<512x16xi32>
    %eq3A_119 = arith.cmpi eq, %iota3A_33, %eq3A_118 : vector<512x16xi32>
    %broadcast_in_dim3A_120 = vector.shape_cast %broadcast_in_dim3A_114 : vector<512x1xf32> to vector<512x1xf32>
    %broadcast_in_dim3A_121 = vector.broadcast %broadcast_in_dim3A_120 : vector<512x1xf32> to vector<512x16xf32>
    %select_n3A_122 = arith.select %eq3A_119, %broadcast_in_dim3A_121, %select_n3A_98 : vector<512x16xi1>, vector<512x16xf32>
    %select_n3A_123 = arith.select %eq3A_116, %select_n3A_103, %select_n3A_99 : vector<512x1024xi1>, vector<512x1024xf32>
    %select_n3A_124 = arith.select %eq3A_116, %select_n3A_32, %select_n3A_100 : vector<512x1024xi1>, vector<512x1024xf32>
    %jit3A_125 = arith.constant 0x7F800000 : f32
    %broadcast_in_dim3A_126 = vector.broadcast %jit3A_125 : f32 to vector<512x1024xf32>
    %select_n3A_127 = arith.select %eq3A_116, %broadcast_in_dim3A_126, %select_n3A_103 : vector<512x1024xi1>, vector<512x1024xf32>
    %reduce_min3A_128 = arith.constant dense<0x7F800000> : vector<512xf32>
    %reduce_min3A_129 = vector.multi_reduction <minimumf>, %select_n3A_123, %reduce_min3A_128 [1] : vector<512x1024xf32> to vector<512xf32>
    %broadcast_in_dim3A_130 = vector.shape_cast %reduce_min3A_129 : vector<512xf32> to vector<512x1xf32>
    %eq3A_131 = vector.broadcast %broadcast_in_dim3A_130 : vector<512x1xf32> to vector<512x1024xf32>
    %eq3A_132 = arith.cmpf oeq, %select_n3A_123, %eq3A_131 : vector<512x1024xf32>
    %jit3A_133 = arith.constant 4.096000e+03 : f32
    %broadcast_in_dim3A_134 = vector.broadcast %jit3A_133 : f32 to vector<512x1024xf32>
    %select_n3A_135 = arith.select %eq3A_132, %select_n3A_124, %broadcast_in_dim3A_134 : vector<512x1024xi1>, vector<512x1024xf32>
    %reduce_min3A_136 = arith.constant dense<0x7F800000> : vector<512xf32>
    %reduce_min3A_137 = vector.multi_reduction <minimumf>, %select_n3A_135, %reduce_min3A_136 [1] : vector<512x1024xf32> to vector<512xf32>
    %broadcast_in_dim3A_138 = vector.shape_cast %reduce_min3A_137 : vector<512xf32> to vector<512x1xf32>
    %eq3A_139 = vector.broadcast %broadcast_in_dim3A_138 : vector<512x1xf32> to vector<512x1024xf32>
    %eq3A_140 = arith.cmpf oeq, %select_n3A_124, %eq3A_139 : vector<512x1024xf32>
    %eq3A_141 = arith.constant 4 : i32
    %eq3A_142 = vector.broadcast %eq3A_141 : i32 to vector<512x16xi32>
    %eq3A_143 = arith.cmpi eq, %iota3A_33, %eq3A_142 : vector<512x16xi32>
    %broadcast_in_dim3A_144 = vector.shape_cast %broadcast_in_dim3A_138 : vector<512x1xf32> to vector<512x1xf32>
    %broadcast_in_dim3A_145 = vector.broadcast %broadcast_in_dim3A_144 : vector<512x1xf32> to vector<512x16xf32>
    %select_n3A_146 = arith.select %eq3A_143, %broadcast_in_dim3A_145, %select_n3A_122 : vector<512x16xi1>, vector<512x16xf32>
    %select_n3A_147 = arith.select %eq3A_140, %select_n3A_127, %select_n3A_123 : vector<512x1024xi1>, vector<512x1024xf32>
    %select_n3A_148 = arith.select %eq3A_140, %select_n3A_32, %select_n3A_124 : vector<512x1024xi1>, vector<512x1024xf32>
    %jit3A_149 = arith.constant 0x7F800000 : f32
    %broadcast_in_dim3A_150 = vector.broadcast %jit3A_149 : f32 to vector<512x1024xf32>
    %select_n3A_151 = arith.select %eq3A_140, %broadcast_in_dim3A_150, %select_n3A_127 : vector<512x1024xi1>, vector<512x1024xf32>
    %reduce_min3A_152 = arith.constant dense<0x7F800000> : vector<512xf32>
    %reduce_min3A_153 = vector.multi_reduction <minimumf>, %select_n3A_147, %reduce_min3A_152 [1] : vector<512x1024xf32> to vector<512xf32>
    %broadcast_in_dim3A_154 = vector.shape_cast %reduce_min3A_153 : vector<512xf32> to vector<512x1xf32>
    %eq3A_155 = vector.broadcast %broadcast_in_dim3A_154 : vector<512x1xf32> to vector<512x1024xf32>
    %eq3A_156 = arith.cmpf oeq, %select_n3A_147, %eq3A_155 : vector<512x1024xf32>
    %jit3A_157 = arith.constant 4.096000e+03 : f32
    %broadcast_in_dim3A_158 = vector.broadcast %jit3A_157 : f32 to vector<512x1024xf32>
    %select_n3A_159 = arith.select %eq3A_156, %select_n3A_148, %broadcast_in_dim3A_158 : vector<512x1024xi1>, vector<512x1024xf32>
    %reduce_min3A_160 = arith.constant dense<0x7F800000> : vector<512xf32>
    %reduce_min3A_161 = vector.multi_reduction <minimumf>, %select_n3A_159, %reduce_min3A_160 [1] : vector<512x1024xf32> to vector<512xf32>
    %broadcast_in_dim3A_162 = vector.shape_cast %reduce_min3A_161 : vector<512xf32> to vector<512x1xf32>
    %eq3A_163 = vector.broadcast %broadcast_in_dim3A_162 : vector<512x1xf32> to vector<512x1024xf32>
    %eq3A_164 = arith.cmpf oeq, %select_n3A_148, %eq3A_163 : vector<512x1024xf32>
    %eq3A_165 = arith.constant 5 : i32
    %eq3A_166 = vector.broadcast %eq3A_165 : i32 to vector<512x16xi32>
    %eq3A_167 = arith.cmpi eq, %iota3A_33, %eq3A_166 : vector<512x16xi32>
    %broadcast_in_dim3A_168 = vector.shape_cast %broadcast_in_dim3A_162 : vector<512x1xf32> to vector<512x1xf32>
    %broadcast_in_dim3A_169 = vector.broadcast %broadcast_in_dim3A_168 : vector<512x1xf32> to vector<512x16xf32>
    %select_n3A_170 = arith.select %eq3A_167, %broadcast_in_dim3A_169, %select_n3A_146 : vector<512x16xi1>, vector<512x16xf32>
    %select_n3A_171 = arith.select %eq3A_164, %select_n3A_151, %select_n3A_147 : vector<512x1024xi1>, vector<512x1024xf32>
    %select_n3A_172 = arith.select %eq3A_164, %select_n3A_32, %select_n3A_148 : vector<512x1024xi1>, vector<512x1024xf32>
    %jit3A_173 = arith.constant 0x7F800000 : f32
    %broadcast_in_dim3A_174 = vector.broadcast %jit3A_173 : f32 to vector<512x1024xf32>
    %select_n3A_175 = arith.select %eq3A_164, %broadcast_in_dim3A_174, %select_n3A_151 : vector<512x1024xi1>, vector<512x1024xf32>
    %reduce_min3A_176 = arith.constant dense<0x7F800000> : vector<512xf32>
    %reduce_min3A_177 = vector.multi_reduction <minimumf>, %select_n3A_171, %reduce_min3A_176 [1] : vector<512x1024xf32> to vector<512xf32>
    %broadcast_in_dim3A_178 = vector.shape_cast %reduce_min3A_177 : vector<512xf32> to vector<512x1xf32>
    %eq3A_179 = vector.broadcast %broadcast_in_dim3A_178 : vector<512x1xf32> to vector<512x1024xf32>
    %eq3A_180 = arith.cmpf oeq, %select_n3A_171, %eq3A_179 : vector<512x1024xf32>
    %jit3A_181 = arith.constant 4.096000e+03 : f32
    %broadcast_in_dim3A_182 = vector.broadcast %jit3A_181 : f32 to vector<512x1024xf32>
    %select_n3A_183 = arith.select %eq3A_180, %select_n3A_172, %broadcast_in_dim3A_182 : vector<512x1024xi1>, vector<512x1024xf32>
    %reduce_min3A_184 = arith.constant dense<0x7F800000> : vector<512xf32>
    %reduce_min3A_185 = vector.multi_reduction <minimumf>, %select_n3A_183, %reduce_min3A_184 [1] : vector<512x1024xf32> to vector<512xf32>
    %broadcast_in_dim3A_186 = vector.shape_cast %reduce_min3A_185 : vector<512xf32> to vector<512x1xf32>
    %eq3A_187 = vector.broadcast %broadcast_in_dim3A_186 : vector<512x1xf32> to vector<512x1024xf32>
    %eq3A_188 = arith.cmpf oeq, %select_n3A_172, %eq3A_187 : vector<512x1024xf32>
    %eq3A_189 = arith.constant 6 : i32
    %eq3A_190 = vector.broadcast %eq3A_189 : i32 to vector<512x16xi32>
    %eq3A_191 = arith.cmpi eq, %iota3A_33, %eq3A_190 : vector<512x16xi32>
    %broadcast_in_dim3A_192 = vector.shape_cast %broadcast_in_dim3A_186 : vector<512x1xf32> to vector<512x1xf32>
    %broadcast_in_dim3A_193 = vector.broadcast %broadcast_in_dim3A_192 : vector<512x1xf32> to vector<512x16xf32>
    %select_n3A_194 = arith.select %eq3A_191, %broadcast_in_dim3A_193, %select_n3A_170 : vector<512x16xi1>, vector<512x16xf32>
    %select_n3A_195 = arith.select %eq3A_188, %select_n3A_175, %select_n3A_171 : vector<512x1024xi1>, vector<512x1024xf32>
    %select_n3A_196 = arith.select %eq3A_188, %select_n3A_32, %select_n3A_172 : vector<512x1024xi1>, vector<512x1024xf32>
    %jit3A_197 = arith.constant 0x7F800000 : f32
    %broadcast_in_dim3A_198 = vector.broadcast %jit3A_197 : f32 to vector<512x1024xf32>
    %select_n3A_199 = arith.select %eq3A_188, %broadcast_in_dim3A_198, %select_n3A_175 : vector<512x1024xi1>, vector<512x1024xf32>
    %reduce_min3A_200 = arith.constant dense<0x7F800000> : vector<512xf32>
    %reduce_min3A_201 = vector.multi_reduction <minimumf>, %select_n3A_195, %reduce_min3A_200 [1] : vector<512x1024xf32> to vector<512xf32>
    %broadcast_in_dim3A_202 = vector.shape_cast %reduce_min3A_201 : vector<512xf32> to vector<512x1xf32>
    %eq3A_203 = vector.broadcast %broadcast_in_dim3A_202 : vector<512x1xf32> to vector<512x1024xf32>
    %eq3A_204 = arith.cmpf oeq, %select_n3A_195, %eq3A_203 : vector<512x1024xf32>
    %jit3A_205 = arith.constant 4.096000e+03 : f32
    %broadcast_in_dim3A_206 = vector.broadcast %jit3A_205 : f32 to vector<512x1024xf32>
    %select_n3A_207 = arith.select %eq3A_204, %select_n3A_196, %broadcast_in_dim3A_206 : vector<512x1024xi1>, vector<512x1024xf32>
    %reduce_min3A_208 = arith.constant dense<0x7F800000> : vector<512xf32>
    %reduce_min3A_209 = vector.multi_reduction <minimumf>, %select_n3A_207, %reduce_min3A_208 [1] : vector<512x1024xf32> to vector<512xf32>
    %broadcast_in_dim3A_210 = vector.shape_cast %reduce_min3A_209 : vector<512xf32> to vector<512x1xf32>
    %eq3A_211 = vector.broadcast %broadcast_in_dim3A_210 : vector<512x1xf32> to vector<512x1024xf32>
    %eq3A_212 = arith.cmpf oeq, %select_n3A_196, %eq3A_211 : vector<512x1024xf32>
    %eq3A_213 = arith.constant 7 : i32
    %eq3A_214 = vector.broadcast %eq3A_213 : i32 to vector<512x16xi32>
    %eq3A_215 = arith.cmpi eq, %iota3A_33, %eq3A_214 : vector<512x16xi32>
    %broadcast_in_dim3A_216 = vector.shape_cast %broadcast_in_dim3A_210 : vector<512x1xf32> to vector<512x1xf32>
    %broadcast_in_dim3A_217 = vector.broadcast %broadcast_in_dim3A_216 : vector<512x1xf32> to vector<512x16xf32>
    %select_n3A_218 = arith.select %eq3A_215, %broadcast_in_dim3A_217, %select_n3A_194 : vector<512x16xi1>, vector<512x16xf32>
    %select_n3A_219 = arith.select %eq3A_212, %select_n3A_199, %select_n3A_195 : vector<512x1024xi1>, vector<512x1024xf32>
    %select_n3A_220 = arith.select %eq3A_212, %select_n3A_32, %select_n3A_196 : vector<512x1024xi1>, vector<512x1024xf32>
    %jit3A_221 = arith.constant 0x7F800000 : f32
    %broadcast_in_dim3A_222 = vector.broadcast %jit3A_221 : f32 to vector<512x1024xf32>
    %select_n3A_223 = arith.select %eq3A_212, %broadcast_in_dim3A_222, %select_n3A_199 : vector<512x1024xi1>, vector<512x1024xf32>
    %reduce_min3A_224 = arith.constant dense<0x7F800000> : vector<512xf32>
    %reduce_min3A_225 = vector.multi_reduction <minimumf>, %select_n3A_219, %reduce_min3A_224 [1] : vector<512x1024xf32> to vector<512xf32>
    %broadcast_in_dim3A_226 = vector.shape_cast %reduce_min3A_225 : vector<512xf32> to vector<512x1xf32>
    %eq3A_227 = vector.broadcast %broadcast_in_dim3A_226 : vector<512x1xf32> to vector<512x1024xf32>
    %eq3A_228 = arith.cmpf oeq, %select_n3A_219, %eq3A_227 : vector<512x1024xf32>
    %jit3A_229 = arith.constant 4.096000e+03 : f32
    %broadcast_in_dim3A_230 = vector.broadcast %jit3A_229 : f32 to vector<512x1024xf32>
    %select_n3A_231 = arith.select %eq3A_228, %select_n3A_220, %broadcast_in_dim3A_230 : vector<512x1024xi1>, vector<512x1024xf32>
    %reduce_min3A_232 = arith.constant dense<0x7F800000> : vector<512xf32>
    %reduce_min3A_233 = vector.multi_reduction <minimumf>, %select_n3A_231, %reduce_min3A_232 [1] : vector<512x1024xf32> to vector<512xf32>
    %broadcast_in_dim3A_234 = vector.shape_cast %reduce_min3A_233 : vector<512xf32> to vector<512x1xf32>
    %eq3A_235 = vector.broadcast %broadcast_in_dim3A_234 : vector<512x1xf32> to vector<512x1024xf32>
    %eq3A_236 = arith.cmpf oeq, %select_n3A_220, %eq3A_235 : vector<512x1024xf32>
    %eq3A_237 = arith.constant 8 : i32
    %eq3A_238 = vector.broadcast %eq3A_237 : i32 to vector<512x16xi32>
    %eq3A_239 = arith.cmpi eq, %iota3A_33, %eq3A_238 : vector<512x16xi32>
    %broadcast_in_dim3A_240 = vector.shape_cast %broadcast_in_dim3A_234 : vector<512x1xf32> to vector<512x1xf32>
    %broadcast_in_dim3A_241 = vector.broadcast %broadcast_in_dim3A_240 : vector<512x1xf32> to vector<512x16xf32>
    %select_n3A_242 = arith.select %eq3A_239, %broadcast_in_dim3A_241, %select_n3A_218 : vector<512x16xi1>, vector<512x16xf32>
    %select_n3A_243 = arith.select %eq3A_236, %select_n3A_223, %select_n3A_219 : vector<512x1024xi1>, vector<512x1024xf32>
    %select_n3A_244 = arith.select %eq3A_236, %select_n3A_32, %select_n3A_220 : vector<512x1024xi1>, vector<512x1024xf32>
    %jit3A_245 = arith.constant 0x7F800000 : f32
    %broadcast_in_dim3A_246 = vector.broadcast %jit3A_245 : f32 to vector<512x1024xf32>
    %select_n3A_247 = arith.select %eq3A_236, %broadcast_in_dim3A_246, %select_n3A_223 : vector<512x1024xi1>, vector<512x1024xf32>
    %reduce_min3A_248 = arith.constant dense<0x7F800000> : vector<512xf32>
    %reduce_min3A_249 = vector.multi_reduction <minimumf>, %select_n3A_243, %reduce_min3A_248 [1] : vector<512x1024xf32> to vector<512xf32>
    %broadcast_in_dim3A_250 = vector.shape_cast %reduce_min3A_249 : vector<512xf32> to vector<512x1xf32>
    %eq3A_251 = vector.broadcast %broadcast_in_dim3A_250 : vector<512x1xf32> to vector<512x1024xf32>
    %eq3A_252 = arith.cmpf oeq, %select_n3A_243, %eq3A_251 : vector<512x1024xf32>
    %jit3A_253 = arith.constant 4.096000e+03 : f32
    %broadcast_in_dim3A_254 = vector.broadcast %jit3A_253 : f32 to vector<512x1024xf32>
    %select_n3A_255 = arith.select %eq3A_252, %select_n3A_244, %broadcast_in_dim3A_254 : vector<512x1024xi1>, vector<512x1024xf32>
    %reduce_min3A_256 = arith.constant dense<0x7F800000> : vector<512xf32>
    %reduce_min3A_257 = vector.multi_reduction <minimumf>, %select_n3A_255, %reduce_min3A_256 [1] : vector<512x1024xf32> to vector<512xf32>
    %broadcast_in_dim3A_258 = vector.shape_cast %reduce_min3A_257 : vector<512xf32> to vector<512x1xf32>
    %eq3A_259 = vector.broadcast %broadcast_in_dim3A_258 : vector<512x1xf32> to vector<512x1024xf32>
    %eq3A_260 = arith.cmpf oeq, %select_n3A_244, %eq3A_259 : vector<512x1024xf32>
    %eq3A_261 = arith.constant 9 : i32
    %eq3A_262 = vector.broadcast %eq3A_261 : i32 to vector<512x16xi32>
    %eq3A_263 = arith.cmpi eq, %iota3A_33, %eq3A_262 : vector<512x16xi32>
    %broadcast_in_dim3A_264 = vector.shape_cast %broadcast_in_dim3A_258 : vector<512x1xf32> to vector<512x1xf32>
    %broadcast_in_dim3A_265 = vector.broadcast %broadcast_in_dim3A_264 : vector<512x1xf32> to vector<512x16xf32>
    %select_n3A_266 = arith.select %eq3A_263, %broadcast_in_dim3A_265, %select_n3A_242 : vector<512x16xi1>, vector<512x16xf32>
    %select_n3A_267 = arith.select %eq3A_260, %select_n3A_247, %select_n3A_243 : vector<512x1024xi1>, vector<512x1024xf32>
    %select_n3A_268 = arith.select %eq3A_260, %select_n3A_32, %select_n3A_244 : vector<512x1024xi1>, vector<512x1024xf32>
    %jit3A_269 = arith.constant 0x7F800000 : f32
    %broadcast_in_dim3A_270 = vector.broadcast %jit3A_269 : f32 to vector<512x1024xf32>
    %select_n3A_271 = arith.select %eq3A_260, %broadcast_in_dim3A_270, %select_n3A_247 : vector<512x1024xi1>, vector<512x1024xf32>
    %reduce_min3A_272 = arith.constant dense<0x7F800000> : vector<512xf32>
    %reduce_min3A_273 = vector.multi_reduction <minimumf>, %select_n3A_267, %reduce_min3A_272 [1] : vector<512x1024xf32> to vector<512xf32>
    %broadcast_in_dim3A_274 = vector.shape_cast %reduce_min3A_273 : vector<512xf32> to vector<512x1xf32>
    %eq3A_275 = vector.broadcast %broadcast_in_dim3A_274 : vector<512x1xf32> to vector<512x1024xf32>
    %eq3A_276 = arith.cmpf oeq, %select_n3A_267, %eq3A_275 : vector<512x1024xf32>
    %jit3A_277 = arith.constant 4.096000e+03 : f32
    %broadcast_in_dim3A_278 = vector.broadcast %jit3A_277 : f32 to vector<512x1024xf32>
    %select_n3A_279 = arith.select %eq3A_276, %select_n3A_268, %broadcast_in_dim3A_278 : vector<512x1024xi1>, vector<512x1024xf32>
    %reduce_min3A_280 = arith.constant dense<0x7F800000> : vector<512xf32>
    %reduce_min3A_281 = vector.multi_reduction <minimumf>, %select_n3A_279, %reduce_min3A_280 [1] : vector<512x1024xf32> to vector<512xf32>
    %broadcast_in_dim3A_282 = vector.shape_cast %reduce_min3A_281 : vector<512xf32> to vector<512x1xf32>
    %eq3A_283 = vector.broadcast %broadcast_in_dim3A_282 : vector<512x1xf32> to vector<512x1024xf32>
    %eq3A_284 = arith.cmpf oeq, %select_n3A_268, %eq3A_283 : vector<512x1024xf32>
    %eq3A_285 = arith.constant 10 : i32
    %eq3A_286 = vector.broadcast %eq3A_285 : i32 to vector<512x16xi32>
    %eq3A_287 = arith.cmpi eq, %iota3A_33, %eq3A_286 : vector<512x16xi32>
    %broadcast_in_dim3A_288 = vector.shape_cast %broadcast_in_dim3A_282 : vector<512x1xf32> to vector<512x1xf32>
    %broadcast_in_dim3A_289 = vector.broadcast %broadcast_in_dim3A_288 : vector<512x1xf32> to vector<512x16xf32>
    %select_n3A_290 = arith.select %eq3A_287, %broadcast_in_dim3A_289, %select_n3A_266 : vector<512x16xi1>, vector<512x16xf32>
    %select_n3A_291 = arith.select %eq3A_284, %select_n3A_271, %select_n3A_267 : vector<512x1024xi1>, vector<512x1024xf32>
    %select_n3A_292 = arith.select %eq3A_284, %select_n3A_32, %select_n3A_268 : vector<512x1024xi1>, vector<512x1024xf32>
    %jit3A_293 = arith.constant 0x7F800000 : f32
    %broadcast_in_dim3A_294 = vector.broadcast %jit3A_293 : f32 to vector<512x1024xf32>
    %select_n3A_295 = arith.select %eq3A_284, %broadcast_in_dim3A_294, %select_n3A_271 : vector<512x1024xi1>, vector<512x1024xf32>
    %reduce_min3A_296 = arith.constant dense<0x7F800000> : vector<512xf32>
    %reduce_min3A_297 = vector.multi_reduction <minimumf>, %select_n3A_291, %reduce_min3A_296 [1] : vector<512x1024xf32> to vector<512xf32>
    %broadcast_in_dim3A_298 = vector.shape_cast %reduce_min3A_297 : vector<512xf32> to vector<512x1xf32>
    %eq3A_299 = vector.broadcast %broadcast_in_dim3A_298 : vector<512x1xf32> to vector<512x1024xf32>
    %eq3A_300 = arith.cmpf oeq, %select_n3A_291, %eq3A_299 : vector<512x1024xf32>
    %jit3A_301 = arith.constant 4.096000e+03 : f32
    %broadcast_in_dim3A_302 = vector.broadcast %jit3A_301 : f32 to vector<512x1024xf32>
    %select_n3A_303 = arith.select %eq3A_300, %select_n3A_292, %broadcast_in_dim3A_302 : vector<512x1024xi1>, vector<512x1024xf32>
    %reduce_min3A_304 = arith.constant dense<0x7F800000> : vector<512xf32>
    %reduce_min3A_305 = vector.multi_reduction <minimumf>, %select_n3A_303, %reduce_min3A_304 [1] : vector<512x1024xf32> to vector<512xf32>
    %broadcast_in_dim3A_306 = vector.shape_cast %reduce_min3A_305 : vector<512xf32> to vector<512x1xf32>
    %eq3A_307 = vector.broadcast %broadcast_in_dim3A_306 : vector<512x1xf32> to vector<512x1024xf32>
    %eq3A_308 = arith.cmpf oeq, %select_n3A_292, %eq3A_307 : vector<512x1024xf32>
    %eq3A_309 = arith.constant 11 : i32
    %eq3A_310 = vector.broadcast %eq3A_309 : i32 to vector<512x16xi32>
    %eq3A_311 = arith.cmpi eq, %iota3A_33, %eq3A_310 : vector<512x16xi32>
    %broadcast_in_dim3A_312 = vector.shape_cast %broadcast_in_dim3A_306 : vector<512x1xf32> to vector<512x1xf32>
    %broadcast_in_dim3A_313 = vector.broadcast %broadcast_in_dim3A_312 : vector<512x1xf32> to vector<512x16xf32>
    %select_n3A_314 = arith.select %eq3A_311, %broadcast_in_dim3A_313, %select_n3A_290 : vector<512x16xi1>, vector<512x16xf32>
    %select_n3A_315 = arith.select %eq3A_308, %select_n3A_295, %select_n3A_291 : vector<512x1024xi1>, vector<512x1024xf32>
    %select_n3A_316 = arith.select %eq3A_308, %select_n3A_32, %select_n3A_292 : vector<512x1024xi1>, vector<512x1024xf32>
    %jit3A_317 = arith.constant 0x7F800000 : f32
    %broadcast_in_dim3A_318 = vector.broadcast %jit3A_317 : f32 to vector<512x1024xf32>
    %select_n3A_319 = arith.select %eq3A_308, %broadcast_in_dim3A_318, %select_n3A_295 : vector<512x1024xi1>, vector<512x1024xf32>
    %reduce_min3A_320 = arith.constant dense<0x7F800000> : vector<512xf32>
    %reduce_min3A_321 = vector.multi_reduction <minimumf>, %select_n3A_315, %reduce_min3A_320 [1] : vector<512x1024xf32> to vector<512xf32>
    %broadcast_in_dim3A_322 = vector.shape_cast %reduce_min3A_321 : vector<512xf32> to vector<512x1xf32>
    %eq3A_323 = vector.broadcast %broadcast_in_dim3A_322 : vector<512x1xf32> to vector<512x1024xf32>
    %eq3A_324 = arith.cmpf oeq, %select_n3A_315, %eq3A_323 : vector<512x1024xf32>
    %jit3A_325 = arith.constant 4.096000e+03 : f32
    %broadcast_in_dim3A_326 = vector.broadcast %jit3A_325 : f32 to vector<512x1024xf32>
    %select_n3A_327 = arith.select %eq3A_324, %select_n3A_316, %broadcast_in_dim3A_326 : vector<512x1024xi1>, vector<512x1024xf32>
    %reduce_min3A_328 = arith.constant dense<0x7F800000> : vector<512xf32>
    %reduce_min3A_329 = vector.multi_reduction <minimumf>, %select_n3A_327, %reduce_min3A_328 [1] : vector<512x1024xf32> to vector<512xf32>
    %broadcast_in_dim3A_330 = vector.shape_cast %reduce_min3A_329 : vector<512xf32> to vector<512x1xf32>
    %eq3A_331 = vector.broadcast %broadcast_in_dim3A_330 : vector<512x1xf32> to vector<512x1024xf32>
    %eq3A_332 = arith.cmpf oeq, %select_n3A_316, %eq3A_331 : vector<512x1024xf32>
    %eq3A_333 = arith.constant 12 : i32
    %eq3A_334 = vector.broadcast %eq3A_333 : i32 to vector<512x16xi32>
    %eq3A_335 = arith.cmpi eq, %iota3A_33, %eq3A_334 : vector<512x16xi32>
    %broadcast_in_dim3A_336 = vector.shape_cast %broadcast_in_dim3A_330 : vector<512x1xf32> to vector<512x1xf32>
    %broadcast_in_dim3A_337 = vector.broadcast %broadcast_in_dim3A_336 : vector<512x1xf32> to vector<512x16xf32>
    %select_n3A_338 = arith.select %eq3A_335, %broadcast_in_dim3A_337, %select_n3A_314 : vector<512x16xi1>, vector<512x16xf32>
    %select_n3A_339 = arith.select %eq3A_332, %select_n3A_319, %select_n3A_315 : vector<512x1024xi1>, vector<512x1024xf32>
    %select_n3A_340 = arith.select %eq3A_332, %select_n3A_32, %select_n3A_316 : vector<512x1024xi1>, vector<512x1024xf32>
    %jit3A_341 = arith.constant 0x7F800000 : f32
    %broadcast_in_dim3A_342 = vector.broadcast %jit3A_341 : f32 to vector<512x1024xf32>
    %select_n3A_343 = arith.select %eq3A_332, %broadcast_in_dim3A_342, %select_n3A_319 : vector<512x1024xi1>, vector<512x1024xf32>
    %reduce_min3A_344 = arith.constant dense<0x7F800000> : vector<512xf32>
    %reduce_min3A_345 = vector.multi_reduction <minimumf>, %select_n3A_339, %reduce_min3A_344 [1] : vector<512x1024xf32> to vector<512xf32>
    %broadcast_in_dim3A_346 = vector.shape_cast %reduce_min3A_345 : vector<512xf32> to vector<512x1xf32>
    %eq3A_347 = vector.broadcast %broadcast_in_dim3A_346 : vector<512x1xf32> to vector<512x1024xf32>
    %eq3A_348 = arith.cmpf oeq, %select_n3A_339, %eq3A_347 : vector<512x1024xf32>
    %jit3A_349 = arith.constant 4.096000e+03 : f32
    %broadcast_in_dim3A_350 = vector.broadcast %jit3A_349 : f32 to vector<512x1024xf32>
    %select_n3A_351 = arith.select %eq3A_348, %select_n3A_340, %broadcast_in_dim3A_350 : vector<512x1024xi1>, vector<512x1024xf32>
    %reduce_min3A_352 = arith.constant dense<0x7F800000> : vector<512xf32>
    %reduce_min3A_353 = vector.multi_reduction <minimumf>, %select_n3A_351, %reduce_min3A_352 [1] : vector<512x1024xf32> to vector<512xf32>
    %broadcast_in_dim3A_354 = vector.shape_cast %reduce_min3A_353 : vector<512xf32> to vector<512x1xf32>
    %eq3A_355 = vector.broadcast %broadcast_in_dim3A_354 : vector<512x1xf32> to vector<512x1024xf32>
    %eq3A_356 = arith.cmpf oeq, %select_n3A_340, %eq3A_355 : vector<512x1024xf32>
    %eq3A_357 = arith.constant 13 : i32
    %eq3A_358 = vector.broadcast %eq3A_357 : i32 to vector<512x16xi32>
    %eq3A_359 = arith.cmpi eq, %iota3A_33, %eq3A_358 : vector<512x16xi32>
    %broadcast_in_dim3A_360 = vector.shape_cast %broadcast_in_dim3A_354 : vector<512x1xf32> to vector<512x1xf32>
    %broadcast_in_dim3A_361 = vector.broadcast %broadcast_in_dim3A_360 : vector<512x1xf32> to vector<512x16xf32>
    %select_n3A_362 = arith.select %eq3A_359, %broadcast_in_dim3A_361, %select_n3A_338 : vector<512x16xi1>, vector<512x16xf32>
    %select_n3A_363 = arith.select %eq3A_356, %select_n3A_343, %select_n3A_339 : vector<512x1024xi1>, vector<512x1024xf32>
    %select_n3A_364 = arith.select %eq3A_356, %select_n3A_32, %select_n3A_340 : vector<512x1024xi1>, vector<512x1024xf32>
    %jit3A_365 = arith.constant 0x7F800000 : f32
    %broadcast_in_dim3A_366 = vector.broadcast %jit3A_365 : f32 to vector<512x1024xf32>
    %select_n3A_367 = arith.select %eq3A_356, %broadcast_in_dim3A_366, %select_n3A_343 : vector<512x1024xi1>, vector<512x1024xf32>
    %reduce_min3A_368 = arith.constant dense<0x7F800000> : vector<512xf32>
    %reduce_min3A_369 = vector.multi_reduction <minimumf>, %select_n3A_363, %reduce_min3A_368 [1] : vector<512x1024xf32> to vector<512xf32>
    %broadcast_in_dim3A_370 = vector.shape_cast %reduce_min3A_369 : vector<512xf32> to vector<512x1xf32>
    %eq3A_371 = vector.broadcast %broadcast_in_dim3A_370 : vector<512x1xf32> to vector<512x1024xf32>
    %eq3A_372 = arith.cmpf oeq, %select_n3A_363, %eq3A_371 : vector<512x1024xf32>
    %jit3A_373 = arith.constant 4.096000e+03 : f32
    %broadcast_in_dim3A_374 = vector.broadcast %jit3A_373 : f32 to vector<512x1024xf32>
    %select_n3A_375 = arith.select %eq3A_372, %select_n3A_364, %broadcast_in_dim3A_374 : vector<512x1024xi1>, vector<512x1024xf32>
    %reduce_min3A_376 = arith.constant dense<0x7F800000> : vector<512xf32>
    %reduce_min3A_377 = vector.multi_reduction <minimumf>, %select_n3A_375, %reduce_min3A_376 [1] : vector<512x1024xf32> to vector<512xf32>
    %broadcast_in_dim3A_378 = vector.shape_cast %reduce_min3A_377 : vector<512xf32> to vector<512x1xf32>
    %eq3A_379 = vector.broadcast %broadcast_in_dim3A_378 : vector<512x1xf32> to vector<512x1024xf32>
    %eq3A_380 = arith.cmpf oeq, %select_n3A_364, %eq3A_379 : vector<512x1024xf32>
    %eq3A_381 = arith.constant 14 : i32
    %eq3A_382 = vector.broadcast %eq3A_381 : i32 to vector<512x16xi32>
    %eq3A_383 = arith.cmpi eq, %iota3A_33, %eq3A_382 : vector<512x16xi32>
    %broadcast_in_dim3A_384 = vector.shape_cast %broadcast_in_dim3A_378 : vector<512x1xf32> to vector<512x1xf32>
    %broadcast_in_dim3A_385 = vector.broadcast %broadcast_in_dim3A_384 : vector<512x1xf32> to vector<512x16xf32>
    %select_n3A_386 = arith.select %eq3A_383, %broadcast_in_dim3A_385, %select_n3A_362 : vector<512x16xi1>, vector<512x16xf32>
    %select_n3A_387 = arith.select %eq3A_380, %select_n3A_367, %select_n3A_363 : vector<512x1024xi1>, vector<512x1024xf32>
    %select_n3A_388 = arith.select %eq3A_380, %select_n3A_32, %select_n3A_364 : vector<512x1024xi1>, vector<512x1024xf32>
    %reduce_min3A_389 = arith.constant dense<0x7F800000> : vector<512xf32>
    %reduce_min3A_390 = vector.multi_reduction <minimumf>, %select_n3A_387, %reduce_min3A_389 [1] : vector<512x1024xf32> to vector<512xf32>
    %broadcast_in_dim3A_391 = vector.shape_cast %reduce_min3A_390 : vector<512xf32> to vector<512x1xf32>
    %eq3A_392 = vector.broadcast %broadcast_in_dim3A_391 : vector<512x1xf32> to vector<512x1024xf32>
    %eq3A_393 = arith.cmpf oeq, %select_n3A_387, %eq3A_392 : vector<512x1024xf32>
    %jit3A_394 = arith.constant 4.096000e+03 : f32
    %broadcast_in_dim3A_395 = vector.broadcast %jit3A_394 : f32 to vector<512x1024xf32>
    %select_n3A_396 = arith.select %eq3A_393, %select_n3A_388, %broadcast_in_dim3A_395 : vector<512x1024xi1>, vector<512x1024xf32>
    %reduce_min3A_397 = arith.constant dense<0x7F800000> : vector<512xf32>
    %reduce_min3A_398 = vector.multi_reduction <minimumf>, %select_n3A_396, %reduce_min3A_397 [1] : vector<512x1024xf32> to vector<512xf32>
    %broadcast_in_dim3A_399 = vector.shape_cast %reduce_min3A_398 : vector<512xf32> to vector<512x1xf32>
    %eq3A_400 = arith.constant 15 : i32
    %eq3A_401 = vector.broadcast %eq3A_400 : i32 to vector<512x16xi32>
    %eq3A_402 = arith.cmpi eq, %iota3A_33, %eq3A_401 : vector<512x16xi32>
    %broadcast_in_dim3A_403 = vector.shape_cast %broadcast_in_dim3A_399 : vector<512x1xf32> to vector<512x1xf32>
    %broadcast_in_dim3A_404 = vector.broadcast %broadcast_in_dim3A_403 : vector<512x1xf32> to vector<512x16xf32>
    %select_n3A_405 = arith.select %eq3A_402, %broadcast_in_dim3A_404, %select_n3A_386 : vector<512x16xi1>, vector<512x16xf32>
    %convert_element_type3A_406 = arith.fptosi %select_n3A_405 : vector<512x16xf32> to vector<512x16xi32>
    %mul3A = arith.constant 2048 : i32
    %mul3A_407 = arith.muli %arg0, %mul3A : i32
    %add3A_408 = vector.broadcast %mul3A_407 : i32 to vector<512x16xi32>
    %add3A_409 = arith.addi %convert_element_type3A_406, %add3A_408 : vector<512x16xi32>
    %swap3A = arith.constant 0 : index
    %swap3A_410 = arith.constant 0 : index
    %swap3A_411 = arith.constant 0 : index
    %swap3A_412 = vector.load %arg4[%swap3A, %swap3A_410, %swap3A_411] : memref<1x512x16xi32, #tpu.memory_space<vmem>>, vector<1x512x16xi32>
    %swap3A_413 = vector.shape_cast %swap3A_412 : vector<1x512x16xi32> to vector<512x16xi32>
    %swap3A_414 = vector.shape_cast %add3A_409 : vector<512x16xi32> to vector<1x512x16xi32>
    tpu.vector_store %arg4[%swap3A, %swap3A_410, %swap3A_411], %swap3A_414 {strides = array<i32>} : memref<1x512x16xi32, #tpu.memory_space<vmem>>, vector<1x512x16xi32>,
    return
  }
  func.func @transform_0(%arg0: i32, %arg1: i32) -> (i32, i32, i32) {
    %c0_i32 = arith.constant 0 : i32
    %c0_i32_0 = arith.constant 0 : i32
    %c0_i32_1 = arith.constant 0 : i32
    return %arg0, %c0_i32, %c0_i32_0 : i32, i32, i32
  }
  func.func @transform_1(%arg0: i32, %arg1: i32) -> (i32, i32, i32) {
    %c0_i32 = arith.constant 0 : i32
    %c0_i32_0 = arith.constant 0 : i32
    return %arg0, %arg1, %c0_i32 : i32, i32, i32
  }
  func.func @transform_2(%arg0: i32, %arg1: i32) -> (i32, i32, i32) {
    %c0_i32 = arith.constant 0 : i32
    %c0_i32_0 = arith.constant 0 : i32
    return %arg0, %arg1, %c0_i32 : i32, i32, i32
  }
}

module attributes {stable_mosaic.version = 14 : i64} {
  func.func @_sub_body(%arg0: i32, %arg1: memref<1024x256xf32, #tpu.memory_space<vmem>>, %arg2: memref<1024x16xf32, #tpu.memory_space<vmem>>, %arg3: memref<1024x256xf32, #tpu.memory_space<vmem>>) attributes {dimension_semantics = [#tpu.dimension_semantics<arbitrary>], iteration_bounds = array<i64: 16>, scalar_prefetch = 0 : i64, scratch_operands = 0 : i64, tpu.core_type = #tpu.core_type<tc>, window_params = [{transform_indices = @transform_0, window_bounds = array<i64: 1024, 256>}, {transform_indices = @transform_1, window_bounds = array<i64: 1024, 16>}, {transform_indices = @transform_2, window_bounds = array<i64: 1024, 256>}]} {
    %get3A = arith.constant 0 : index
    %get3A_0 = arith.constant 0 : index
    %get3A_1 = vector.load %arg2[%get3A, %get3A_0] : memref<1024x16xf32, #tpu.memory_space<vmem>>, vector<1024x16xf32>
    %get3A_2 = arith.constant 0 : index
    %get3A_3 = arith.constant 0 : index
    %get3A_4 = vector.load %arg1[%get3A_2, %get3A_3] : memref<1024x256xf32, #tpu.memory_space<vmem>>, vector<1024x256xf32>
    %tile3A = tpu.concatenate %get3A_1, %get3A_1, %get3A_1, %get3A_1, %get3A_1, %get3A_1, %get3A_1, %get3A_1, %get3A_1, %get3A_1, %get3A_1, %get3A_1, %get3A_1, %get3A_1, %get3A_1, %get3A_1 in 1 : vector<1024x16xf32>, vector<1024x16xf32>, vector<1024x16xf32>, vector<1024x16xf32>, vector<1024x16xf32>, vector<1024x16xf32>, vector<1024x16xf32>, vector<1024x16xf32>, vector<1024x16xf32>, vector<1024x16xf32>, vector<1024x16xf32>, vector<1024x16xf32>, vector<1024x16xf32>, vector<1024x16xf32>, vector<1024x16xf32>, vector<1024x16xf32> -> vector<1024x256xf32>
    %sub3A = arith.subf %get3A_4, %tile3A : vector<1024x256xf32>
    %swap3A = arith.constant 0 : index
    %swap3A_5 = arith.constant 0 : index
    %swap3A_6 = vector.load %arg3[%swap3A, %swap3A_5] : memref<1024x256xf32, #tpu.memory_space<vmem>>, vector<1024x256xf32>
    tpu.vector_store %arg3[%swap3A, %swap3A_5], %sub3A {strides = array<i32>} : memref<1024x256xf32, #tpu.memory_space<vmem>>, vector<1024x256xf32>,
    return
  }
  func.func @transform_0(%arg0: i32) -> (i32, i32) {
    %c0_i32 = arith.constant 0 : i32
    %c0_i32_0 = arith.constant 0 : i32
    return %arg0, %c0_i32 : i32, i32
  }
  func.func @transform_1(%arg0: i32) -> (i32, i32) {
    %c0_i32 = arith.constant 0 : i32
    %c0_i32_0 = arith.constant 0 : i32
    return %arg0, %c0_i32 : i32, i32
  }
  func.func @transform_2(%arg0: i32) -> (i32, i32) {
    %c0_i32 = arith.constant 0 : i32
    %c0_i32_0 = arith.constant 0 : i32
    return %arg0, %c0_i32 : i32, i32
  }
}

</mosaic_0001>

<sc_bundles>
// kernel: kernel.5.cloned.1.call-start
scs
__scs_entry_jumppad:
0x0: {  	(pc) =	sbr.rel $0x88, $3  }
0x1: {  	(tag) =	ssettag $0x0;
	lr =	simm.s32 $0x1  }
0x2: {  	[smem:$0x3FA0] =	sst lr;
	_ =	strace $0xD0000000  }
0x3: {  	_ = 	snop  }
0x4: {  	_ = 	snop  }
0x5: {  	_ = 	snop  }
0x6: {  	_ = 	snop  }
0x7: {  	_ = 	snop  }
__scs_overlays_trampoline_lowered:
0x8: {  	[smem:$0x3FAF] =	sst s0  }
0x9: {  	[smem:$0x3FB0] =	sst s1  }
0xa: {  	[smem:$0x3FB1] =	sst s2  }
0xb: {  	[smem:$0x3FB2] =	sst s3  }
0xc: {  	[smem:$0x3FB3] =	sst s4  }
0xd: {  	[smem:$0x3FB4] =	sst s5  }
0xe: {  	[smem:$0x3FB5] =	sst s6  }
0xf: {  	[smem:$0x3FB6] =	sst s7  }
0x10: {  	[smem:$0x3FB7] =	sst s8  }
0x11: {  	[smem:$0x3FB8] =	sst s9;
	s0 =	simm.s32 @!p0 $0x0  }
0x12: {  	s1 =	sld [smem:$0x3F9E];
	s0 =	simm.s32 @p0 $0x1  }
0x13: {  	[smem:$0x3FB9] =	sst s0;
	s0 =	simm.s32 @!p1 $0x0  }
0x14: {  	s2 =	sld [smem:$0x3F9D];
	s0 =	simm.s32 @p1 $0x1  }
0x15: {  	[smem:$0x3FBA] =	sst s0;
	s0 =	simm.s32 @!p2 $0x0  }
0x16: {  	s3 =	sld [smem:$0x3FDB];
	s0 =	simm.s32 @p2 $0x1  }
0x17: {  	s4 =	simm.s32 $0x1BF5;
	[smem:$0x3FBC] =	sst s0  }
0x18: {  	s0 =	sld [smem:$0x3F9F];
	_ =	swait.ge [sflag:s4], $0x0  }
0x19: {  	s7 =	sld [smem:$0x3FA0]  }
0x1a: {  	s8 =	sadd.s32 $0xFFFFE003, lr  }
0x1b: {  	s9 =	sadd.s32 $0xFFFFFEF7, lr;
	s5 =	simm.s32 $0xFFFFFFFF;
	p2 =	slt.u32 s8, $0xFFFFF086  }
0x1c: {  	p1 =	slt.u32 s9, $0xF7A;
	s5 =	simm.s32 @!p2 $0x0  }
0x1d: {  	s5 =	simm.s32 @p1 $0x1;
	p0 =	seq.s32 s7, s2  }
0x1e: {  	s7 =	smul.u32 @!p0 $0xF7A, s2;
	p2 =	seq.s32 @!p0 s5, $0x0  }
0x1f: {  	s9 =	smul.u32 $0xF7A, s1;
	s8 =	simm.s32 @!p0 $0x1BF5;
	p2 =	por !p2, p0  }
0x20: {  	[sflag:s8] =	ssyncset.s32 @!p0 $0xFFFFF086;
	s6 =	sadd.s32 @!p0 s3, s7;
	s7 =	simm.s32 @!p0 $0x108  }
0x21: {  	s3 =	sadd.s32 s3, s9;
	s6 =	sadd.s32 @!p0 $0x88, s6;
	s7 =	simm.s32 @p2 $0x1082  }
0x22: {  	[simem:s7], [sflag:s8] =	dma.local @!p0 [hbm:s6], $0xF7A  }
0x23: {  	s9 =	sor.u32 $0xD0000000, s2;
	s6 =	simm.s32 $0x108;
	_ =	swait.ge @!p0 [sflag:s8], $0x0  }
0x24: {  	s3 =	sadd.s32 $0x88, s3;
	s6 =	simm.s32 @!p1 $0x1082;
	[sflag:s4] =	ssyncset.s32 $0xFFFFF086  }
0x25: {  	[simem:s6], [sflag:s4] =	dma.local [hbm:s3], $0xF7A  }
0x26: {  	[smem:$0x3FA0] =	sst s1;
	(tag) =	ssettag s2;
	_ =	strace s9  }
0x27: {  	s1 =	sld [smem:$0x3FB0]  }
0x28: {  	s2 =	sld [smem:$0x3FB1]  }
0x29: {  	s4 =	sld [smem:$0x3FB3]  }
0x2a: {  	p0 =	seq.s32 s5, $0x0;
	s5 =	sld [smem:$0x3FB4]  }
0x2b: {  	s6 =	sld [smem:$0x3FB5]  }
0x2c: {  	s7 =	sld [smem:$0x3FB6]  }
0x2d: {  	s3 =	simm.s32 $0x108;
	s8 =	sld [smem:$0x3FB7]  }
0x2e: {  	s3 =	simm.s32 @!p0 $0x1082;
	s9 =	sld [smem:$0x3FB8]  }
0x2f: {  	lr =	sadd.s32 s0, s3;
	s0 =	sld [smem:$0x3FAF]  }
0x30: {  	s3 =	sld [smem:$0x3FB2]  }
0x31: {  	[smem:$0x3FBB] =	sst s10  }
0x32: {  	s10 =	sld [smem:$0x3FB9];
	_ =	sdelay $0x3  }
0x33: {  	p0 =	seq.s32 s10, $0x1;
	s10 =	sld [smem:$0x3FBB];
	_ =	sdelay $0x3  }
0x34: {  	[smem:$0x3FBB] =	sst s10  }
0x35: {  	s10 =	sld [smem:$0x3FBA];
	_ =	sdelay $0x3  }
0x36: {  	p1 =	seq.s32 s10, $0x1;
	s10 =	sld [smem:$0x3FBB];
	_ =	sdelay $0x3  }
0x37: {  	[smem:$0x3FBB] =	sst s10  }
0x38: {  	s10 =	sld [smem:$0x3FBC]  }
0x39: {  	_ = 	snop;
	(pc) =	sbr.ind lr, $3  }
0x3a: {  	_ = 	snop  }
0x3b: {  	_ = 	snop  }
0x3c: {  	p2 =	seq.s32 s10, $0x1;
	s10 =	sld [smem:$0x3FBB]  }
0x3d: {  	_ =	shalt  }
0x3e: {  	_ =	shalt  }
0x3f: {  	_ =	shalt  }
0x40: {  	_ =	shalt  }
0x41: {  	_ =	shalt  }
0x42: {  	_ =	shalt  }
0x43: {  	_ =	shalt  }
0x44: {  	_ =	shalt  }
0x45: {  	_ =	shalt  }
0x46: {  	_ =	shalt  }
0x47: {  	_ =	shalt  }
0x48: {  	_ =	shalt  }
0x49: {  	_ =	shalt  }
0x4a: {  	_ =	shalt  }
0x4b: {  	_ =	shalt  }
0x4c: {  	_ =	shalt  }
0x4d: {  	_ =	shalt  }
0x4e: {  	_ =	shalt  }
0x4f: {  	_ =	shalt  }
0x50: {  	_ =	shalt  }
0x51: {  	_ =	shalt  }
0x52: {  	_ =	shalt  }
0x53: {  	_ =	shalt  }
0x54: {  	_ =	shalt  }
0x55: {  	_ =	shalt  }
0x56: {  	_ =	shalt  }
0x57: {  	_ =	shalt  }
0x58: {  	_ =	shalt  }
0x59: {  	_ =	shalt  }
0x5a: {  	_ =	shalt  }
0x5b: {  	_ =	shalt  }
0x5c: {  	_ =	shalt  }
0x5d: {  	_ =	shalt  }
0x5e: {  	_ =	shalt  }
0x5f: {  	_ =	shalt  }
0x60: {  	_ =	shalt  }
0x61: {  	_ =	shalt  }
0x62: {  	_ =	shalt  }
0x63: {  	_ =	shalt  }
0x64: {  	_ =	shalt  }
0x65: {  	_ =	shalt  }
0x66: {  	_ =	shalt  }
0x67: {  	_ =	shalt  }
0x68: {  	_ =	shalt  }
0x69: {  	_ =	shalt  }
0x6a: {  	_ =	shalt  }
0x6b: {  	_ =	shalt  }
0x6c: {  	_ =	shalt  }
0x6d: {  	_ =	shalt  }
0x6e: {  	_ =	shalt  }
0x6f: {  	_ =	shalt  }
0x70: {  	_ =	shalt  }
0x71: {  	_ =	shalt  }
0x72: {  	_ =	shalt  }
0x73: {  	_ =	shalt  }
0x74: {  	_ =	shalt  }
0x75: {  	_ =	shalt  }
0x76: {  	_ =	shalt  }
0x77: {  	_ =	shalt  }
0x78: {  	_ =	shalt  }
0x79: {  	_ =	shalt  }
0x7a: {  	_ =	shalt  }
0x7b: {  	_ =	shalt  }
0x7c: {  	_ =	shalt  }
0x7d: {  	_ =	shalt  }
0x7e: {  	_ =	shalt  }
0x7f: {  	_ =	shalt  }
0x80: {  	_ =	shalt  }
0x81: {  	_ =	shalt  }
0x82: {  	_ =	shalt  }
0x83: {  	_ =	shalt  }
0x84: {  	_ =	shalt  }
0x85: {  	_ =	shalt  }
0x86: {  	_ =	shalt  }
0x87: {  	_ =	shalt  }
.Lfunc_end0:
.L_simem_size_0:
called_computation_lowered:
.L_overlay_start_0:
0x88: {  	s2 =	sld [smem:$0x3FD9]  }
0x89: {  	s3 =	sld [smem:$0x3FFE];
	_ =	sdelay $0x1  }
0x8a: {  	s1 =	srdreg.scid  }
0x8b: {  	s0 =	sand.u32 $0x1, s1  }
0x8c: {  	s14 =	sshll.u32 s0, $0xA;
	s2 =	sadd.s32 s3, s2  }
0x8d: {  	s2 =	sadd.s32 s2, s14  }
0x8e: {  	[smem:$0x3FC7] =	sst s2  }
0x8f: {  	_ = 	snop  }
0x90: {  	s2 =	sld [smem:$0x3FD0];
	_ =	sdelay $0x2  }
0x91: {  	s15 =	simm.s32 $0xA;
	s4 =	simm.s32 $0x10  }
0x92: {  	[smem:s4], [sflag:s15] =	dma.local [hbm:s2], $0x1  }
0x93: {  	_ =	swait.eq [sflag:s15], $0x1  }
0x94: {  	[sflag:s15] =	ssyncset.done $0x0  }
0x95: {  	[sflag:s15] =	ssyncadd.s32 $0xFFFFFFFF  }
0x96: {  	s16 =	sld [smem:$0x10];
	(tm) =	ssettm $0x1  }
0x97: {  	s17 =	sld [smem:$0x3FFB];
	_ =	sdelay $0x3  }
0x98: {  	_ =	strace s17  }
0x99: {  	s3 =	sld [smem:$0x3FFC];
	_ =	sdelay $0x3  }
0x9a: {  	_ =	strace s3  }
0x9b: {  	s3 =	sld [smem:$0x3FFD];
	_ =	sdelay $0x3  }
0x9c: {  	_ =	strace s3  }
0x9d: {  	_ =	strace $0x8FFFFFFF  }
0x9e: {  	s18 =	sld [smem:$0x3FDB];
	_ =	sdelay $0x1  }
0x9f: {  	s19 =	simm.s32 $_scs_section_size  }
0xa0: {  	s5 =	simm.s32 $_size__tile_overlayer_lowered;
	s6 =	simm.s32 $_tile_overlayer_lowered  }
0xa1: {  	s22 =	simm.s32 $0x1BFF;
	s21 =	sshll.u32 s6, $0x1;
	s3 =	sadd.s32 s19, s18  }
0xa2: {  	s7 =	simm.s32 $0x0;
	s20 =	sshll.u32 s5, $0x1;
	s5 =	sadd.s32 s21, s3  }
0xa3: {  	[timem:s7], [sflag:s22] =	dma.local [hbm:s5], s20  }
0xa4: {  	_ =	swait.ge [sflag:s22], s20  }
0xa5: {  	s4 =	ssub.s32 $0x0, s20;
	[sflag:s22] =	ssyncset.done $0x0  }
0xa6: {  	[sflag:s22] =	ssyncadd.s32 s4;
	_ =	sdelay $0x1  }
0xa7: {  	s23 =	simm.s32 $0x1B8B  }
0xa8: {  	_ =	swait.ge [sflag:s23], $0x1  }
0xa9: {  	[sflag:s23] =	ssyncset.done $0x0  }
0xaa: {  	s25 =	simm.s32 $0x1B8E;
	s24 =	sld [smem:$0x3FFE];
	[sflag:s23] =	ssyncadd.s32 $0xFFFFFFFF  }
0xab: {  	s26 =	simm.s32 $execute0_lowered;
	[smem:$0x3FD2] =	sst s25  }
0xac: {  	s5 =	sshll.u32 s26, $0x1;
	_ =	strace $0x80000046;
	[dreg:$0x1] =	wrdreg $0xFFFFFFFF  }
0xad: {  	s28 =	simm.s32 $_size_execute0_lowered;
	s3 =	sadd.s32 s3, s5;
	[dreg:$0x0] =	wrdreg $0x0  }
0xae: {  	s5 =	sshll.u32 s28, $0x1;
	[dreg:$0x2] =	wrdreg s3  }
0xaf: {  	[dreg:$0x3] =	wrdreg s5  }
0xb0: {  	[dreg:$0x4] =	wrdreg $0xC0  }
0xb1: {  	_ =	task [dreg:s7], $0x5FFFF  }
0xb2: {  	[dreg:$0x1] =	wrdreg $0xFFFFFFFF  }
0xb3: {  	[dreg:$0x0] =	wrdreg $0x60  }
0xb4: {  	[dreg:$0x2] =	wrdreg s16  }
0xb5: {  	[dreg:$0x3] =	wrdreg s24  }
0xb6: {  	[dreg:$0x4] =	wrdreg $0x9  }
0xb7: {  	_ =	task.clear_ibuf [dreg:s7], $0x5FFFF;
	_ =	strace $0x90000046  }
0xb8: {  	s29 =	simm.s32 $0x9;
	_ =	strace $0x80000048  }
0xb9: {  	_ =	swait.ge [sflag:s29], $0x1  }
0xba: {  	[sflag:s29] =	ssyncadd.s32 $0xFFFFFFFF  }
0xbb: {  	_ =	strace $0x90000048  }
0xbc: {  	_ =	sfence  }
0xbd: {  	s30 =	sld [smem:$0x0];
	_ =	sdelay $0x2  }
0xbe: {  	s31 =	sshll.u32 s1, $0xD;
	s1 =	sshrl.u32 s1, $0x2  }
0xbf: {  	s3 =	sand.u32 $0x4000, s31;
	s1 =	sadd.s32 s1, s30  }
0xc0: {  	s0 =	sor.u32 s3, s0;
	s1 =	sshll.u32 s1, $0x11  }
0xc1: {  	s0 =	sor.u32 s1, s0  }
0xc2: {  	s0 =	sadd.s32 $0x8F2B, s0  }
0xc3: {  	[sflag:s0] =	ssyncadd.remote.s32 $0x1  }
0xc4: {  	_ =	sfence.sel $0xFFFF  }
0xc5: {  	[dreg:$0x0] =	wrdreg $0xFFFFFFFF;
	(pc) =	sbr.abs _section_cstart, $3  }
0xc6: {  	[dreg:$0x1] =	wrdreg $0xFFFFFFFF  }
0xc7: {  	_ =	task.clear_ibuf [dreg:s7], $0x2FFFF;
	_ =	strace $0x9FFFFFFF  }
0xc8: {  	(tm) =	ssettm $0x7FFFFFFF  }
0xc9: {  	_ =	shalt  }
tec
execute0_lowered:
.L_overlay_start_1:
0x0: {  	(tag) =	ssettag $0x1  }
0x1: {  	s5 =	rddreg [dreg:$0x0]  }
0x2: {  	s0 =	rddreg [dreg:$0x1]  }
0x3: {  	s1 =	srdreg.scid;
	s2 =	simm.s32 $0x0;
	s3 =	stileid.u32  }
0x4: {  	p0 =	por $0x0, $0x0;
	s1 =	sand.u32 $0x1, s1;
	[smem:$0x7FF] =	sst s2  }
0x5: {  	s3 =	sshll.u32 s3, $0xE;
	s6 =	sadd.s32 $0xA00, s0;
	s4 =	sshll.u32 s1, $0xD  }
0x6: {  	s0 =	sadd.s32 $0x8A00, s0;
	s1 =	ssub.s32 $0x2, s1;
	s3 =	sor.u32 s4, s3  }
0x7: {  	_ =	strace $0x80000047;
	s26 =	sshrl.u32 s1, $0x1;
	s4 =	sshrl.u32 s3, $0x3  }
0x8: {  	s7 =	sshll.u32 s3, $0x1;
	s8 =	sor.u32 $0x800, s3;
	s25 =	sor.u32 $0x1000, s3  }
0x9: {  	s3 =	sor.u32 $0x1800, s3;
	s1 =	ssub.s32 s1, s26;
	s4 =	sadd.s32 s6, s4  }
0xa: {  	s20 =	sadd.s32 s0, s7;
	s21 =	sshrl.u32 s8, $0x3;
	s23 =	sshll.u32 s8, $0x1  }
0xb: {  	s28 =	sshrl.u32 s25, $0x3;
	s7 =	sshll.u32 s25, $0x1;
	[dreg:$0x3] =	wrdreg s4  }
0xc: {  	s30 =	sshrl.u32 s3, $0x3;
	[dreg:$0x4] =	wrdreg s20;
	s22 =	sadd.s32 s6, s21  }
0xd: {  	s1 =	smax.u32 s1, $0x1;
	s24 =	sadd.s32 s0, s23;
	[dreg:$0x5] =	wrdreg s22  }
0xe: {  	s4 =	sadd.s32 s6, s28;
	p1 =	sne.s32 s1, $0x1;
	[dreg:$0x6] =	wrdreg s24  }
.Ltmp0:
0xf: {  	s29 =	sadd.s32 s0, s7;
	[dreg:$0x7] =	wrdreg s4;
	(pc) =	sbr.rel @!p1 .LBB2_4-.Ltmp0, $4  }
0x10: {  	s3 =	sshll.u32 s3, $0x1;
	s31 =	sadd.s32 s6, s30;
	[dreg:$0x8] =	wrdreg s29  }
0x11: {  	s0 =	sadd.s32 s0, s3;
	s3 =	simm.s32 $0x2;
	[dreg:$0x9] =	wrdreg s31  }
0x12: {  	s7 =	simm.s32 $0x80;
	s6 =	simm.s32 $0x1;
	[dreg:$0xa] =	wrdreg s0  }
0x13: {  	s4 =	simm.s32 $0x800;
	s0 =	sadd.s32 $0xFFFFFFFF, s1;
	s13 =	rddreg [dreg:$0x3]  }
0x14: {  	[tilespmem:s2], [sflag:$0x2] =	stream.linear.gather [hbm4b:s13+s2], $0x800, $0x38;
	[tilespmem:$0x8800] =	vst v63  }
0x15: {  	_ =	swait.ge [sflag:s3], $0x800  }
0x16: {  	[sflag:s3] =	ssyncset.done $0x0  }
0x17: {  	[sflag:s3] =	ssyncadd.s32 $0xFFFFF800  }
0x18: {  	[tilespmem:s4], [sflag:$0x1] =	stream.indirect.gather [hbm4b:s5+s7], $0x10, s2, s7, $0xb8;
	[tilespmem:$0x8800] =	vst v63  }
0x19: {  	s1 =	simm.s32 $0x1000  }
0x1a: {  	[tilespmem:s1], [sflag:$0x1] =	stream.indirect.gather [hbm4b:s5+s7], $0x10, s7, s7, $0xb8;
	[tilespmem:$0x8800] =	vst v63  }
0x1b: {  	s9 =	simm.s32 $0x100;
	s10 =	simm.s32 $0x1800  }
0x1c: {  	[tilespmem:s10], [sflag:$0x1] =	stream.indirect.gather [hbm4b:s5+s7], $0x10, s9, s7, $0xb8;
	[tilespmem:$0x8800] =	vst v63  }
0x1d: {  	s11 =	simm.s32 $0x180;
	s12 =	simm.s32 $0x2000  }
0x1e: {  	[tilespmem:s12], [sflag:$0x1] =	stream.indirect.gather [hbm4b:s5+s7], $0x10, s11, s7, $0xb8;
	[tilespmem:$0x8800] =	vst v63  }
0x1f: {  	s13 =	simm.s32 $0x200;
	s14 =	simm.s32 $0x2800  }
0x20: {  	[tilespmem:s14], [sflag:$0x1] =	stream.indirect.gather [hbm4b:s5+s7], $0x10, s13, s7, $0xb8;
	[tilespmem:$0x8800] =	vst v63  }
0x21: {  	s15 =	simm.s32 $0x280;
	s16 =	simm.s32 $0x3000  }
0x22: {  	[tilespmem:s16], [sflag:$0x1] =	stream.indirect.gather [hbm4b:s5+s7], $0x10, s15, s7, $0xb8;
	[tilespmem:$0x8800] =	vst v63  }
0x23: {  	s17 =	simm.s32 $0x300;
	s18 =	simm.s32 $0x3800  }
0x24: {  	[tilespmem:s18], [sflag:$0x1] =	stream.indirect.gather [hbm4b:s5+s7], $0x10, s17, s7, $0xb8;
	[tilespmem:$0x8800] =	vst v63  }
0x25: {  	s19 =	simm.s32 $0x380;
	s20 =	simm.s32 $0x4000  }
0x26: {  	[tilespmem:s20], [sflag:$0x1] =	stream.indirect.gather [hbm4b:s5+s7], $0x10, s19, s7, $0xb8;
	[tilespmem:$0x8800] =	vst v63  }
0x27: {  	s21 =	simm.s32 $0x400;
	s22 =	simm.s32 $0x4800  }
0x28: {  	[tilespmem:s22], [sflag:$0x1] =	stream.indirect.gather [hbm4b:s5+s7], $0x10, s21, s7, $0xb8;
	[tilespmem:$0x8800] =	vst v63  }
0x29: {  	s23 =	simm.s32 $0x480;
	s24 =	simm.s32 $0x5000  }
0x2a: {  	[tilespmem:s24], [sflag:$0x1] =	stream.indirect.gather [hbm4b:s5+s7], $0x10, s23, s7, $0xb8;
	[tilespmem:$0x8800] =	vst v63  }
0x2b: {  	s8 =	simm.s32 $0x5800;
	s4 =	simm.s32 $0x500  }
0x2c: {  	[tilespmem:s8], [sflag:$0x1] =	stream.indirect.gather [hbm4b:s5+s7], $0x10, s4, s7, $0xb8;
	[tilespmem:$0x8800] =	vst v63  }
0x2d: {  	s9 =	simm.s32 $0x580;
	s10 =	simm.s32 $0x6000  }
0x2e: {  	[tilespmem:s10], [sflag:$0x1] =	stream.indirect.gather [hbm4b:s5+s7], $0x10, s9, s7, $0xb8;
	[tilespmem:$0x8800] =	vst v63  }
0x2f: {  	s11 =	simm.s32 $0x600;
	s12 =	simm.s32 $0x6800  }
0x30: {  	[tilespmem:s12], [sflag:$0x1] =	stream.indirect.gather [hbm4b:s5+s7], $0x10, s11, s7, $0xb8;
	[tilespmem:$0x8800] =	vst v63  }
0x31: {  	s13 =	simm.s32 $0x680;
	s16 =	simm.s32 $0x7000  }
0x32: {  	[tilespmem:s16], [sflag:$0x1] =	stream.indirect.gather [hbm4b:s5+s7], $0x10, s13, s7, $0xb8;
	[tilespmem:$0x8800] =	vst v63  }
0x33: {  	s19 =	simm.s32 $0x700;
	s20 =	simm.s32 $0x7800  }
0x34: {  	[tilespmem:s20], [sflag:$0x1] =	stream.indirect.gather [hbm4b:s5+s7], $0x10, s19, s7, $0xb8;
	[tilespmem:$0x8800] =	vst v63  }
0x35: {  	[dreg:$0xb] =	wrdreg s0;
	s4 =	simm.s32 $0x780;
	s8 =	simm.s32 $0x8000  }
0x36: {  	[tilespmem:s8], [sflag:$0x1] =	stream.indirect.gather [hbm4b:s5+s7], $0x10, s4, s7, $0xb8;
	[tilespmem:$0x8800] =	vst v63  }
0x37: {  	_ =	swait.ge [sflag:s6], $0x800  }
0x38: {  	[sflag:s6] =	ssyncset.done $0x0  }
0x39: {  	[sflag:s6] =	ssyncadd.s32 $0xFFFFF800  }
0x3a: {  	_ =	swait.ge [sflag:s6], $0x800  }
0x3b: {  	[sflag:s6] =	ssyncset.done $0x0  }
0x3c: {  	[sflag:s6] =	ssyncadd.s32 $0xFFFFF800  }
0x3d: {  	_ =	swait.ge [sflag:s6], $0x800  }
0x3e: {  	[sflag:s6] =	ssyncset.done $0x0  }
0x3f: {  	[sflag:s6] =	ssyncadd.s32 $0xFFFFF800  }
0x40: {  	_ =	swait.ge [sflag:s6], $0x800  }
0x41: {  	[sflag:s6] =	ssyncset.done $0x0  }
0x42: {  	[sflag:s6] =	ssyncadd.s32 $0xFFFFF800  }
0x43: {  	_ =	swait.ge [sflag:s6], $0x800  }
0x44: {  	[sflag:s6] =	ssyncset.done $0x0  }
0x45: {  	[sflag:s6] =	ssyncadd.s32 $0xFFFFF800  }
0x46: {  	_ =	swait.ge [sflag:s6], $0x800  }
0x47: {  	[sflag:s6] =	ssyncset.done $0x0  }
0x48: {  	[sflag:s6] =	ssyncadd.s32 $0xFFFFF800  }
0x49: {  	_ =	swait.ge [sflag:s6], $0x800  }
0x4a: {  	[sflag:s6] =	ssyncset.done $0x0  }
0x4b: {  	[sflag:s6] =	ssyncadd.s32 $0xFFFFF800  }
0x4c: {  	_ =	swait.ge [sflag:s6], $0x800  }
0x4d: {  	[sflag:s6] =	ssyncset.done $0x0  }
0x4e: {  	[sflag:s6] =	ssyncadd.s32 $0xFFFFF800  }
0x4f: {  	_ =	swait.ge [sflag:s6], $0x800  }
0x50: {  	[sflag:s6] =	ssyncset.done $0x0  }
0x51: {  	[sflag:s6] =	ssyncadd.s32 $0xFFFFF800  }
0x52: {  	_ =	swait.ge [sflag:s6], $0x800  }
0x53: {  	[sflag:s6] =	ssyncset.done $0x0  }
0x54: {  	[sflag:s6] =	ssyncadd.s32 $0xFFFFF800  }
0x55: {  	_ =	swait.ge [sflag:s6], $0x800  }
0x56: {  	[sflag:s6] =	ssyncset.done $0x0  }
0x57: {  	[sflag:s6] =	ssyncadd.s32 $0xFFFFF800  }
0x58: {  	_ =	swait.ge [sflag:s6], $0x800  }
0x59: {  	[sflag:s6] =	ssyncset.done $0x0  }
0x5a: {  	[sflag:s6] =	ssyncadd.s32 $0xFFFFF800  }
0x5b: {  	_ =	swait.ge [sflag:s6], $0x800  }
0x5c: {  	[sflag:s6] =	ssyncset.done $0x0  }
0x5d: {  	[sflag:s6] =	ssyncadd.s32 $0xFFFFF800  }
0x5e: {  	_ =	swait.ge [sflag:s6], $0x800  }
0x5f: {  	[sflag:s6] =	ssyncset.done $0x0  }
0x60: {  	[sflag:s6] =	ssyncadd.s32 $0xFFFFF800  }
0x61: {  	_ =	swait.ge [sflag:s6], $0x800  }
0x62: {  	[sflag:s6] =	ssyncset.done $0x0  }
0x63: {  	[sflag:s6] =	ssyncadd.s32 $0xFFFFF800  }
0x64: {  	_ =	swait.ge [sflag:s6], $0x800  }
0x65: {  	s2 =	simm.s32 $0x800;
	[sflag:s6] =	ssyncset.done $0x0  }
0x66: {  	s12 =	simm.s32 $0x0;
	s9 =	rddreg [dreg:$0x4];
	[sflag:s6] =	ssyncadd.s32 $0xFFFFF800  }
0x67: {  	[hbm4b:s9+s12] =	stream.linear.scatter [tilespmem:s2], [sflag:$0x2], $0x8000, $0x38;
	[tilespmem:$0x8800] =	vst v63  }
0x68: {  	_ =	swait.ge [sflag:s3], $0x8000  }
0x69: {  	[sflag:s3] =	ssyncset.done $0x0  }
0x6a: {  	s10 =	rddreg [dreg:$0x5];
	[sflag:s3] =	ssyncadd.s32 $0xFFFF8000  }
0x6b: {  	[tilespmem:s12], [sflag:$0x2] =	stream.linear.gather [hbm4b:s10+s12], $0x800, $0x38;
	[tilespmem:$0x8800] =	vst v63  }
0x6c: {  	_ =	swait.ge [sflag:s3], $0x800  }
0x6d: {  	[sflag:s3] =	ssyncset.done $0x0  }
0x6e: {  	[sflag:s3] =	ssyncadd.s32 $0xFFFFF800  }
0x6f: {  	[tilespmem:s2], [sflag:$0x1] =	stream.indirect.gather [hbm4b:s5+s7], $0x10, s12, s7, $0xb8;
	[tilespmem:$0x8800] =	vst v63  }
0x70: {  	s10 =	simm.s32 $0x1000  }
0x71: {  	[tilespmem:s10], [sflag:$0x1] =	stream.indirect.gather [hbm4b:s5+s7], $0x10, s7, s7, $0xb8;
	[tilespmem:$0x8800] =	vst v63  }
0x72: {  	s4 =	simm.s32 $0x1800;
	s9 =	simm.s32 $0x100  }
0x73: {  	[tilespmem:s4], [sflag:$0x1] =	stream.indirect.gather [hbm4b:s5+s7], $0x10, s9, s7, $0xb8;
	[tilespmem:$0x8800] =	vst v63  }
0x74: {  	s1 =	simm.s32 $0x2000;
	s8 =	simm.s32 $0x180  }
0x75: {  	[tilespmem:s1], [sflag:$0x1] =	stream.indirect.gather [hbm4b:s5+s7], $0x10, s8, s7, $0xb8;
	[tilespmem:$0x8800] =	vst v63  }
0x76: {  	s0 =	simm.s32 $0x2800;
	s13 =	simm.s32 $0x200  }
0x77: {  	[tilespmem:s0], [sflag:$0x1] =	stream.indirect.gather [hbm4b:s5+s7], $0x10, s13, s7, $0xb8;
	[tilespmem:$0x8800] =	vst v63  }
0x78: {  	s0 =	simm.s32 $0x3000;
	s13 =	simm.s32 $0x280  }
0x79: {  	[tilespmem:s0], [sflag:$0x1] =	stream.indirect.gather [hbm4b:s5+s7], $0x10, s13, s7, $0xb8;
	[tilespmem:$0x8800] =	vst v63  }
0x7a: {  	s31 =	simm.s32 $0x3800;
	s30 =	simm.s32 $0x300  }
0x7b: {  	[tilespmem:s31], [sflag:$0x1] =	stream.indirect.gather [hbm4b:s5+s7], $0x10, s30, s7, $0xb8;
	[tilespmem:$0x8800] =	vst v63  }
0x7c: {  	s29 =	simm.s32 $0x4000;
	s28 =	simm.s32 $0x380  }
0x7d: {  	[tilespmem:s29], [sflag:$0x1] =	stream.indirect.gather [hbm4b:s5+s7], $0x10, s28, s7, $0xb8;
	[tilespmem:$0x8800] =	vst v63  }
0x7e: {  	s26 =	simm.s32 $0x4800;
	s25 =	simm.s32 $0x400  }
0x7f: {  	[tilespmem:s26], [sflag:$0x1] =	stream.indirect.gather [hbm4b:s5+s7], $0x10, s25, s7, $0xb8;
	[tilespmem:$0x8800] =	vst v63  }
0x80: {  	s24 =	simm.s32 $0x5000;
	s23 =	simm.s32 $0x480  }
0x81: {  	[tilespmem:s24], [sflag:$0x1] =	stream.indirect.gather [hbm4b:s5+s7], $0x10, s23, s7, $0xb8;
	[tilespmem:$0x8800] =	vst v63  }
0x82: {  	s22 =	simm.s32 $0x5800;
	s21 =	simm.s32 $0x500  }
0x83: {  	[tilespmem:s22], [sflag:$0x1] =	stream.indirect.gather [hbm4b:s5+s7], $0x10, s21, s7, $0xb8;
	[tilespmem:$0x8800] =	vst v63  }
0x84: {  	s17 =	simm.s32 $0x6000;
	s18 =	simm.s32 $0x580  }
0x85: {  	[tilespmem:s17], [sflag:$0x1] =	stream.indirect.gather [hbm4b:s5+s7], $0x10, s18, s7, $0xb8;
	[tilespmem:$0x8800] =	vst v63  }
0x86: {  	s14 =	simm.s32 $0x600;
	s15 =	simm.s32 $0x6800  }
0x87: {  	[tilespmem:s15], [sflag:$0x1] =	stream.indirect.gather [hbm4b:s5+s7], $0x10, s14, s7, $0xb8;
	[tilespmem:$0x8800] =	vst v63  }
0x88: {  	s0 =	simm.s32 $0x7000;
	s26 =	simm.s32 $0x680  }
0x89: {  	[tilespmem:s0], [sflag:$0x1] =	stream.indirect.gather [hbm4b:s5+s7], $0x10, s26, s7, $0xb8;
	[tilespmem:$0x8800] =	vst v63  }
0x8a: {  	s16 =	simm.s32 $0x7800;
	s20 =	simm.s32 $0x700  }
0x8b: {  	[tilespmem:s16], [sflag:$0x1] =	stream.indirect.gather [hbm4b:s5+s7], $0x10, s20, s7, $0xb8;
	[tilespmem:$0x8800] =	vst v63  }
0x8c: {  	s11 =	simm.s32 $0x8000;
	s19 =	simm.s32 $0x780  }
0x8d: {  	[tilespmem:s11], [sflag:$0x1] =	stream.indirect.gather [hbm4b:s5+s7], $0x10, s19, s7, $0xb8;
	[tilespmem:$0x8800] =	vst v63  }
0x8e: {  	_ =	swait.ge [sflag:s6], $0x800  }
0x8f: {  	[sflag:s6] =	ssyncset.done $0x0  }
0x90: {  	[sflag:s6] =	ssyncadd.s32 $0xFFFFF800  }
0x91: {  	_ =	swait.ge [sflag:s6], $0x800  }
0x92: {  	[sflag:s6] =	ssyncset.done $0x0  }
0x93: {  	[sflag:s6] =	ssyncadd.s32 $0xFFFFF800  }
0x94: {  	_ =	swait.ge [sflag:s6], $0x800  }
0x95: {  	[sflag:s6] =	ssyncset.done $0x0  }
0x96: {  	[sflag:s6] =	ssyncadd.s32 $0xFFFFF800  }
0x97: {  	_ =	swait.ge [sflag:s6], $0x800  }
0x98: {  	[sflag:s6] =	ssyncset.done $0x0  }
0x99: {  	[sflag:s6] =	ssyncadd.s32 $0xFFFFF800  }
0x9a: {  	_ =	swait.ge [sflag:s6], $0x800  }
0x9b: {  	[sflag:s6] =	ssyncset.done $0x0  }
0x9c: {  	[sflag:s6] =	ssyncadd.s32 $0xFFFFF800  }
0x9d: {  	_ =	swait.ge [sflag:s6], $0x800  }
0x9e: {  	[sflag:s6] =	ssyncset.done $0x0  }
0x9f: {  	[sflag:s6] =	ssyncadd.s32 $0xFFFFF800  }
0xa0: {  	_ =	swait.ge [sflag:s6], $0x800  }
0xa1: {  	[sflag:s6] =	ssyncset.done $0x0  }
0xa2: {  	[sflag:s6] =	ssyncadd.s32 $0xFFFFF800  }
0xa3: {  	_ =	swait.ge [sflag:s6], $0x800  }
0xa4: {  	[sflag:s6] =	ssyncset.done $0x0  }
0xa5: {  	[sflag:s6] =	ssyncadd.s32 $0xFFFFF800  }
0xa6: {  	_ =	swait.ge [sflag:s6], $0x800  }
0xa7: {  	[sflag:s6] =	ssyncset.done $0x0  }
0xa8: {  	[sflag:s6] =	ssyncadd.s32 $0xFFFFF800  }
0xa9: {  	_ =	swait.ge [sflag:s6], $0x800  }
0xaa: {  	[sflag:s6] =	ssyncset.done $0x0  }
0xab: {  	[sflag:s6] =	ssyncadd.s32 $0xFFFFF800  }
0xac: {  	_ =	swait.ge [sflag:s6], $0x800  }
0xad: {  	[sflag:s6] =	ssyncset.done $0x0  }
0xae: {  	[sflag:s6] =	ssyncadd.s32 $0xFFFFF800  }
0xaf: {  	_ =	swait.ge [sflag:s6], $0x800  }
0xb0: {  	[sflag:s6] =	ssyncset.done $0x0  }
0xb1: {  	[sflag:s6] =	ssyncadd.s32 $0xFFFFF800  }
0xb2: {  	_ =	swait.ge [sflag:s6], $0x800  }
0xb3: {  	[sflag:s6] =	ssyncset.done $0x0  }
0xb4: {  	[sflag:s6] =	ssyncadd.s32 $0xFFFFF800  }
0xb5: {  	_ =	swait.ge [sflag:s6], $0x800  }
0xb6: {  	[sflag:s6] =	ssyncset.done $0x0  }
0xb7: {  	[sflag:s6] =	ssyncadd.s32 $0xFFFFF800  }
0xb8: {  	_ =	swait.ge [sflag:s6], $0x800  }
0xb9: {  	[sflag:s6] =	ssyncset.done $0x0  }
0xba: {  	[sflag:s6] =	ssyncadd.s32 $0xFFFFF800  }
0xbb: {  	_ =	swait.ge [sflag:s6], $0x800  }
0xbc: {  	[sflag:s6] =	ssyncset.done $0x0  }
0xbd: {  	s19 =	rddreg [dreg:$0x6];
	[sflag:s6] =	ssyncadd.s32 $0xFFFFF800  }
0xbe: {  	[hbm4b:s19+s12] =	stream.linear.scatter [tilespmem:s2], [sflag:$0x2], $0x8000, $0x38;
	[tilespmem:$0x8800] =	vst v63  }
0xbf: {  	_ =	swait.ge [sflag:s3], $0x8000  }
0xc0: {  	[sflag:s3] =	ssyncset.done $0x0  }
0xc1: {  	s20 =	rddreg [dreg:$0x7];
	[sflag:s3] =	ssyncadd.s32 $0xFFFF8000  }
0xc2: {  	[tilespmem:s12], [sflag:$0x2] =	stream.linear.gather [hbm4b:s20+s12], $0x800, $0x38;
	[tilespmem:$0x8800] =	vst v63  }
0xc3: {  	_ =	swait.ge [sflag:s3], $0x800  }
0xc4: {  	[sflag:s3] =	ssyncset.done $0x0  }
0xc5: {  	[sflag:s3] =	ssyncadd.s32 $0xFFFFF800  }
0xc6: {  	[tilespmem:s2], [sflag:$0x1] =	stream.indirect.gather [hbm4b:s5+s7], $0x10, s12, s7, $0xb8;
	[tilespmem:$0x8800] =	vst v63  }
0xc7: {  	_ = 	snop  }
0xc8: {  	[tilespmem:s10], [sflag:$0x1] =	stream.indirect.gather [hbm4b:s5+s7], $0x10, s7, s7, $0xb8;
	[tilespmem:$0x8800] =	vst v63  }
0xc9: {  	_ = 	snop  }
0xca: {  	[tilespmem:s4], [sflag:$0x1] =	stream.indirect.gather [hbm4b:s5+s7], $0x10, s9, s7, $0xb8;
	[tilespmem:$0x8800] =	vst v63  }
0xcb: {  	_ = 	snop  }
0xcc: {  	[tilespmem:s1], [sflag:$0x1] =	stream.indirect.gather [hbm4b:s5+s7], $0x10, s8, s7, $0xb8;
	[tilespmem:$0x8800] =	vst v63  }
0xcd: {  	s19 =	simm.s32 $0x2800;
	s1 =	simm.s32 $0x200  }
0xce: {  	[tilespmem:s19], [sflag:$0x1] =	stream.indirect.gather [hbm4b:s5+s7], $0x10, s1, s7, $0xb8;
	[tilespmem:$0x8800] =	vst v63  }
0xcf: {  	s19 =	simm.s32 $0x3000;
	s1 =	simm.s32 $0x280  }
0xd0: {  	[tilespmem:s19], [sflag:$0x1] =	stream.indirect.gather [hbm4b:s5+s7], $0x10, s1, s7, $0xb8;
	[tilespmem:$0x8800] =	vst v63  }
0xd1: {  	s30 =	simm.s32 $0x3800;
	s4 =	simm.s32 $0x300  }
0xd2: {  	[tilespmem:s30], [sflag:$0x1] =	stream.indirect.gather [hbm4b:s5+s7], $0x10, s4, s7, $0xb8;
	[tilespmem:$0x8800] =	vst v63  }
0xd3: {  	s13 =	simm.s32 $0x4000;
	s28 =	simm.s32 $0x380  }
0xd4: {  	[tilespmem:s13], [sflag:$0x1] =	stream.indirect.gather [hbm4b:s5+s7], $0x10, s28, s7, $0xb8;
	[tilespmem:$0x8800] =	vst v63  }
0xd5: {  	s31 =	simm.s32 $0x4800;
	s25 =	simm.s32 $0x400  }
0xd6: {  	[tilespmem:s31], [sflag:$0x1] =	stream.indirect.gather [hbm4b:s5+s7], $0x10, s25, s7, $0xb8;
	[tilespmem:$0x8800] =	vst v63  }
0xd7: {  	s24 =	simm.s32 $0x5000;
	s23 =	simm.s32 $0x480  }
0xd8: {  	[tilespmem:s24], [sflag:$0x1] =	stream.indirect.gather [hbm4b:s5+s7], $0x10, s23, s7, $0xb8;
	[tilespmem:$0x8800] =	vst v63  }
0xd9: {  	s22 =	simm.s32 $0x5800;
	s21 =	simm.s32 $0x500  }
0xda: {  	[tilespmem:s22], [sflag:$0x1] =	stream.indirect.gather [hbm4b:s5+s7], $0x10, s21, s7, $0xb8;
	[tilespmem:$0x8800] =	vst v63  }
0xdb: {  	s18 =	simm.s32 $0x6000;
	s17 =	simm.s32 $0x580  }
0xdc: {  	[tilespmem:s18], [sflag:$0x1] =	stream.indirect.gather [hbm4b:s5+s7], $0x10, s17, s7, $0xb8;
	[tilespmem:$0x8800] =	vst v63  }
0xdd: {  	s29 =	simm.s32 $0x600;
	s22 =	simm.s32 $0x6800  }
0xde: {  	[tilespmem:s22], [sflag:$0x1] =	stream.indirect.gather [hbm4b:s5+s7], $0x10, s29, s7, $0xb8;
	[tilespmem:$0x8800] =	vst v63  }
0xdf: {  	_ = 	snop  }
0xe0: {  	[tilespmem:s0], [sflag:$0x1] =	stream.indirect.gather [hbm4b:s5+s7], $0x10, s26, s7, $0xb8;
	[tilespmem:$0x8800] =	vst v63  }
0xe1: {  	s15 =	simm.s32 $0x700;
	s16 =	simm.s32 $0x7800  }
0xe2: {  	[tilespmem:s16], [sflag:$0x1] =	stream.indirect.gather [hbm4b:s5+s7], $0x10, s15, s7, $0xb8;
	[tilespmem:$0x8800] =	vst v63  }
0xe3: {  	s14 =	simm.s32 $0x780;
	s11 =	simm.s32 $0x8000  }
0xe4: {  	[tilespmem:s11], [sflag:$0x1] =	stream.indirect.gather [hbm4b:s5+s7], $0x10, s14, s7, $0xb8;
	[tilespmem:$0x8800] =	vst v63  }
0xe5: {  	_ =	swait.ge [sflag:s6], $0x800  }
0xe6: {  	[sflag:s6] =	ssyncset.done $0x0  }
0xe7: {  	[sflag:s6] =	ssyncadd.s32 $0xFFFFF800  }
0xe8: {  	_ =	swait.ge [sflag:s6], $0x800  }
0xe9: {  	[sflag:s6] =	ssyncset.done $0x0  }
0xea: {  	[sflag:s6] =	ssyncadd.s32 $0xFFFFF800  }
0xeb: {  	_ =	swait.ge [sflag:s6], $0x800  }
0xec: {  	[sflag:s6] =	ssyncset.done $0x0  }
0xed: {  	[sflag:s6] =	ssyncadd.s32 $0xFFFFF800  }
0xee: {  	_ =	swait.ge [sflag:s6], $0x800  }
0xef: {  	[sflag:s6] =	ssyncset.done $0x0  }
0xf0: {  	[sflag:s6] =	ssyncadd.s32 $0xFFFFF800  }
0xf1: {  	_ =	swait.ge [sflag:s6], $0x800  }
0xf2: {  	[sflag:s6] =	ssyncset.done $0x0  }
0xf3: {  	[sflag:s6] =	ssyncadd.s32 $0xFFFFF800  }
0xf4: {  	_ =	swait.ge [sflag:s6], $0x800  }
0xf5: {  	[sflag:s6] =	ssyncset.done $0x0  }
0xf6: {  	[sflag:s6] =	ssyncadd.s32 $0xFFFFF800  }
0xf7: {  	_ =	swait.ge [sflag:s6], $0x800  }
0xf8: {  	[sflag:s6] =	ssyncset.done $0x0  }
0xf9: {  	[sflag:s6] =	ssyncadd.s32 $0xFFFFF800  }
0xfa: {  	_ =	swait.ge [sflag:s6], $0x800  }
0xfb: {  	[sflag:s6] =	ssyncset.done $0x0  }
0xfc: {  	[sflag:s6] =	ssyncadd.s32 $0xFFFFF800  }
0xfd: {  	_ =	swait.ge [sflag:s6], $0x800  }
0xfe: {  	[sflag:s6] =	ssyncset.done $0x0  }
0xff: {  	[sflag:s6] =	ssyncadd.s32 $0xFFFFF800  }
0x100: {  	_ =	swait.ge [sflag:s6], $0x800  }
0x101: {  	[sflag:s6] =	ssyncset.done $0x0  }
0x102: {  	[sflag:s6] =	ssyncadd.s32 $0xFFFFF800  }
0x103: {  	_ =	swait.ge [sflag:s6], $0x800  }
0x104: {  	[sflag:s6] =	ssyncset.done $0x0  }
0x105: {  	[sflag:s6] =	ssyncadd.s32 $0xFFFFF800  }
0x106: {  	_ =	swait.ge [sflag:s6], $0x800  }
0x107: {  	[sflag:s6] =	ssyncset.done $0x0  }
0x108: {  	[sflag:s6] =	ssyncadd.s32 $0xFFFFF800  }
0x109: {  	_ =	swait.ge [sflag:s6], $0x800  }
0x10a: {  	[sflag:s6] =	ssyncset.done $0x0  }
0x10b: {  	[sflag:s6] =	ssyncadd.s32 $0xFFFFF800  }
0x10c: {  	_ =	swait.ge [sflag:s6], $0x800  }
0x10d: {  	[sflag:s6] =	ssyncset.done $0x0  }
0x10e: {  	[sflag:s6] =	ssyncadd.s32 $0xFFFFF800  }
0x10f: {  	_ =	swait.ge [sflag:s6], $0x800  }
0x110: {  	[sflag:s6] =	ssyncset.done $0x0  }
0x111: {  	[sflag:s6] =	ssyncadd.s32 $0xFFFFF800  }
0x112: {  	_ =	swait.ge [sflag:s6], $0x800  }
0x113: {  	[sflag:s6] =	ssyncset.done $0x0  }
0x114: {  	s16 =	rddreg [dreg:$0x8];
	[sflag:s6] =	ssyncadd.s32 $0xFFFFF800  }
0x115: {  	[hbm4b:s16+s12] =	stream.linear.scatter [tilespmem:s2], [sflag:$0x2], $0x8000, $0x38;
	[tilespmem:$0x8800] =	vst v63  }
0x116: {  	_ =	swait.ge [sflag:s3], $0x8000  }
0x117: {  	[sflag:s3] =	ssyncset.done $0x0  }
0x118: {  	s16 =	rddreg [dreg:$0x9];
	[sflag:s3] =	ssyncadd.s32 $0xFFFF8000  }
0x119: {  	[tilespmem:s12], [sflag:$0x2] =	stream.linear.gather [hbm4b:s16+s12], $0x800, $0x38;
	[tilespmem:$0x8800] =	vst v63  }
0x11a: {  	_ =	swait.ge [sflag:s3], $0x800  }
0x11b: {  	[sflag:s3] =	ssyncset.done $0x0  }
0x11c: {  	[sflag:s3] =	ssyncadd.s32 $0xFFFFF800  }
0x11d: {  	[tilespmem:s2], [sflag:$0x1] =	stream.indirect.gather [hbm4b:s5+s7], $0x10, s12, s7, $0xb8;
	[tilespmem:$0x8800] =	vst v63  }
0x11e: {  	s20 =	simm.s32 $0x1000  }
0x11f: {  	[tilespmem:s20], [sflag:$0x1] =	stream.indirect.gather [hbm4b:s5+s7], $0x10, s7, s7, $0xb8;
	[tilespmem:$0x8800] =	vst v63  }
0x120: {  	s9 =	simm.s32 $0x100;
	s20 =	simm.s32 $0x1800  }
0x121: {  	[tilespmem:s20], [sflag:$0x1] =	stream.indirect.gather [hbm4b:s5+s7], $0x10, s9, s7, $0xb8;
	[tilespmem:$0x8800] =	vst v63  }
0x122: {  	s8 =	simm.s32 $0x180;
	s12 =	simm.s32 $0x2000  }
0x123: {  	[tilespmem:s12], [sflag:$0x1] =	stream.indirect.gather [hbm4b:s5+s7], $0x10, s8, s7, $0xb8;
	[tilespmem:$0x8800] =	vst v63  }
0x124: {  	s13 =	simm.s32 $0x200;
	s16 =	simm.s32 $0x2800  }
0x125: {  	[tilespmem:s16], [sflag:$0x1] =	stream.indirect.gather [hbm4b:s5+s7], $0x10, s13, s7, $0xb8;
	[tilespmem:$0x8800] =	vst v63  }
0x126: {  	_ = 	snop  }
0x127: {  	[tilespmem:s19], [sflag:$0x1] =	stream.indirect.gather [hbm4b:s5+s7], $0x10, s1, s7, $0xb8;
	[tilespmem:$0x8800] =	vst v63  }
0x128: {  	s4 =	simm.s32 $0x300;
	s20 =	simm.s32 $0x3800  }
0x129: {  	[tilespmem:s20], [sflag:$0x1] =	stream.indirect.gather [hbm4b:s5+s7], $0x10, s4, s7, $0xb8;
	[tilespmem:$0x8800] =	vst v63  }
0x12a: {  	s30 =	simm.s32 $0x4000;
	s28 =	simm.s32 $0x380  }
0x12b: {  	[tilespmem:s30], [sflag:$0x1] =	stream.indirect.gather [hbm4b:s5+s7], $0x10, s28, s7, $0xb8;
	[tilespmem:$0x8800] =	vst v63  }
0x12c: {  	s10 =	simm.s32 $0x4800;
	s25 =	simm.s32 $0x400  }
0x12d: {  	[tilespmem:s10], [sflag:$0x1] =	stream.indirect.gather [hbm4b:s5+s7], $0x10, s25, s7, $0xb8;
	[tilespmem:$0x8800] =	vst v63  }
0x12e: {  	s31 =	simm.s32 $0x5000;
	s23 =	simm.s32 $0x480  }
0x12f: {  	[tilespmem:s31], [sflag:$0x1] =	stream.indirect.gather [hbm4b:s5+s7], $0x10, s23, s7, $0xb8;
	[tilespmem:$0x8800] =	vst v63  }
0x130: {  	s24 =	simm.s32 $0x500;
	s21 =	simm.s32 $0x5800  }
0x131: {  	[tilespmem:s21], [sflag:$0x1] =	stream.indirect.gather [hbm4b:s5+s7], $0x10, s24, s7, $0xb8;
	[tilespmem:$0x8800] =	vst v63  }
0x132: {  	s18 =	simm.s32 $0x580;
	s17 =	simm.s32 $0x6000  }
0x133: {  	[tilespmem:s17], [sflag:$0x1] =	stream.indirect.gather [hbm4b:s5+s7], $0x10, s18, s7, $0xb8;
	[tilespmem:$0x8800] =	vst v63  }
0x134: {  	s29 =	simm.s32 $0x600  }
0x135: {  	[tilespmem:s22], [sflag:$0x1] =	stream.indirect.gather [hbm4b:s5+s7], $0x10, s29, s7, $0xb8;
	[tilespmem:$0x8800] =	vst v63  }
0x136: {  	s0 =	simm.s32 $0x680;
	s29 =	simm.s32 $0x7000  }
0x137: {  	[tilespmem:s29], [sflag:$0x1] =	stream.indirect.gather [hbm4b:s5+s7], $0x10, s0, s7, $0xb8;
	[tilespmem:$0x8800] =	vst v63  }
0x138: {  	s26 =	simm.s32 $0x700;
	s15 =	simm.s32 $0x7800  }
0x139: {  	[tilespmem:s15], [sflag:$0x1] =	stream.indirect.gather [hbm4b:s5+s7], $0x10, s26, s7, $0xb8;
	[tilespmem:$0x8800] =	vst v63  }
0x13a: {  	s11 =	simm.s32 $0x8000;
	s14 =	simm.s32 $0x780  }
0x13b: {  	[tilespmem:s11], [sflag:$0x1] =	stream.indirect.gather [hbm4b:s5+s7], $0x10, s14, s7, $0xb8;
	[tilespmem:$0x8800] =	vst v63  }
0x13c: {  	_ =	swait.ge [sflag:s6], $0x800  }
0x13d: {  	[sflag:s6] =	ssyncset.done $0x0  }
0x13e: {  	[sflag:s6] =	ssyncadd.s32 $0xFFFFF800  }
0x13f: {  	_ =	swait.ge [sflag:s6], $0x800  }
0x140: {  	[sflag:s6] =	ssyncset.done $0x0  }
0x141: {  	[sflag:s6] =	ssyncadd.s32 $0xFFFFF800  }
0x142: {  	_ =	swait.ge [sflag:s6], $0x800  }
0x143: {  	[sflag:s6] =	ssyncset.done $0x0  }
0x144: {  	[sflag:s6] =	ssyncadd.s32 $0xFFFFF800  }
0x145: {  	_ =	swait.ge [sflag:s6], $0x800  }
0x146: {  	[sflag:s6] =	ssyncset.done $0x0  }
0x147: {  	[sflag:s6] =	ssyncadd.s32 $0xFFFFF800  }
0x148: {  	_ =	swait.ge [sflag:s6], $0x800  }
0x149: {  	[sflag:s6] =	ssyncset.done $0x0  }
0x14a: {  	[sflag:s6] =	ssyncadd.s32 $0xFFFFF800  }
0x14b: {  	_ =	swait.ge [sflag:s6], $0x800  }
0x14c: {  	[sflag:s6] =	ssyncset.done $0x0  }
0x14d: {  	[sflag:s6] =	ssyncadd.s32 $0xFFFFF800  }
0x14e: {  	_ =	swait.ge [sflag:s6], $0x800  }
0x14f: {  	[sflag:s6] =	ssyncset.done $0x0  }
0x150: {  	[sflag:s6] =	ssyncadd.s32 $0xFFFFF800  }
0x151: {  	_ =	swait.ge [sflag:s6], $0x800  }
0x152: {  	[sflag:s6] =	ssyncset.done $0x0  }
0x153: {  	[sflag:s6] =	ssyncadd.s32 $0xFFFFF800  }
0x154: {  	_ =	swait.ge [sflag:s6], $0x800  }
0x155: {  	[sflag:s6] =	ssyncset.done $0x0  }
0x156: {  	[sflag:s6] =	ssyncadd.s32 $0xFFFFF800  }
0x157: {  	_ =	swait.ge [sflag:s6], $0x800  }
0x158: {  	[sflag:s6] =	ssyncset.done $0x0  }
0x159: {  	[sflag:s6] =	ssyncadd.s32 $0xFFFFF800  }
0x15a: {  	_ =	swait.ge [sflag:s6], $0x800  }
0x15b: {  	[sflag:s6] =	ssyncset.done $0x0  }
0x15c: {  	[sflag:s6] =	ssyncadd.s32 $0xFFFFF800  }
0x15d: {  	_ =	swait.ge [sflag:s6], $0x800  }
0x15e: {  	[sflag:s6] =	ssyncset.done $0x0  }
0x15f: {  	[sflag:s6] =	ssyncadd.s32 $0xFFFFF800  }
0x160: {  	_ =	swait.ge [sflag:s6], $0x800  }
0x161: {  	[sflag:s6] =	ssyncset.done $0x0  }
0x162: {  	[sflag:s6] =	ssyncadd.s32 $0xFFFFF800  }
0x163: {  	_ =	swait.ge [sflag:s6], $0x800  }
0x164: {  	[sflag:s6] =	ssyncset.done $0x0  }
0x165: {  	[sflag:s6] =	ssyncadd.s32 $0xFFFFF800  }
0x166: {  	_ =	swait.ge [sflag:s6], $0x800  }
0x167: {  	[sflag:s6] =	ssyncset.done $0x0  }
0x168: {  	[sflag:s6] =	ssyncadd.s32 $0xFFFFF800  }
0x169: {  	_ =	swait.ge [sflag:s6], $0x800  }
0x16a: {  	s31 =	rddreg [dreg:$0xb]  }
0x16b: {  	p1 =	sne.s32 s31, $0x1  }
.Ltmp1:
0x16c: {  	s2 =	simm.s32 $0x0;
	[sflag:s6] =	ssyncset.done $0x0;
	(pc) =	sbr.rel @!p1 .LBB2_4-.Ltmp1, $4  }
0x16d: {  	s4 =	simm.s32 $0x800;
	s30 =	rddreg [dreg:$0xa];
	[sflag:s6] =	ssyncadd.s32 $0xFFFFF800  }
0x16e: {  	[hbm4b:s30+s2] =	stream.linear.scatter [tilespmem:s4], [sflag:$0x2], $0x8000, $0x38;
	[tilespmem:$0x8800] =	vst v63  }
0x16f: {  	p0 =	por $0x1, $0x1;
	_ =	swait.ge [sflag:s3], $0x8000  }
0x170: {  	s12 =	sadd.s32 $0xFFFFFFFF, s31;
	s13 =	rddreg [dreg:$0x3];
	[sflag:s3] =	ssyncset.done $0x0  }
0x171: {  	s17 =	simm.s32 $0x800  }
.LBB2_3:
0x172: {  	[sflag:s3] =	ssyncadd.s32 $0xFFFF8000  }
0x173: {  	[tilespmem:s2], [sflag:$0x2] =	stream.linear.gather [hbm4b:s13+s2], $0x800, $0x38;
	[tilespmem:$0x8800] =	vst v63  }
0x174: {  	_ =	swait.ge [sflag:s3], $0x800  }
0x175: {  	[sflag:s3] =	ssyncset.done $0x0  }
0x176: {  	[sflag:s3] =	ssyncadd.s32 $0xFFFFF800  }
0x177: {  	[tilespmem:s4], [sflag:$0x1] =	stream.indirect.gather [hbm4b:s5+s7], $0x10, s2, s7, $0xb8;
	[tilespmem:$0x8800] =	vst v63  }
0x178: {  	s0 =	simm.s32 $0x1000  }
0x179: {  	[tilespmem:s0], [sflag:$0x1] =	stream.indirect.gather [hbm4b:s5+s7], $0x10, s7, s7, $0xb8;
	[tilespmem:$0x8800] =	vst v63  }
0x17a: {  	s19 =	simm.s32 $0x100;
	s1 =	simm.s32 $0x1800  }
0x17b: {  	[tilespmem:s1], [sflag:$0x1] =	stream.indirect.gather [hbm4b:s5+s7], $0x10, s19, s7, $0xb8;
	[tilespmem:$0x8800] =	vst v63  }
0x17c: {  	s20 =	simm.s32 $0x180;
	s21 =	simm.s32 $0x2000  }
0x17d: {  	[tilespmem:s21], [sflag:$0x1] =	stream.indirect.gather [hbm4b:s5+s7], $0x10, s20, s7, $0xb8;
	[tilespmem:$0x8800] =	vst v63  }
0x17e: {  	s22 =	simm.s32 $0x200;
	s23 =	simm.s32 $0x2800  }
0x17f: {  	[tilespmem:s23], [sflag:$0x1] =	stream.indirect.gather [hbm4b:s5+s7], $0x10, s22, s7, $0xb8;
	[tilespmem:$0x8800] =	vst v63  }
0x180: {  	s30 =	simm.s32 $0x280;
	s31 =	simm.s32 $0x3000  }
0x181: {  	[tilespmem:s31], [sflag:$0x1] =	stream.indirect.gather [hbm4b:s5+s7], $0x10, s30, s7, $0xb8;
	[tilespmem:$0x8800] =	vst v63  }
0x182: {  	s2 =	simm.s32 $0x300;
	s4 =	simm.s32 $0x3800  }
0x183: {  	[tilespmem:s4], [sflag:$0x1] =	stream.indirect.gather [hbm4b:s5+s7], $0x10, s2, s7, $0xb8;
	[tilespmem:$0x8800] =	vst v63  }
0x184: {  	s8 =	simm.s32 $0x380;
	s9 =	simm.s32 $0x4000  }
0x185: {  	[tilespmem:s9], [sflag:$0x1] =	stream.indirect.gather [hbm4b:s5+s7], $0x10, s8, s7, $0xb8;
	[tilespmem:$0x8800] =	vst v63  }
0x186: {  	s10 =	simm.s32 $0x400;
	s11 =	simm.s32 $0x4800  }
0x187: {  	[tilespmem:s11], [sflag:$0x1] =	stream.indirect.gather [hbm4b:s5+s7], $0x10, s10, s7, $0xb8;
	[tilespmem:$0x8800] =	vst v63  }
0x188: {  	s18 =	simm.s32 $0x5000;
	s13 =	simm.s32 $0x480  }
0x189: {  	[tilespmem:s18], [sflag:$0x1] =	stream.indirect.gather [hbm4b:s5+s7], $0x10, s13, s7, $0xb8;
	[tilespmem:$0x8800] =	vst v63  }
0x18a: {  	s19 =	simm.s32 $0x500;
	s22 =	simm.s32 $0x5800  }
0x18b: {  	[tilespmem:s22], [sflag:$0x1] =	stream.indirect.gather [hbm4b:s5+s7], $0x10, s19, s7, $0xb8;
	[tilespmem:$0x8800] =	vst v63  }
0x18c: {  	s30 =	simm.s32 $0x580;
	s31 =	simm.s32 $0x6000  }
0x18d: {  	[tilespmem:s31], [sflag:$0x1] =	stream.indirect.gather [hbm4b:s5+s7], $0x10, s30, s7, $0xb8;
	[tilespmem:$0x8800] =	vst v63  }
0x18e: {  	s1 =	simm.s32 $0x600;
	s10 =	simm.s32 $0x6800  }
0x18f: {  	[tilespmem:s10], [sflag:$0x1] =	stream.indirect.gather [hbm4b:s5+s7], $0x10, s1, s7, $0xb8;
	[tilespmem:$0x8800] =	vst v63  }
0x190: {  	s13 =	simm.s32 $0x7000;
	s10 =	simm.s32 $0x680  }
0x191: {  	[tilespmem:s13], [sflag:$0x1] =	stream.indirect.gather [hbm4b:s5+s7], $0x10, s10, s7, $0xb8;
	[tilespmem:$0x8800] =	vst v63  }
0x192: {  	s18 =	simm.s32 $0x700;
	s19 =	simm.s32 $0x7800  }
0x193: {  	[tilespmem:s19], [sflag:$0x1] =	stream.indirect.gather [hbm4b:s5+s7], $0x10, s18, s7, $0xb8;
	[tilespmem:$0x8800] =	vst v63  }
0x194: {  	s30 =	simm.s32 $0x780;
	s31 =	simm.s32 $0x8000  }
0x195: {  	[tilespmem:s31], [sflag:$0x1] =	stream.indirect.gather [hbm4b:s5+s7], $0x10, s30, s7, $0xb8;
	[tilespmem:$0x8800] =	vst v63  }
0x196: {  	_ =	swait.ge [sflag:s6], $0x800  }
0x197: {  	[sflag:s6] =	ssyncset.done $0x0  }
0x198: {  	[sflag:s6] =	ssyncadd.s32 $0xFFFFF800  }
0x199: {  	_ =	swait.ge [sflag:s6], $0x800  }
0x19a: {  	[sflag:s6] =	ssyncset.done $0x0  }
0x19b: {  	[sflag:s6] =	ssyncadd.s32 $0xFFFFF800  }
0x19c: {  	_ =	swait.ge [sflag:s6], $0x800  }
0x19d: {  	[sflag:s6] =	ssyncset.done $0x0  }
0x19e: {  	[sflag:s6] =	ssyncadd.s32 $0xFFFFF800  }
0x19f: {  	_ =	swait.ge [sflag:s6], $0x800  }
0x1a0: {  	[sflag:s6] =	ssyncset.done $0x0  }
0x1a1: {  	[sflag:s6] =	ssyncadd.s32 $0xFFFFF800  }
0x1a2: {  	_ =	swait.ge [sflag:s6], $0x800  }
0x1a3: {  	[sflag:s6] =	ssyncset.done $0x0  }
0x1a4: {  	[sflag:s6] =	ssyncadd.s32 $0xFFFFF800  }
0x1a5: {  	_ =	swait.ge [sflag:s6], $0x800  }
0x1a6: {  	[sflag:s6] =	ssyncset.done $0x0  }
0x1a7: {  	[sflag:s6] =	ssyncadd.s32 $0xFFFFF800  }
0x1a8: {  	_ =	swait.ge [sflag:s6], $0x800  }
0x1a9: {  	[sflag:s6] =	ssyncset.done $0x0  }
0x1aa: {  	[sflag:s6] =	ssyncadd.s32 $0xFFFFF800  }
0x1ab: {  	_ =	swait.ge [sflag:s6], $0x800  }
0x1ac: {  	[sflag:s6] =	ssyncset.done $0x0  }
0x1ad: {  	[sflag:s6] =	ssyncadd.s32 $0xFFFFF800  }
0x1ae: {  	_ =	swait.ge [sflag:s6], $0x800  }
0x1af: {  	[sflag:s6] =	ssyncset.done $0x0  }
0x1b0: {  	[sflag:s6] =	ssyncadd.s32 $0xFFFFF800  }
0x1b1: {  	_ =	swait.ge [sflag:s6], $0x800  }
0x1b2: {  	[sflag:s6] =	ssyncset.done $0x0  }
0x1b3: {  	[sflag:s6] =	ssyncadd.s32 $0xFFFFF800  }
0x1b4: {  	_ =	swait.ge [sflag:s6], $0x800  }
0x1b5: {  	[sflag:s6] =	ssyncset.done $0x0  }
0x1b6: {  	[sflag:s6] =	ssyncadd.s32 $0xFFFFF800  }
0x1b7: {  	_ =	swait.ge [sflag:s6], $0x800  }
0x1b8: {  	[sflag:s6] =	ssyncset.done $0x0  }
0x1b9: {  	[sflag:s6] =	ssyncadd.s32 $0xFFFFF800  }
0x1ba: {  	_ =	swait.ge [sflag:s6], $0x800  }
0x1bb: {  	[sflag:s6] =	ssyncset.done $0x0  }
0x1bc: {  	[sflag:s6] =	ssyncadd.s32 $0xFFFFF800  }
0x1bd: {  	_ =	swait.ge [sflag:s6], $0x800  }
0x1be: {  	[sflag:s6] =	ssyncset.done $0x0  }
0x1bf: {  	[sflag:s6] =	ssyncadd.s32 $0xFFFFF800  }
0x1c0: {  	_ =	swait.ge [sflag:s6], $0x800  }
0x1c1: {  	[sflag:s6] =	ssyncset.done $0x0  }
0x1c2: {  	[sflag:s6] =	ssyncadd.s32 $0xFFFFF800  }
0x1c3: {  	_ =	swait.ge [sflag:s6], $0x800  }
0x1c4: {  	[sflag:s6] =	ssyncset.done $0x0  }
0x1c5: {  	s0 =	simm.s32 $0x0;
	s1 =	rddreg [dreg:$0x4];
	[sflag:s6] =	ssyncadd.s32 $0xFFFFF800  }
0x1c6: {  	[hbm4b:s1+s0] =	stream.linear.scatter [tilespmem:s17], [sflag:$0x2], $0x8000, $0x38;
	[tilespmem:$0x8800] =	vst v63  }
0x1c7: {  	_ =	swait.ge [sflag:s3], $0x8000  }
0x1c8: {  	[sflag:s3] =	ssyncset.done $0x0  }
0x1c9: {  	s10 =	rddreg [dreg:$0x5];
	[sflag:s3] =	ssyncadd.s32 $0xFFFF8000  }
0x1ca: {  	[tilespmem:s0], [sflag:$0x2] =	stream.linear.gather [hbm4b:s10+s0], $0x800, $0x38;
	[tilespmem:$0x8800] =	vst v63  }
0x1cb: {  	_ =	swait.ge [sflag:s3], $0x800  }
0x1cc: {  	[sflag:s3] =	ssyncset.done $0x0  }
0x1cd: {  	[sflag:s3] =	ssyncadd.s32 $0xFFFFF800  }
0x1ce: {  	[tilespmem:s17], [sflag:$0x1] =	stream.indirect.gather [hbm4b:s5+s7], $0x10, s0, s7, $0xb8;
	[tilespmem:$0x8800] =	vst v63  }
0x1cf: {  	s29 =	simm.s32 $0x1000  }
0x1d0: {  	[tilespmem:s29], [sflag:$0x1] =	stream.indirect.gather [hbm4b:s5+s7], $0x10, s7, s7, $0xb8;
	[tilespmem:$0x8800] =	vst v63  }
0x1d1: {  	s28 =	simm.s32 $0x1800;
	s26 =	simm.s32 $0x100  }
0x1d2: {  	[tilespmem:s28], [sflag:$0x1] =	stream.indirect.gather [hbm4b:s5+s7], $0x10, s26, s7, $0xb8;
	[tilespmem:$0x8800] =	vst v63  }
0x1d3: {  	s25 =	simm.s32 $0x2000;
	s24 =	simm.s32 $0x180  }
0x1d4: {  	[tilespmem:s25], [sflag:$0x1] =	stream.indirect.gather [hbm4b:s5+s7], $0x10, s24, s7, $0xb8;
	[tilespmem:$0x8800] =	vst v63  }
0x1d5: {  	s21 =	simm.s32 $0x200;
	s23 =	simm.s32 $0x2800  }
0x1d6: {  	[tilespmem:s23], [sflag:$0x1] =	stream.indirect.gather [hbm4b:s5+s7], $0x10, s21, s7, $0xb8;
	[tilespmem:$0x8800] =	vst v63  }
0x1d7: {  	s16 =	simm.s32 $0x280;
	s20 =	simm.s32 $0x3000  }
0x1d8: {  	[tilespmem:s20], [sflag:$0x1] =	stream.indirect.gather [hbm4b:s5+s7], $0x10, s16, s7, $0xb8;
	[tilespmem:$0x8800] =	vst v63  }
0x1d9: {  	s15 =	simm.s32 $0x3800;
	s14 =	simm.s32 $0x300  }
0x1da: {  	[tilespmem:s15], [sflag:$0x1] =	stream.indirect.gather [hbm4b:s5+s7], $0x10, s14, s7, $0xb8;
	[tilespmem:$0x8800] =	vst v63  }
0x1db: {  	s2 =	simm.s32 $0x4000;
	s9 =	simm.s32 $0x380  }
0x1dc: {  	[tilespmem:s2], [sflag:$0x1] =	stream.indirect.gather [hbm4b:s5+s7], $0x10, s9, s7, $0xb8;
	[tilespmem:$0x8800] =	vst v63  }
0x1dd: {  	s4 =	simm.s32 $0x4800;
	s9 =	simm.s32 $0x400  }
0x1de: {  	[tilespmem:s4], [sflag:$0x1] =	stream.indirect.gather [hbm4b:s5+s7], $0x10, s9, s7, $0xb8;
	[tilespmem:$0x8800] =	vst v63  }
0x1df: {  	s11 =	simm.s32 $0x5000;
	s10 =	simm.s32 $0x480  }
0x1e0: {  	[tilespmem:s11], [sflag:$0x1] =	stream.indirect.gather [hbm4b:s5+s7], $0x10, s10, s7, $0xb8;
	[tilespmem:$0x8800] =	vst v63  }
0x1e1: {  	s15 =	simm.s32 $0x500;
	s2 =	simm.s32 $0x5800  }
0x1e2: {  	[tilespmem:s2], [sflag:$0x1] =	stream.indirect.gather [hbm4b:s5+s7], $0x10, s15, s7, $0xb8;
	[tilespmem:$0x8800] =	vst v63  }
0x1e3: {  	s8 =	simm.s32 $0x6000;
	s11 =	simm.s32 $0x580  }
0x1e4: {  	[tilespmem:s8], [sflag:$0x1] =	stream.indirect.gather [hbm4b:s5+s7], $0x10, s11, s7, $0xb8;
	[tilespmem:$0x8800] =	vst v63  }
0x1e5: {  	s14 =	simm.s32 $0x600;
	s4 =	simm.s32 $0x6800  }
0x1e6: {  	[tilespmem:s4], [sflag:$0x1] =	stream.indirect.gather [hbm4b:s5+s7], $0x10, s14, s7, $0xb8;
	[tilespmem:$0x8800] =	vst v63  }
0x1e7: {  	s22 =	simm.s32 $0x7000;
	s16 =	simm.s32 $0x680  }
0x1e8: {  	[tilespmem:s22], [sflag:$0x1] =	stream.indirect.gather [hbm4b:s5+s7], $0x10, s16, s7, $0xb8;
	[tilespmem:$0x8800] =	vst v63  }
0x1e9: {  	s1 =	simm.s32 $0x7800;
	s8 =	simm.s32 $0x700  }
0x1ea: {  	[tilespmem:s1], [sflag:$0x1] =	stream.indirect.gather [hbm4b:s5+s7], $0x10, s8, s7, $0xb8;
	[tilespmem:$0x8800] =	vst v63  }
0x1eb: {  	s19 =	simm.s32 $0x8000;
	s18 =	simm.s32 $0x780  }
0x1ec: {  	[tilespmem:s19], [sflag:$0x1] =	stream.indirect.gather [hbm4b:s5+s7], $0x10, s18, s7, $0xb8;
	[tilespmem:$0x8800] =	vst v63  }
0x1ed: {  	_ =	swait.ge [sflag:s6], $0x800  }
0x1ee: {  	[sflag:s6] =	ssyncset.done $0x0  }
0x1ef: {  	[sflag:s6] =	ssyncadd.s32 $0xFFFFF800  }
0x1f0: {  	_ =	swait.ge [sflag:s6], $0x800  }
0x1f1: {  	[sflag:s6] =	ssyncset.done $0x0  }
0x1f2: {  	[sflag:s6] =	ssyncadd.s32 $0xFFFFF800  }
0x1f3: {  	_ =	swait.ge [sflag:s6], $0x800  }
0x1f4: {  	[sflag:s6] =	ssyncset.done $0x0  }
0x1f5: {  	[sflag:s6] =	ssyncadd.s32 $0xFFFFF800  }
0x1f6: {  	_ =	swait.ge [sflag:s6], $0x800  }
0x1f7: {  	[sflag:s6] =	ssyncset.done $0x0  }
0x1f8: {  	[sflag:s6] =	ssyncadd.s32 $0xFFFFF800  }
0x1f9: {  	_ =	swait.ge [sflag:s6], $0x800  }
0x1fa: {  	[sflag:s6] =	ssyncset.done $0x0  }
0x1fb: {  	[sflag:s6] =	ssyncadd.s32 $0xFFFFF800  }
0x1fc: {  	_ =	swait.ge [sflag:s6], $0x800  }
0x1fd: {  	[sflag:s6] =	ssyncset.done $0x0  }
0x1fe: {  	[sflag:s6] =	ssyncadd.s32 $0xFFFFF800  }
0x1ff: {  	_ =	swait.ge [sflag:s6], $0x800  }
0x200: {  	[sflag:s6] =	ssyncset.done $0x0  }
0x201: {  	[sflag:s6] =	ssyncadd.s32 $0xFFFFF800  }
0x202: {  	_ =	swait.ge [sflag:s6], $0x800  }
0x203: {  	[sflag:s6] =	ssyncset.done $0x0  }
0x204: {  	[sflag:s6] =	ssyncadd.s32 $0xFFFFF800  }
0x205: {  	_ =	swait.ge [sflag:s6], $0x800  }
0x206: {  	[sflag:s6] =	ssyncset.done $0x0  }
0x207: {  	[sflag:s6] =	ssyncadd.s32 $0xFFFFF800  }
0x208: {  	_ =	swait.ge [sflag:s6], $0x800  }
0x209: {  	[sflag:s6] =	ssyncset.done $0x0  }
0x20a: {  	[sflag:s6] =	ssyncadd.s32 $0xFFFFF800  }
0x20b: {  	_ =	swait.ge [sflag:s6], $0x800  }
0x20c: {  	[sflag:s6] =	ssyncset.done $0x0  }
0x20d: {  	[sflag:s6] =	ssyncadd.s32 $0xFFFFF800  }
0x20e: {  	_ =	swait.ge [sflag:s6], $0x800  }
0x20f: {  	[sflag:s6] =	ssyncset.done $0x0  }
0x210: {  	[sflag:s6] =	ssyncadd.s32 $0xFFFFF800  }
0x211: {  	_ =	swait.ge [sflag:s6], $0x800  }
0x212: {  	[sflag:s6] =	ssyncset.done $0x0  }
0x213: {  	[sflag:s6] =	ssyncadd.s32 $0xFFFFF800  }
0x214: {  	_ =	swait.ge [sflag:s6], $0x800  }
0x215: {  	[sflag:s6] =	ssyncset.done $0x0  }
0x216: {  	[sflag:s6] =	ssyncadd.s32 $0xFFFFF800  }
0x217: {  	_ =	swait.ge [sflag:s6], $0x800  }
0x218: {  	[sflag:s6] =	ssyncset.done $0x0  }
0x219: {  	[sflag:s6] =	ssyncadd.s32 $0xFFFFF800  }
0x21a: {  	_ =	swait.ge [sflag:s6], $0x800  }
0x21b: {  	[sflag:s6] =	ssyncset.done $0x0  }
0x21c: {  	s18 =	rddreg [dreg:$0x6];
	[sflag:s6] =	ssyncadd.s32 $0xFFFFF800  }
0x21d: {  	[hbm4b:s18+s0] =	stream.linear.scatter [tilespmem:s17], [sflag:$0x2], $0x8000, $0x38;
	[tilespmem:$0x8800] =	vst v63  }
0x21e: {  	_ =	swait.ge [sflag:s3], $0x8000  }
0x21f: {  	[sflag:s3] =	ssyncset.done $0x0  }
0x220: {  	s18 =	rddreg [dreg:$0x7];
	[sflag:s3] =	ssyncadd.s32 $0xFFFF8000  }
0x221: {  	[tilespmem:s0], [sflag:$0x2] =	stream.linear.gather [hbm4b:s18+s0], $0x800, $0x38;
	[tilespmem:$0x8800] =	vst v63  }
0x222: {  	_ =	swait.ge [sflag:s3], $0x800  }
0x223: {  	[sflag:s3] =	ssyncset.done $0x0  }
0x224: {  	[sflag:s3] =	ssyncadd.s32 $0xFFFFF800  }
0x225: {  	[tilespmem:s17], [sflag:$0x1] =	stream.indirect.gather [hbm4b:s5+s7], $0x10, s0, s7, $0xb8;
	[tilespmem:$0x8800] =	vst v63  }
0x226: {  	s31 =	simm.s32 $0x1000  }
0x227: {  	[tilespmem:s31], [sflag:$0x1] =	stream.indirect.gather [hbm4b:s5+s7], $0x10, s7, s7, $0xb8;
	[tilespmem:$0x8800] =	vst v63  }
0x228: {  	s29 =	simm.s32 $0x100;
	s18 =	simm.s32 $0x1800  }
0x229: {  	[tilespmem:s18], [sflag:$0x1] =	stream.indirect.gather [hbm4b:s5+s7], $0x10, s29, s7, $0xb8;
	[tilespmem:$0x8800] =	vst v63  }
0x22a: {  	s26 =	simm.s32 $0x180;
	s29 =	simm.s32 $0x2000  }
0x22b: {  	[tilespmem:s29], [sflag:$0x1] =	stream.indirect.gather [hbm4b:s5+s7], $0x10, s26, s7, $0xb8;
	[tilespmem:$0x8800] =	vst v63  }
0x22c: {  	s24 =	simm.s32 $0x200;
	s18 =	simm.s32 $0x2800  }
0x22d: {  	[tilespmem:s18], [sflag:$0x1] =	stream.indirect.gather [hbm4b:s5+s7], $0x10, s24, s7, $0xb8;
	[tilespmem:$0x8800] =	vst v63  }
0x22e: {  	s21 =	simm.s32 $0x280;
	s24 =	simm.s32 $0x3000  }
0x22f: {  	[tilespmem:s24], [sflag:$0x1] =	stream.indirect.gather [hbm4b:s5+s7], $0x10, s21, s7, $0xb8;
	[tilespmem:$0x8800] =	vst v63  }
0x230: {  	s20 =	simm.s32 $0x300;
	s18 =	simm.s32 $0x3800  }
0x231: {  	[tilespmem:s18], [sflag:$0x1] =	stream.indirect.gather [hbm4b:s5+s7], $0x10, s20, s7, $0xb8;
	[tilespmem:$0x8800] =	vst v63  }
0x232: {  	s25 =	simm.s32 $0x4000;
	s20 =	simm.s32 $0x380  }
0x233: {  	[tilespmem:s25], [sflag:$0x1] =	stream.indirect.gather [hbm4b:s5+s7], $0x10, s20, s7, $0xb8;
	[tilespmem:$0x8800] =	vst v63  }
0x234: {  	s30 =	simm.s32 $0x4800  }
0x235: {  	[tilespmem:s30], [sflag:$0x1] =	stream.indirect.gather [hbm4b:s5+s7], $0x10, s9, s7, $0xb8;
	[tilespmem:$0x8800] =	vst v63  }
0x236: {  	s23 =	simm.s32 $0x5000  }
0x237: {  	[tilespmem:s23], [sflag:$0x1] =	stream.indirect.gather [hbm4b:s5+s7], $0x10, s10, s7, $0xb8;
	[tilespmem:$0x8800] =	vst v63  }
0x238: {  	_ = 	snop  }
0x239: {  	[tilespmem:s2], [sflag:$0x1] =	stream.indirect.gather [hbm4b:s5+s7], $0x10, s15, s7, $0xb8;
	[tilespmem:$0x8800] =	vst v63  }
0x23a: {  	s28 =	simm.s32 $0x6000  }
0x23b: {  	[tilespmem:s28], [sflag:$0x1] =	stream.indirect.gather [hbm4b:s5+s7], $0x10, s11, s7, $0xb8;
	[tilespmem:$0x8800] =	vst v63  }
0x23c: {  	_ = 	snop  }
0x23d: {  	[tilespmem:s4], [sflag:$0x1] =	stream.indirect.gather [hbm4b:s5+s7], $0x10, s14, s7, $0xb8;
	[tilespmem:$0x8800] =	vst v63  }
0x23e: {  	s22 =	simm.s32 $0x7000  }
0x23f: {  	[tilespmem:s22], [sflag:$0x1] =	stream.indirect.gather [hbm4b:s5+s7], $0x10, s16, s7, $0xb8;
	[tilespmem:$0x8800] =	vst v63  }
0x240: {  	_ = 	snop  }
0x241: {  	[tilespmem:s1], [sflag:$0x1] =	stream.indirect.gather [hbm4b:s5+s7], $0x10, s8, s7, $0xb8;
	[tilespmem:$0x8800] =	vst v63  }
0x242: {  	s13 =	simm.s32 $0x780;
	s19 =	simm.s32 $0x8000  }
0x243: {  	[tilespmem:s19], [sflag:$0x1] =	stream.indirect.gather [hbm4b:s5+s7], $0x10, s13, s7, $0xb8;
	[tilespmem:$0x8800] =	vst v63  }
0x244: {  	_ =	swait.ge [sflag:s6], $0x800  }
0x245: {  	[sflag:s6] =	ssyncset.done $0x0  }
0x246: {  	[sflag:s6] =	ssyncadd.s32 $0xFFFFF800  }
0x247: {  	_ =	swait.ge [sflag:s6], $0x800  }
0x248: {  	[sflag:s6] =	ssyncset.done $0x0  }
0x249: {  	[sflag:s6] =	ssyncadd.s32 $0xFFFFF800  }
0x24a: {  	_ =	swait.ge [sflag:s6], $0x800  }
0x24b: {  	[sflag:s6] =	ssyncset.done $0x0  }
0x24c: {  	[sflag:s6] =	ssyncadd.s32 $0xFFFFF800  }
0x24d: {  	_ =	swait.ge [sflag:s6], $0x800  }
0x24e: {  	[sflag:s6] =	ssyncset.done $0x0  }
0x24f: {  	[sflag:s6] =	ssyncadd.s32 $0xFFFFF800  }
0x250: {  	_ =	swait.ge [sflag:s6], $0x800  }
0x251: {  	[sflag:s6] =	ssyncset.done $0x0  }
0x252: {  	[sflag:s6] =	ssyncadd.s32 $0xFFFFF800  }
0x253: {  	_ =	swait.ge [sflag:s6], $0x800  }
0x254: {  	[sflag:s6] =	ssyncset.done $0x0  }
0x255: {  	[sflag:s6] =	ssyncadd.s32 $0xFFFFF800  }
0x256: {  	_ =	swait.ge [sflag:s6], $0x800  }
0x257: {  	[sflag:s6] =	ssyncset.done $0x0  }
0x258: {  	[sflag:s6] =	ssyncadd.s32 $0xFFFFF800  }
0x259: {  	_ =	swait.ge [sflag:s6], $0x800  }
0x25a: {  	[sflag:s6] =	ssyncset.done $0x0  }
0x25b: {  	[sflag:s6] =	ssyncadd.s32 $0xFFFFF800  }
0x25c: {  	_ =	swait.ge [sflag:s6], $0x800  }
0x25d: {  	[sflag:s6] =	ssyncset.done $0x0  }
0x25e: {  	[sflag:s6] =	ssyncadd.s32 $0xFFFFF800  }
0x25f: {  	_ =	swait.ge [sflag:s6], $0x800  }
0x260: {  	[sflag:s6] =	ssyncset.done $0x0  }
0x261: {  	[sflag:s6] =	ssyncadd.s32 $0xFFFFF800  }
0x262: {  	_ =	swait.ge [sflag:s6], $0x800  }
0x263: {  	[sflag:s6] =	ssyncset.done $0x0  }
0x264: {  	[sflag:s6] =	ssyncadd.s32 $0xFFFFF800  }
0x265: {  	_ =	swait.ge [sflag:s6], $0x800  }
0x266: {  	[sflag:s6] =	ssyncset.done $0x0  }
0x267: {  	[sflag:s6] =	ssyncadd.s32 $0xFFFFF800  }
0x268: {  	_ =	swait.ge [sflag:s6], $0x800  }
0x269: {  	[sflag:s6] =	ssyncset.done $0x0  }
0x26a: {  	[sflag:s6] =	ssyncadd.s32 $0xFFFFF800  }
0x26b: {  	_ =	swait.ge [sflag:s6], $0x800  }
0x26c: {  	[sflag:s6] =	ssyncset.done $0x0  }
0x26d: {  	[sflag:s6] =	ssyncadd.s32 $0xFFFFF800  }
0x26e: {  	_ =	swait.ge [sflag:s6], $0x800  }
0x26f: {  	[sflag:s6] =	ssyncset.done $0x0  }
0x270: {  	[sflag:s6] =	ssyncadd.s32 $0xFFFFF800  }
0x271: {  	_ =	swait.ge [sflag:s6], $0x800  }
0x272: {  	[sflag:s6] =	ssyncset.done $0x0  }
0x273: {  	s2 =	rddreg [dreg:$0x8];
	[sflag:s6] =	ssyncadd.s32 $0xFFFFF800  }
0x274: {  	[hbm4b:s2+s0] =	stream.linear.scatter [tilespmem:s17], [sflag:$0x2], $0x8000, $0x38;
	[tilespmem:$0x8800] =	vst v63  }
0x275: {  	_ =	swait.ge [sflag:s3], $0x8000  }
0x276: {  	[sflag:s3] =	ssyncset.done $0x0  }
0x277: {  	s2 =	rddreg [dreg:$0x9];
	[sflag:s3] =	ssyncadd.s32 $0xFFFF8000  }
0x278: {  	[tilespmem:s0], [sflag:$0x2] =	stream.linear.gather [hbm4b:s2+s0], $0x800, $0x38;
	[tilespmem:$0x8800] =	vst v63  }
0x279: {  	_ =	swait.ge [sflag:s3], $0x800  }
0x27a: {  	[sflag:s3] =	ssyncset.done $0x0  }
0x27b: {  	[sflag:s3] =	ssyncadd.s32 $0xFFFFF800  }
0x27c: {  	[tilespmem:s17], [sflag:$0x1] =	stream.indirect.gather [hbm4b:s5+s7], $0x10, s0, s7, $0xb8;
	[tilespmem:$0x8800] =	vst v63  }
0x27d: {  	s13 =	simm.s32 $0x1000  }
0x27e: {  	[tilespmem:s13], [sflag:$0x1] =	stream.indirect.gather [hbm4b:s5+s7], $0x10, s7, s7, $0xb8;
	[tilespmem:$0x8800] =	vst v63  }
0x27f: {  	s31 =	simm.s32 $0x1800;
	s13 =	simm.s32 $0x100  }
0x280: {  	[tilespmem:s31], [sflag:$0x1] =	stream.indirect.gather [hbm4b:s5+s7], $0x10, s13, s7, $0xb8;
	[tilespmem:$0x8800] =	vst v63  }
0x281: {  	s29 =	simm.s32 $0x2000;
	s31 =	simm.s32 $0x180  }
0x282: {  	[tilespmem:s29], [sflag:$0x1] =	stream.indirect.gather [hbm4b:s5+s7], $0x10, s31, s7, $0xb8;
	[tilespmem:$0x8800] =	vst v63  }
0x283: {  	s26 =	simm.s32 $0x2800;
	s13 =	simm.s32 $0x200  }
0x284: {  	[tilespmem:s26], [sflag:$0x1] =	stream.indirect.gather [hbm4b:s5+s7], $0x10, s13, s7, $0xb8;
	[tilespmem:$0x8800] =	vst v63  }
0x285: {  	s24 =	simm.s32 $0x3000;
	s26 =	simm.s32 $0x280  }
0x286: {  	[tilespmem:s24], [sflag:$0x1] =	stream.indirect.gather [hbm4b:s5+s7], $0x10, s26, s7, $0xb8;
	[tilespmem:$0x8800] =	vst v63  }
0x287: {  	s21 =	simm.s32 $0x3800;
	s29 =	simm.s32 $0x300  }
0x288: {  	[tilespmem:s21], [sflag:$0x1] =	stream.indirect.gather [hbm4b:s5+s7], $0x10, s29, s7, $0xb8;
	[tilespmem:$0x8800] =	vst v63  }
0x289: {  	s25 =	simm.s32 $0x4000;
	s20 =	simm.s32 $0x380  }
0x28a: {  	[tilespmem:s25], [sflag:$0x1] =	stream.indirect.gather [hbm4b:s5+s7], $0x10, s20, s7, $0xb8;
	[tilespmem:$0x8800] =	vst v63  }
0x28b: {  	s30 =	simm.s32 $0x4800;
	s9 =	simm.s32 $0x400  }
0x28c: {  	[tilespmem:s30], [sflag:$0x1] =	stream.indirect.gather [hbm4b:s5+s7], $0x10, s9, s7, $0xb8;
	[tilespmem:$0x8800] =	vst v63  }
0x28d: {  	s10 =	simm.s32 $0x480;
	s30 =	simm.s32 $0x5000  }
0x28e: {  	[tilespmem:s30], [sflag:$0x1] =	stream.indirect.gather [hbm4b:s5+s7], $0x10, s10, s7, $0xb8;
	[tilespmem:$0x8800] =	vst v63  }
0x28f: {  	s18 =	simm.s32 $0x500;
	s15 =	simm.s32 $0x5800  }
0x290: {  	[tilespmem:s15], [sflag:$0x1] =	stream.indirect.gather [hbm4b:s5+s7], $0x10, s18, s7, $0xb8;
	[tilespmem:$0x8800] =	vst v63  }
0x291: {  	s28 =	simm.s32 $0x6000;
	s11 =	simm.s32 $0x580  }
0x292: {  	[tilespmem:s28], [sflag:$0x1] =	stream.indirect.gather [hbm4b:s5+s7], $0x10, s11, s7, $0xb8;
	[tilespmem:$0x8800] =	vst v63  }
0x293: {  	s4 =	simm.s32 $0x6800;
	s14 =	simm.s32 $0x600  }
0x294: {  	[tilespmem:s4], [sflag:$0x1] =	stream.indirect.gather [hbm4b:s5+s7], $0x10, s14, s7, $0xb8;
	[tilespmem:$0x8800] =	vst v63  }
0x295: {  	s23 =	simm.s32 $0x7000;
	s16 =	simm.s32 $0x680  }
0x296: {  	[tilespmem:s23], [sflag:$0x1] =	stream.indirect.gather [hbm4b:s5+s7], $0x10, s16, s7, $0xb8;
	[tilespmem:$0x8800] =	vst v63  }
0x297: {  	s22 =	simm.s32 $0x7800;
	s8 =	simm.s32 $0x700  }
0x298: {  	[tilespmem:s22], [sflag:$0x1] =	stream.indirect.gather [hbm4b:s5+s7], $0x10, s8, s7, $0xb8;
	[tilespmem:$0x8800] =	vst v63  }
0x299: {  	s1 =	simm.s32 $0x8000;
	s19 =	simm.s32 $0x780  }
0x29a: {  	[tilespmem:s1], [sflag:$0x1] =	stream.indirect.gather [hbm4b:s5+s7], $0x10, s19, s7, $0xb8;
	[tilespmem:$0x8800] =	vst v63  }
0x29b: {  	_ =	swait.ge [sflag:s6], $0x800  }
0x29c: {  	[sflag:s6] =	ssyncset.done $0x0  }
0x29d: {  	[sflag:s6] =	ssyncadd.s32 $0xFFFFF800  }
0x29e: {  	_ =	swait.ge [sflag:s6], $0x800  }
0x29f: {  	[sflag:s6] =	ssyncset.done $0x0  }
0x2a0: {  	[sflag:s6] =	ssyncadd.s32 $0xFFFFF800  }
0x2a1: {  	_ =	swait.ge [sflag:s6], $0x800  }
0x2a2: {  	[sflag:s6] =	ssyncset.done $0x0  }
0x2a3: {  	[sflag:s6] =	ssyncadd.s32 $0xFFFFF800  }
0x2a4: {  	_ =	swait.ge [sflag:s6], $0x800  }
0x2a5: {  	[sflag:s6] =	ssyncset.done $0x0  }
0x2a6: {  	[sflag:s6] =	ssyncadd.s32 $0xFFFFF800  }
0x2a7: {  	_ =	swait.ge [sflag:s6], $0x800  }
0x2a8: {  	[sflag:s6] =	ssyncset.done $0x0  }
0x2a9: {  	[sflag:s6] =	ssyncadd.s32 $0xFFFFF800  }
0x2aa: {  	_ =	swait.ge [sflag:s6], $0x800  }
0x2ab: {  	[sflag:s6] =	ssyncset.done $0x0  }
0x2ac: {  	[sflag:s6] =	ssyncadd.s32 $0xFFFFF800  }
0x2ad: {  	_ =	swait.ge [sflag:s6], $0x800  }
0x2ae: {  	[sflag:s6] =	ssyncset.done $0x0  }
0x2af: {  	[sflag:s6] =	ssyncadd.s32 $0xFFFFF800  }
0x2b0: {  	_ =	swait.ge [sflag:s6], $0x800  }
0x2b1: {  	[sflag:s6] =	ssyncset.done $0x0  }
0x2b2: {  	[sflag:s6] =	ssyncadd.s32 $0xFFFFF800  }
0x2b3: {  	_ =	swait.ge [sflag:s6], $0x800  }
0x2b4: {  	[sflag:s6] =	ssyncset.done $0x0  }
0x2b5: {  	[sflag:s6] =	ssyncadd.s32 $0xFFFFF800  }
0x2b6: {  	_ =	swait.ge [sflag:s6], $0x800  }
0x2b7: {  	[sflag:s6] =	ssyncset.done $0x0  }
0x2b8: {  	[sflag:s6] =	ssyncadd.s32 $0xFFFFF800  }
0x2b9: {  	_ =	swait.ge [sflag:s6], $0x800  }
0x2ba: {  	[sflag:s6] =	ssyncset.done $0x0  }
0x2bb: {  	[sflag:s6] =	ssyncadd.s32 $0xFFFFF800  }
0x2bc: {  	_ =	swait.ge [sflag:s6], $0x800  }
0x2bd: {  	[sflag:s6] =	ssyncset.done $0x0  }
0x2be: {  	[sflag:s6] =	ssyncadd.s32 $0xFFFFF800  }
0x2bf: {  	_ =	swait.ge [sflag:s6], $0x800  }
0x2c0: {  	[sflag:s6] =	ssyncset.done $0x0  }
0x2c1: {  	[sflag:s6] =	ssyncadd.s32 $0xFFFFF800  }
0x2c2: {  	_ =	swait.ge [sflag:s6], $0x800  }
0x2c3: {  	[sflag:s6] =	ssyncset.done $0x0  }
0x2c4: {  	[sflag:s6] =	ssyncadd.s32 $0xFFFFF800  }
0x2c5: {  	_ =	swait.ge [sflag:s6], $0x800  }
0x2c6: {  	[sflag:s6] =	ssyncset.done $0x0  }
0x2c7: {  	[sflag:s6] =	ssyncadd.s32 $0xFFFFF800  }
0x2c8: {  	p1 =	sne.s32 s12, $0x1;
	_ =	swait.ge [sflag:s6], $0x800  }
.Ltmp2:
0x2c9: {  	s2 =	simm.s32 $0x0;
	[sflag:s6] =	ssyncset.done $0x0;
	(pc) =	sbr.rel @p1 .LBB2_3-.Ltmp2, $4  }
0x2ca: {  	s4 =	simm.s32 $0x800;
	s31 =	rddreg [dreg:$0xa];
	[sflag:s6] =	ssyncadd.s32 $0xFFFFF800  }
0x2cb: {  	[hbm4b:s31+s2] =	stream.linear.scatter [tilespmem:s4], [sflag:$0x2], $0x8000, $0x38;
	[tilespmem:$0x8800] =	vst v63  }
0x2cc: {  	_ =	swait.ge [sflag:s3], $0x8000  }
0x2cd: {  	s12 =	sadd.s32 $0xFFFFFFFF, s12;
	s13 =	rddreg [dreg:$0x3];
	[sflag:s3] =	ssyncset.done $0x0  }
.LBB2_4:
0x2ce: {  	[sflag:s3] =	ssyncadd.s32 @p0 $0xFFFF8000  }
0x2cf: {  	[tilespmem:s2], [sflag:$0x2] =	stream.linear.gather [hbm4b:s13+s2], $0x800, $0x38;
	[tilespmem:$0x8800] =	vst v63  }
0x2d0: {  	_ =	swait.ge [sflag:s3], $0x800  }
0x2d1: {  	[sflag:s3] =	ssyncset.done $0x0  }
0x2d2: {  	[sflag:s3] =	ssyncadd.s32 $0xFFFFF800  }
0x2d3: {  	[tilespmem:s4], [sflag:$0x1] =	stream.indirect.gather [hbm4b:s5+s7], $0x10, s2, s7, $0xb8;
	[tilespmem:$0x8800] =	vst v63  }
0x2d4: {  	s0 =	simm.s32 $0x1000  }
0x2d5: {  	[tilespmem:s0], [sflag:$0x1] =	stream.indirect.gather [hbm4b:s5+s7], $0x10, s7, s7, $0xb8;
	[tilespmem:$0x8800] =	vst v63  }
0x2d6: {  	s16 =	simm.s32 $0x100;
	s1 =	simm.s32 $0x1800  }
0x2d7: {  	[tilespmem:s1], [sflag:$0x1] =	stream.indirect.gather [hbm4b:s5+s7], $0x10, s16, s7, $0xb8;
	[tilespmem:$0x8800] =	vst v63  }
0x2d8: {  	s17 =	simm.s32 $0x180;
	s18 =	simm.s32 $0x2000  }
0x2d9: {  	[tilespmem:s18], [sflag:$0x1] =	stream.indirect.gather [hbm4b:s5+s7], $0x10, s17, s7, $0xb8;
	[tilespmem:$0x8800] =	vst v63  }
0x2da: {  	s19 =	simm.s32 $0x200;
	s20 =	simm.s32 $0x2800  }
0x2db: {  	[tilespmem:s20], [sflag:$0x1] =	stream.indirect.gather [hbm4b:s5+s7], $0x10, s19, s7, $0xb8;
	[tilespmem:$0x8800] =	vst v63  }
0x2dc: {  	s21 =	simm.s32 $0x280;
	s22 =	simm.s32 $0x3000  }
0x2dd: {  	[tilespmem:s22], [sflag:$0x1] =	stream.indirect.gather [hbm4b:s5+s7], $0x10, s21, s7, $0xb8;
	[tilespmem:$0x8800] =	vst v63  }
0x2de: {  	s23 =	simm.s32 $0x300;
	s24 =	simm.s32 $0x3800  }
0x2df: {  	[tilespmem:s24], [sflag:$0x1] =	stream.indirect.gather [hbm4b:s5+s7], $0x10, s23, s7, $0xb8;
	[tilespmem:$0x8800] =	vst v63  }
0x2e0: {  	s25 =	simm.s32 $0x380;
	s26 =	simm.s32 $0x4000  }
0x2e1: {  	[tilespmem:s26], [sflag:$0x1] =	stream.indirect.gather [hbm4b:s5+s7], $0x10, s25, s7, $0xb8;
	[tilespmem:$0x8800] =	vst v63  }
0x2e2: {  	s8 =	simm.s32 $0x400;
	s9 =	simm.s32 $0x4800  }
0x2e3: {  	[tilespmem:s9], [sflag:$0x1] =	stream.indirect.gather [hbm4b:s5+s7], $0x10, s8, s7, $0xb8;
	[tilespmem:$0x8800] =	vst v63  }
0x2e4: {  	s10 =	simm.s32 $0x480;
	s11 =	simm.s32 $0x5000  }
0x2e5: {  	[tilespmem:s11], [sflag:$0x1] =	stream.indirect.gather [hbm4b:s5+s7], $0x10, s10, s7, $0xb8;
	[tilespmem:$0x8800] =	vst v63  }
0x2e6: {  	s12 =	simm.s32 $0x500;
	s13 =	simm.s32 $0x5800  }
0x2e7: {  	[tilespmem:s13], [sflag:$0x1] =	stream.indirect.gather [hbm4b:s5+s7], $0x10, s12, s7, $0xb8;
	[tilespmem:$0x8800] =	vst v63  }
0x2e8: {  	s14 =	simm.s32 $0x580;
	s15 =	simm.s32 $0x6000  }
0x2e9: {  	[tilespmem:s15], [sflag:$0x1] =	stream.indirect.gather [hbm4b:s5+s7], $0x10, s14, s7, $0xb8;
	[tilespmem:$0x8800] =	vst v63  }
0x2ea: {  	s16 =	simm.s32 $0x600;
	s18 =	simm.s32 $0x6800  }
0x2eb: {  	[tilespmem:s18], [sflag:$0x1] =	stream.indirect.gather [hbm4b:s5+s7], $0x10, s16, s7, $0xb8;
	[tilespmem:$0x8800] =	vst v63  }
0x2ec: {  	s19 =	simm.s32 $0x680;
	s21 =	simm.s32 $0x7000  }
0x2ed: {  	[tilespmem:s21], [sflag:$0x1] =	stream.indirect.gather [hbm4b:s5+s7], $0x10, s19, s7, $0xb8;
	[tilespmem:$0x8800] =	vst v63  }
0x2ee: {  	s12 =	simm.s32 $0x700;
	s14 =	simm.s32 $0x7800  }
0x2ef: {  	[tilespmem:s14], [sflag:$0x1] =	stream.indirect.gather [hbm4b:s5+s7], $0x10, s12, s7, $0xb8;
	[tilespmem:$0x8800] =	vst v63  }
0x2f0: {  	s15 =	simm.s32 $0x780;
	s18 =	simm.s32 $0x8000  }
0x2f1: {  	[tilespmem:s18], [sflag:$0x1] =	stream.indirect.gather [hbm4b:s5+s7], $0x10, s15, s7, $0xb8;
	[tilespmem:$0x8800] =	vst v63  }
0x2f2: {  	_ =	swait.ge [sflag:s6], $0x800  }
0x2f3: {  	[sflag:s6] =	ssyncset.done $0x0  }
0x2f4: {  	[sflag:s6] =	ssyncadd.s32 $0xFFFFF800  }
0x2f5: {  	_ =	swait.ge [sflag:s6], $0x800  }
0x2f6: {  	[sflag:s6] =	ssyncset.done $0x0  }
0x2f7: {  	[sflag:s6] =	ssyncadd.s32 $0xFFFFF800  }
0x2f8: {  	_ =	swait.ge [sflag:s6], $0x800  }
0x2f9: {  	[sflag:s6] =	ssyncset.done $0x0  }
0x2fa: {  	[sflag:s6] =	ssyncadd.s32 $0xFFFFF800  }
0x2fb: {  	_ =	swait.ge [sflag:s6], $0x800  }
0x2fc: {  	[sflag:s6] =	ssyncset.done $0x0  }
0x2fd: {  	[sflag:s6] =	ssyncadd.s32 $0xFFFFF800  }
0x2fe: {  	_ =	swait.ge [sflag:s6], $0x800  }
0x2ff: {  	[sflag:s6] =	ssyncset.done $0x0  }
0x300: {  	[sflag:s6] =	ssyncadd.s32 $0xFFFFF800  }
0x301: {  	_ =	swait.ge [sflag:s6], $0x800  }
0x302: {  	[sflag:s6] =	ssyncset.done $0x0  }
0x303: {  	[sflag:s6] =	ssyncadd.s32 $0xFFFFF800  }
0x304: {  	_ =	swait.ge [sflag:s6], $0x800  }
0x305: {  	[sflag:s6] =	ssyncset.done $0x0  }
0x306: {  	[sflag:s6] =	ssyncadd.s32 $0xFFFFF800  }
0x307: {  	_ =	swait.ge [sflag:s6], $0x800  }
0x308: {  	[sflag:s6] =	ssyncset.done $0x0  }
0x309: {  	[sflag:s6] =	ssyncadd.s32 $0xFFFFF800  }
0x30a: {  	_ =	swait.ge [sflag:s6], $0x800  }
0x30b: {  	[sflag:s6] =	ssyncset.done $0x0  }
0x30c: {  	[sflag:s6] =	ssyncadd.s32 $0xFFFFF800  }
0x30d: {  	_ =	swait.ge [sflag:s6], $0x800  }
0x30e: {  	[sflag:s6] =	ssyncset.done $0x0  }
0x30f: {  	[sflag:s6] =	ssyncadd.s32 $0xFFFFF800  }
0x310: {  	_ =	swait.ge [sflag:s6], $0x800  }
0x311: {  	[sflag:s6] =	ssyncset.done $0x0  }
0x312: {  	[sflag:s6] =	ssyncadd.s32 $0xFFFFF800  }
0x313: {  	_ =	swait.ge [sflag:s6], $0x800  }
0x314: {  	[sflag:s6] =	ssyncset.done $0x0  }
0x315: {  	[sflag:s6] =	ssyncadd.s32 $0xFFFFF800  }
0x316: {  	_ =	swait.ge [sflag:s6], $0x800  }
0x317: {  	[sflag:s6] =	ssyncset.done $0x0  }
0x318: {  	[sflag:s6] =	ssyncadd.s32 $0xFFFFF800  }
0x319: {  	_ =	swait.ge [sflag:s6], $0x800  }
0x31a: {  	[sflag:s6] =	ssyncset.done $0x0  }
0x31b: {  	[sflag:s6] =	ssyncadd.s32 $0xFFFFF800  }
0x31c: {  	_ =	swait.ge [sflag:s6], $0x800  }
0x31d: {  	[sflag:s6] =	ssyncset.done $0x0  }
0x31e: {  	[sflag:s6] =	ssyncadd.s32 $0xFFFFF800  }
0x31f: {  	_ =	swait.ge [sflag:s6], $0x800  }
0x320: {  	[sflag:s6] =	ssyncset.done $0x0  }
0x321: {  	s12 =	rddreg [dreg:$0x4];
	[sflag:s6] =	ssyncadd.s32 $0xFFFFF800  }
0x322: {  	[hbm4b:s12+s2] =	stream.linear.scatter [tilespmem:s4], [sflag:$0x2], $0x8000, $0x38;
	[tilespmem:$0x8800] =	vst v63  }
0x323: {  	_ =	swait.ge [sflag:s3], $0x8000  }
0x324: {  	[sflag:s3] =	ssyncset.done $0x0  }
0x325: {  	s1 =	rddreg [dreg:$0x5];
	[sflag:s3] =	ssyncadd.s32 $0xFFFF8000  }
0x326: {  	[tilespmem:s2], [sflag:$0x2] =	stream.linear.gather [hbm4b:s1+s2], $0x800, $0x38;
	[tilespmem:$0x8800] =	vst v63  }
0x327: {  	_ =	swait.ge [sflag:s3], $0x800  }
0x328: {  	[sflag:s3] =	ssyncset.done $0x0  }
0x329: {  	[sflag:s3] =	ssyncadd.s32 $0xFFFFF800  }
0x32a: {  	[tilespmem:s4], [sflag:$0x1] =	stream.indirect.gather [hbm4b:s5+s7], $0x10, s2, s7, $0xb8;
	[tilespmem:$0x8800] =	vst v63  }
0x32b: {  	s0 =	simm.s32 $0x1000  }
0x32c: {  	[tilespmem:s0], [sflag:$0x1] =	stream.indirect.gather [hbm4b:s5+s7], $0x10, s7, s7, $0xb8;
	[tilespmem:$0x8800] =	vst v63  }
0x32d: {  	s12 =	simm.s32 $0x100;
	s1 =	simm.s32 $0x1800  }
0x32e: {  	[tilespmem:s1], [sflag:$0x1] =	stream.indirect.gather [hbm4b:s5+s7], $0x10, s12, s7, $0xb8;
	[tilespmem:$0x8800] =	vst v63  }
0x32f: {  	s31 =	simm.s32 $0x2000;
	s12 =	simm.s32 $0x180  }
0x330: {  	[tilespmem:s31], [sflag:$0x1] =	stream.indirect.gather [hbm4b:s5+s7], $0x10, s12, s7, $0xb8;
	[tilespmem:$0x8800] =	vst v63  }
0x331: {  	s12 =	simm.s32 $0x2800;
	s31 =	simm.s32 $0x200  }
0x332: {  	[tilespmem:s12], [sflag:$0x1] =	stream.indirect.gather [hbm4b:s5+s7], $0x10, s31, s7, $0xb8;
	[tilespmem:$0x8800] =	vst v63  }
0x333: {  	s30 =	simm.s32 $0x280;
	s31 =	simm.s32 $0x3000  }
0x334: {  	[tilespmem:s31], [sflag:$0x1] =	stream.indirect.gather [hbm4b:s5+s7], $0x10, s30, s7, $0xb8;
	[tilespmem:$0x8800] =	vst v63  }
0x335: {  	s29 =	simm.s32 $0x3800;
	s28 =	simm.s32 $0x300  }
0x336: {  	[tilespmem:s29], [sflag:$0x1] =	stream.indirect.gather [hbm4b:s5+s7], $0x10, s28, s7, $0xb8;
	[tilespmem:$0x8800] =	vst v63  }
0x337: {  	s26 =	simm.s32 $0x4000;
	s25 =	simm.s32 $0x380  }
0x338: {  	[tilespmem:s26], [sflag:$0x1] =	stream.indirect.gather [hbm4b:s5+s7], $0x10, s25, s7, $0xb8;
	[tilespmem:$0x8800] =	vst v63  }
0x339: {  	s24 =	simm.s32 $0x4800;
	s23 =	simm.s32 $0x400  }
0x33a: {  	[tilespmem:s24], [sflag:$0x1] =	stream.indirect.gather [hbm4b:s5+s7], $0x10, s23, s7, $0xb8;
	[tilespmem:$0x8800] =	vst v63  }
0x33b: {  	s20 =	simm.s32 $0x480;
	s22 =	simm.s32 $0x5000  }
0x33c: {  	[tilespmem:s22], [sflag:$0x1] =	stream.indirect.gather [hbm4b:s5+s7], $0x10, s20, s7, $0xb8;
	[tilespmem:$0x8800] =	vst v63  }
0x33d: {  	s17 =	simm.s32 $0x5800;
	s13 =	simm.s32 $0x500  }
0x33e: {  	[tilespmem:s17], [sflag:$0x1] =	stream.indirect.gather [hbm4b:s5+s7], $0x10, s13, s7, $0xb8;
	[tilespmem:$0x8800] =	vst v63  }
0x33f: {  	s11 =	simm.s32 $0x6000;
	s10 =	simm.s32 $0x580  }
0x340: {  	[tilespmem:s11], [sflag:$0x1] =	stream.indirect.gather [hbm4b:s5+s7], $0x10, s10, s7, $0xb8;
	[tilespmem:$0x8800] =	vst v63  }
0x341: {  	s9 =	simm.s32 $0x6800;
	s8 =	simm.s32 $0x600  }
0x342: {  	[tilespmem:s9], [sflag:$0x1] =	stream.indirect.gather [hbm4b:s5+s7], $0x10, s8, s7, $0xb8;
	[tilespmem:$0x8800] =	vst v63  }
0x343: {  	s21 =	simm.s32 $0x7000;
	s19 =	simm.s32 $0x680  }
0x344: {  	[tilespmem:s21], [sflag:$0x1] =	stream.indirect.gather [hbm4b:s5+s7], $0x10, s19, s7, $0xb8;
	[tilespmem:$0x8800] =	vst v63  }
0x345: {  	s16 =	simm.s32 $0x7800;
	s14 =	simm.s32 $0x700  }
0x346: {  	[tilespmem:s16], [sflag:$0x1] =	stream.indirect.gather [hbm4b:s5+s7], $0x10, s14, s7, $0xb8;
	[tilespmem:$0x8800] =	vst v63  }
0x347: {  	s18 =	simm.s32 $0x8000;
	s15 =	simm.s32 $0x780  }
0x348: {  	[tilespmem:s18], [sflag:$0x1] =	stream.indirect.gather [hbm4b:s5+s7], $0x10, s15, s7, $0xb8;
	[tilespmem:$0x8800] =	vst v63  }
0x349: {  	_ =	swait.ge [sflag:s6], $0x800  }
0x34a: {  	[sflag:s6] =	ssyncset.done $0x0  }
0x34b: {  	[sflag:s6] =	ssyncadd.s32 $0xFFFFF800  }
0x34c: {  	_ =	swait.ge [sflag:s6], $0x800  }
0x34d: {  	[sflag:s6] =	ssyncset.done $0x0  }
0x34e: {  	[sflag:s6] =	ssyncadd.s32 $0xFFFFF800  }
0x34f: {  	_ =	swait.ge [sflag:s6], $0x800  }
0x350: {  	[sflag:s6] =	ssyncset.done $0x0  }
0x351: {  	[sflag:s6] =	ssyncadd.s32 $0xFFFFF800  }
0x352: {  	_ =	swait.ge [sflag:s6], $0x800  }
0x353: {  	[sflag:s6] =	ssyncset.done $0x0  }
0x354: {  	[sflag:s6] =	ssyncadd.s32 $0xFFFFF800  }
0x355: {  	_ =	swait.ge [sflag:s6], $0x800  }
0x356: {  	[sflag:s6] =	ssyncset.done $0x0  }
0x357: {  	[sflag:s6] =	ssyncadd.s32 $0xFFFFF800  }
0x358: {  	_ =	swait.ge [sflag:s6], $0x800  }
0x359: {  	[sflag:s6] =	ssyncset.done $0x0  }
0x35a: {  	[sflag:s6] =	ssyncadd.s32 $0xFFFFF800  }
0x35b: {  	_ =	swait.ge [sflag:s6], $0x800  }
0x35c: {  	[sflag:s6] =	ssyncset.done $0x0  }
0x35d: {  	[sflag:s6] =	ssyncadd.s32 $0xFFFFF800  }
0x35e: {  	_ =	swait.ge [sflag:s6], $0x800  }
0x35f: {  	[sflag:s6] =	ssyncset.done $0x0  }
0x360: {  	[sflag:s6] =	ssyncadd.s32 $0xFFFFF800  }
0x361: {  	_ =	swait.ge [sflag:s6], $0x800  }
0x362: {  	[sflag:s6] =	ssyncset.done $0x0  }
0x363: {  	[sflag:s6] =	ssyncadd.s32 $0xFFFFF800  }
0x364: {  	_ =	swait.ge [sflag:s6], $0x800  }
0x365: {  	[sflag:s6] =	ssyncset.done $0x0  }
0x366: {  	[sflag:s6] =	ssyncadd.s32 $0xFFFFF800  }
0x367: {  	_ =	swait.ge [sflag:s6], $0x800  }
0x368: {  	[sflag:s6] =	ssyncset.done $0x0  }
0x369: {  	[sflag:s6] =	ssyncadd.s32 $0xFFFFF800  }
0x36a: {  	_ =	swait.ge [sflag:s6], $0x800  }
0x36b: {  	[sflag:s6] =	ssyncset.done $0x0  }
0x36c: {  	[sflag:s6] =	ssyncadd.s32 $0xFFFFF800  }
0x36d: {  	_ =	swait.ge [sflag:s6], $0x800  }
0x36e: {  	[sflag:s6] =	ssyncset.done $0x0  }
0x36f: {  	[sflag:s6] =	ssyncadd.s32 $0xFFFFF800  }
0x370: {  	_ =	swait.ge [sflag:s6], $0x800  }
0x371: {  	[sflag:s6] =	ssyncset.done $0x0  }
0x372: {  	[sflag:s6] =	ssyncadd.s32 $0xFFFFF800  }
0x373: {  	_ =	swait.ge [sflag:s6], $0x800  }
0x374: {  	[sflag:s6] =	ssyncset.done $0x0  }
0x375: {  	[sflag:s6] =	ssyncadd.s32 $0xFFFFF800  }
0x376: {  	_ =	swait.ge [sflag:s6], $0x800  }
0x377: {  	[sflag:s6] =	ssyncset.done $0x0  }
0x378: {  	s21 =	rddreg [dreg:$0x6];
	[sflag:s6] =	ssyncadd.s32 $0xFFFFF800  }
0x379: {  	[hbm4b:s21+s2] =	stream.linear.scatter [tilespmem:s4], [sflag:$0x2], $0x8000, $0x38;
	[tilespmem:$0x8800] =	vst v63  }
0x37a: {  	_ =	swait.ge [sflag:s3], $0x8000  }
0x37b: {  	[sflag:s3] =	ssyncset.done $0x0  }
0x37c: {  	s8 =	rddreg [dreg:$0x7];
	[sflag:s3] =	ssyncadd.s32 $0xFFFF8000  }
0x37d: {  	[tilespmem:s2], [sflag:$0x2] =	stream.linear.gather [hbm4b:s8+s2], $0x800, $0x38;
	[tilespmem:$0x8800] =	vst v63  }
0x37e: {  	_ =	swait.ge [sflag:s3], $0x800  }
0x37f: {  	[sflag:s3] =	ssyncset.done $0x0  }
0x380: {  	[sflag:s3] =	ssyncadd.s32 $0xFFFFF800  }
0x381: {  	[tilespmem:s4], [sflag:$0x1] =	stream.indirect.gather [hbm4b:s5+s7], $0x10, s2, s7, $0xb8;
	[tilespmem:$0x8800] =	vst v63  }
0x382: {  	_ = 	snop  }
0x383: {  	[tilespmem:s0], [sflag:$0x1] =	stream.indirect.gather [hbm4b:s5+s7], $0x10, s7, s7, $0xb8;
	[tilespmem:$0x8800] =	vst v63  }
0x384: {  	s10 =	simm.s32 $0x100  }
0x385: {  	[tilespmem:s1], [sflag:$0x1] =	stream.indirect.gather [hbm4b:s5+s7], $0x10, s10, s7, $0xb8;
	[tilespmem:$0x8800] =	vst v63  }
0x386: {  	s11 =	simm.s32 $0x2000;
	s15 =	simm.s32 $0x180  }
0x387: {  	[tilespmem:s11], [sflag:$0x1] =	stream.indirect.gather [hbm4b:s5+s7], $0x10, s15, s7, $0xb8;
	[tilespmem:$0x8800] =	vst v63  }
0x388: {  	s18 =	simm.s32 $0x2800;
	s11 =	simm.s32 $0x200  }
0x389: {  	[tilespmem:s18], [sflag:$0x1] =	stream.indirect.gather [hbm4b:s5+s7], $0x10, s11, s7, $0xb8;
	[tilespmem:$0x8800] =	vst v63  }
0x38a: {  	s31 =	simm.s32 $0x3000;
	s30 =	simm.s32 $0x280  }
0x38b: {  	[tilespmem:s31], [sflag:$0x1] =	stream.indirect.gather [hbm4b:s5+s7], $0x10, s30, s7, $0xb8;
	[tilespmem:$0x8800] =	vst v63  }
0x38c: {  	s28 =	simm.s32 $0x3800;
	s29 =	simm.s32 $0x300  }
0x38d: {  	[tilespmem:s28], [sflag:$0x1] =	stream.indirect.gather [hbm4b:s5+s7], $0x10, s29, s7, $0xb8;
	[tilespmem:$0x8800] =	vst v63  }
0x38e: {  	s26 =	simm.s32 $0x4000;
	s25 =	simm.s32 $0x380  }
0x38f: {  	[tilespmem:s26], [sflag:$0x1] =	stream.indirect.gather [hbm4b:s5+s7], $0x10, s25, s7, $0xb8;
	[tilespmem:$0x8800] =	vst v63  }
0x390: {  	s24 =	simm.s32 $0x4800;
	s23 =	simm.s32 $0x400  }
0x391: {  	[tilespmem:s24], [sflag:$0x1] =	stream.indirect.gather [hbm4b:s5+s7], $0x10, s23, s7, $0xb8;
	[tilespmem:$0x8800] =	vst v63  }
0x392: {  	s22 =	simm.s32 $0x5000;
	s20 =	simm.s32 $0x480  }
0x393: {  	[tilespmem:s22], [sflag:$0x1] =	stream.indirect.gather [hbm4b:s5+s7], $0x10, s20, s7, $0xb8;
	[tilespmem:$0x8800] =	vst v63  }
0x394: {  	s17 =	simm.s32 $0x5800;
	s13 =	simm.s32 $0x500  }
0x395: {  	[tilespmem:s17], [sflag:$0x1] =	stream.indirect.gather [hbm4b:s5+s7], $0x10, s13, s7, $0xb8;
	[tilespmem:$0x8800] =	vst v63  }
0x396: {  	s1 =	simm.s32 $0x580;
	s29 =	simm.s32 $0x6000  }
0x397: {  	[tilespmem:s29], [sflag:$0x1] =	stream.indirect.gather [hbm4b:s5+s7], $0x10, s1, s7, $0xb8;
	[tilespmem:$0x8800] =	vst v63  }
0x398: {  	s0 =	simm.s32 $0x600;
	s10 =	simm.s32 $0x6800  }
0x399: {  	[tilespmem:s10], [sflag:$0x1] =	stream.indirect.gather [hbm4b:s5+s7], $0x10, s0, s7, $0xb8;
	[tilespmem:$0x8800] =	vst v63  }
0x39a: {  	s9 =	simm.s32 $0x7000;
	s8 =	simm.s32 $0x680  }
0x39b: {  	[tilespmem:s9], [sflag:$0x1] =	stream.indirect.gather [hbm4b:s5+s7], $0x10, s8, s7, $0xb8;
	[tilespmem:$0x8800] =	vst v63  }
0x39c: {  	s16 =	simm.s32 $0x7800;
	s14 =	simm.s32 $0x700  }
0x39d: {  	[tilespmem:s16], [sflag:$0x1] =	stream.indirect.gather [hbm4b:s5+s7], $0x10, s14, s7, $0xb8;
	[tilespmem:$0x8800] =	vst v63  }
0x39e: {  	s19 =	simm.s32 $0x780;
	s9 =	simm.s32 $0x8000  }
0x39f: {  	[tilespmem:s9], [sflag:$0x1] =	stream.indirect.gather [hbm4b:s5+s7], $0x10, s19, s7, $0xb8;
	[tilespmem:$0x8800] =	vst v63  }
0x3a0: {  	_ =	swait.ge [sflag:s6], $0x800  }
0x3a1: {  	[sflag:s6] =	ssyncset.done $0x0  }
0x3a2: {  	[sflag:s6] =	ssyncadd.s32 $0xFFFFF800  }
0x3a3: {  	_ =	swait.ge [sflag:s6], $0x800  }
0x3a4: {  	[sflag:s6] =	ssyncset.done $0x0  }
0x3a5: {  	[sflag:s6] =	ssyncadd.s32 $0xFFFFF800  }
0x3a6: {  	_ =	swait.ge [sflag:s6], $0x800  }
0x3a7: {  	[sflag:s6] =	ssyncset.done $0x0  }
0x3a8: {  	[sflag:s6] =	ssyncadd.s32 $0xFFFFF800  }
0x3a9: {  	_ =	swait.ge [sflag:s6], $0x800  }
0x3aa: {  	[sflag:s6] =	ssyncset.done $0x0  }
0x3ab: {  	[sflag:s6] =	ssyncadd.s32 $0xFFFFF800  }
0x3ac: {  	_ =	swait.ge [sflag:s6], $0x800  }
0x3ad: {  	[sflag:s6] =	ssyncset.done $0x0  }
0x3ae: {  	[sflag:s6] =	ssyncadd.s32 $0xFFFFF800  }
0x3af: {  	_ =	swait.ge [sflag:s6], $0x800  }
0x3b0: {  	[sflag:s6] =	ssyncset.done $0x0  }
0x3b1: {  	[sflag:s6] =	ssyncadd.s32 $0xFFFFF800  }
0x3b2: {  	_ =	swait.ge [sflag:s6], $0x800  }
0x3b3: {  	[sflag:s6] =	ssyncset.done $0x0  }
0x3b4: {  	[sflag:s6] =	ssyncadd.s32 $0xFFFFF800  }
0x3b5: {  	_ =	swait.ge [sflag:s6], $0x800  }
0x3b6: {  	[sflag:s6] =	ssyncset.done $0x0  }
0x3b7: {  	[sflag:s6] =	ssyncadd.s32 $0xFFFFF800  }
0x3b8: {  	_ =	swait.ge [sflag:s6], $0x800  }
0x3b9: {  	[sflag:s6] =	ssyncset.done $0x0  }
0x3ba: {  	[sflag:s6] =	ssyncadd.s32 $0xFFFFF800  }
0x3bb: {  	_ =	swait.ge [sflag:s6], $0x800  }
0x3bc: {  	[sflag:s6] =	ssyncset.done $0x0  }
0x3bd: {  	[sflag:s6] =	ssyncadd.s32 $0xFFFFF800  }
0x3be: {  	_ =	swait.ge [sflag:s6], $0x800  }
0x3bf: {  	[sflag:s6] =	ssyncset.done $0x0  }
0x3c0: {  	[sflag:s6] =	ssyncadd.s32 $0xFFFFF800  }
0x3c1: {  	_ =	swait.ge [sflag:s6], $0x800  }
0x3c2: {  	[sflag:s6] =	ssyncset.done $0x0  }
0x3c3: {  	[sflag:s6] =	ssyncadd.s32 $0xFFFFF800  }
0x3c4: {  	_ =	swait.ge [sflag:s6], $0x800  }
0x3c5: {  	[sflag:s6] =	ssyncset.done $0x0  }
0x3c6: {  	[sflag:s6] =	ssyncadd.s32 $0xFFFFF800  }
0x3c7: {  	_ =	swait.ge [sflag:s6], $0x800  }
0x3c8: {  	[sflag:s6] =	ssyncset.done $0x0  }
0x3c9: {  	[sflag:s6] =	ssyncadd.s32 $0xFFFFF800  }
0x3ca: {  	_ =	swait.ge [sflag:s6], $0x800  }
0x3cb: {  	[sflag:s6] =	ssyncset.done $0x0  }
0x3cc: {  	[sflag:s6] =	ssyncadd.s32 $0xFFFFF800  }
0x3cd: {  	_ =	swait.ge [sflag:s6], $0x800  }
0x3ce: {  	[sflag:s6] =	ssyncset.done $0x0  }
0x3cf: {  	s21 =	rddreg [dreg:$0x8];
	[sflag:s6] =	ssyncadd.s32 $0xFFFFF800  }
0x3d0: {  	[hbm4b:s21+s2] =	stream.linear.scatter [tilespmem:s4], [sflag:$0x2], $0x8000, $0x38;
	[tilespmem:$0x8800] =	vst v63  }
0x3d1: {  	_ =	swait.ge [sflag:s3], $0x8000  }
0x3d2: {  	[sflag:s3] =	ssyncset.done $0x0  }
0x3d3: {  	s21 =	rddreg [dreg:$0x9];
	[sflag:s3] =	ssyncadd.s32 $0xFFFF8000  }
0x3d4: {  	[tilespmem:s2], [sflag:$0x2] =	stream.linear.gather [hbm4b:s21+s2], $0x800, $0x38;
	[tilespmem:$0x8800] =	vst v63  }
0x3d5: {  	_ =	swait.ge [sflag:s3], $0x800  }
0x3d6: {  	[sflag:s3] =	ssyncset.done $0x0  }
0x3d7: {  	[sflag:s3] =	ssyncadd.s32 $0xFFFFF800  }
0x3d8: {  	[tilespmem:s4], [sflag:$0x1] =	stream.indirect.gather [hbm4b:s5+s7], $0x10, s2, s7, $0xb8;
	[tilespmem:$0x8800] =	vst v63  }
0x3d9: {  	s21 =	simm.s32 $0x1000  }
0x3da: {  	[tilespmem:s21], [sflag:$0x1] =	stream.indirect.gather [hbm4b:s5+s7], $0x10, s7, s7, $0xb8;
	[tilespmem:$0x8800] =	vst v63  }
0x3db: {  	s12 =	simm.s32 $0x100;
	s21 =	simm.s32 $0x1800  }
0x3dc: {  	[tilespmem:s21], [sflag:$0x1] =	stream.indirect.gather [hbm4b:s5+s7], $0x10, s12, s7, $0xb8;
	[tilespmem:$0x8800] =	vst v63  }
0x3dd: {  	s12 =	simm.s32 $0x180;
	s21 =	simm.s32 $0x2000  }
0x3de: {  	[tilespmem:s21], [sflag:$0x1] =	stream.indirect.gather [hbm4b:s5+s7], $0x10, s12, s7, $0xb8;
	[tilespmem:$0x8800] =	vst v63  }
0x3df: {  	s21 =	simm.s32 $0x2800  }
0x3e0: {  	[tilespmem:s21], [sflag:$0x1] =	stream.indirect.gather [hbm4b:s5+s7], $0x10, s11, s7, $0xb8;
	[tilespmem:$0x8800] =	vst v63  }
0x3e1: {  	s31 =	simm.s32 $0x280;
	s30 =	simm.s32 $0x3000  }
0x3e2: {  	[tilespmem:s30], [sflag:$0x1] =	stream.indirect.gather [hbm4b:s5+s7], $0x10, s31, s7, $0xb8;
	[tilespmem:$0x8800] =	vst v63  }
0x3e3: {  	s18 =	simm.s32 $0x3800;
	s28 =	simm.s32 $0x300  }
0x3e4: {  	[tilespmem:s18], [sflag:$0x1] =	stream.indirect.gather [hbm4b:s5+s7], $0x10, s28, s7, $0xb8;
	[tilespmem:$0x8800] =	vst v63  }
0x3e5: {  	s26 =	simm.s32 $0x380;
	s25 =	simm.s32 $0x4000  }
0x3e6: {  	[tilespmem:s25], [sflag:$0x1] =	stream.indirect.gather [hbm4b:s5+s7], $0x10, s26, s7, $0xb8;
	[tilespmem:$0x8800] =	vst v63  }
0x3e7: {  	s24 =	simm.s32 $0x400;
	s23 =	simm.s32 $0x4800  }
0x3e8: {  	[tilespmem:s23], [sflag:$0x1] =	stream.indirect.gather [hbm4b:s5+s7], $0x10, s24, s7, $0xb8;
	[tilespmem:$0x8800] =	vst v63  }
0x3e9: {  	s22 =	simm.s32 $0x480;
	s20 =	simm.s32 $0x5000  }
0x3ea: {  	[tilespmem:s20], [sflag:$0x1] =	stream.indirect.gather [hbm4b:s5+s7], $0x10, s22, s7, $0xb8;
	[tilespmem:$0x8800] =	vst v63  }
0x3eb: {  	s15 =	simm.s32 $0x5800;
	s17 =	simm.s32 $0x500  }
0x3ec: {  	[tilespmem:s15], [sflag:$0x1] =	stream.indirect.gather [hbm4b:s5+s7], $0x10, s17, s7, $0xb8;
	[tilespmem:$0x8800] =	vst v63  }
0x3ed: {  	_ = 	snop  }
0x3ee: {  	[tilespmem:s29], [sflag:$0x1] =	stream.indirect.gather [hbm4b:s5+s7], $0x10, s1, s7, $0xb8;
	[tilespmem:$0x8800] =	vst v63  }
0x3ef: {  	_ = 	snop  }
0x3f0: {  	[tilespmem:s10], [sflag:$0x1] =	stream.indirect.gather [hbm4b:s5+s7], $0x10, s0, s7, $0xb8;
	[tilespmem:$0x8800] =	vst v63  }
0x3f1: {  	s13 =	simm.s32 $0x7000  }
0x3f2: {  	[tilespmem:s13], [sflag:$0x1] =	stream.indirect.gather [hbm4b:s5+s7], $0x10, s8, s7, $0xb8;
	[tilespmem:$0x8800] =	vst v63  }
0x3f3: {  	s16 =	simm.s32 $0x700;
	s14 =	simm.s32 $0x7800  }
0x3f4: {  	[tilespmem:s14], [sflag:$0x1] =	stream.indirect.gather [hbm4b:s5+s7], $0x10, s16, s7, $0xb8;
	[tilespmem:$0x8800] =	vst v63  }
0x3f5: {  	s19 =	simm.s32 $0x780  }
0x3f6: {  	[tilespmem:s9], [sflag:$0x1] =	stream.indirect.gather [hbm4b:s5+s7], $0x10, s19, s7, $0xb8;
	[tilespmem:$0x8800] =	vst v63  }
0x3f7: {  	_ =	swait.ge [sflag:s6], $0x800  }
0x3f8: {  	[sflag:s6] =	ssyncset.done $0x0  }
0x3f9: {  	[sflag:s6] =	ssyncadd.s32 $0xFFFFF800  }
0x3fa: {  	_ =	swait.ge [sflag:s6], $0x800  }
0x3fb: {  	[sflag:s6] =	ssyncset.done $0x0  }
0x3fc: {  	[sflag:s6] =	ssyncadd.s32 $0xFFFFF800  }
0x3fd: {  	_ =	swait.ge [sflag:s6], $0x800  }
0x3fe: {  	[sflag:s6] =	ssyncset.done $0x0  }
0x3ff: {  	[sflag:s6] =	ssyncadd.s32 $0xFFFFF800  }
0x400: {  	_ =	swait.ge [sflag:s6], $0x800  }
0x401: {  	[sflag:s6] =	ssyncset.done $0x0  }
0x402: {  	[sflag:s6] =	ssyncadd.s32 $0xFFFFF800  }
0x403: {  	_ =	swait.ge [sflag:s6], $0x800  }
0x404: {  	[sflag:s6] =	ssyncset.done $0x0  }
0x405: {  	[sflag:s6] =	ssyncadd.s32 $0xFFFFF800  }
0x406: {  	_ =	swait.ge [sflag:s6], $0x800  }
0x407: {  	[sflag:s6] =	ssyncset.done $0x0  }
0x408: {  	[sflag:s6] =	ssyncadd.s32 $0xFFFFF800  }
0x409: {  	_ =	swait.ge [sflag:s6], $0x800  }
0x40a: {  	[sflag:s6] =	ssyncset.done $0x0  }
0x40b: {  	[sflag:s6] =	ssyncadd.s32 $0xFFFFF800  }
0x40c: {  	_ =	swait.ge [sflag:s6], $0x800  }
0x40d: {  	[sflag:s6] =	ssyncset.done $0x0  }
0x40e: {  	[sflag:s6] =	ssyncadd.s32 $0xFFFFF800  }
0x40f: {  	_ =	swait.ge [sflag:s6], $0x800  }
0x410: {  	[sflag:s6] =	ssyncset.done $0x0  }
0x411: {  	[sflag:s6] =	ssyncadd.s32 $0xFFFFF800  }
0x412: {  	_ =	swait.ge [sflag:s6], $0x800  }
0x413: {  	[sflag:s6] =	ssyncset.done $0x0  }
0x414: {  	[sflag:s6] =	ssyncadd.s32 $0xFFFFF800  }
0x415: {  	_ =	swait.ge [sflag:s6], $0x800  }
0x416: {  	[sflag:s6] =	ssyncset.done $0x0  }
0x417: {  	[sflag:s6] =	ssyncadd.s32 $0xFFFFF800  }
0x418: {  	_ =	swait.ge [sflag:s6], $0x800  }
0x419: {  	[sflag:s6] =	ssyncset.done $0x0  }
0x41a: {  	[sflag:s6] =	ssyncadd.s32 $0xFFFFF800  }
0x41b: {  	_ =	swait.ge [sflag:s6], $0x800  }
0x41c: {  	[sflag:s6] =	ssyncset.done $0x0  }
0x41d: {  	[sflag:s6] =	ssyncadd.s32 $0xFFFFF800  }
0x41e: {  	_ =	swait.ge [sflag:s6], $0x800  }
0x41f: {  	[sflag:s6] =	ssyncset.done $0x0  }
0x420: {  	[sflag:s6] =	ssyncadd.s32 $0xFFFFF800  }
0x421: {  	_ =	swait.ge [sflag:s6], $0x800  }
0x422: {  	[sflag:s6] =	ssyncset.done $0x0  }
0x423: {  	[sflag:s6] =	ssyncadd.s32 $0xFFFFF800  }
0x424: {  	_ =	swait.ge [sflag:s6], $0x800  }
0x425: {  	[sflag:s6] =	ssyncset.done $0x0  }
0x426: {  	s30 =	rddreg [dreg:$0xa];
	[sflag:s6] =	ssyncadd.s32 $0xFFFFF800  }
0x427: {  	[hbm4b:s30+s2] =	stream.linear.scatter [tilespmem:s4], [sflag:$0x2], $0x8000, $0x38;
	[tilespmem:$0x8800] =	vst v63  }
0x428: {  	_ =	swait.ge [sflag:s3], $0x8000  }
0x429: {  	[sflag:s3] =	ssyncset.done $0x0  }
0x42a: {  	[sflag:s3] =	ssyncadd.s32 $0xFFFF8000  }
0x42b: {  	_ =	sfence.sel $0x180000  }
0x42c: {  	[bflag:$0x0] =	sbarrier.arrive $0xFFFF  }
0x42d: {  	_ =	strace $0x90000047  }
0x42e: {  	s31 =	stileid.u32;
	[bflag:$0x2] =	sbarrier.arrive $0xFFFF  }
0x42f: {  	p0 =	sne.s32 s31, $0x0;
	s0 =	rddreg [dreg:$0x2]  }
0x430: {  	s0 =	sadd.s32 @!p0 $0x100000, s0  }
0x431: {  	[sflag:s0] =	ssyncadd.tile.s32 @!p0 $0x1;
	_ =	shalt  }
.Lfunc_end2:
_tile_overlayer_lowered:
.L_overlay_start_2:
0x432: {  	(tag) =	ssettag $0x2  }
0x433: {  	s0 =	rddreg [dreg:$0x0];
	s2 =	stileid.u32  }
0x434: {  	s1 =	rddreg [dreg:$0x1];
	p0 =	sne.s32 s2, $0x0  }
0x435: {  	s3 =	rddreg [dreg:$0x2];
	[bflag:$0x3] =	sbarrier.arrive $0xFFFF;
	s2 =	simm.s32 @!p0 $0x1C02  }
0x436: {  	[timem:s3], [sflag:s2] =	dma.local @!p0 [hbm:s0], s1  }
0x437: {  	s0 =	simm.s32 @!p0 $0x2  }
0x438: {  	_ =	swait.ge @!p0 [sflag:s0], s1  }
0x439: {  	s1 =	ssub.s32 @!p0 $0x0, s1;
	[sflag:s0] =	ssyncset.done @!p0 $0x0  }
0x43a: {  	[sflag:s0] =	ssyncadd.s32 @!p0 s1  }
0x43b: {  	[bflag:$0x3] =	sbarrier.arrive $0xFFFF  }
0x43c: {  	_ =	shalt  }

</sc_bundles>
